<compile_context>
chip_gen: v7x
topology: tpu7x:2x2x1
jax: 0.10.2.dev20260603
libtpu: 0.0.44.dev20260713+nightly
codegen_flags: <defaults>
</compile_context>

<pallas_src>
import functools

import jax
import jax.numpy as jnp
from jax import lax
from jax.experimental import pallas as pl
from jax.experimental.pallas import tpu as pltpu
from jax.experimental.pallas import tpu_sc as plsc

B, L, D = 4096, 200, 64
POS_V = 2 * 200 + 1
ACT_V = 8 + 1
NC, NS = 2, 16
NW = NC * NS
BPW = B // NW
CB = 16
G0, G1 = 104, 96
NG = D // 16
PPT = 26
CPT = PPT * ACT_V
CV_PAD = NS * CPT
HPT = CPT // 2
OW = 128
ORPB = L * D // OW


def _sc_body(item_ids, pos_ids, act_ids, user_rows,
             item_tab, pos_tab, act_tab,
             out_hbm,
             combo_sh, pos_loc, act_loc, user_loc,
             iid_loc, pid_loc, aid_loc, cidx, rows, combo, ostage,
             isem0, isem1, csem0, csem1, osem0, osem1, ssem):
    cid = lax.axis_index("c")
    sid = lax.axis_index("s")
    wid = sid * NC + cid
    base_b = wid * BPW

    pltpu.sync_copy(pos_tab.at[pl.ds(sid * PPT, PPT)], pos_loc)
    pltpu.sync_copy(act_tab, act_loc)
    pltpu.sync_copy(user_rows.at[pl.ds(base_b, BPW)], user_loc)

    avs = [[act_loc[a, pl.ds(g * 16, 16)] for g in range(NG)]
           for a in range(ACT_V)]
    for half in range(2):
        def build_p(pp, carry):
            p = half * (PPT // 2) + pp
            for g in range(NG):
                sl = pl.ds(g * 16, 16)
                pv = pos_loc[p, sl]
                for a in range(ACT_V):
                    rows[0, pp * ACT_V + a, sl] = pv + avs[a][g]
            return carry

        lax.fori_loop(0, PPT // 2, build_p, 0)
        pltpu.sync_copy(rows.at[0, pl.ds(0, HPT)],
                        combo_sh.at[pl.ds(sid * CPT + half * HPT, HPT)])
    plsc.subcore_barrier()

    isems = (isem0, isem1)
    csems = (csem0, csem1)
    osems = (osem0, osem1)

    def _stage_copies(c):
        b0c = base_b + c * CB
        cpar = lax.rem(c, 2)
        return (
            (item_ids.at[pl.ds(b0c, CB)], iid_loc.at[cpar]),
            (pos_ids.at[pl.ds(b0c, CB)], pid_loc.at[cpar]),
            (act_ids.at[pl.ds(b0c, CB)], aid_loc.at[cpar]),
        )

    def stage_ids_sync(c):
        for src, dst in _stage_copies(c):
            pltpu.sync_copy(src, dst)

    def stage_ids_issue(c):
        for src, dst in _stage_copies(c):
            pltpu.async_copy(src, dst, ssem)

    def stage_ids_wait(c):
        for src, dst in _stage_copies(c):
            pltpu.make_async_copy(src, dst, ssem).wait()

    def prep_cidx(b, par):
        cpar = lax.rem(b // CB, 2)
        bb = lax.rem(b, CB)
        for g16 in range(L // 16):
            sl = pl.ds(g16 * 16, 16)
            cidx[par, sl] = (pid_loc[cpar, bb, sl] * ACT_V
                             + aid_loc[cpar, bb, sl])
        sl = pl.ds(L - 16, 16)
        cidx[par, sl] = pid_loc[cpar, bb, sl] * ACT_V + aid_loc[cpar, bb, sl]

    def gathers(b, par):
        cpar = lax.rem(b // CB, 2)
        bb = lax.rem(b, CB)
        pltpu.async_copy(item_tab.at[iid_loc.at[cpar, bb, pl.ds(0, G0)]],
                         rows.at[par, pl.ds(0, G0)], isems[par])
        pltpu.async_copy(item_tab.at[iid_loc.at[cpar, bb, pl.ds(G0, G1)]],
                         rows.at[par, pl.ds(G0, G1)], isems[par])
        pltpu.async_copy(combo_sh.at[cidx.at[par, pl.ds(0, G0)]],
                         combo.at[par, pl.ds(0, G0)], csems[par])
        pltpu.async_copy(combo_sh.at[cidx.at[par, pl.ds(G0, G1)]],
                         combo.at[par, pl.ds(G0, G1)], csems[par])

    def wait_gathers(b, par):
        cpar = lax.rem(b // CB, 2)
        bb = lax.rem(b, CB)
        pltpu.make_async_copy(item_tab.at[iid_loc.at[cpar, bb, pl.ds(0, G0)]],
                              rows.at[par, pl.ds(0, G0)], isems[par]).wait()
        pltpu.make_async_copy(item_tab.at[iid_loc.at[cpar, bb, pl.ds(G0, G1)]],
                              rows.at[par, pl.ds(G0, G1)], isems[par]).wait()
        pltpu.make_async_copy(combo_sh.at[cidx.at[par, pl.ds(0, G0)]],
                              combo.at[par, pl.ds(0, G0)], csems[par]).wait()
        pltpu.make_async_copy(combo_sh.at[cidx.at[par, pl.ds(G0, G1)]],
                              combo.at[par, pl.ds(G0, G1)], csems[par]).wait()

    def issue_out(b, par):
        pltpu.async_copy(ostage.at[par], out_hbm.at[pl.ds((base_b + b) * ORPB,
                                                          ORPB)], osems[par])

    def wait_out(b, par):
        pltpu.make_async_copy(ostage.at[par],
                              out_hbm.at[pl.ds((base_b + b) * ORPB, ORPB)],
                              osems[par]).wait()

    def compute(b, par):
        lb = b
        uvs = [user_loc[lb, pl.ds(g * 16, 16)] for g in range(NG)]

        def addrow(i, carry):
            for j in range(4):
                r = i * 4 + j
                orow = 2 * i + (j // 2)
                oc0 = (j % 2) * D
                for g in range(NG):
                    sl = pl.ds(g * 16, 16)
                    ostage[par, orow, pl.ds(oc0 + g * 16, 16)] = (
                        rows[par, r, sl] + combo[par, r, sl] + uvs[g])
            return carry

        lax.fori_loop(0, L // 4, addrow, 0)

    stage_ids_sync(0)
    stage_ids_issue(1)
    prep_cidx(0, 0)
    gathers(0, 0)

    def loop_body(k, carry):
        for par in range(2):
            b = 2 * k + par
            wait_gathers(b, par)
            nxt = b + 1

            @pl.when(nxt < BPW)
            def _prep():
                @pl.when(lax.rem(nxt, CB) == 0)
                def _stage():
                    stage_ids_wait(nxt // CB)
                prep_cidx(nxt, 1 - par)
                gathers(nxt, 1 - par)

                @pl.when((lax.rem(nxt, CB) == CB // 2)
                         & (nxt // CB + 1 < BPW // CB))
                def _prefetch():
                    stage_ids_issue(nxt // CB + 1)

            @pl.when(b >= 2)
            def _wout():
                wait_out(b - 2, par)

            compute(b, par)
            issue_out(b, par)
        return carry

    lax.fori_loop(0, BPW // 2, loop_body, 0)
    wait_out(BPW - 2, 0)
    wait_out(BPW - 1, 1)


@jax.jit
def _run(item_ids, pos_ids, act_ids, user_ids,
         item_tab, user_tab, pos_tab, act_tab):
    mesh = plsc.VectorSubcoreMesh(core_axis_name="c", subcore_axis_name="s")
    f = functools.partial(
        pl.kernel,
        out_type=jax.ShapeDtypeStruct((B * L * D // OW, OW), jnp.float32),
        mesh=mesh,
        compiler_params=pltpu.CompilerParams(use_tc_tiling_on_sc=False),
        scratch_types=[
            pltpu.VMEM_SHARED((CV_PAD, D), jnp.float32),
            pltpu.VMEM((PPT, D), jnp.float32),
            pltpu.VMEM((ACT_V, D), jnp.float32),
            pltpu.VMEM((BPW, D), jnp.float32),
            pltpu.VMEM((2, CB, L), jnp.int32),
            pltpu.VMEM((2, CB, L), jnp.int32),
            pltpu.VMEM((2, CB, L), jnp.int32),
            pltpu.VMEM((2, L), jnp.int32),
            pltpu.VMEM((2, L, D), jnp.float32),
            pltpu.VMEM((2, L, D), jnp.float32),
            pltpu.VMEM((2, ORPB, OW), jnp.float32),
            pltpu.SemaphoreType.DMA,
            pltpu.SemaphoreType.DMA,
            pltpu.SemaphoreType.DMA,
            pltpu.SemaphoreType.DMA,
            pltpu.SemaphoreType.DMA,
            pltpu.SemaphoreType.DMA,
            pltpu.SemaphoreType.DMA,
        ],
    )(_sc_body)
    pos_pad = jnp.zeros((NS * PPT, D), jnp.float32).at[:POS_V].set(pos_tab)
    user_rows = jnp.take(user_tab, user_ids, axis=0)
    out = f(item_ids, pos_ids, act_ids, user_rows,
            item_tab, pos_pad, act_tab)
    return out.reshape(B, L, D)


def kernel(item_ids, pos_ids, action_ids, user_ids,
           item_table, user_table, pos_table, action_table):
    return _run(item_ids.astype(jnp.int32),
                pos_ids.astype(jnp.int32),
                action_ids.astype(jnp.int32),
                user_ids.astype(jnp.int32),
                item_table, user_table, pos_table, action_table)

# --- scband reference (transcript-rebuilt; emitter-appended) ---
"""Pipeline reference for scband-shared-embedding-module-10075993276641 (READ-ONLY COPY).

The authoritative reference and input builder live on the scoring server;
editing this copy changes nothing except your own understanding.
"""

import jax, jax.numpy as jnp
import numpy as np

B, L, D = 4096, 200, 64
ITEM_VOCAB = 100000 + 1
USER_VOCAB = 100000 + 1
MAXLEN = 200
POS_VOCAB = 2 * MAXLEN + 1
ACT_VOCAB = 8 + 1


def setup_inputs(seed: int = 0) -> dict:
    key = jax.random.key(seed)
    k1, k2, k3, k4, k5, k6, k7, k8 = jax.random.split(key, 8)
    item_ids = jax.random.randint(k1, (B, L), 0, ITEM_VOCAB - 1)
    pos_ids = jax.random.randint(k2, (B, L), 0, POS_VOCAB)
    action_ids = jax.random.randint(k3, (B, L), 0, ACT_VOCAB)
    user_ids = jax.random.randint(k4, (B,), 0, USER_VOCAB - 1)
    # learned embedding tables (padding_idx=0 -> row 0 zeroed, as nn.Embedding does)
    item_table = jax.random.normal(k5, (ITEM_VOCAB, D), dtype=jnp.float32) * 0.02
    user_table = jax.random.normal(k6, (USER_VOCAB, D), dtype=jnp.float32) * 0.02
    pos_table = jax.random.normal(k7, (POS_VOCAB, D), dtype=jnp.float32) * 0.02
    action_table = jax.random.normal(k8, (ACT_VOCAB, D), dtype=jnp.float32) * 0.02
    item_table = item_table.at[0].set(0.0)
    user_table = user_table.at[0].set(0.0)
    pos_table = pos_table.at[0].set(0.0)
    action_table = action_table.at[0].set(0.0)
    return {
        "item_ids": item_ids,
        "pos_ids": pos_ids,
        "action_ids": action_ids,
        "user_ids": user_ids,
        "item_table": item_table,
        "user_table": user_table,
        "pos_table": pos_table,
        "action_table": action_table,
    }


def reference(item_ids, pos_ids, action_ids, user_ids,
              item_table, user_table, pos_table, action_table):
    # SharedEmbeddingModule core lookup path:
    # seq embedding = item_emb(ids) + pos_emb(pos) + action_emb(action), plus
    # broadcast user embedding over the sequence.
    item_e = jnp.take(item_table, item_ids, axis=0)      # [B, L, D] gather
    pos_e = jnp.take(pos_table, pos_ids, axis=0)         # [B, L, D] gather
    act_e = jnp.take(action_table, action_ids, axis=0)   # [B, L, D] gather
    user_e = jnp.take(user_table, user_ids, axis=0)      # [B, D] gather
    seq = item_e + pos_e + act_e + user_e[:, None, :]
    return seq

if __name__ == "__main__":
    import jax
    _d = setup_inputs()
    print(jax.jit(kernel)(*tuple(_d.values())))

</pallas_src>

<mosaic_0001>
#map = affine_map<(d0, d1) -> (0, 0)>
module attributes {stable_mosaic.version = 14 : i64} {
  func.func @_sc_body(%arg0: i32, %arg1: i32, %arg2: memref<4096x200xi32, #tpu.memory_space<hbm>>, %arg3: memref<4096x200xi32, #tpu.memory_space<hbm>>, %arg4: memref<4096x200xi32, #tpu.memory_space<hbm>>, %arg5: memref<4096x64xf32, #tpu.memory_space<hbm>>, %arg6: memref<100001x64xf32, #tpu.memory_space<hbm>>, %arg7: memref<416x64xf32, #tpu.memory_space<hbm>>, %arg8: memref<9x64xf32, #tpu.memory_space<hbm>>, %arg9: memref<409600x128xf32, #tpu.memory_space<hbm>>, %arg10: memref<3744x64xf32, #tpu.memory_space<vmem_shared>>, %arg11: memref<26x64xf32, #tpu.memory_space<vmem>>, %arg12: memref<9x64xf32, #tpu.memory_space<vmem>>, %arg13: memref<128x64xf32, #tpu.memory_space<vmem>>, %arg14: memref<2x16x200xi32, #tpu.memory_space<vmem>>, %arg15: memref<2x16x200xi32, #tpu.memory_space<vmem>>, %arg16: memref<2x16x200xi32, #tpu.memory_space<vmem>>, %arg17: memref<2x200xi32, #tpu.memory_space<vmem>>, %arg18: memref<2x200x64xf32, #tpu.memory_space<vmem>>, %arg19: memref<2x200x64xf32, #tpu.memory_space<vmem>>, %arg20: memref<2x100x128xf32, #tpu.memory_space<vmem>>, %arg21: memref<!tpu.dma_semaphore, #tpu.memory_space<semaphore_mem>>, %arg22: memref<!tpu.dma_semaphore, #tpu.memory_space<semaphore_mem>>, %arg23: memref<!tpu.dma_semaphore, #tpu.memory_space<semaphore_mem>>, %arg24: memref<!tpu.dma_semaphore, #tpu.memory_space<semaphore_mem>>, %arg25: memref<!tpu.dma_semaphore, #tpu.memory_space<semaphore_mem>>, %arg26: memref<!tpu.dma_semaphore, #tpu.memory_space<semaphore_mem>>, %arg27: memref<!tpu.dma_semaphore, #tpu.memory_space<semaphore_mem>>) attributes {dimension_semantics = [#tpu.dimension_semantics<core_parallel>, #tpu.dimension_semantics<subcore_parallel>], iteration_bounds = array<i64: 2, 16>, scalar_prefetch = 0 : i64, scratch_operands = 18 : i64, tpu.core_type = #tpu.core_type<sc_vector_subcore>, window_params = [{transform_indices = #map}, {transform_indices = #map}, {transform_indices = #map}, {transform_indices = #map}, {transform_indices = #map}, {transform_indices = #map}, {transform_indices = #map}, {transform_indices = #map}]} {
    %mul3A = arith.constant 2 : i32
    %mul3A_0 = arith.muli %arg1, %mul3A : i32
    %add3A = arith.addi %mul3A_0, %arg0 : i32
    %mul3A_1 = arith.constant 128 : i32
    %mul3A_2 = arith.muli %add3A, %mul3A_1 : i32
    %mul3A_3 = arith.constant 26 : i32
    %mul3A_4 = arith.muli %arg1, %mul3A_3 : i32
    "tpu.region"() ({
      %run_scoped3A_604 = tpu.sem_alloc : memref<!tpu.dma_semaphore, #tpu.memory_space<semaphore_mem>>
      %dma_start3A_605 = arith.constant 0 : i32
      %dma_start3A_606 = tpu.memref_slice %arg7[%mul3A_4, %dma_start3A_605] : memref<416x64xf32, #tpu.memory_space<hbm>> -> memref<26x64xf32, #tpu.memory_space<hbm>>
      %dma_start3A_607 = arith.constant 0 : i32
      %dma_start3A_608 = tpu.memref_slice %arg7[%mul3A_4, %dma_start3A_607] : memref<416x64xf32, #tpu.memory_space<hbm>> -> memref<26x64xf32, #tpu.memory_space<hbm>>
      tpu.enqueue_dma source(%dma_start3A_608 : memref<26x64xf32, #tpu.memory_space<hbm>>) target(%arg11 : memref<26x64xf32, #tpu.memory_space<vmem>>) target_semaphore(%run_scoped3A_604 : memref<!tpu.dma_semaphore, #tpu.memory_space<semaphore_mem>>)
      %dma_wait3A_609 = arith.constant 0 : i32
      %dma_wait3A_610 = tpu.memref_slice %arg7[%mul3A_4, %dma_wait3A_609] : memref<416x64xf32, #tpu.memory_space<hbm>> -> memref<26x64xf32, #tpu.memory_space<hbm>>
      %dma_wait3A_611 = arith.constant 0 : i32
      %dma_wait3A_612 = tpu.memref_slice %arg7[%mul3A_4, %dma_wait3A_611] : memref<416x64xf32, #tpu.memory_space<hbm>> -> memref<26x64xf32, #tpu.memory_space<hbm>>
      tpu.wait_dma2 semaphore(%run_scoped3A_604 : memref<!tpu.dma_semaphore, #tpu.memory_space<semaphore_mem>>) src(%dma_wait3A_612 : memref<26x64xf32, #tpu.memory_space<hbm>>) dst(%arg11 : memref<26x64xf32, #tpu.memory_space<vmem>>)
      tpu.yield
    }) : () -> ()
    "tpu.region"() ({
      %run_scoped3A_604 = tpu.sem_alloc : memref<!tpu.dma_semaphore, #tpu.memory_space<semaphore_mem>>
      tpu.enqueue_dma source(%arg8 : memref<9x64xf32, #tpu.memory_space<hbm>>) target(%arg12 : memref<9x64xf32, #tpu.memory_space<vmem>>) target_semaphore(%run_scoped3A_604 : memref<!tpu.dma_semaphore, #tpu.memory_space<semaphore_mem>>)
      tpu.wait_dma2 semaphore(%run_scoped3A_604 : memref<!tpu.dma_semaphore, #tpu.memory_space<semaphore_mem>>) src(%arg8 : memref<9x64xf32, #tpu.memory_space<hbm>>) dst(%arg12 : memref<9x64xf32, #tpu.memory_space<vmem>>)
      tpu.yield
    }) : () -> ()
    "tpu.region"() ({
      %run_scoped3A_604 = tpu.sem_alloc : memref<!tpu.dma_semaphore, #tpu.memory_space<semaphore_mem>>
      %dma_start3A_605 = arith.constant 0 : i32
      %dma_start3A_606 = tpu.memref_slice %arg5[%mul3A_2, %dma_start3A_605] : memref<4096x64xf32, #tpu.memory_space<hbm>> -> memref<128x64xf32, #tpu.memory_space<hbm>>
      %dma_start3A_607 = arith.constant 0 : i32
      %dma_start3A_608 = tpu.memref_slice %arg5[%mul3A_2, %dma_start3A_607] : memref<4096x64xf32, #tpu.memory_space<hbm>> -> memref<128x64xf32, #tpu.memory_space<hbm>>
      tpu.enqueue_dma source(%dma_start3A_608 : memref<128x64xf32, #tpu.memory_space<hbm>>) target(%arg13 : memref<128x64xf32, #tpu.memory_space<vmem>>) target_semaphore(%run_scoped3A_604 : memref<!tpu.dma_semaphore, #tpu.memory_space<semaphore_mem>>)
      %dma_wait3A_609 = arith.constant 0 : i32
      %dma_wait3A_610 = tpu.memref_slice %arg5[%mul3A_2, %dma_wait3A_609] : memref<4096x64xf32, #tpu.memory_space<hbm>> -> memref<128x64xf32, #tpu.memory_space<hbm>>
      %dma_wait3A_611 = arith.constant 0 : i32
      %dma_wait3A_612 = tpu.memref_slice %arg5[%mul3A_2, %dma_wait3A_611] : memref<4096x64xf32, #tpu.memory_space<hbm>> -> memref<128x64xf32, #tpu.memory_space<hbm>>
      tpu.wait_dma2 semaphore(%run_scoped3A_604 : memref<!tpu.dma_semaphore, #tpu.memory_space<semaphore_mem>>) src(%dma_wait3A_612 : memref<128x64xf32, #tpu.memory_space<hbm>>) dst(%arg13 : memref<128x64xf32, #tpu.memory_space<vmem>>)
      tpu.yield
    }) : () -> ()
    %get3A = arith.constant 0 : i32
    %get3A_5 = arith.index_cast %get3A : i32 to index
    %get3A_6 = arith.constant 0 : index
    %get3A_7 = tpu.vector_load %arg12[%get3A_5, %get3A_6] {strides = array<i32>} : memref<9x64xf32, #tpu.memory_space<vmem>>, vector<1x16xf32>,
    %get3A_8 = vector.shape_cast %get3A_7 : vector<1x16xf32> to vector<16xf32>
    %get3A_9 = arith.constant 0 : i32
    %get3A_10 = arith.index_cast %get3A_9 : i32 to index
    %get3A_11 = arith.constant 16 : index
    %get3A_12 = tpu.vector_load %arg12[%get3A_10, %get3A_11] {strides = array<i32>} : memref<9x64xf32, #tpu.memory_space<vmem>>, vector<1x16xf32>,
    %get3A_13 = vector.shape_cast %get3A_12 : vector<1x16xf32> to vector<16xf32>
    %get3A_14 = arith.constant 0 : i32
    %get3A_15 = arith.index_cast %get3A_14 : i32 to index
    %get3A_16 = arith.constant 32 : index
    %get3A_17 = tpu.vector_load %arg12[%get3A_15, %get3A_16] {strides = array<i32>} : memref<9x64xf32, #tpu.memory_space<vmem>>, vector<1x16xf32>,
    %get3A_18 = vector.shape_cast %get3A_17 : vector<1x16xf32> to vector<16xf32>
    %get3A_19 = arith.constant 0 : i32
    %get3A_20 = arith.index_cast %get3A_19 : i32 to index
    %get3A_21 = arith.constant 48 : index
    %get3A_22 = tpu.vector_load %arg12[%get3A_20, %get3A_21] {strides = array<i32>} : memref<9x64xf32, #tpu.memory_space<vmem>>, vector<1x16xf32>,
    %get3A_23 = vector.shape_cast %get3A_22 : vector<1x16xf32> to vector<16xf32>
    %get3A_24 = arith.constant 1 : i32
    %get3A_25 = arith.index_cast %get3A_24 : i32 to index
    %get3A_26 = arith.constant 0 : index
    %get3A_27 = tpu.vector_load %arg12[%get3A_25, %get3A_26] {strides = array<i32>} : memref<9x64xf32, #tpu.memory_space<vmem>>, vector<1x16xf32>,
    %get3A_28 = vector.shape_cast %get3A_27 : vector<1x16xf32> to vector<16xf32>
    %get3A_29 = arith.constant 1 : i32
    %get3A_30 = arith.index_cast %get3A_29 : i32 to index
    %get3A_31 = arith.constant 16 : index
    %get3A_32 = tpu.vector_load %arg12[%get3A_30, %get3A_31] {strides = array<i32>} : memref<9x64xf32, #tpu.memory_space<vmem>>, vector<1x16xf32>,
    %get3A_33 = vector.shape_cast %get3A_32 : vector<1x16xf32> to vector<16xf32>
    %get3A_34 = arith.constant 1 : i32
    %get3A_35 = arith.index_cast %get3A_34 : i32 to index
    %get3A_36 = arith.constant 32 : index
    %get3A_37 = tpu.vector_load %arg12[%get3A_35, %get3A_36] {strides = array<i32>} : memref<9x64xf32, #tpu.memory_space<vmem>>, vector<1x16xf32>,
    %get3A_38 = vector.shape_cast %get3A_37 : vector<1x16xf32> to vector<16xf32>
    %get3A_39 = arith.constant 1 : i32
    %get3A_40 = arith.index_cast %get3A_39 : i32 to index
    %get3A_41 = arith.constant 48 : index
    %get3A_42 = tpu.vector_load %arg12[%get3A_40, %get3A_41] {strides = array<i32>} : memref<9x64xf32, #tpu.memory_space<vmem>>, vector<1x16xf32>,
    %get3A_43 = vector.shape_cast %get3A_42 : vector<1x16xf32> to vector<16xf32>
    %get3A_44 = arith.constant 2 : i32
    %get3A_45 = arith.index_cast %get3A_44 : i32 to index
    %get3A_46 = arith.constant 0 : index
    %get3A_47 = tpu.vector_load %arg12[%get3A_45, %get3A_46] {strides = array<i32>} : memref<9x64xf32, #tpu.memory_space<vmem>>, vector<1x16xf32>,
    %get3A_48 = vector.shape_cast %get3A_47 : vector<1x16xf32> to vector<16xf32>
    %get3A_49 = arith.constant 2 : i32
    %get3A_50 = arith.index_cast %get3A_49 : i32 to index
    %get3A_51 = arith.constant 16 : index
    %get3A_52 = tpu.vector_load %arg12[%get3A_50, %get3A_51] {strides = array<i32>} : memref<9x64xf32, #tpu.memory_space<vmem>>, vector<1x16xf32>,
    %get3A_53 = vector.shape_cast %get3A_52 : vector<1x16xf32> to vector<16xf32>
    %get3A_54 = arith.constant 2 : i32
    %get3A_55 = arith.index_cast %get3A_54 : i32 to index
    %get3A_56 = arith.constant 32 : index
    %get3A_57 = tpu.vector_load %arg12[%get3A_55, %get3A_56] {strides = array<i32>} : memref<9x64xf32, #tpu.memory_space<vmem>>, vector<1x16xf32>,
    %get3A_58 = vector.shape_cast %get3A_57 : vector<1x16xf32> to vector<16xf32>
    %get3A_59 = arith.constant 2 : i32
    %get3A_60 = arith.index_cast %get3A_59 : i32 to index
    %get3A_61 = arith.constant 48 : index
    %get3A_62 = tpu.vector_load %arg12[%get3A_60, %get3A_61] {strides = array<i32>} : memref<9x64xf32, #tpu.memory_space<vmem>>, vector<1x16xf32>,
    %get3A_63 = vector.shape_cast %get3A_62 : vector<1x16xf32> to vector<16xf32>
    %get3A_64 = arith.constant 3 : i32
    %get3A_65 = arith.index_cast %get3A_64 : i32 to index
    %get3A_66 = arith.constant 0 : index
    %get3A_67 = tpu.vector_load %arg12[%get3A_65, %get3A_66] {strides = array<i32>} : memref<9x64xf32, #tpu.memory_space<vmem>>, vector<1x16xf32>,
    %get3A_68 = vector.shape_cast %get3A_67 : vector<1x16xf32> to vector<16xf32>
    %get3A_69 = arith.constant 3 : i32
    %get3A_70 = arith.index_cast %get3A_69 : i32 to index
    %get3A_71 = arith.constant 16 : index
    %get3A_72 = tpu.vector_load %arg12[%get3A_70, %get3A_71] {strides = array<i32>} : memref<9x64xf32, #tpu.memory_space<vmem>>, vector<1x16xf32>,
    %get3A_73 = vector.shape_cast %get3A_72 : vector<1x16xf32> to vector<16xf32>
    %get3A_74 = arith.constant 3 : i32
    %get3A_75 = arith.index_cast %get3A_74 : i32 to index
    %get3A_76 = arith.constant 32 : index
    %get3A_77 = tpu.vector_load %arg12[%get3A_75, %get3A_76] {strides = array<i32>} : memref<9x64xf32, #tpu.memory_space<vmem>>, vector<1x16xf32>,
    %get3A_78 = vector.shape_cast %get3A_77 : vector<1x16xf32> to vector<16xf32>
    %get3A_79 = arith.constant 3 : i32
    %get3A_80 = arith.index_cast %get3A_79 : i32 to index
    %get3A_81 = arith.constant 48 : index
    %get3A_82 = tpu.vector_load %arg12[%get3A_80, %get3A_81] {strides = array<i32>} : memref<9x64xf32, #tpu.memory_space<vmem>>, vector<1x16xf32>,
    %get3A_83 = vector.shape_cast %get3A_82 : vector<1x16xf32> to vector<16xf32>
    %get3A_84 = arith.constant 4 : i32
    %get3A_85 = arith.index_cast %get3A_84 : i32 to index
    %get3A_86 = arith.constant 0 : index
    %get3A_87 = tpu.vector_load %arg12[%get3A_85, %get3A_86] {strides = array<i32>} : memref<9x64xf32, #tpu.memory_space<vmem>>, vector<1x16xf32>,
    %get3A_88 = vector.shape_cast %get3A_87 : vector<1x16xf32> to vector<16xf32>
    %get3A_89 = arith.constant 4 : i32
    %get3A_90 = arith.index_cast %get3A_89 : i32 to index
    %get3A_91 = arith.constant 16 : index
    %get3A_92 = tpu.vector_load %arg12[%get3A_90, %get3A_91] {strides = array<i32>} : memref<9x64xf32, #tpu.memory_space<vmem>>, vector<1x16xf32>,
    %get3A_93 = vector.shape_cast %get3A_92 : vector<1x16xf32> to vector<16xf32>
    %get3A_94 = arith.constant 4 : i32
    %get3A_95 = arith.index_cast %get3A_94 : i32 to index
    %get3A_96 = arith.constant 32 : index
    %get3A_97 = tpu.vector_load %arg12[%get3A_95, %get3A_96] {strides = array<i32>} : memref<9x64xf32, #tpu.memory_space<vmem>>, vector<1x16xf32>,
    %get3A_98 = vector.shape_cast %get3A_97 : vector<1x16xf32> to vector<16xf32>
    %get3A_99 = arith.constant 4 : i32
    %get3A_100 = arith.index_cast %get3A_99 : i32 to index
    %get3A_101 = arith.constant 48 : index
    %get3A_102 = tpu.vector_load %arg12[%get3A_100, %get3A_101] {strides = array<i32>} : memref<9x64xf32, #tpu.memory_space<vmem>>, vector<1x16xf32>,
    %get3A_103 = vector.shape_cast %get3A_102 : vector<1x16xf32> to vector<16xf32>
    %get3A_104 = arith.constant 5 : i32
    %get3A_105 = arith.index_cast %get3A_104 : i32 to index
    %get3A_106 = arith.constant 0 : index
    %get3A_107 = tpu.vector_load %arg12[%get3A_105, %get3A_106] {strides = array<i32>} : memref<9x64xf32, #tpu.memory_space<vmem>>, vector<1x16xf32>,
    %get3A_108 = vector.shape_cast %get3A_107 : vector<1x16xf32> to vector<16xf32>
    %get3A_109 = arith.constant 5 : i32
    %get3A_110 = arith.index_cast %get3A_109 : i32 to index
    %get3A_111 = arith.constant 16 : index
    %get3A_112 = tpu.vector_load %arg12[%get3A_110, %get3A_111] {strides = array<i32>} : memref<9x64xf32, #tpu.memory_space<vmem>>, vector<1x16xf32>,
    %get3A_113 = vector.shape_cast %get3A_112 : vector<1x16xf32> to vector<16xf32>
    %get3A_114 = arith.constant 5 : i32
    %get3A_115 = arith.index_cast %get3A_114 : i32 to index
    %get3A_116 = arith.constant 32 : index
    %get3A_117 = tpu.vector_load %arg12[%get3A_115, %get3A_116] {strides = array<i32>} : memref<9x64xf32, #tpu.memory_space<vmem>>, vector<1x16xf32>,
    %get3A_118 = vector.shape_cast %get3A_117 : vector<1x16xf32> to vector<16xf32>
    %get3A_119 = arith.constant 5 : i32
    %get3A_120 = arith.index_cast %get3A_119 : i32 to index
    %get3A_121 = arith.constant 48 : index
    %get3A_122 = tpu.vector_load %arg12[%get3A_120, %get3A_121] {strides = array<i32>} : memref<9x64xf32, #tpu.memory_space<vmem>>, vector<1x16xf32>,
    %get3A_123 = vector.shape_cast %get3A_122 : vector<1x16xf32> to vector<16xf32>
    %get3A_124 = arith.constant 6 : i32
    %get3A_125 = arith.index_cast %get3A_124 : i32 to index
    %get3A_126 = arith.constant 0 : index
    %get3A_127 = tpu.vector_load %arg12[%get3A_125, %get3A_126] {strides = array<i32>} : memref<9x64xf32, #tpu.memory_space<vmem>>, vector<1x16xf32>,
    %get3A_128 = vector.shape_cast %get3A_127 : vector<1x16xf32> to vector<16xf32>
    %get3A_129 = arith.constant 6 : i32
    %get3A_130 = arith.index_cast %get3A_129 : i32 to index
    %get3A_131 = arith.constant 16 : index
    %get3A_132 = tpu.vector_load %arg12[%get3A_130, %get3A_131] {strides = array<i32>} : memref<9x64xf32, #tpu.memory_space<vmem>>, vector<1x16xf32>,
    %get3A_133 = vector.shape_cast %get3A_132 : vector<1x16xf32> to vector<16xf32>
    %get3A_134 = arith.constant 6 : i32
    %get3A_135 = arith.index_cast %get3A_134 : i32 to index
    %get3A_136 = arith.constant 32 : index
    %get3A_137 = tpu.vector_load %arg12[%get3A_135, %get3A_136] {strides = array<i32>} : memref<9x64xf32, #tpu.memory_space<vmem>>, vector<1x16xf32>,
    %get3A_138 = vector.shape_cast %get3A_137 : vector<1x16xf32> to vector<16xf32>
    %get3A_139 = arith.constant 6 : i32
    %get3A_140 = arith.index_cast %get3A_139 : i32 to index
    %get3A_141 = arith.constant 48 : index
    %get3A_142 = tpu.vector_load %arg12[%get3A_140, %get3A_141] {strides = array<i32>} : memref<9x64xf32, #tpu.memory_space<vmem>>, vector<1x16xf32>,
    %get3A_143 = vector.shape_cast %get3A_142 : vector<1x16xf32> to vector<16xf32>
    %get3A_144 = arith.constant 7 : i32
    %get3A_145 = arith.index_cast %get3A_144 : i32 to index
    %get3A_146 = arith.constant 0 : index
    %get3A_147 = tpu.vector_load %arg12[%get3A_145, %get3A_146] {strides = array<i32>} : memref<9x64xf32, #tpu.memory_space<vmem>>, vector<1x16xf32>,
    %get3A_148 = vector.shape_cast %get3A_147 : vector<1x16xf32> to vector<16xf32>
    %get3A_149 = arith.constant 7 : i32
    %get3A_150 = arith.index_cast %get3A_149 : i32 to index
    %get3A_151 = arith.constant 16 : index
    %get3A_152 = tpu.vector_load %arg12[%get3A_150, %get3A_151] {strides = array<i32>} : memref<9x64xf32, #tpu.memory_space<vmem>>, vector<1x16xf32>,
    %get3A_153 = vector.shape_cast %get3A_152 : vector<1x16xf32> to vector<16xf32>
    %get3A_154 = arith.constant 7 : i32
    %get3A_155 = arith.index_cast %get3A_154 : i32 to index
    %get3A_156 = arith.constant 32 : index
    %get3A_157 = tpu.vector_load %arg12[%get3A_155, %get3A_156] {strides = array<i32>} : memref<9x64xf32, #tpu.memory_space<vmem>>, vector<1x16xf32>,
    %get3A_158 = vector.shape_cast %get3A_157 : vector<1x16xf32> to vector<16xf32>
    %get3A_159 = arith.constant 7 : i32
    %get3A_160 = arith.index_cast %get3A_159 : i32 to index
    %get3A_161 = arith.constant 48 : index
    %get3A_162 = tpu.vector_load %arg12[%get3A_160, %get3A_161] {strides = array<i32>} : memref<9x64xf32, #tpu.memory_space<vmem>>, vector<1x16xf32>,
    %get3A_163 = vector.shape_cast %get3A_162 : vector<1x16xf32> to vector<16xf32>
    %get3A_164 = arith.constant 8 : i32
    %get3A_165 = arith.index_cast %get3A_164 : i32 to index
    %get3A_166 = arith.constant 0 : index
    %get3A_167 = tpu.vector_load %arg12[%get3A_165, %get3A_166] {strides = array<i32>} : memref<9x64xf32, #tpu.memory_space<vmem>>, vector<1x16xf32>,
    %get3A_168 = vector.shape_cast %get3A_167 : vector<1x16xf32> to vector<16xf32>
    %get3A_169 = arith.constant 8 : i32
    %get3A_170 = arith.index_cast %get3A_169 : i32 to index
    %get3A_171 = arith.constant 16 : index
    %get3A_172 = tpu.vector_load %arg12[%get3A_170, %get3A_171] {strides = array<i32>} : memref<9x64xf32, #tpu.memory_space<vmem>>, vector<1x16xf32>,
    %get3A_173 = vector.shape_cast %get3A_172 : vector<1x16xf32> to vector<16xf32>
    %get3A_174 = arith.constant 8 : i32
    %get3A_175 = arith.index_cast %get3A_174 : i32 to index
    %get3A_176 = arith.constant 32 : index
    %get3A_177 = tpu.vector_load %arg12[%get3A_175, %get3A_176] {strides = array<i32>} : memref<9x64xf32, #tpu.memory_space<vmem>>, vector<1x16xf32>,
    %get3A_178 = vector.shape_cast %get3A_177 : vector<1x16xf32> to vector<16xf32>
    %get3A_179 = arith.constant 8 : i32
    %get3A_180 = arith.index_cast %get3A_179 : i32 to index
    %get3A_181 = arith.constant 48 : index
    %get3A_182 = tpu.vector_load %arg12[%get3A_180, %get3A_181] {strides = array<i32>} : memref<9x64xf32, #tpu.memory_space<vmem>>, vector<1x16xf32>,
    %get3A_183 = vector.shape_cast %get3A_182 : vector<1x16xf32> to vector<16xf32>
    %scan3A = arith.constant 0 : i32
    %scan3A_184 = arith.constant 0 : i32
    %scan3A_185 = arith.constant 13 : i32
    %scan3A_186 = arith.addi %scan3A_184, %scan3A_185 : i32
    %scan3A_187 = arith.constant 1 : i32
    scf.for %scan3A_604 = %scan3A_184 to %scan3A_186 step %scan3A_187  : i32 {
      %add3A_605 = arith.constant 0 : i32
      %add3A_606 = arith.addi %add3A_605, %scan3A_604 : i32
      %get3A_607 = arith.index_cast %add3A_606 : i32 to index
      %get3A_608 = arith.constant 0 : index
      %get3A_609 = tpu.vector_load %arg11[%get3A_607, %get3A_608] {strides = array<i32>} : memref<26x64xf32, #tpu.memory_space<vmem>>, vector<1x16xf32>,
      %get3A_610 = vector.shape_cast %get3A_609 : vector<1x16xf32> to vector<16xf32>
      %add3A_611 = arith.addf %get3A_610, %get3A_8 : vector<16xf32>
      %mul3A_612 = arith.constant 9 : i32
      %mul3A_613 = arith.muli %scan3A_604, %mul3A_612 : i32
      %add3A_614 = arith.constant 0 : i32
      %add3A_615 = arith.addi %mul3A_613, %add3A_614 : i32
      %swap3A_616 = arith.constant 0 : i32
      %swap3A_617 = arith.index_cast %swap3A_616 : i32 to index
      %swap3A_618 = arith.index_cast %add3A_615 : i32 to index
      %swap3A_619 = arith.constant 0 : index
      %swap3A_620 = tpu.vector_load %arg18[%swap3A_617, %swap3A_618, %swap3A_619] {strides = array<i32>} : memref<2x200x64xf32, #tpu.memory_space<vmem>>, vector<1x1x16xf32>,
      %swap3A_621 = vector.shape_cast %swap3A_620 : vector<1x1x16xf32> to vector<16xf32>
      %swap3A_622 = vector.shape_cast %add3A_611 : vector<16xf32> to vector<1x1x16xf32>
      tpu.vector_store %arg18[%swap3A_617, %swap3A_618, %swap3A_619], %swap3A_622 {strides = array<i32>} : memref<2x200x64xf32, #tpu.memory_space<vmem>>, vector<1x1x16xf32>,
      %add3A_623 = arith.addf %get3A_610, %get3A_28 : vector<16xf32>
      %mul3A_624 = arith.constant 9 : i32
      %mul3A_625 = arith.muli %scan3A_604, %mul3A_624 : i32
      %add3A_626 = arith.constant 1 : i32
      %add3A_627 = arith.addi %mul3A_625, %add3A_626 : i32
      %swap3A_628 = arith.constant 0 : i32
      %swap3A_629 = arith.index_cast %swap3A_628 : i32 to index
      %swap3A_630 = arith.index_cast %add3A_627 : i32 to index
      %swap3A_631 = arith.constant 0 : index
      %swap3A_632 = tpu.vector_load %arg18[%swap3A_629, %swap3A_630, %swap3A_631] {strides = array<i32>} : memref<2x200x64xf32, #tpu.memory_space<vmem>>, vector<1x1x16xf32>,
      %swap3A_633 = vector.shape_cast %swap3A_632 : vector<1x1x16xf32> to vector<16xf32>
      %swap3A_634 = vector.shape_cast %add3A_623 : vector<16xf32> to vector<1x1x16xf32>
      tpu.vector_store %arg18[%swap3A_629, %swap3A_630, %swap3A_631], %swap3A_634 {strides = array<i32>} : memref<2x200x64xf32, #tpu.memory_space<vmem>>, vector<1x1x16xf32>,
      %add3A_635 = arith.addf %get3A_610, %get3A_48 : vector<16xf32>
      %mul3A_636 = arith.constant 9 : i32
      %mul3A_637 = arith.muli %scan3A_604, %mul3A_636 : i32
      %add3A_638 = arith.constant 2 : i32
      %add3A_639 = arith.addi %mul3A_637, %add3A_638 : i32
      %swap3A_640 = arith.constant 0 : i32
      %swap3A_641 = arith.index_cast %swap3A_640 : i32 to index
      %swap3A_642 = arith.index_cast %add3A_639 : i32 to index
      %swap3A_643 = arith.constant 0 : index
      %swap3A_644 = tpu.vector_load %arg18[%swap3A_641, %swap3A_642, %swap3A_643] {strides = array<i32>} : memref<2x200x64xf32, #tpu.memory_space<vmem>>, vector<1x1x16xf32>,
      %swap3A_645 = vector.shape_cast %swap3A_644 : vector<1x1x16xf32> to vector<16xf32>
      %swap3A_646 = vector.shape_cast %add3A_635 : vector<16xf32> to vector<1x1x16xf32>
      tpu.vector_store %arg18[%swap3A_641, %swap3A_642, %swap3A_643], %swap3A_646 {strides = array<i32>} : memref<2x200x64xf32, #tpu.memory_space<vmem>>, vector<1x1x16xf32>,
      %add3A_647 = arith.addf %get3A_610, %get3A_68 : vector<16xf32>
      %mul3A_648 = arith.constant 9 : i32
      %mul3A_649 = arith.muli %scan3A_604, %mul3A_648 : i32
      %add3A_650 = arith.constant 3 : i32
      %add3A_651 = arith.addi %mul3A_649, %add3A_650 : i32
      %swap3A_652 = arith.constant 0 : i32
      %swap3A_653 = arith.index_cast %swap3A_652 : i32 to index
      %swap3A_654 = arith.index_cast %add3A_651 : i32 to index
      %swap3A_655 = arith.constant 0 : index
      %swap3A_656 = tpu.vector_load %arg18[%swap3A_653, %swap3A_654, %swap3A_655] {strides = array<i32>} : memref<2x200x64xf32, #tpu.memory_space<vmem>>, vector<1x1x16xf32>,
      %swap3A_657 = vector.shape_cast %swap3A_656 : vector<1x1x16xf32> to vector<16xf32>
      %swap3A_658 = vector.shape_cast %add3A_647 : vector<16xf32> to vector<1x1x16xf32>
      tpu.vector_store %arg18[%swap3A_653, %swap3A_654, %swap3A_655], %swap3A_658 {strides = array<i32>} : memref<2x200x64xf32, #tpu.memory_space<vmem>>, vector<1x1x16xf32>,
      %add3A_659 = arith.addf %get3A_610, %get3A_88 : vector<16xf32>
      %mul3A_660 = arith.constant 9 : i32
      %mul3A_661 = arith.muli %scan3A_604, %mul3A_660 : i32
      %add3A_662 = arith.constant 4 : i32
      %add3A_663 = arith.addi %mul3A_661, %add3A_662 : i32
      %swap3A_664 = arith.constant 0 : i32
      %swap3A_665 = arith.index_cast %swap3A_664 : i32 to index
      %swap3A_666 = arith.index_cast %add3A_663 : i32 to index
      %swap3A_667 = arith.constant 0 : index
      %swap3A_668 = tpu.vector_load %arg18[%swap3A_665, %swap3A_666, %swap3A_667] {strides = array<i32>} : memref<2x200x64xf32, #tpu.memory_space<vmem>>, vector<1x1x16xf32>,
      %swap3A_669 = vector.shape_cast %swap3A_668 : vector<1x1x16xf32> to vector<16xf32>
      %swap3A_670 = vector.shape_cast %add3A_659 : vector<16xf32> to vector<1x1x16xf32>
      tpu.vector_store %arg18[%swap3A_665, %swap3A_666, %swap3A_667], %swap3A_670 {strides = array<i32>} : memref<2x200x64xf32, #tpu.memory_space<vmem>>, vector<1x1x16xf32>,
      %add3A_671 = arith.addf %get3A_610, %get3A_108 : vector<16xf32>
      %mul3A_672 = arith.constant 9 : i32
      %mul3A_673 = arith.muli %scan3A_604, %mul3A_672 : i32
      %add3A_674 = arith.constant 5 : i32
      %add3A_675 = arith.addi %mul3A_673, %add3A_674 : i32
      %swap3A_676 = arith.constant 0 : i32
      %swap3A_677 = arith.index_cast %swap3A_676 : i32 to index
      %swap3A_678 = arith.index_cast %add3A_675 : i32 to index
      %swap3A_679 = arith.constant 0 : index
      %swap3A_680 = tpu.vector_load %arg18[%swap3A_677, %swap3A_678, %swap3A_679] {strides = array<i32>} : memref<2x200x64xf32, #tpu.memory_space<vmem>>, vector<1x1x16xf32>,
      %swap3A_681 = vector.shape_cast %swap3A_680 : vector<1x1x16xf32> to vector<16xf32>
      %swap3A_682 = vector.shape_cast %add3A_671 : vector<16xf32> to vector<1x1x16xf32>
      tpu.vector_store %arg18[%swap3A_677, %swap3A_678, %swap3A_679], %swap3A_682 {strides = array<i32>} : memref<2x200x64xf32, #tpu.memory_space<vmem>>, vector<1x1x16xf32>,
      %add3A_683 = arith.addf %get3A_610, %get3A_128 : vector<16xf32>
      %mul3A_684 = arith.constant 9 : i32
      %mul3A_685 = arith.muli %scan3A_604, %mul3A_684 : i32
      %add3A_686 = arith.constant 6 : i32
      %add3A_687 = arith.addi %mul3A_685, %add3A_686 : i32
      %swap3A_688 = arith.constant 0 : i32
      %swap3A_689 = arith.index_cast %swap3A_688 : i32 to index
      %swap3A_690 = arith.index_cast %add3A_687 : i32 to index
      %swap3A_691 = arith.constant 0 : index
      %swap3A_692 = tpu.vector_load %arg18[%swap3A_689, %swap3A_690, %swap3A_691] {strides = array<i32>} : memref<2x200x64xf32, #tpu.memory_space<vmem>>, vector<1x1x16xf32>,
      %swap3A_693 = vector.shape_cast %swap3A_692 : vector<1x1x16xf32> to vector<16xf32>
      %swap3A_694 = vector.shape_cast %add3A_683 : vector<16xf32> to vector<1x1x16xf32>
      tpu.vector_store %arg18[%swap3A_689, %swap3A_690, %swap3A_691], %swap3A_694 {strides = array<i32>} : memref<2x200x64xf32, #tpu.memory_space<vmem>>, vector<1x1x16xf32>,
      %add3A_695 = arith.addf %get3A_610, %get3A_148 : vector<16xf32>
      %mul3A_696 = arith.constant 9 : i32
      %mul3A_697 = arith.muli %scan3A_604, %mul3A_696 : i32
      %add3A_698 = arith.constant 7 : i32
      %add3A_699 = arith.addi %mul3A_697, %add3A_698 : i32
      %swap3A_700 = arith.constant 0 : i32
      %swap3A_701 = arith.index_cast %swap3A_700 : i32 to index
      %swap3A_702 = arith.index_cast %add3A_699 : i32 to index
      %swap3A_703 = arith.constant 0 : index
      %swap3A_704 = tpu.vector_load %arg18[%swap3A_701, %swap3A_702, %swap3A_703] {strides = array<i32>} : memref<2x200x64xf32, #tpu.memory_space<vmem>>, vector<1x1x16xf32>,
      %swap3A_705 = vector.shape_cast %swap3A_704 : vector<1x1x16xf32> to vector<16xf32>
      %swap3A_706 = vector.shape_cast %add3A_695 : vector<16xf32> to vector<1x1x16xf32>
      tpu.vector_store %arg18[%swap3A_701, %swap3A_702, %swap3A_703], %swap3A_706 {strides = array<i32>} : memref<2x200x64xf32, #tpu.memory_space<vmem>>, vector<1x1x16xf32>,
      %add3A_707 = arith.addf %get3A_610, %get3A_168 : vector<16xf32>
      %mul3A_708 = arith.constant 9 : i32
      %mul3A_709 = arith.muli %scan3A_604, %mul3A_708 : i32
      %add3A_710 = arith.constant 8 : i32
      %add3A_711 = arith.addi %mul3A_709, %add3A_710 : i32
      %swap3A_712 = arith.constant 0 : i32
      %swap3A_713 = arith.index_cast %swap3A_712 : i32 to index
      %swap3A_714 = arith.index_cast %add3A_711 : i32 to index
      %swap3A_715 = arith.constant 0 : index
      %swap3A_716 = tpu.vector_load %arg18[%swap3A_713, %swap3A_714, %swap3A_715] {strides = array<i32>} : memref<2x200x64xf32, #tpu.memory_space<vmem>>, vector<1x1x16xf32>,
      %swap3A_717 = vector.shape_cast %swap3A_716 : vector<1x1x16xf32> to vector<16xf32>
      %swap3A_718 = vector.shape_cast %add3A_707 : vector<16xf32> to vector<1x1x16xf32>
      tpu.vector_store %arg18[%swap3A_713, %swap3A_714, %swap3A_715], %swap3A_718 {strides = array<i32>} : memref<2x200x64xf32, #tpu.memory_space<vmem>>, vector<1x1x16xf32>,
      %get3A_719 = arith.index_cast %add3A_606 : i32 to index
      %get3A_720 = arith.constant 16 : index
      %get3A_721 = tpu.vector_load %arg11[%get3A_719, %get3A_720] {strides = array<i32>} : memref<26x64xf32, #tpu.memory_space<vmem>>, vector<1x16xf32>,
      %get3A_722 = vector.shape_cast %get3A_721 : vector<1x16xf32> to vector<16xf32>
      %add3A_723 = arith.addf %get3A_722, %get3A_13 : vector<16xf32>
      %mul3A_724 = arith.constant 9 : i32
      %mul3A_725 = arith.muli %scan3A_604, %mul3A_724 : i32
      %add3A_726 = arith.constant 0 : i32
      %add3A_727 = arith.addi %mul3A_725, %add3A_726 : i32
      %swap3A_728 = arith.constant 0 : i32
      %swap3A_729 = arith.index_cast %swap3A_728 : i32 to index
      %swap3A_730 = arith.index_cast %add3A_727 : i32 to index
      %swap3A_731 = arith.constant 16 : index
      %swap3A_732 = tpu.vector_load %arg18[%swap3A_729, %swap3A_730, %swap3A_731] {strides = array<i32>} : memref<2x200x64xf32, #tpu.memory_space<vmem>>, vector<1x1x16xf32>,
      %swap3A_733 = vector.shape_cast %swap3A_732 : vector<1x1x16xf32> to vector<16xf32>
      %swap3A_734 = vector.shape_cast %add3A_723 : vector<16xf32> to vector<1x1x16xf32>
      tpu.vector_store %arg18[%swap3A_729, %swap3A_730, %swap3A_731], %swap3A_734 {strides = array<i32>} : memref<2x200x64xf32, #tpu.memory_space<vmem>>, vector<1x1x16xf32>,
      %add3A_735 = arith.addf %get3A_722, %get3A_33 : vector<16xf32>
      %mul3A_736 = arith.constant 9 : i32
      %mul3A_737 = arith.muli %scan3A_604, %mul3A_736 : i32
      %add3A_738 = arith.constant 1 : i32
      %add3A_739 = arith.addi %mul3A_737, %add3A_738 : i32
      %swap3A_740 = arith.constant 0 : i32
      %swap3A_741 = arith.index_cast %swap3A_740 : i32 to index
      %swap3A_742 = arith.index_cast %add3A_739 : i32 to index
      %swap3A_743 = arith.constant 16 : index
      %swap3A_744 = tpu.vector_load %arg18[%swap3A_741, %swap3A_742, %swap3A_743] {strides = array<i32>} : memref<2x200x64xf32, #tpu.memory_space<vmem>>, vector<1x1x16xf32>,
      %swap3A_745 = vector.shape_cast %swap3A_744 : vector<1x1x16xf32> to vector<16xf32>
      %swap3A_746 = vector.shape_cast %add3A_735 : vector<16xf32> to vector<1x1x16xf32>
      tpu.vector_store %arg18[%swap3A_741, %swap3A_742, %swap3A_743], %swap3A_746 {strides = array<i32>} : memref<2x200x64xf32, #tpu.memory_space<vmem>>, vector<1x1x16xf32>,
      %add3A_747 = arith.addf %get3A_722, %get3A_53 : vector<16xf32>
      %mul3A_748 = arith.constant 9 : i32
      %mul3A_749 = arith.muli %scan3A_604, %mul3A_748 : i32
      %add3A_750 = arith.constant 2 : i32
      %add3A_751 = arith.addi %mul3A_749, %add3A_750 : i32
      %swap3A_752 = arith.constant 0 : i32
      %swap3A_753 = arith.index_cast %swap3A_752 : i32 to index
      %swap3A_754 = arith.index_cast %add3A_751 : i32 to index
      %swap3A_755 = arith.constant 16 : index
      %swap3A_756 = tpu.vector_load %arg18[%swap3A_753, %swap3A_754, %swap3A_755] {strides = array<i32>} : memref<2x200x64xf32, #tpu.memory_space<vmem>>, vector<1x1x16xf32>,
      %swap3A_757 = vector.shape_cast %swap3A_756 : vector<1x1x16xf32> to vector<16xf32>
      %swap3A_758 = vector.shape_cast %add3A_747 : vector<16xf32> to vector<1x1x16xf32>
      tpu.vector_store %arg18[%swap3A_753, %swap3A_754, %swap3A_755], %swap3A_758 {strides = array<i32>} : memref<2x200x64xf32, #tpu.memory_space<vmem>>, vector<1x1x16xf32>,
      %add3A_759 = arith.addf %get3A_722, %get3A_73 : vector<16xf32>
      %mul3A_760 = arith.constant 9 : i32
      %mul3A_761 = arith.muli %scan3A_604, %mul3A_760 : i32
      %add3A_762 = arith.constant 3 : i32
      %add3A_763 = arith.addi %mul3A_761, %add3A_762 : i32
      %swap3A_764 = arith.constant 0 : i32
      %swap3A_765 = arith.index_cast %swap3A_764 : i32 to index
      %swap3A_766 = arith.index_cast %add3A_763 : i32 to index
      %swap3A_767 = arith.constant 16 : index
      %swap3A_768 = tpu.vector_load %arg18[%swap3A_765, %swap3A_766, %swap3A_767] {strides = array<i32>} : memref<2x200x64xf32, #tpu.memory_space<vmem>>, vector<1x1x16xf32>,
      %swap3A_769 = vector.shape_cast %swap3A_768 : vector<1x1x16xf32> to vector<16xf32>
      %swap3A_770 = vector.shape_cast %add3A_759 : vector<16xf32> to vector<1x1x16xf32>
      tpu.vector_store %arg18[%swap3A_765, %swap3A_766, %swap3A_767], %swap3A_770 {strides = array<i32>} : memref<2x200x64xf32, #tpu.memory_space<vmem>>, vector<1x1x16xf32>,
      %add3A_771 = arith.addf %get3A_722, %get3A_93 : vector<16xf32>
      %mul3A_772 = arith.constant 9 : i32
      %mul3A_773 = arith.muli %scan3A_604, %mul3A_772 : i32
      %add3A_774 = arith.constant 4 : i32
      %add3A_775 = arith.addi %mul3A_773, %add3A_774 : i32
      %swap3A_776 = arith.constant 0 : i32
      %swap3A_777 = arith.index_cast %swap3A_776 : i32 to index
      %swap3A_778 = arith.index_cast %add3A_775 : i32 to index
      %swap3A_779 = arith.constant 16 : index
      %swap3A_780 = tpu.vector_load %arg18[%swap3A_777, %swap3A_778, %swap3A_779] {strides = array<i32>} : memref<2x200x64xf32, #tpu.memory_space<vmem>>, vector<1x1x16xf32>,
      %swap3A_781 = vector.shape_cast %swap3A_780 : vector<1x1x16xf32> to vector<16xf32>
      %swap3A_782 = vector.shape_cast %add3A_771 : vector<16xf32> to vector<1x1x16xf32>
      tpu.vector_store %arg18[%swap3A_777, %swap3A_778, %swap3A_779], %swap3A_782 {strides = array<i32>} : memref<2x200x64xf32, #tpu.memory_space<vmem>>, vector<1x1x16xf32>,
      %add3A_783 = arith.addf %get3A_722, %get3A_113 : vector<16xf32>
      %mul3A_784 = arith.constant 9 : i32
      %mul3A_785 = arith.muli %scan3A_604, %mul3A_784 : i32
      %add3A_786 = arith.constant 5 : i32
      %add3A_787 = arith.addi %mul3A_785, %add3A_786 : i32
      %swap3A_788 = arith.constant 0 : i32
      %swap3A_789 = arith.index_cast %swap3A_788 : i32 to index
      %swap3A_790 = arith.index_cast %add3A_787 : i32 to index
      %swap3A_791 = arith.constant 16 : index
      %swap3A_792 = tpu.vector_load %arg18[%swap3A_789, %swap3A_790, %swap3A_791] {strides = array<i32>} : memref<2x200x64xf32, #tpu.memory_space<vmem>>, vector<1x1x16xf32>,
      %swap3A_793 = vector.shape_cast %swap3A_792 : vector<1x1x16xf32> to vector<16xf32>
      %swap3A_794 = vector.shape_cast %add3A_783 : vector<16xf32> to vector<1x1x16xf32>
      tpu.vector_store %arg18[%swap3A_789, %swap3A_790, %swap3A_791], %swap3A_794 {strides = array<i32>} : memref<2x200x64xf32, #tpu.memory_space<vmem>>, vector<1x1x16xf32>,
      %add3A_795 = arith.addf %get3A_722, %get3A_133 : vector<16xf32>
      %mul3A_796 = arith.constant 9 : i32
      %mul3A_797 = arith.muli %scan3A_604, %mul3A_796 : i32
      %add3A_798 = arith.constant 6 : i32
      %add3A_799 = arith.addi %mul3A_797, %add3A_798 : i32
      %swap3A_800 = arith.constant 0 : i32
      %swap3A_801 = arith.index_cast %swap3A_800 : i32 to index
      %swap3A_802 = arith.index_cast %add3A_799 : i32 to index
      %swap3A_803 = arith.constant 16 : index
      %swap3A_804 = tpu.vector_load %arg18[%swap3A_801, %swap3A_802, %swap3A_803] {strides = array<i32>} : memref<2x200x64xf32, #tpu.memory_space<vmem>>, vector<1x1x16xf32>,
      %swap3A_805 = vector.shape_cast %swap3A_804 : vector<1x1x16xf32> to vector<16xf32>
      %swap3A_806 = vector.shape_cast %add3A_795 : vector<16xf32> to vector<1x1x16xf32>
      tpu.vector_store %arg18[%swap3A_801, %swap3A_802, %swap3A_803], %swap3A_806 {strides = array<i32>} : memref<2x200x64xf32, #tpu.memory_space<vmem>>, vector<1x1x16xf32>,
      %add3A_807 = arith.addf %get3A_722, %get3A_153 : vector<16xf32>
      %mul3A_808 = arith.constant 9 : i32
      %mul3A_809 = arith.muli %scan3A_604, %mul3A_808 : i32
      %add3A_810 = arith.constant 7 : i32
      %add3A_811 = arith.addi %mul3A_809, %add3A_810 : i32
      %swap3A_812 = arith.constant 0 : i32
      %swap3A_813 = arith.index_cast %swap3A_812 : i32 to index
      %swap3A_814 = arith.index_cast %add3A_811 : i32 to index
      %swap3A_815 = arith.constant 16 : index
      %swap3A_816 = tpu.vector_load %arg18[%swap3A_813, %swap3A_814, %swap3A_815] {strides = array<i32>} : memref<2x200x64xf32, #tpu.memory_space<vmem>>, vector<1x1x16xf32>,
      %swap3A_817 = vector.shape_cast %swap3A_816 : vector<1x1x16xf32> to vector<16xf32>
      %swap3A_818 = vector.shape_cast %add3A_807 : vector<16xf32> to vector<1x1x16xf32>
      tpu.vector_store %arg18[%swap3A_813, %swap3A_814, %swap3A_815], %swap3A_818 {strides = array<i32>} : memref<2x200x64xf32, #tpu.memory_space<vmem>>, vector<1x1x16xf32>,
      %add3A_819 = arith.addf %get3A_722, %get3A_173 : vector<16xf32>
      %mul3A_820 = arith.constant 9 : i32
      %mul3A_821 = arith.muli %scan3A_604, %mul3A_820 : i32
      %add3A_822 = arith.constant 8 : i32
      %add3A_823 = arith.addi %mul3A_821, %add3A_822 : i32
      %swap3A_824 = arith.constant 0 : i32
      %swap3A_825 = arith.index_cast %swap3A_824 : i32 to index
      %swap3A_826 = arith.index_cast %add3A_823 : i32 to index
      %swap3A_827 = arith.constant 16 : index
      %swap3A_828 = tpu.vector_load %arg18[%swap3A_825, %swap3A_826, %swap3A_827] {strides = array<i32>} : memref<2x200x64xf32, #tpu.memory_space<vmem>>, vector<1x1x16xf32>,
      %swap3A_829 = vector.shape_cast %swap3A_828 : vector<1x1x16xf32> to vector<16xf32>
      %swap3A_830 = vector.shape_cast %add3A_819 : vector<16xf32> to vector<1x1x16xf32>
      tpu.vector_store %arg18[%swap3A_825, %swap3A_826, %swap3A_827], %swap3A_830 {strides = array<i32>} : memref<2x200x64xf32, #tpu.memory_space<vmem>>, vector<1x1x16xf32>,
      %get3A_831 = arith.index_cast %add3A_606 : i32 to index
      %get3A_832 = arith.constant 32 : index
      %get3A_833 = tpu.vector_load %arg11[%get3A_831, %get3A_832] {strides = array<i32>} : memref<26x64xf32, #tpu.memory_space<vmem>>, vector<1x16xf32>,
      %get3A_834 = vector.shape_cast %get3A_833 : vector<1x16xf32> to vector<16xf32>
      %add3A_835 = arith.addf %get3A_834, %get3A_18 : vector<16xf32>
      %mul3A_836 = arith.constant 9 : i32
      %mul3A_837 = arith.muli %scan3A_604, %mul3A_836 : i32
      %add3A_838 = arith.constant 0 : i32
      %add3A_839 = arith.addi %mul3A_837, %add3A_838 : i32
      %swap3A_840 = arith.constant 0 : i32
      %swap3A_841 = arith.index_cast %swap3A_840 : i32 to index
      %swap3A_842 = arith.index_cast %add3A_839 : i32 to index
      %swap3A_843 = arith.constant 32 : index
      %swap3A_844 = tpu.vector_load %arg18[%swap3A_841, %swap3A_842, %swap3A_843] {strides = array<i32>} : memref<2x200x64xf32, #tpu.memory_space<vmem>>, vector<1x1x16xf32>,
      %swap3A_845 = vector.shape_cast %swap3A_844 : vector<1x1x16xf32> to vector<16xf32>
      %swap3A_846 = vector.shape_cast %add3A_835 : vector<16xf32> to vector<1x1x16xf32>
      tpu.vector_store %arg18[%swap3A_841, %swap3A_842, %swap3A_843], %swap3A_846 {strides = array<i32>} : memref<2x200x64xf32, #tpu.memory_space<vmem>>, vector<1x1x16xf32>,
      %add3A_847 = arith.addf %get3A_834, %get3A_38 : vector<16xf32>
      %mul3A_848 = arith.constant 9 : i32
      %mul3A_849 = arith.muli %scan3A_604, %mul3A_848 : i32
      %add3A_850 = arith.constant 1 : i32
      %add3A_851 = arith.addi %mul3A_849, %add3A_850 : i32
      %swap3A_852 = arith.constant 0 : i32
      %swap3A_853 = arith.index_cast %swap3A_852 : i32 to index
      %swap3A_854 = arith.index_cast %add3A_851 : i32 to index
      %swap3A_855 = arith.constant 32 : index
      %swap3A_856 = tpu.vector_load %arg18[%swap3A_853, %swap3A_854, %swap3A_855] {strides = array<i32>} : memref<2x200x64xf32, #tpu.memory_space<vmem>>, vector<1x1x16xf32>,
      %swap3A_857 = vector.shape_cast %swap3A_856 : vector<1x1x16xf32> to vector<16xf32>
      %swap3A_858 = vector.shape_cast %add3A_847 : vector<16xf32> to vector<1x1x16xf32>
      tpu.vector_store %arg18[%swap3A_853, %swap3A_854, %swap3A_855], %swap3A_858 {strides = array<i32>} : memref<2x200x64xf32, #tpu.memory_space<vmem>>, vector<1x1x16xf32>,
      %add3A_859 = arith.addf %get3A_834, %get3A_58 : vector<16xf32>
      %mul3A_860 = arith.constant 9 : i32
      %mul3A_861 = arith.muli %scan3A_604, %mul3A_860 : i32
      %add3A_862 = arith.constant 2 : i32
      %add3A_863 = arith.addi %mul3A_861, %add3A_862 : i32
      %swap3A_864 = arith.constant 0 : i32
      %swap3A_865 = arith.index_cast %swap3A_864 : i32 to index
      %swap3A_866 = arith.index_cast %add3A_863 : i32 to index
      %swap3A_867 = arith.constant 32 : index
      %swap3A_868 = tpu.vector_load %arg18[%swap3A_865, %swap3A_866, %swap3A_867] {strides = array<i32>} : memref<2x200x64xf32, #tpu.memory_space<vmem>>, vector<1x1x16xf32>,
      %swap3A_869 = vector.shape_cast %swap3A_868 : vector<1x1x16xf32> to vector<16xf32>
      %swap3A_870 = vector.shape_cast %add3A_859 : vector<16xf32> to vector<1x1x16xf32>
      tpu.vector_store %arg18[%swap3A_865, %swap3A_866, %swap3A_867], %swap3A_870 {strides = array<i32>} : memref<2x200x64xf32, #tpu.memory_space<vmem>>, vector<1x1x16xf32>,
      %add3A_871 = arith.addf %get3A_834, %get3A_78 : vector<16xf32>
      %mul3A_872 = arith.constant 9 : i32
      %mul3A_873 = arith.muli %scan3A_604, %mul3A_872 : i32
      %add3A_874 = arith.constant 3 : i32
      %add3A_875 = arith.addi %mul3A_873, %add3A_874 : i32
      %swap3A_876 = arith.constant 0 : i32
      %swap3A_877 = arith.index_cast %swap3A_876 : i32 to index
      %swap3A_878 = arith.index_cast %add3A_875 : i32 to index
      %swap3A_879 = arith.constant 32 : index
      %swap3A_880 = tpu.vector_load %arg18[%swap3A_877, %swap3A_878, %swap3A_879] {strides = array<i32>} : memref<2x200x64xf32, #tpu.memory_space<vmem>>, vector<1x1x16xf32>,
      %swap3A_881 = vector.shape_cast %swap3A_880 : vector<1x1x16xf32> to vector<16xf32>
      %swap3A_882 = vector.shape_cast %add3A_871 : vector<16xf32> to vector<1x1x16xf32>
      tpu.vector_store %arg18[%swap3A_877, %swap3A_878, %swap3A_879], %swap3A_882 {strides = array<i32>} : memref<2x200x64xf32, #tpu.memory_space<vmem>>, vector<1x1x16xf32>,
      %add3A_883 = arith.addf %get3A_834, %get3A_98 : vector<16xf32>
      %mul3A_884 = arith.constant 9 : i32
      %mul3A_885 = arith.muli %scan3A_604, %mul3A_884 : i32
      %add3A_886 = arith.constant 4 : i32
      %add3A_887 = arith.addi %mul3A_885, %add3A_886 : i32
      %swap3A_888 = arith.constant 0 : i32
      %swap3A_889 = arith.index_cast %swap3A_888 : i32 to index
      %swap3A_890 = arith.index_cast %add3A_887 : i32 to index
      %swap3A_891 = arith.constant 32 : index
      %swap3A_892 = tpu.vector_load %arg18[%swap3A_889, %swap3A_890, %swap3A_891] {strides = array<i32>} : memref<2x200x64xf32, #tpu.memory_space<vmem>>, vector<1x1x16xf32>,
      %swap3A_893 = vector.shape_cast %swap3A_892 : vector<1x1x16xf32> to vector<16xf32>
      %swap3A_894 = vector.shape_cast %add3A_883 : vector<16xf32> to vector<1x1x16xf32>
      tpu.vector_store %arg18[%swap3A_889, %swap3A_890, %swap3A_891], %swap3A_894 {strides = array<i32>} : memref<2x200x64xf32, #tpu.memory_space<vmem>>, vector<1x1x16xf32>,
      %add3A_895 = arith.addf %get3A_834, %get3A_118 : vector<16xf32>
      %mul3A_896 = arith.constant 9 : i32
      %mul3A_897 = arith.muli %scan3A_604, %mul3A_896 : i32
      %add3A_898 = arith.constant 5 : i32
      %add3A_899 = arith.addi %mul3A_897, %add3A_898 : i32
      %swap3A_900 = arith.constant 0 : i32
      %swap3A_901 = arith.index_cast %swap3A_900 : i32 to index
      %swap3A_902 = arith.index_cast %add3A_899 : i32 to index
      %swap3A_903 = arith.constant 32 : index
      %swap3A_904 = tpu.vector_load %arg18[%swap3A_901, %swap3A_902, %swap3A_903] {strides = array<i32>} : memref<2x200x64xf32, #tpu.memory_space<vmem>>, vector<1x1x16xf32>,
      %swap3A_905 = vector.shape_cast %swap3A_904 : vector<1x1x16xf32> to vector<16xf32>
      %swap3A_906 = vector.shape_cast %add3A_895 : vector<16xf32> to vector<1x1x16xf32>
      tpu.vector_store %arg18[%swap3A_901, %swap3A_902, %swap3A_903], %swap3A_906 {strides = array<i32>} : memref<2x200x64xf32, #tpu.memory_space<vmem>>, vector<1x1x16xf32>,
      %add3A_907 = arith.addf %get3A_834, %get3A_138 : vector<16xf32>
      %mul3A_908 = arith.constant 9 : i32
      %mul3A_909 = arith.muli %scan3A_604, %mul3A_908 : i32
      %add3A_910 = arith.constant 6 : i32
      %add3A_911 = arith.addi %mul3A_909, %add3A_910 : i32
      %swap3A_912 = arith.constant 0 : i32
      %swap3A_913 = arith.index_cast %swap3A_912 : i32 to index
      %swap3A_914 = arith.index_cast %add3A_911 : i32 to index
      %swap3A_915 = arith.constant 32 : index
      %swap3A_916 = tpu.vector_load %arg18[%swap3A_913, %swap3A_914, %swap3A_915] {strides = array<i32>} : memref<2x200x64xf32, #tpu.memory_space<vmem>>, vector<1x1x16xf32>,
      %swap3A_917 = vector.shape_cast %swap3A_916 : vector<1x1x16xf32> to vector<16xf32>
      %swap3A_918 = vector.shape_cast %add3A_907 : vector<16xf32> to vector<1x1x16xf32>
      tpu.vector_store %arg18[%swap3A_913, %swap3A_914, %swap3A_915], %swap3A_918 {strides = array<i32>} : memref<2x200x64xf32, #tpu.memory_space<vmem>>, vector<1x1x16xf32>,
      %add3A_919 = arith.addf %get3A_834, %get3A_158 : vector<16xf32>
      %mul3A_920 = arith.constant 9 : i32
      %mul3A_921 = arith.muli %scan3A_604, %mul3A_920 : i32
      %add3A_922 = arith.constant 7 : i32
      %add3A_923 = arith.addi %mul3A_921, %add3A_922 : i32
      %swap3A_924 = arith.constant 0 : i32
      %swap3A_925 = arith.index_cast %swap3A_924 : i32 to index
      %swap3A_926 = arith.index_cast %add3A_923 : i32 to index
      %swap3A_927 = arith.constant 32 : index
      %swap3A_928 = tpu.vector_load %arg18[%swap3A_925, %swap3A_926, %swap3A_927] {strides = array<i32>} : memref<2x200x64xf32, #tpu.memory_space<vmem>>, vector<1x1x16xf32>,
      %swap3A_929 = vector.shape_cast %swap3A_928 : vector<1x1x16xf32> to vector<16xf32>
      %swap3A_930 = vector.shape_cast %add3A_919 : vector<16xf32> to vector<1x1x16xf32>
      tpu.vector_store %arg18[%swap3A_925, %swap3A_926, %swap3A_927], %swap3A_930 {strides = array<i32>} : memref<2x200x64xf32, #tpu.memory_space<vmem>>, vector<1x1x16xf32>,
      %add3A_931 = arith.addf %get3A_834, %get3A_178 : vector<16xf32>
      %mul3A_932 = arith.constant 9 : i32
      %mul3A_933 = arith.muli %scan3A_604, %mul3A_932 : i32
      %add3A_934 = arith.constant 8 : i32
      %add3A_935 = arith.addi %mul3A_933, %add3A_934 : i32
      %swap3A_936 = arith.constant 0 : i32
      %swap3A_937 = arith.index_cast %swap3A_936 : i32 to index
      %swap3A_938 = arith.index_cast %add3A_935 : i32 to index
      %swap3A_939 = arith.constant 32 : index
      %swap3A_940 = tpu.vector_load %arg18[%swap3A_937, %swap3A_938, %swap3A_939] {strides = array<i32>} : memref<2x200x64xf32, #tpu.memory_space<vmem>>, vector<1x1x16xf32>,
      %swap3A_941 = vector.shape_cast %swap3A_940 : vector<1x1x16xf32> to vector<16xf32>
      %swap3A_942 = vector.shape_cast %add3A_931 : vector<16xf32> to vector<1x1x16xf32>
      tpu.vector_store %arg18[%swap3A_937, %swap3A_938, %swap3A_939], %swap3A_942 {strides = array<i32>} : memref<2x200x64xf32, #tpu.memory_space<vmem>>, vector<1x1x16xf32>,
      %get3A_943 = arith.index_cast %add3A_606 : i32 to index
      %get3A_944 = arith.constant 48 : index
      %get3A_945 = tpu.vector_load %arg11[%get3A_943, %get3A_944] {strides = array<i32>} : memref<26x64xf32, #tpu.memory_space<vmem>>, vector<1x16xf32>,
      %get3A_946 = vector.shape_cast %get3A_945 : vector<1x16xf32> to vector<16xf32>
      %add3A_947 = arith.addf %get3A_946, %get3A_23 : vector<16xf32>
      %mul3A_948 = arith.constant 9 : i32
      %mul3A_949 = arith.muli %scan3A_604, %mul3A_948 : i32
      %add3A_950 = arith.constant 0 : i32
      %add3A_951 = arith.addi %mul3A_949, %add3A_950 : i32
      %swap3A_952 = arith.constant 0 : i32
      %swap3A_953 = arith.index_cast %swap3A_952 : i32 to index
      %swap3A_954 = arith.index_cast %add3A_951 : i32 to index
      %swap3A_955 = arith.constant 48 : index
      %swap3A_956 = tpu.vector_load %arg18[%swap3A_953, %swap3A_954, %swap3A_955] {strides = array<i32>} : memref<2x200x64xf32, #tpu.memory_space<vmem>>, vector<1x1x16xf32>,
      %swap3A_957 = vector.shape_cast %swap3A_956 : vector<1x1x16xf32> to vector<16xf32>
      %swap3A_958 = vector.shape_cast %add3A_947 : vector<16xf32> to vector<1x1x16xf32>
      tpu.vector_store %arg18[%swap3A_953, %swap3A_954, %swap3A_955], %swap3A_958 {strides = array<i32>} : memref<2x200x64xf32, #tpu.memory_space<vmem>>, vector<1x1x16xf32>,
      %add3A_959 = arith.addf %get3A_946, %get3A_43 : vector<16xf32>
      %mul3A_960 = arith.constant 9 : i32
      %mul3A_961 = arith.muli %scan3A_604, %mul3A_960 : i32
      %add3A_962 = arith.constant 1 : i32
      %add3A_963 = arith.addi %mul3A_961, %add3A_962 : i32
      %swap3A_964 = arith.constant 0 : i32
      %swap3A_965 = arith.index_cast %swap3A_964 : i32 to index
      %swap3A_966 = arith.index_cast %add3A_963 : i32 to index
      %swap3A_967 = arith.constant 48 : index
      %swap3A_968 = tpu.vector_load %arg18[%swap3A_965, %swap3A_966, %swap3A_967] {strides = array<i32>} : memref<2x200x64xf32, #tpu.memory_space<vmem>>, vector<1x1x16xf32>,
      %swap3A_969 = vector.shape_cast %swap3A_968 : vector<1x1x16xf32> to vector<16xf32>
      %swap3A_970 = vector.shape_cast %add3A_959 : vector<16xf32> to vector<1x1x16xf32>
      tpu.vector_store %arg18[%swap3A_965, %swap3A_966, %swap3A_967], %swap3A_970 {strides = array<i32>} : memref<2x200x64xf32, #tpu.memory_space<vmem>>, vector<1x1x16xf32>,
      %add3A_971 = arith.addf %get3A_946, %get3A_63 : vector<16xf32>
      %mul3A_972 = arith.constant 9 : i32
      %mul3A_973 = arith.muli %scan3A_604, %mul3A_972 : i32
      %add3A_974 = arith.constant 2 : i32
      %add3A_975 = arith.addi %mul3A_973, %add3A_974 : i32
      %swap3A_976 = arith.constant 0 : i32
      %swap3A_977 = arith.index_cast %swap3A_976 : i32 to index
      %swap3A_978 = arith.index_cast %add3A_975 : i32 to index
      %swap3A_979 = arith.constant 48 : index
      %swap3A_980 = tpu.vector_load %arg18[%swap3A_977, %swap3A_978, %swap3A_979] {strides = array<i32>} : memref<2x200x64xf32, #tpu.memory_space<vmem>>, vector<1x1x16xf32>,
      %swap3A_981 = vector.shape_cast %swap3A_980 : vector<1x1x16xf32> to vector<16xf32>
      %swap3A_982 = vector.shape_cast %add3A_971 : vector<16xf32> to vector<1x1x16xf32>
      tpu.vector_store %arg18[%swap3A_977, %swap3A_978, %swap3A_979], %swap3A_982 {strides = array<i32>} : memref<2x200x64xf32, #tpu.memory_space<vmem>>, vector<1x1x16xf32>,
      %add3A_983 = arith.addf %get3A_946, %get3A_83 : vector<16xf32>
      %mul3A_984 = arith.constant 9 : i32
      %mul3A_985 = arith.muli %scan3A_604, %mul3A_984 : i32
      %add3A_986 = arith.constant 3 : i32
      %add3A_987 = arith.addi %mul3A_985, %add3A_986 : i32
      %swap3A_988 = arith.constant 0 : i32
      %swap3A_989 = arith.index_cast %swap3A_988 : i32 to index
      %swap3A_990 = arith.index_cast %add3A_987 : i32 to index
      %swap3A_991 = arith.constant 48 : index
      %swap3A_992 = tpu.vector_load %arg18[%swap3A_989, %swap3A_990, %swap3A_991] {strides = array<i32>} : memref<2x200x64xf32, #tpu.memory_space<vmem>>, vector<1x1x16xf32>,
      %swap3A_993 = vector.shape_cast %swap3A_992 : vector<1x1x16xf32> to vector<16xf32>
      %swap3A_994 = vector.shape_cast %add3A_983 : vector<16xf32> to vector<1x1x16xf32>
      tpu.vector_store %arg18[%swap3A_989, %swap3A_990, %swap3A_991], %swap3A_994 {strides = array<i32>} : memref<2x200x64xf32, #tpu.memory_space<vmem>>, vector<1x1x16xf32>,
      %add3A_995 = arith.addf %get3A_946, %get3A_103 : vector<16xf32>
      %mul3A_996 = arith.constant 9 : i32
      %mul3A_997 = arith.muli %scan3A_604, %mul3A_996 : i32
      %add3A_998 = arith.constant 4 : i32
      %add3A_999 = arith.addi %mul3A_997, %add3A_998 : i32
      %swap3A_1000 = arith.constant 0 : i32
      %swap3A_1001 = arith.index_cast %swap3A_1000 : i32 to index
      %swap3A_1002 = arith.index_cast %add3A_999 : i32 to index
      %swap3A_1003 = arith.constant 48 : index
      %swap3A_1004 = tpu.vector_load %arg18[%swap3A_1001, %swap3A_1002, %swap3A_1003] {strides = array<i32>} : memref<2x200x64xf32, #tpu.memory_space<vmem>>, vector<1x1x16xf32>,
      %swap3A_1005 = vector.shape_cast %swap3A_1004 : vector<1x1x16xf32> to vector<16xf32>
      %swap3A_1006 = vector.shape_cast %add3A_995 : vector<16xf32> to vector<1x1x16xf32>
      tpu.vector_store %arg18[%swap3A_1001, %swap3A_1002, %swap3A_1003], %swap3A_1006 {strides = array<i32>} : memref<2x200x64xf32, #tpu.memory_space<vmem>>, vector<1x1x16xf32>,
      %add3A_1007 = arith.addf %get3A_946, %get3A_123 : vector<16xf32>
      %mul3A_1008 = arith.constant 9 : i32
      %mul3A_1009 = arith.muli %scan3A_604, %mul3A_1008 : i32
      %add3A_1010 = arith.constant 5 : i32
      %add3A_1011 = arith.addi %mul3A_1009, %add3A_1010 : i32
      %swap3A_1012 = arith.constant 0 : i32
      %swap3A_1013 = arith.index_cast %swap3A_1012 : i32 to index
      %swap3A_1014 = arith.index_cast %add3A_1011 : i32 to index
      %swap3A_1015 = arith.constant 48 : index
      %swap3A_1016 = tpu.vector_load %arg18[%swap3A_1013, %swap3A_1014, %swap3A_1015] {strides = array<i32>} : memref<2x200x64xf32, #tpu.memory_space<vmem>>, vector<1x1x16xf32>,
      %swap3A_1017 = vector.shape_cast %swap3A_1016 : vector<1x1x16xf32> to vector<16xf32>
      %swap3A_1018 = vector.shape_cast %add3A_1007 : vector<16xf32> to vector<1x1x16xf32>
      tpu.vector_store %arg18[%swap3A_1013, %swap3A_1014, %swap3A_1015], %swap3A_1018 {strides = array<i32>} : memref<2x200x64xf32, #tpu.memory_space<vmem>>, vector<1x1x16xf32>,
      %add3A_1019 = arith.addf %get3A_946, %get3A_143 : vector<16xf32>
      %mul3A_1020 = arith.constant 9 : i32
      %mul3A_1021 = arith.muli %scan3A_604, %mul3A_1020 : i32
      %add3A_1022 = arith.constant 6 : i32
      %add3A_1023 = arith.addi %mul3A_1021, %add3A_1022 : i32
      %swap3A_1024 = arith.constant 0 : i32
      %swap3A_1025 = arith.index_cast %swap3A_1024 : i32 to index
      %swap3A_1026 = arith.index_cast %add3A_1023 : i32 to index
      %swap3A_1027 = arith.constant 48 : index
      %swap3A_1028 = tpu.vector_load %arg18[%swap3A_1025, %swap3A_1026, %swap3A_1027] {strides = array<i32>} : memref<2x200x64xf32, #tpu.memory_space<vmem>>, vector<1x1x16xf32>,
      %swap3A_1029 = vector.shape_cast %swap3A_1028 : vector<1x1x16xf32> to vector<16xf32>
      %swap3A_1030 = vector.shape_cast %add3A_1019 : vector<16xf32> to vector<1x1x16xf32>
      tpu.vector_store %arg18[%swap3A_1025, %swap3A_1026, %swap3A_1027], %swap3A_1030 {strides = array<i32>} : memref<2x200x64xf32, #tpu.memory_space<vmem>>, vector<1x1x16xf32>,
      %add3A_1031 = arith.addf %get3A_946, %get3A_163 : vector<16xf32>
      %mul3A_1032 = arith.constant 9 : i32
      %mul3A_1033 = arith.muli %scan3A_604, %mul3A_1032 : i32
      %add3A_1034 = arith.constant 7 : i32
      %add3A_1035 = arith.addi %mul3A_1033, %add3A_1034 : i32
      %swap3A_1036 = arith.constant 0 : i32
      %swap3A_1037 = arith.index_cast %swap3A_1036 : i32 to index
      %swap3A_1038 = arith.index_cast %add3A_1035 : i32 to index
      %swap3A_1039 = arith.constant 48 : index
      %swap3A_1040 = tpu.vector_load %arg18[%swap3A_1037, %swap3A_1038, %swap3A_1039] {strides = array<i32>} : memref<2x200x64xf32, #tpu.memory_space<vmem>>, vector<1x1x16xf32>,
      %swap3A_1041 = vector.shape_cast %swap3A_1040 : vector<1x1x16xf32> to vector<16xf32>
      %swap3A_1042 = vector.shape_cast %add3A_1031 : vector<16xf32> to vector<1x1x16xf32>
      tpu.vector_store %arg18[%swap3A_1037, %swap3A_1038, %swap3A_1039], %swap3A_1042 {strides = array<i32>} : memref<2x200x64xf32, #tpu.memory_space<vmem>>, vector<1x1x16xf32>,
      %add3A_1043 = arith.addf %get3A_946, %get3A_183 : vector<16xf32>
      %mul3A_1044 = arith.constant 9 : i32
      %mul3A_1045 = arith.muli %scan3A_604, %mul3A_1044 : i32
      %add3A_1046 = arith.constant 8 : i32
      %add3A_1047 = arith.addi %mul3A_1045, %add3A_1046 : i32
      %swap3A_1048 = arith.constant 0 : i32
      %swap3A_1049 = arith.index_cast %swap3A_1048 : i32 to index
      %swap3A_1050 = arith.index_cast %add3A_1047 : i32 to index
      %swap3A_1051 = arith.constant 48 : index
      %swap3A_1052 = tpu.vector_load %arg18[%swap3A_1049, %swap3A_1050, %swap3A_1051] {strides = array<i32>} : memref<2x200x64xf32, #tpu.memory_space<vmem>>, vector<1x1x16xf32>,
      %swap3A_1053 = vector.shape_cast %swap3A_1052 : vector<1x1x16xf32> to vector<16xf32>
      %swap3A_1054 = vector.shape_cast %add3A_1043 : vector<16xf32> to vector<1x1x16xf32>
      tpu.vector_store %arg18[%swap3A_1049, %swap3A_1050, %swap3A_1051], %swap3A_1054 {strides = array<i32>} : memref<2x200x64xf32, #tpu.memory_space<vmem>>, vector<1x1x16xf32>,
    }
    %scan3A_188 = arith.constant 13 : i32
    %mul3A_189 = arith.constant 234 : i32
    %mul3A_190 = arith.muli %arg1, %mul3A_189 : i32
    %add3A_191 = arith.constant 0 : i32
    %add3A_192 = arith.addi %mul3A_190, %add3A_191 : i32
    %run_scoped3A = arith.constant 0 : i32
    "tpu.region"() ({
      %run_scoped3A_604 = tpu.sem_alloc : memref<!tpu.dma_semaphore, #tpu.memory_space<semaphore_mem>>
      %dma_start3A_605 = arith.constant 0 : i32
      %dma_start3A_606 = arith.constant 0 : i32
      %dma_start3A_607 = tpu.memref_slice %arg18[%run_scoped3A, %dma_start3A_605, %dma_start3A_606] : memref<2x200x64xf32, #tpu.memory_space<vmem>> -> memref<1x117x64xf32, #tpu.memory_space<vmem>>
      %dma_start3A_608 = tpu.memref_squeeze %dma_start3A_607 : memref<1x117x64xf32, #tpu.memory_space<vmem>> -> memref<117x64xf32, #tpu.memory_space<vmem>>
      %dma_start3A_609 = arith.constant 0 : i32
      %dma_start3A_610 = tpu.memref_slice %arg10[%add3A_192, %dma_start3A_609] : memref<3744x64xf32, #tpu.memory_space<vmem_shared>> -> memref<117x64xf32, #tpu.memory_space<vmem_shared>>
      %dma_start3A_611 = arith.constant 0 : i32
      %dma_start3A_612 = tpu.memref_slice %arg10[%add3A_192, %dma_start3A_611] : memref<3744x64xf32, #tpu.memory_space<vmem_shared>> -> memref<117x64xf32, #tpu.memory_space<vmem_shared>>
      %dma_start3A_613 = arith.constant 0 : i32
      %dma_start3A_614 = arith.constant 0 : i32
      %dma_start3A_615 = tpu.memref_slice %arg18[%run_scoped3A, %dma_start3A_613, %dma_start3A_614] : memref<2x200x64xf32, #tpu.memory_space<vmem>> -> memref<1x117x64xf32, #tpu.memory_space<vmem>>
      %dma_start3A_616 = tpu.memref_squeeze %dma_start3A_615 : memref<1x117x64xf32, #tpu.memory_space<vmem>> -> memref<117x64xf32, #tpu.memory_space<vmem>>
      tpu.enqueue_dma source(%dma_start3A_616 : memref<117x64xf32, #tpu.memory_space<vmem>>) target(%dma_start3A_612 : memref<117x64xf32, #tpu.memory_space<vmem_shared>>) target_semaphore(%run_scoped3A_604 : memref<!tpu.dma_semaphore, #tpu.memory_space<semaphore_mem>>)
      %dma_wait3A_617 = arith.constant 0 : i32
      %dma_wait3A_618 = arith.constant 0 : i32
      %dma_wait3A_619 = tpu.memref_slice %arg18[%run_scoped3A, %dma_wait3A_617, %dma_wait3A_618] : memref<2x200x64xf32, #tpu.memory_space<vmem>> -> memref<1x117x64xf32, #tpu.memory_space<vmem>>
      %dma_wait3A_620 = tpu.memref_squeeze %dma_wait3A_619 : memref<1x117x64xf32, #tpu.memory_space<vmem>> -> memref<117x64xf32, #tpu.memory_space<vmem>>
      %dma_wait3A_621 = arith.constant 0 : i32
      %dma_wait3A_622 = tpu.memref_slice %arg10[%add3A_192, %dma_wait3A_621] : memref<3744x64xf32, #tpu.memory_space<vmem_shared>> -> memref<117x64xf32, #tpu.memory_space<vmem_shared>>
      %dma_wait3A_623 = arith.constant 0 : i32
      %dma_wait3A_624 = tpu.memref_slice %arg10[%add3A_192, %dma_wait3A_623] : memref<3744x64xf32, #tpu.memory_space<vmem_shared>> -> memref<117x64xf32, #tpu.memory_space<vmem_shared>>
      %dma_wait3A_625 = arith.constant 0 : i32
      %dma_wait3A_626 = arith.constant 0 : i32
      %dma_wait3A_627 = tpu.memref_slice %arg18[%run_scoped3A, %dma_wait3A_625, %dma_wait3A_626] : memref<2x200x64xf32, #tpu.memory_space<vmem>> -> memref<1x117x64xf32, #tpu.memory_space<vmem>>
      %dma_wait3A_628 = tpu.memref_squeeze %dma_wait3A_627 : memref<1x117x64xf32, #tpu.memory_space<vmem>> -> memref<117x64xf32, #tpu.memory_space<vmem>>
      tpu.wait_dma2 semaphore(%run_scoped3A_604 : memref<!tpu.dma_semaphore, #tpu.memory_space<semaphore_mem>>) src(%dma_wait3A_628 : memref<117x64xf32, #tpu.memory_space<vmem>>) dst(%dma_wait3A_624 : memref<117x64xf32, #tpu.memory_space<vmem_shared>>)
      tpu.yield
    }) : () -> ()
    %scan3A_193 = arith.constant 0 : i32
    %scan3A_194 = arith.constant 0 : i32
    %scan3A_195 = arith.constant 13 : i32
    %scan3A_196 = arith.addi %scan3A_194, %scan3A_195 : i32
    %scan3A_197 = arith.constant 1 : i32
    scf.for %scan3A_604 = %scan3A_194 to %scan3A_196 step %scan3A_197  : i32 {
      %add3A_605 = arith.constant 13 : i32
      %add3A_606 = arith.addi %add3A_605, %scan3A_604 : i32
      %get3A_607 = arith.index_cast %add3A_606 : i32 to index
      %get3A_608 = arith.constant 0 : index
      %get3A_609 = tpu.vector_load %arg11[%get3A_607, %get3A_608] {strides = array<i32>} : memref<26x64xf32, #tpu.memory_space<vmem>>, vector<1x16xf32>,
      %get3A_610 = vector.shape_cast %get3A_609 : vector<1x16xf32> to vector<16xf32>
      %add3A_611 = arith.addf %get3A_610, %get3A_8 : vector<16xf32>
      %mul3A_612 = arith.constant 9 : i32
      %mul3A_613 = arith.muli %scan3A_604, %mul3A_612 : i32
      %add3A_614 = arith.constant 0 : i32
      %add3A_615 = arith.addi %mul3A_613, %add3A_614 : i32
      %swap3A_616 = arith.constant 0 : i32
      %swap3A_617 = arith.index_cast %swap3A_616 : i32 to index
      %swap3A_618 = arith.index_cast %add3A_615 : i32 to index
      %swap3A_619 = arith.constant 0 : index
      %swap3A_620 = tpu.vector_load %arg18[%swap3A_617, %swap3A_618, %swap3A_619] {strides = array<i32>} : memref<2x200x64xf32, #tpu.memory_space<vmem>>, vector<1x1x16xf32>,
      %swap3A_621 = vector.shape_cast %swap3A_620 : vector<1x1x16xf32> to vector<16xf32>
      %swap3A_622 = vector.shape_cast %add3A_611 : vector<16xf32> to vector<1x1x16xf32>
      tpu.vector_store %arg18[%swap3A_617, %swap3A_618, %swap3A_619], %swap3A_622 {strides = array<i32>} : memref<2x200x64xf32, #tpu.memory_space<vmem>>, vector<1x1x16xf32>,
      %add3A_623 = arith.addf %get3A_610, %get3A_28 : vector<16xf32>
      %mul3A_624 = arith.constant 9 : i32
      %mul3A_625 = arith.muli %scan3A_604, %mul3A_624 : i32
      %add3A_626 = arith.constant 1 : i32
      %add3A_627 = arith.addi %mul3A_625, %add3A_626 : i32
      %swap3A_628 = arith.constant 0 : i32
      %swap3A_629 = arith.index_cast %swap3A_628 : i32 to index
      %swap3A_630 = arith.index_cast %add3A_627 : i32 to index
      %swap3A_631 = arith.constant 0 : index
      %swap3A_632 = tpu.vector_load %arg18[%swap3A_629, %swap3A_630, %swap3A_631] {strides = array<i32>} : memref<2x200x64xf32, #tpu.memory_space<vmem>>, vector<1x1x16xf32>,
      %swap3A_633 = vector.shape_cast %swap3A_632 : vector<1x1x16xf32> to vector<16xf32>
      %swap3A_634 = vector.shape_cast %add3A_623 : vector<16xf32> to vector<1x1x16xf32>
      tpu.vector_store %arg18[%swap3A_629, %swap3A_630, %swap3A_631], %swap3A_634 {strides = array<i32>} : memref<2x200x64xf32, #tpu.memory_space<vmem>>, vector<1x1x16xf32>,
      %add3A_635 = arith.addf %get3A_610, %get3A_48 : vector<16xf32>
      %mul3A_636 = arith.constant 9 : i32
      %mul3A_637 = arith.muli %scan3A_604, %mul3A_636 : i32
      %add3A_638 = arith.constant 2 : i32
      %add3A_639 = arith.addi %mul3A_637, %add3A_638 : i32
      %swap3A_640 = arith.constant 0 : i32
      %swap3A_641 = arith.index_cast %swap3A_640 : i32 to index
      %swap3A_642 = arith.index_cast %add3A_639 : i32 to index
      %swap3A_643 = arith.constant 0 : index
      %swap3A_644 = tpu.vector_load %arg18[%swap3A_641, %swap3A_642, %swap3A_643] {strides = array<i32>} : memref<2x200x64xf32, #tpu.memory_space<vmem>>, vector<1x1x16xf32>,
      %swap3A_645 = vector.shape_cast %swap3A_644 : vector<1x1x16xf32> to vector<16xf32>
      %swap3A_646 = vector.shape_cast %add3A_635 : vector<16xf32> to vector<1x1x16xf32>
      tpu.vector_store %arg18[%swap3A_641, %swap3A_642, %swap3A_643], %swap3A_646 {strides = array<i32>} : memref<2x200x64xf32, #tpu.memory_space<vmem>>, vector<1x1x16xf32>,
      %add3A_647 = arith.addf %get3A_610, %get3A_68 : vector<16xf32>
      %mul3A_648 = arith.constant 9 : i32
      %mul3A_649 = arith.muli %scan3A_604, %mul3A_648 : i32
      %add3A_650 = arith.constant 3 : i32
      %add3A_651 = arith.addi %mul3A_649, %add3A_650 : i32
      %swap3A_652 = arith.constant 0 : i32
      %swap3A_653 = arith.index_cast %swap3A_652 : i32 to index
      %swap3A_654 = arith.index_cast %add3A_651 : i32 to index
      %swap3A_655 = arith.constant 0 : index
      %swap3A_656 = tpu.vector_load %arg18[%swap3A_653, %swap3A_654, %swap3A_655] {strides = array<i32>} : memref<2x200x64xf32, #tpu.memory_space<vmem>>, vector<1x1x16xf32>,
      %swap3A_657 = vector.shape_cast %swap3A_656 : vector<1x1x16xf32> to vector<16xf32>
      %swap3A_658 = vector.shape_cast %add3A_647 : vector<16xf32> to vector<1x1x16xf32>
      tpu.vector_store %arg18[%swap3A_653, %swap3A_654, %swap3A_655], %swap3A_658 {strides = array<i32>} : memref<2x200x64xf32, #tpu.memory_space<vmem>>, vector<1x1x16xf32>,
      %add3A_659 = arith.addf %get3A_610, %get3A_88 : vector<16xf32>
      %mul3A_660 = arith.constant 9 : i32
      %mul3A_661 = arith.muli %scan3A_604, %mul3A_660 : i32
      %add3A_662 = arith.constant 4 : i32
      %add3A_663 = arith.addi %mul3A_661, %add3A_662 : i32
      %swap3A_664 = arith.constant 0 : i32
      %swap3A_665 = arith.index_cast %swap3A_664 : i32 to index
      %swap3A_666 = arith.index_cast %add3A_663 : i32 to index
      %swap3A_667 = arith.constant 0 : index
      %swap3A_668 = tpu.vector_load %arg18[%swap3A_665, %swap3A_666, %swap3A_667] {strides = array<i32>} : memref<2x200x64xf32, #tpu.memory_space<vmem>>, vector<1x1x16xf32>,
      %swap3A_669 = vector.shape_cast %swap3A_668 : vector<1x1x16xf32> to vector<16xf32>
      %swap3A_670 = vector.shape_cast %add3A_659 : vector<16xf32> to vector<1x1x16xf32>
      tpu.vector_store %arg18[%swap3A_665, %swap3A_666, %swap3A_667], %swap3A_670 {strides = array<i32>} : memref<2x200x64xf32, #tpu.memory_space<vmem>>, vector<1x1x16xf32>,
      %add3A_671 = arith.addf %get3A_610, %get3A_108 : vector<16xf32>
      %mul3A_672 = arith.constant 9 : i32
      %mul3A_673 = arith.muli %scan3A_604, %mul3A_672 : i32
      %add3A_674 = arith.constant 5 : i32
      %add3A_675 = arith.addi %mul3A_673, %add3A_674 : i32
      %swap3A_676 = arith.constant 0 : i32
      %swap3A_677 = arith.index_cast %swap3A_676 : i32 to index
      %swap3A_678 = arith.index_cast %add3A_675 : i32 to index
      %swap3A_679 = arith.constant 0 : index
      %swap3A_680 = tpu.vector_load %arg18[%swap3A_677, %swap3A_678, %swap3A_679] {strides = array<i32>} : memref<2x200x64xf32, #tpu.memory_space<vmem>>, vector<1x1x16xf32>,
      %swap3A_681 = vector.shape_cast %swap3A_680 : vector<1x1x16xf32> to vector<16xf32>
      %swap3A_682 = vector.shape_cast %add3A_671 : vector<16xf32> to vector<1x1x16xf32>
      tpu.vector_store %arg18[%swap3A_677, %swap3A_678, %swap3A_679], %swap3A_682 {strides = array<i32>} : memref<2x200x64xf32, #tpu.memory_space<vmem>>, vector<1x1x16xf32>,
      %add3A_683 = arith.addf %get3A_610, %get3A_128 : vector<16xf32>
      %mul3A_684 = arith.constant 9 : i32
      %mul3A_685 = arith.muli %scan3A_604, %mul3A_684 : i32
      %add3A_686 = arith.constant 6 : i32
      %add3A_687 = arith.addi %mul3A_685, %add3A_686 : i32
      %swap3A_688 = arith.constant 0 : i32
      %swap3A_689 = arith.index_cast %swap3A_688 : i32 to index
      %swap3A_690 = arith.index_cast %add3A_687 : i32 to index
      %swap3A_691 = arith.constant 0 : index
      %swap3A_692 = tpu.vector_load %arg18[%swap3A_689, %swap3A_690, %swap3A_691] {strides = array<i32>} : memref<2x200x64xf32, #tpu.memory_space<vmem>>, vector<1x1x16xf32>,
      %swap3A_693 = vector.shape_cast %swap3A_692 : vector<1x1x16xf32> to vector<16xf32>
      %swap3A_694 = vector.shape_cast %add3A_683 : vector<16xf32> to vector<1x1x16xf32>
      tpu.vector_store %arg18[%swap3A_689, %swap3A_690, %swap3A_691], %swap3A_694 {strides = array<i32>} : memref<2x200x64xf32, #tpu.memory_space<vmem>>, vector<1x1x16xf32>,
      %add3A_695 = arith.addf %get3A_610, %get3A_148 : vector<16xf32>
      %mul3A_696 = arith.constant 9 : i32
      %mul3A_697 = arith.muli %scan3A_604, %mul3A_696 : i32
      %add3A_698 = arith.constant 7 : i32
      %add3A_699 = arith.addi %mul3A_697, %add3A_698 : i32
      %swap3A_700 = arith.constant 0 : i32
      %swap3A_701 = arith.index_cast %swap3A_700 : i32 to index
      %swap3A_702 = arith.index_cast %add3A_699 : i32 to index
      %swap3A_703 = arith.constant 0 : index
      %swap3A_704 = tpu.vector_load %arg18[%swap3A_701, %swap3A_702, %swap3A_703] {strides = array<i32>} : memref<2x200x64xf32, #tpu.memory_space<vmem>>, vector<1x1x16xf32>,
      %swap3A_705 = vector.shape_cast %swap3A_704 : vector<1x1x16xf32> to vector<16xf32>
      %swap3A_706 = vector.shape_cast %add3A_695 : vector<16xf32> to vector<1x1x16xf32>
      tpu.vector_store %arg18[%swap3A_701, %swap3A_702, %swap3A_703], %swap3A_706 {strides = array<i32>} : memref<2x200x64xf32, #tpu.memory_space<vmem>>, vector<1x1x16xf32>,
      %add3A_707 = arith.addf %get3A_610, %get3A_168 : vector<16xf32>
      %mul3A_708 = arith.constant 9 : i32
      %mul3A_709 = arith.muli %scan3A_604, %mul3A_708 : i32
      %add3A_710 = arith.constant 8 : i32
      %add3A_711 = arith.addi %mul3A_709, %add3A_710 : i32
      %swap3A_712 = arith.constant 0 : i32
      %swap3A_713 = arith.index_cast %swap3A_712 : i32 to index
      %swap3A_714 = arith.index_cast %add3A_711 : i32 to index
      %swap3A_715 = arith.constant 0 : index
      %swap3A_716 = tpu.vector_load %arg18[%swap3A_713, %swap3A_714, %swap3A_715] {strides = array<i32>} : memref<2x200x64xf32, #tpu.memory_space<vmem>>, vector<1x1x16xf32>,
      %swap3A_717 = vector.shape_cast %swap3A_716 : vector<1x1x16xf32> to vector<16xf32>
      %swap3A_718 = vector.shape_cast %add3A_707 : vector<16xf32> to vector<1x1x16xf32>
      tpu.vector_store %arg18[%swap3A_713, %swap3A_714, %swap3A_715], %swap3A_718 {strides = array<i32>} : memref<2x200x64xf32, #tpu.memory_space<vmem>>, vector<1x1x16xf32>,
      %get3A_719 = arith.index_cast %add3A_606 : i32 to index
      %get3A_720 = arith.constant 16 : index
      %get3A_721 = tpu.vector_load %arg11[%get3A_719, %get3A_720] {strides = array<i32>} : memref<26x64xf32, #tpu.memory_space<vmem>>, vector<1x16xf32>,
      %get3A_722 = vector.shape_cast %get3A_721 : vector<1x16xf32> to vector<16xf32>
      %add3A_723 = arith.addf %get3A_722, %get3A_13 : vector<16xf32>
      %mul3A_724 = arith.constant 9 : i32
      %mul3A_725 = arith.muli %scan3A_604, %mul3A_724 : i32
      %add3A_726 = arith.constant 0 : i32
      %add3A_727 = arith.addi %mul3A_725, %add3A_726 : i32
      %swap3A_728 = arith.constant 0 : i32
      %swap3A_729 = arith.index_cast %swap3A_728 : i32 to index
      %swap3A_730 = arith.index_cast %add3A_727 : i32 to index
      %swap3A_731 = arith.constant 16 : index
      %swap3A_732 = tpu.vector_load %arg18[%swap3A_729, %swap3A_730, %swap3A_731] {strides = array<i32>} : memref<2x200x64xf32, #tpu.memory_space<vmem>>, vector<1x1x16xf32>,
      %swap3A_733 = vector.shape_cast %swap3A_732 : vector<1x1x16xf32> to vector<16xf32>
      %swap3A_734 = vector.shape_cast %add3A_723 : vector<16xf32> to vector<1x1x16xf32>
      tpu.vector_store %arg18[%swap3A_729, %swap3A_730, %swap3A_731], %swap3A_734 {strides = array<i32>} : memref<2x200x64xf32, #tpu.memory_space<vmem>>, vector<1x1x16xf32>,
      %add3A_735 = arith.addf %get3A_722, %get3A_33 : vector<16xf32>
      %mul3A_736 = arith.constant 9 : i32
      %mul3A_737 = arith.muli %scan3A_604, %mul3A_736 : i32
      %add3A_738 = arith.constant 1 : i32
      %add3A_739 = arith.addi %mul3A_737, %add3A_738 : i32
      %swap3A_740 = arith.constant 0 : i32
      %swap3A_741 = arith.index_cast %swap3A_740 : i32 to index
      %swap3A_742 = arith.index_cast %add3A_739 : i32 to index
      %swap3A_743 = arith.constant 16 : index
      %swap3A_744 = tpu.vector_load %arg18[%swap3A_741, %swap3A_742, %swap3A_743] {strides = array<i32>} : memref<2x200x64xf32, #tpu.memory_space<vmem>>, vector<1x1x16xf32>,
      %swap3A_745 = vector.shape_cast %swap3A_744 : vector<1x1x16xf32> to vector<16xf32>
      %swap3A_746 = vector.shape_cast %add3A_735 : vector<16xf32> to vector<1x1x16xf32>
      tpu.vector_store %arg18[%swap3A_741, %swap3A_742, %swap3A_743], %swap3A_746 {strides = array<i32>} : memref<2x200x64xf32, #tpu.memory_space<vmem>>, vector<1x1x16xf32>,
      %add3A_747 = arith.addf %get3A_722, %get3A_53 : vector<16xf32>
      %mul3A_748 = arith.constant 9 : i32
      %mul3A_749 = arith.muli %scan3A_604, %mul3A_748 : i32
      %add3A_750 = arith.constant 2 : i32
      %add3A_751 = arith.addi %mul3A_749, %add3A_750 : i32
      %swap3A_752 = arith.constant 0 : i32
      %swap3A_753 = arith.index_cast %swap3A_752 : i32 to index
      %swap3A_754 = arith.index_cast %add3A_751 : i32 to index
      %swap3A_755 = arith.constant 16 : index
      %swap3A_756 = tpu.vector_load %arg18[%swap3A_753, %swap3A_754, %swap3A_755] {strides = array<i32>} : memref<2x200x64xf32, #tpu.memory_space<vmem>>, vector<1x1x16xf32>,
      %swap3A_757 = vector.shape_cast %swap3A_756 : vector<1x1x16xf32> to vector<16xf32>
      %swap3A_758 = vector.shape_cast %add3A_747 : vector<16xf32> to vector<1x1x16xf32>
      tpu.vector_store %arg18[%swap3A_753, %swap3A_754, %swap3A_755], %swap3A_758 {strides = array<i32>} : memref<2x200x64xf32, #tpu.memory_space<vmem>>, vector<1x1x16xf32>,
      %add3A_759 = arith.addf %get3A_722, %get3A_73 : vector<16xf32>
      %mul3A_760 = arith.constant 9 : i32
      %mul3A_761 = arith.muli %scan3A_604, %mul3A_760 : i32
      %add3A_762 = arith.constant 3 : i32
      %add3A_763 = arith.addi %mul3A_761, %add3A_762 : i32
      %swap3A_764 = arith.constant 0 : i32
      %swap3A_765 = arith.index_cast %swap3A_764 : i32 to index
      %swap3A_766 = arith.index_cast %add3A_763 : i32 to index
      %swap3A_767 = arith.constant 16 : index
      %swap3A_768 = tpu.vector_load %arg18[%swap3A_765, %swap3A_766, %swap3A_767] {strides = array<i32>} : memref<2x200x64xf32, #tpu.memory_space<vmem>>, vector<1x1x16xf32>,
      %swap3A_769 = vector.shape_cast %swap3A_768 : vector<1x1x16xf32> to vector<16xf32>
      %swap3A_770 = vector.shape_cast %add3A_759 : vector<16xf32> to vector<1x1x16xf32>
      tpu.vector_store %arg18[%swap3A_765, %swap3A_766, %swap3A_767], %swap3A_770 {strides = array<i32>} : memref<2x200x64xf32, #tpu.memory_space<vmem>>, vector<1x1x16xf32>,
      %add3A_771 = arith.addf %get3A_722, %get3A_93 : vector<16xf32>
      %mul3A_772 = arith.constant 9 : i32
      %mul3A_773 = arith.muli %scan3A_604, %mul3A_772 : i32
      %add3A_774 = arith.constant 4 : i32
      %add3A_775 = arith.addi %mul3A_773, %add3A_774 : i32
      %swap3A_776 = arith.constant 0 : i32
      %swap3A_777 = arith.index_cast %swap3A_776 : i32 to index
      %swap3A_778 = arith.index_cast %add3A_775 : i32 to index
      %swap3A_779 = arith.constant 16 : index
      %swap3A_780 = tpu.vector_load %arg18[%swap3A_777, %swap3A_778, %swap3A_779] {strides = array<i32>} : memref<2x200x64xf32, #tpu.memory_space<vmem>>, vector<1x1x16xf32>,
      %swap3A_781 = vector.shape_cast %swap3A_780 : vector<1x1x16xf32> to vector<16xf32>
      %swap3A_782 = vector.shape_cast %add3A_771 : vector<16xf32> to vector<1x1x16xf32>
      tpu.vector_store %arg18[%swap3A_777, %swap3A_778, %swap3A_779], %swap3A_782 {strides = array<i32>} : memref<2x200x64xf32, #tpu.memory_space<vmem>>, vector<1x1x16xf32>,
      %add3A_783 = arith.addf %get3A_722, %get3A_113 : vector<16xf32>
      %mul3A_784 = arith.constant 9 : i32
      %mul3A_785 = arith.muli %scan3A_604, %mul3A_784 : i32
      %add3A_786 = arith.constant 5 : i32
      %add3A_787 = arith.addi %mul3A_785, %add3A_786 : i32
      %swap3A_788 = arith.constant 0 : i32
      %swap3A_789 = arith.index_cast %swap3A_788 : i32 to index
      %swap3A_790 = arith.index_cast %add3A_787 : i32 to index
      %swap3A_791 = arith.constant 16 : index
      %swap3A_792 = tpu.vector_load %arg18[%swap3A_789, %swap3A_790, %swap3A_791] {strides = array<i32>} : memref<2x200x64xf32, #tpu.memory_space<vmem>>, vector<1x1x16xf32>,
      %swap3A_793 = vector.shape_cast %swap3A_792 : vector<1x1x16xf32> to vector<16xf32>
      %swap3A_794 = vector.shape_cast %add3A_783 : vector<16xf32> to vector<1x1x16xf32>
      tpu.vector_store %arg18[%swap3A_789, %swap3A_790, %swap3A_791], %swap3A_794 {strides = array<i32>} : memref<2x200x64xf32, #tpu.memory_space<vmem>>, vector<1x1x16xf32>,
      %add3A_795 = arith.addf %get3A_722, %get3A_133 : vector<16xf32>
      %mul3A_796 = arith.constant 9 : i32
      %mul3A_797 = arith.muli %scan3A_604, %mul3A_796 : i32
      %add3A_798 = arith.constant 6 : i32
      %add3A_799 = arith.addi %mul3A_797, %add3A_798 : i32
      %swap3A_800 = arith.constant 0 : i32
      %swap3A_801 = arith.index_cast %swap3A_800 : i32 to index
      %swap3A_802 = arith.index_cast %add3A_799 : i32 to index
      %swap3A_803 = arith.constant 16 : index
      %swap3A_804 = tpu.vector_load %arg18[%swap3A_801, %swap3A_802, %swap3A_803] {strides = array<i32>} : memref<2x200x64xf32, #tpu.memory_space<vmem>>, vector<1x1x16xf32>,
      %swap3A_805 = vector.shape_cast %swap3A_804 : vector<1x1x16xf32> to vector<16xf32>
      %swap3A_806 = vector.shape_cast %add3A_795 : vector<16xf32> to vector<1x1x16xf32>
      tpu.vector_store %arg18[%swap3A_801, %swap3A_802, %swap3A_803], %swap3A_806 {strides = array<i32>} : memref<2x200x64xf32, #tpu.memory_space<vmem>>, vector<1x1x16xf32>,
      %add3A_807 = arith.addf %get3A_722, %get3A_153 : vector<16xf32>
      %mul3A_808 = arith.constant 9 : i32
      %mul3A_809 = arith.muli %scan3A_604, %mul3A_808 : i32
      %add3A_810 = arith.constant 7 : i32
      %add3A_811 = arith.addi %mul3A_809, %add3A_810 : i32
      %swap3A_812 = arith.constant 0 : i32
      %swap3A_813 = arith.index_cast %swap3A_812 : i32 to index
      %swap3A_814 = arith.index_cast %add3A_811 : i32 to index
      %swap3A_815 = arith.constant 16 : index
      %swap3A_816 = tpu.vector_load %arg18[%swap3A_813, %swap3A_814, %swap3A_815] {strides = array<i32>} : memref<2x200x64xf32, #tpu.memory_space<vmem>>, vector<1x1x16xf32>,
      %swap3A_817 = vector.shape_cast %swap3A_816 : vector<1x1x16xf32> to vector<16xf32>
      %swap3A_818 = vector.shape_cast %add3A_807 : vector<16xf32> to vector<1x1x16xf32>
      tpu.vector_store %arg18[%swap3A_813, %swap3A_814, %swap3A_815], %swap3A_818 {strides = array<i32>} : memref<2x200x64xf32, #tpu.memory_space<vmem>>, vector<1x1x16xf32>,
      %add3A_819 = arith.addf %get3A_722, %get3A_173 : vector<16xf32>
      %mul3A_820 = arith.constant 9 : i32
      %mul3A_821 = arith.muli %scan3A_604, %mul3A_820 : i32
      %add3A_822 = arith.constant 8 : i32
      %add3A_823 = arith.addi %mul3A_821, %add3A_822 : i32
      %swap3A_824 = arith.constant 0 : i32
      %swap3A_825 = arith.index_cast %swap3A_824 : i32 to index
      %swap3A_826 = arith.index_cast %add3A_823 : i32 to index
      %swap3A_827 = arith.constant 16 : index
      %swap3A_828 = tpu.vector_load %arg18[%swap3A_825, %swap3A_826, %swap3A_827] {strides = array<i32>} : memref<2x200x64xf32, #tpu.memory_space<vmem>>, vector<1x1x16xf32>,
      %swap3A_829 = vector.shape_cast %swap3A_828 : vector<1x1x16xf32> to vector<16xf32>
      %swap3A_830 = vector.shape_cast %add3A_819 : vector<16xf32> to vector<1x1x16xf32>
      tpu.vector_store %arg18[%swap3A_825, %swap3A_826, %swap3A_827], %swap3A_830 {strides = array<i32>} : memref<2x200x64xf32, #tpu.memory_space<vmem>>, vector<1x1x16xf32>,
      %get3A_831 = arith.index_cast %add3A_606 : i32 to index
      %get3A_832 = arith.constant 32 : index
      %get3A_833 = tpu.vector_load %arg11[%get3A_831, %get3A_832] {strides = array<i32>} : memref<26x64xf32, #tpu.memory_space<vmem>>, vector<1x16xf32>,
      %get3A_834 = vector.shape_cast %get3A_833 : vector<1x16xf32> to vector<16xf32>
      %add3A_835 = arith.addf %get3A_834, %get3A_18 : vector<16xf32>
      %mul3A_836 = arith.constant 9 : i32
      %mul3A_837 = arith.muli %scan3A_604, %mul3A_836 : i32
      %add3A_838 = arith.constant 0 : i32
      %add3A_839 = arith.addi %mul3A_837, %add3A_838 : i32
      %swap3A_840 = arith.constant 0 : i32
      %swap3A_841 = arith.index_cast %swap3A_840 : i32 to index
      %swap3A_842 = arith.index_cast %add3A_839 : i32 to index
      %swap3A_843 = arith.constant 32 : index
      %swap3A_844 = tpu.vector_load %arg18[%swap3A_841, %swap3A_842, %swap3A_843] {strides = array<i32>} : memref<2x200x64xf32, #tpu.memory_space<vmem>>, vector<1x1x16xf32>,
      %swap3A_845 = vector.shape_cast %swap3A_844 : vector<1x1x16xf32> to vector<16xf32>
      %swap3A_846 = vector.shape_cast %add3A_835 : vector<16xf32> to vector<1x1x16xf32>
      tpu.vector_store %arg18[%swap3A_841, %swap3A_842, %swap3A_843], %swap3A_846 {strides = array<i32>} : memref<2x200x64xf32, #tpu.memory_space<vmem>>, vector<1x1x16xf32>,
      %add3A_847 = arith.addf %get3A_834, %get3A_38 : vector<16xf32>
      %mul3A_848 = arith.constant 9 : i32
      %mul3A_849 = arith.muli %scan3A_604, %mul3A_848 : i32
      %add3A_850 = arith.constant 1 : i32
      %add3A_851 = arith.addi %mul3A_849, %add3A_850 : i32
      %swap3A_852 = arith.constant 0 : i32
      %swap3A_853 = arith.index_cast %swap3A_852 : i32 to index
      %swap3A_854 = arith.index_cast %add3A_851 : i32 to index
      %swap3A_855 = arith.constant 32 : index
      %swap3A_856 = tpu.vector_load %arg18[%swap3A_853, %swap3A_854, %swap3A_855] {strides = array<i32>} : memref<2x200x64xf32, #tpu.memory_space<vmem>>, vector<1x1x16xf32>,
      %swap3A_857 = vector.shape_cast %swap3A_856 : vector<1x1x16xf32> to vector<16xf32>
      %swap3A_858 = vector.shape_cast %add3A_847 : vector<16xf32> to vector<1x1x16xf32>
      tpu.vector_store %arg18[%swap3A_853, %swap3A_854, %swap3A_855], %swap3A_858 {strides = array<i32>} : memref<2x200x64xf32, #tpu.memory_space<vmem>>, vector<1x1x16xf32>,
      %add3A_859 = arith.addf %get3A_834, %get3A_58 : vector<16xf32>
      %mul3A_860 = arith.constant 9 : i32
      %mul3A_861 = arith.muli %scan3A_604, %mul3A_860 : i32
      %add3A_862 = arith.constant 2 : i32
      %add3A_863 = arith.addi %mul3A_861, %add3A_862 : i32
      %swap3A_864 = arith.constant 0 : i32
      %swap3A_865 = arith.index_cast %swap3A_864 : i32 to index
      %swap3A_866 = arith.index_cast %add3A_863 : i32 to index
      %swap3A_867 = arith.constant 32 : index
      %swap3A_868 = tpu.vector_load %arg18[%swap3A_865, %swap3A_866, %swap3A_867] {strides = array<i32>} : memref<2x200x64xf32, #tpu.memory_space<vmem>>, vector<1x1x16xf32>,
      %swap3A_869 = vector.shape_cast %swap3A_868 : vector<1x1x16xf32> to vector<16xf32>
      %swap3A_870 = vector.shape_cast %add3A_859 : vector<16xf32> to vector<1x1x16xf32>
      tpu.vector_store %arg18[%swap3A_865, %swap3A_866, %swap3A_867], %swap3A_870 {strides = array<i32>} : memref<2x200x64xf32, #tpu.memory_space<vmem>>, vector<1x1x16xf32>,
      %add3A_871 = arith.addf %get3A_834, %get3A_78 : vector<16xf32>
      %mul3A_872 = arith.constant 9 : i32
      %mul3A_873 = arith.muli %scan3A_604, %mul3A_872 : i32
      %add3A_874 = arith.constant 3 : i32
      %add3A_875 = arith.addi %mul3A_873, %add3A_874 : i32
      %swap3A_876 = arith.constant 0 : i32
      %swap3A_877 = arith.index_cast %swap3A_876 : i32 to index
      %swap3A_878 = arith.index_cast %add3A_875 : i32 to index
      %swap3A_879 = arith.constant 32 : index
      %swap3A_880 = tpu.vector_load %arg18[%swap3A_877, %swap3A_878, %swap3A_879] {strides = array<i32>} : memref<2x200x64xf32, #tpu.memory_space<vmem>>, vector<1x1x16xf32>,
      %swap3A_881 = vector.shape_cast %swap3A_880 : vector<1x1x16xf32> to vector<16xf32>
      %swap3A_882 = vector.shape_cast %add3A_871 : vector<16xf32> to vector<1x1x16xf32>
      tpu.vector_store %arg18[%swap3A_877, %swap3A_878, %swap3A_879], %swap3A_882 {strides = array<i32>} : memref<2x200x64xf32, #tpu.memory_space<vmem>>, vector<1x1x16xf32>,
      %add3A_883 = arith.addf %get3A_834, %get3A_98 : vector<16xf32>
      %mul3A_884 = arith.constant 9 : i32
      %mul3A_885 = arith.muli %scan3A_604, %mul3A_884 : i32
      %add3A_886 = arith.constant 4 : i32
      %add3A_887 = arith.addi %mul3A_885, %add3A_886 : i32
      %swap3A_888 = arith.constant 0 : i32
      %swap3A_889 = arith.index_cast %swap3A_888 : i32 to index
      %swap3A_890 = arith.index_cast %add3A_887 : i32 to index
      %swap3A_891 = arith.constant 32 : index
      %swap3A_892 = tpu.vector_load %arg18[%swap3A_889, %swap3A_890, %swap3A_891] {strides = array<i32>} : memref<2x200x64xf32, #tpu.memory_space<vmem>>, vector<1x1x16xf32>,
      %swap3A_893 = vector.shape_cast %swap3A_892 : vector<1x1x16xf32> to vector<16xf32>
      %swap3A_894 = vector.shape_cast %add3A_883 : vector<16xf32> to vector<1x1x16xf32>
      tpu.vector_store %arg18[%swap3A_889, %swap3A_890, %swap3A_891], %swap3A_894 {strides = array<i32>} : memref<2x200x64xf32, #tpu.memory_space<vmem>>, vector<1x1x16xf32>,
      %add3A_895 = arith.addf %get3A_834, %get3A_118 : vector<16xf32>
      %mul3A_896 = arith.constant 9 : i32
      %mul3A_897 = arith.muli %scan3A_604, %mul3A_896 : i32
      %add3A_898 = arith.constant 5 : i32
      %add3A_899 = arith.addi %mul3A_897, %add3A_898 : i32
      %swap3A_900 = arith.constant 0 : i32
      %swap3A_901 = arith.index_cast %swap3A_900 : i32 to index
      %swap3A_902 = arith.index_cast %add3A_899 : i32 to index
      %swap3A_903 = arith.constant 32 : index
      %swap3A_904 = tpu.vector_load %arg18[%swap3A_901, %swap3A_902, %swap3A_903] {strides = array<i32>} : memref<2x200x64xf32, #tpu.memory_space<vmem>>, vector<1x1x16xf32>,
      %swap3A_905 = vector.shape_cast %swap3A_904 : vector<1x1x16xf32> to vector<16xf32>
      %swap3A_906 = vector.shape_cast %add3A_895 : vector<16xf32> to vector<1x1x16xf32>
      tpu.vector_store %arg18[%swap3A_901, %swap3A_902, %swap3A_903], %swap3A_906 {strides = array<i32>} : memref<2x200x64xf32, #tpu.memory_space<vmem>>, vector<1x1x16xf32>,
      %add3A_907 = arith.addf %get3A_834, %get3A_138 : vector<16xf32>
      %mul3A_908 = arith.constant 9 : i32
      %mul3A_909 = arith.muli %scan3A_604, %mul3A_908 : i32
      %add3A_910 = arith.constant 6 : i32
      %add3A_911 = arith.addi %mul3A_909, %add3A_910 : i32
      %swap3A_912 = arith.constant 0 : i32
      %swap3A_913 = arith.index_cast %swap3A_912 : i32 to index
      %swap3A_914 = arith.index_cast %add3A_911 : i32 to index
      %swap3A_915 = arith.constant 32 : index
      %swap3A_916 = tpu.vector_load %arg18[%swap3A_913, %swap3A_914, %swap3A_915] {strides = array<i32>} : memref<2x200x64xf32, #tpu.memory_space<vmem>>, vector<1x1x16xf32>,
      %swap3A_917 = vector.shape_cast %swap3A_916 : vector<1x1x16xf32> to vector<16xf32>
      %swap3A_918 = vector.shape_cast %add3A_907 : vector<16xf32> to vector<1x1x16xf32>
      tpu.vector_store %arg18[%swap3A_913, %swap3A_914, %swap3A_915], %swap3A_918 {strides = array<i32>} : memref<2x200x64xf32, #tpu.memory_space<vmem>>, vector<1x1x16xf32>,
      %add3A_919 = arith.addf %get3A_834, %get3A_158 : vector<16xf32>
      %mul3A_920 = arith.constant 9 : i32
      %mul3A_921 = arith.muli %scan3A_604, %mul3A_920 : i32
      %add3A_922 = arith.constant 7 : i32
      %add3A_923 = arith.addi %mul3A_921, %add3A_922 : i32
      %swap3A_924 = arith.constant 0 : i32
      %swap3A_925 = arith.index_cast %swap3A_924 : i32 to index
      %swap3A_926 = arith.index_cast %add3A_923 : i32 to index
      %swap3A_927 = arith.constant 32 : index
      %swap3A_928 = tpu.vector_load %arg18[%swap3A_925, %swap3A_926, %swap3A_927] {strides = array<i32>} : memref<2x200x64xf32, #tpu.memory_space<vmem>>, vector<1x1x16xf32>,
      %swap3A_929 = vector.shape_cast %swap3A_928 : vector<1x1x16xf32> to vector<16xf32>
      %swap3A_930 = vector.shape_cast %add3A_919 : vector<16xf32> to vector<1x1x16xf32>
      tpu.vector_store %arg18[%swap3A_925, %swap3A_926, %swap3A_927], %swap3A_930 {strides = array<i32>} : memref<2x200x64xf32, #tpu.memory_space<vmem>>, vector<1x1x16xf32>,
      %add3A_931 = arith.addf %get3A_834, %get3A_178 : vector<16xf32>
      %mul3A_932 = arith.constant 9 : i32
      %mul3A_933 = arith.muli %scan3A_604, %mul3A_932 : i32
      %add3A_934 = arith.constant 8 : i32
      %add3A_935 = arith.addi %mul3A_933, %add3A_934 : i32
      %swap3A_936 = arith.constant 0 : i32
      %swap3A_937 = arith.index_cast %swap3A_936 : i32 to index
      %swap3A_938 = arith.index_cast %add3A_935 : i32 to index
      %swap3A_939 = arith.constant 32 : index
      %swap3A_940 = tpu.vector_load %arg18[%swap3A_937, %swap3A_938, %swap3A_939] {strides = array<i32>} : memref<2x200x64xf32, #tpu.memory_space<vmem>>, vector<1x1x16xf32>,
      %swap3A_941 = vector.shape_cast %swap3A_940 : vector<1x1x16xf32> to vector<16xf32>
      %swap3A_942 = vector.shape_cast %add3A_931 : vector<16xf32> to vector<1x1x16xf32>
      tpu.vector_store %arg18[%swap3A_937, %swap3A_938, %swap3A_939], %swap3A_942 {strides = array<i32>} : memref<2x200x64xf32, #tpu.memory_space<vmem>>, vector<1x1x16xf32>,
      %get3A_943 = arith.index_cast %add3A_606 : i32 to index
      %get3A_944 = arith.constant 48 : index
      %get3A_945 = tpu.vector_load %arg11[%get3A_943, %get3A_944] {strides = array<i32>} : memref<26x64xf32, #tpu.memory_space<vmem>>, vector<1x16xf32>,
      %get3A_946 = vector.shape_cast %get3A_945 : vector<1x16xf32> to vector<16xf32>
      %add3A_947 = arith.addf %get3A_946, %get3A_23 : vector<16xf32>
      %mul3A_948 = arith.constant 9 : i32
      %mul3A_949 = arith.muli %scan3A_604, %mul3A_948 : i32
      %add3A_950 = arith.constant 0 : i32
      %add3A_951 = arith.addi %mul3A_949, %add3A_950 : i32
      %swap3A_952 = arith.constant 0 : i32
      %swap3A_953 = arith.index_cast %swap3A_952 : i32 to index
      %swap3A_954 = arith.index_cast %add3A_951 : i32 to index
      %swap3A_955 = arith.constant 48 : index
      %swap3A_956 = tpu.vector_load %arg18[%swap3A_953, %swap3A_954, %swap3A_955] {strides = array<i32>} : memref<2x200x64xf32, #tpu.memory_space<vmem>>, vector<1x1x16xf32>,
      %swap3A_957 = vector.shape_cast %swap3A_956 : vector<1x1x16xf32> to vector<16xf32>
      %swap3A_958 = vector.shape_cast %add3A_947 : vector<16xf32> to vector<1x1x16xf32>
      tpu.vector_store %arg18[%swap3A_953, %swap3A_954, %swap3A_955], %swap3A_958 {strides = array<i32>} : memref<2x200x64xf32, #tpu.memory_space<vmem>>, vector<1x1x16xf32>,
      %add3A_959 = arith.addf %get3A_946, %get3A_43 : vector<16xf32>
      %mul3A_960 = arith.constant 9 : i32
      %mul3A_961 = arith.muli %scan3A_604, %mul3A_960 : i32
      %add3A_962 = arith.constant 1 : i32
      %add3A_963 = arith.addi %mul3A_961, %add3A_962 : i32
      %swap3A_964 = arith.constant 0 : i32
      %swap3A_965 = arith.index_cast %swap3A_964 : i32 to index
      %swap3A_966 = arith.index_cast %add3A_963 : i32 to index
      %swap3A_967 = arith.constant 48 : index
      %swap3A_968 = tpu.vector_load %arg18[%swap3A_965, %swap3A_966, %swap3A_967] {strides = array<i32>} : memref<2x200x64xf32, #tpu.memory_space<vmem>>, vector<1x1x16xf32>,
      %swap3A_969 = vector.shape_cast %swap3A_968 : vector<1x1x16xf32> to vector<16xf32>
      %swap3A_970 = vector.shape_cast %add3A_959 : vector<16xf32> to vector<1x1x16xf32>
      tpu.vector_store %arg18[%swap3A_965, %swap3A_966, %swap3A_967], %swap3A_970 {strides = array<i32>} : memref<2x200x64xf32, #tpu.memory_space<vmem>>, vector<1x1x16xf32>,
      %add3A_971 = arith.addf %get3A_946, %get3A_63 : vector<16xf32>
      %mul3A_972 = arith.constant 9 : i32
      %mul3A_973 = arith.muli %scan3A_604, %mul3A_972 : i32
      %add3A_974 = arith.constant 2 : i32
      %add3A_975 = arith.addi %mul3A_973, %add3A_974 : i32
      %swap3A_976 = arith.constant 0 : i32
      %swap3A_977 = arith.index_cast %swap3A_976 : i32 to index
      %swap3A_978 = arith.index_cast %add3A_975 : i32 to index
      %swap3A_979 = arith.constant 48 : index
      %swap3A_980 = tpu.vector_load %arg18[%swap3A_977, %swap3A_978, %swap3A_979] {strides = array<i32>} : memref<2x200x64xf32, #tpu.memory_space<vmem>>, vector<1x1x16xf32>,
      %swap3A_981 = vector.shape_cast %swap3A_980 : vector<1x1x16xf32> to vector<16xf32>
      %swap3A_982 = vector.shape_cast %add3A_971 : vector<16xf32> to vector<1x1x16xf32>
      tpu.vector_store %arg18[%swap3A_977, %swap3A_978, %swap3A_979], %swap3A_982 {strides = array<i32>} : memref<2x200x64xf32, #tpu.memory_space<vmem>>, vector<1x1x16xf32>,
      %add3A_983 = arith.addf %get3A_946, %get3A_83 : vector<16xf32>
      %mul3A_984 = arith.constant 9 : i32
      %mul3A_985 = arith.muli %scan3A_604, %mul3A_984 : i32
      %add3A_986 = arith.constant 3 : i32
      %add3A_987 = arith.addi %mul3A_985, %add3A_986 : i32
      %swap3A_988 = arith.constant 0 : i32
      %swap3A_989 = arith.index_cast %swap3A_988 : i32 to index
      %swap3A_990 = arith.index_cast %add3A_987 : i32 to index
      %swap3A_991 = arith.constant 48 : index
      %swap3A_992 = tpu.vector_load %arg18[%swap3A_989, %swap3A_990, %swap3A_991] {strides = array<i32>} : memref<2x200x64xf32, #tpu.memory_space<vmem>>, vector<1x1x16xf32>,
      %swap3A_993 = vector.shape_cast %swap3A_992 : vector<1x1x16xf32> to vector<16xf32>
      %swap3A_994 = vector.shape_cast %add3A_983 : vector<16xf32> to vector<1x1x16xf32>
      tpu.vector_store %arg18[%swap3A_989, %swap3A_990, %swap3A_991], %swap3A_994 {strides = array<i32>} : memref<2x200x64xf32, #tpu.memory_space<vmem>>, vector<1x1x16xf32>,
      %add3A_995 = arith.addf %get3A_946, %get3A_103 : vector<16xf32>
      %mul3A_996 = arith.constant 9 : i32
      %mul3A_997 = arith.muli %scan3A_604, %mul3A_996 : i32
      %add3A_998 = arith.constant 4 : i32
      %add3A_999 = arith.addi %mul3A_997, %add3A_998 : i32
      %swap3A_1000 = arith.constant 0 : i32
      %swap3A_1001 = arith.index_cast %swap3A_1000 : i32 to index
      %swap3A_1002 = arith.index_cast %add3A_999 : i32 to index
      %swap3A_1003 = arith.constant 48 : index
      %swap3A_1004 = tpu.vector_load %arg18[%swap3A_1001, %swap3A_1002, %swap3A_1003] {strides = array<i32>} : memref<2x200x64xf32, #tpu.memory_space<vmem>>, vector<1x1x16xf32>,
      %swap3A_1005 = vector.shape_cast %swap3A_1004 : vector<1x1x16xf32> to vector<16xf32>
      %swap3A_1006 = vector.shape_cast %add3A_995 : vector<16xf32> to vector<1x1x16xf32>
      tpu.vector_store %arg18[%swap3A_1001, %swap3A_1002, %swap3A_1003], %swap3A_1006 {strides = array<i32>} : memref<2x200x64xf32, #tpu.memory_space<vmem>>, vector<1x1x16xf32>,
      %add3A_1007 = arith.addf %get3A_946, %get3A_123 : vector<16xf32>
      %mul3A_1008 = arith.constant 9 : i32
      %mul3A_1009 = arith.muli %scan3A_604, %mul3A_1008 : i32
      %add3A_1010 = arith.constant 5 : i32
      %add3A_1011 = arith.addi %mul3A_1009, %add3A_1010 : i32
      %swap3A_1012 = arith.constant 0 : i32
      %swap3A_1013 = arith.index_cast %swap3A_1012 : i32 to index
      %swap3A_1014 = arith.index_cast %add3A_1011 : i32 to index
      %swap3A_1015 = arith.constant 48 : index
      %swap3A_1016 = tpu.vector_load %arg18[%swap3A_1013, %swap3A_1014, %swap3A_1015] {strides = array<i32>} : memref<2x200x64xf32, #tpu.memory_space<vmem>>, vector<1x1x16xf32>,
      %swap3A_1017 = vector.shape_cast %swap3A_1016 : vector<1x1x16xf32> to vector<16xf32>
      %swap3A_1018 = vector.shape_cast %add3A_1007 : vector<16xf32> to vector<1x1x16xf32>
      tpu.vector_store %arg18[%swap3A_1013, %swap3A_1014, %swap3A_1015], %swap3A_1018 {strides = array<i32>} : memref<2x200x64xf32, #tpu.memory_space<vmem>>, vector<1x1x16xf32>,
      %add3A_1019 = arith.addf %get3A_946, %get3A_143 : vector<16xf32>
      %mul3A_1020 = arith.constant 9 : i32
      %mul3A_1021 = arith.muli %scan3A_604, %mul3A_1020 : i32
      %add3A_1022 = arith.constant 6 : i32
      %add3A_1023 = arith.addi %mul3A_1021, %add3A_1022 : i32
      %swap3A_1024 = arith.constant 0 : i32
      %swap3A_1025 = arith.index_cast %swap3A_1024 : i32 to index
      %swap3A_1026 = arith.index_cast %add3A_1023 : i32 to index
      %swap3A_1027 = arith.constant 48 : index
      %swap3A_1028 = tpu.vector_load %arg18[%swap3A_1025, %swap3A_1026, %swap3A_1027] {strides = array<i32>} : memref<2x200x64xf32, #tpu.memory_space<vmem>>, vector<1x1x16xf32>,
      %swap3A_1029 = vector.shape_cast %swap3A_1028 : vector<1x1x16xf32> to vector<16xf32>
      %swap3A_1030 = vector.shape_cast %add3A_1019 : vector<16xf32> to vector<1x1x16xf32>
      tpu.vector_store %arg18[%swap3A_1025, %swap3A_1026, %swap3A_1027], %swap3A_1030 {strides = array<i32>} : memref<2x200x64xf32, #tpu.memory_space<vmem>>, vector<1x1x16xf32>,
      %add3A_1031 = arith.addf %get3A_946, %get3A_163 : vector<16xf32>
      %mul3A_1032 = arith.constant 9 : i32
      %mul3A_1033 = arith.muli %scan3A_604, %mul3A_1032 : i32
      %add3A_1034 = arith.constant 7 : i32
      %add3A_1035 = arith.addi %mul3A_1033, %add3A_1034 : i32
      %swap3A_1036 = arith.constant 0 : i32
      %swap3A_1037 = arith.index_cast %swap3A_1036 : i32 to index
      %swap3A_1038 = arith.index_cast %add3A_1035 : i32 to index
      %swap3A_1039 = arith.constant 48 : index
      %swap3A_1040 = tpu.vector_load %arg18[%swap3A_1037, %swap3A_1038, %swap3A_1039] {strides = array<i32>} : memref<2x200x64xf32, #tpu.memory_space<vmem>>, vector<1x1x16xf32>,
      %swap3A_1041 = vector.shape_cast %swap3A_1040 : vector<1x1x16xf32> to vector<16xf32>
      %swap3A_1042 = vector.shape_cast %add3A_1031 : vector<16xf32> to vector<1x1x16xf32>
      tpu.vector_store %arg18[%swap3A_1037, %swap3A_1038, %swap3A_1039], %swap3A_1042 {strides = array<i32>} : memref<2x200x64xf32, #tpu.memory_space<vmem>>, vector<1x1x16xf32>,
      %add3A_1043 = arith.addf %get3A_946, %get3A_183 : vector<16xf32>
      %mul3A_1044 = arith.constant 9 : i32
      %mul3A_1045 = arith.muli %scan3A_604, %mul3A_1044 : i32
      %add3A_1046 = arith.constant 8 : i32
      %add3A_1047 = arith.addi %mul3A_1045, %add3A_1046 : i32
      %swap3A_1048 = arith.constant 0 : i32
      %swap3A_1049 = arith.index_cast %swap3A_1048 : i32 to index
      %swap3A_1050 = arith.index_cast %add3A_1047 : i32 to index
      %swap3A_1051 = arith.constant 48 : index
      %swap3A_1052 = tpu.vector_load %arg18[%swap3A_1049, %swap3A_1050, %swap3A_1051] {strides = array<i32>} : memref<2x200x64xf32, #tpu.memory_space<vmem>>, vector<1x1x16xf32>,
      %swap3A_1053 = vector.shape_cast %swap3A_1052 : vector<1x1x16xf32> to vector<16xf32>
      %swap3A_1054 = vector.shape_cast %add3A_1043 : vector<16xf32> to vector<1x1x16xf32>
      tpu.vector_store %arg18[%swap3A_1049, %swap3A_1050, %swap3A_1051], %swap3A_1054 {strides = array<i32>} : memref<2x200x64xf32, #tpu.memory_space<vmem>>, vector<1x1x16xf32>,
    }
    %scan3A_198 = arith.constant 13 : i32
    %mul3A_199 = arith.constant 234 : i32
    %mul3A_200 = arith.muli %arg1, %mul3A_199 : i32
    %add3A_201 = arith.constant 117 : i32
    %add3A_202 = arith.addi %mul3A_200, %add3A_201 : i32
    %run_scoped3A_203 = arith.constant 0 : i32
    "tpu.region"() ({
      %run_scoped3A_604 = tpu.sem_alloc : memref<!tpu.dma_semaphore, #tpu.memory_space<semaphore_mem>>
      %dma_start3A_605 = arith.constant 0 : i32
      %dma_start3A_606 = arith.constant 0 : i32
      %dma_start3A_607 = tpu.memref_slice %arg18[%run_scoped3A_203, %dma_start3A_605, %dma_start3A_606] : memref<2x200x64xf32, #tpu.memory_space<vmem>> -> memref<1x117x64xf32, #tpu.memory_space<vmem>>
      %dma_start3A_608 = tpu.memref_squeeze %dma_start3A_607 : memref<1x117x64xf32, #tpu.memory_space<vmem>> -> memref<117x64xf32, #tpu.memory_space<vmem>>
      %dma_start3A_609 = arith.constant 0 : i32
      %dma_start3A_610 = tpu.memref_slice %arg10[%add3A_202, %dma_start3A_609] : memref<3744x64xf32, #tpu.memory_space<vmem_shared>> -> memref<117x64xf32, #tpu.memory_space<vmem_shared>>
      %dma_start3A_611 = arith.constant 0 : i32
      %dma_start3A_612 = tpu.memref_slice %arg10[%add3A_202, %dma_start3A_611] : memref<3744x64xf32, #tpu.memory_space<vmem_shared>> -> memref<117x64xf32, #tpu.memory_space<vmem_shared>>
      %dma_start3A_613 = arith.constant 0 : i32
      %dma_start3A_614 = arith.constant 0 : i32
      %dma_start3A_615 = tpu.memref_slice %arg18[%run_scoped3A_203, %dma_start3A_613, %dma_start3A_614] : memref<2x200x64xf32, #tpu.memory_space<vmem>> -> memref<1x117x64xf32, #tpu.memory_space<vmem>>
      %dma_start3A_616 = tpu.memref_squeeze %dma_start3A_615 : memref<1x117x64xf32, #tpu.memory_space<vmem>> -> memref<117x64xf32, #tpu.memory_space<vmem>>
      tpu.enqueue_dma source(%dma_start3A_616 : memref<117x64xf32, #tpu.memory_space<vmem>>) target(%dma_start3A_612 : memref<117x64xf32, #tpu.memory_space<vmem_shared>>) target_semaphore(%run_scoped3A_604 : memref<!tpu.dma_semaphore, #tpu.memory_space<semaphore_mem>>)
      %dma_wait3A_617 = arith.constant 0 : i32
      %dma_wait3A_618 = arith.constant 0 : i32
      %dma_wait3A_619 = tpu.memref_slice %arg18[%run_scoped3A_203, %dma_wait3A_617, %dma_wait3A_618] : memref<2x200x64xf32, #tpu.memory_space<vmem>> -> memref<1x117x64xf32, #tpu.memory_space<vmem>>
      %dma_wait3A_620 = tpu.memref_squeeze %dma_wait3A_619 : memref<1x117x64xf32, #tpu.memory_space<vmem>> -> memref<117x64xf32, #tpu.memory_space<vmem>>
      %dma_wait3A_621 = arith.constant 0 : i32
      %dma_wait3A_622 = tpu.memref_slice %arg10[%add3A_202, %dma_wait3A_621] : memref<3744x64xf32, #tpu.memory_space<vmem_shared>> -> memref<117x64xf32, #tpu.memory_space<vmem_shared>>
      %dma_wait3A_623 = arith.constant 0 : i32
      %dma_wait3A_624 = tpu.memref_slice %arg10[%add3A_202, %dma_wait3A_623] : memref<3744x64xf32, #tpu.memory_space<vmem_shared>> -> memref<117x64xf32, #tpu.memory_space<vmem_shared>>
      %dma_wait3A_625 = arith.constant 0 : i32
      %dma_wait3A_626 = arith.constant 0 : i32
      %dma_wait3A_627 = tpu.memref_slice %arg18[%run_scoped3A_203, %dma_wait3A_625, %dma_wait3A_626] : memref<2x200x64xf32, #tpu.memory_space<vmem>> -> memref<1x117x64xf32, #tpu.memory_space<vmem>>
      %dma_wait3A_628 = tpu.memref_squeeze %dma_wait3A_627 : memref<1x117x64xf32, #tpu.memory_space<vmem>> -> memref<117x64xf32, #tpu.memory_space<vmem>>
      tpu.wait_dma2 semaphore(%run_scoped3A_604 : memref<!tpu.dma_semaphore, #tpu.memory_space<semaphore_mem>>) src(%dma_wait3A_628 : memref<117x64xf32, #tpu.memory_space<vmem>>) dst(%dma_wait3A_624 : memref<117x64xf32, #tpu.memory_space<vmem_shared>>)
      tpu.yield
    }) : () -> ()
    %barrier3A = arith.constant 0 : index
    tpu.barrier barrier_id(%barrier3A)
    %add3A_204 = arith.constant 0 : i32
    %add3A_205 = arith.addi %mul3A_2, %add3A_204 : i32
    %rem3A = arith.constant 0 : i32
    %rem3A_206 = arith.constant 2 : i32
    %rem3A_207 = arith.remsi %rem3A, %rem3A_206 : i32
    "tpu.region"() ({
      %run_scoped3A_604 = tpu.sem_alloc : memref<!tpu.dma_semaphore, #tpu.memory_space<semaphore_mem>>
      %dma_start3A_605 = arith.constant 0 : i32
      %dma_start3A_606 = arith.constant 0 : i32
      %dma_start3A_607 = tpu.memref_slice %arg14[%rem3A_207, %dma_start3A_605, %dma_start3A_606] : memref<2x16x200xi32, #tpu.memory_space<vmem>> -> memref<1x16x200xi32, #tpu.memory_space<vmem>>
      %dma_start3A_608 = tpu.memref_squeeze %dma_start3A_607 : memref<1x16x200xi32, #tpu.memory_space<vmem>> -> memref<16x200xi32, #tpu.memory_space<vmem>>
      %dma_start3A_609 = arith.constant 0 : i32
      %dma_start3A_610 = tpu.memref_slice %arg2[%add3A_205, %dma_start3A_609] : memref<4096x200xi32, #tpu.memory_space<hbm>> -> memref<16x200xi32, #tpu.memory_space<hbm>>
      %dma_start3A_611 = arith.constant 0 : i32
      %dma_start3A_612 = arith.constant 0 : i32
      %dma_start3A_613 = tpu.memref_slice %arg14[%rem3A_207, %dma_start3A_611, %dma_start3A_612] : memref<2x16x200xi32, #tpu.memory_space<vmem>> -> memref<1x16x200xi32, #tpu.memory_space<vmem>>
      %dma_start3A_614 = tpu.memref_squeeze %dma_start3A_613 : memref<1x16x200xi32, #tpu.memory_space<vmem>> -> memref<16x200xi32, #tpu.memory_space<vmem>>
      %dma_start3A_615 = arith.constant 0 : i32
      %dma_start3A_616 = tpu.memref_slice %arg2[%add3A_205, %dma_start3A_615] : memref<4096x200xi32, #tpu.memory_space<hbm>> -> memref<16x200xi32, #tpu.memory_space<hbm>>
      tpu.enqueue_dma source(%dma_start3A_616 : memref<16x200xi32, #tpu.memory_space<hbm>>) target(%dma_start3A_614 : memref<16x200xi32, #tpu.memory_space<vmem>>) target_semaphore(%run_scoped3A_604 : memref<!tpu.dma_semaphore, #tpu.memory_space<semaphore_mem>>)
      %dma_wait3A_617 = arith.constant 0 : i32
      %dma_wait3A_618 = arith.constant 0 : i32
      %dma_wait3A_619 = tpu.memref_slice %arg14[%rem3A_207, %dma_wait3A_617, %dma_wait3A_618] : memref<2x16x200xi32, #tpu.memory_space<vmem>> -> memref<1x16x200xi32, #tpu.memory_space<vmem>>
      %dma_wait3A_620 = tpu.memref_squeeze %dma_wait3A_619 : memref<1x16x200xi32, #tpu.memory_space<vmem>> -> memref<16x200xi32, #tpu.memory_space<vmem>>
      %dma_wait3A_621 = arith.constant 0 : i32
      %dma_wait3A_622 = tpu.memref_slice %arg2[%add3A_205, %dma_wait3A_621] : memref<4096x200xi32, #tpu.memory_space<hbm>> -> memref<16x200xi32, #tpu.memory_space<hbm>>
      %dma_wait3A_623 = arith.constant 0 : i32
      %dma_wait3A_624 = arith.constant 0 : i32
      %dma_wait3A_625 = tpu.memref_slice %arg14[%rem3A_207, %dma_wait3A_623, %dma_wait3A_624] : memref<2x16x200xi32, #tpu.memory_space<vmem>> -> memref<1x16x200xi32, #tpu.memory_space<vmem>>
      %dma_wait3A_626 = tpu.memref_squeeze %dma_wait3A_625 : memref<1x16x200xi32, #tpu.memory_space<vmem>> -> memref<16x200xi32, #tpu.memory_space<vmem>>
      %dma_wait3A_627 = arith.constant 0 : i32
      %dma_wait3A_628 = tpu.memref_slice %arg2[%add3A_205, %dma_wait3A_627] : memref<4096x200xi32, #tpu.memory_space<hbm>> -> memref<16x200xi32, #tpu.memory_space<hbm>>
      tpu.wait_dma2 semaphore(%run_scoped3A_604 : memref<!tpu.dma_semaphore, #tpu.memory_space<semaphore_mem>>) src(%dma_wait3A_628 : memref<16x200xi32, #tpu.memory_space<hbm>>) dst(%dma_wait3A_626 : memref<16x200xi32, #tpu.memory_space<vmem>>)
      tpu.yield
    }) : () -> ()
    "tpu.region"() ({
      %run_scoped3A_604 = tpu.sem_alloc : memref<!tpu.dma_semaphore, #tpu.memory_space<semaphore_mem>>
      %dma_start3A_605 = arith.constant 0 : i32
      %dma_start3A_606 = arith.constant 0 : i32
      %dma_start3A_607 = tpu.memref_slice %arg15[%rem3A_207, %dma_start3A_605, %dma_start3A_606] : memref<2x16x200xi32, #tpu.memory_space<vmem>> -> memref<1x16x200xi32, #tpu.memory_space<vmem>>
      %dma_start3A_608 = tpu.memref_squeeze %dma_start3A_607 : memref<1x16x200xi32, #tpu.memory_space<vmem>> -> memref<16x200xi32, #tpu.memory_space<vmem>>
      %dma_start3A_609 = arith.constant 0 : i32
      %dma_start3A_610 = tpu.memref_slice %arg3[%add3A_205, %dma_start3A_609] : memref<4096x200xi32, #tpu.memory_space<hbm>> -> memref<16x200xi32, #tpu.memory_space<hbm>>
      %dma_start3A_611 = arith.constant 0 : i32
      %dma_start3A_612 = arith.constant 0 : i32
      %dma_start3A_613 = tpu.memref_slice %arg15[%rem3A_207, %dma_start3A_611, %dma_start3A_612] : memref<2x16x200xi32, #tpu.memory_space<vmem>> -> memref<1x16x200xi32, #tpu.memory_space<vmem>>
      %dma_start3A_614 = tpu.memref_squeeze %dma_start3A_613 : memref<1x16x200xi32, #tpu.memory_space<vmem>> -> memref<16x200xi32, #tpu.memory_space<vmem>>
      %dma_start3A_615 = arith.constant 0 : i32
      %dma_start3A_616 = tpu.memref_slice %arg3[%add3A_205, %dma_start3A_615] : memref<4096x200xi32, #tpu.memory_space<hbm>> -> memref<16x200xi32, #tpu.memory_space<hbm>>
      tpu.enqueue_dma source(%dma_start3A_616 : memref<16x200xi32, #tpu.memory_space<hbm>>) target(%dma_start3A_614 : memref<16x200xi32, #tpu.memory_space<vmem>>) target_semaphore(%run_scoped3A_604 : memref<!tpu.dma_semaphore, #tpu.memory_space<semaphore_mem>>)
      %dma_wait3A_617 = arith.constant 0 : i32
      %dma_wait3A_618 = arith.constant 0 : i32
      %dma_wait3A_619 = tpu.memref_slice %arg15[%rem3A_207, %dma_wait3A_617, %dma_wait3A_618] : memref<2x16x200xi32, #tpu.memory_space<vmem>> -> memref<1x16x200xi32, #tpu.memory_space<vmem>>
      %dma_wait3A_620 = tpu.memref_squeeze %dma_wait3A_619 : memref<1x16x200xi32, #tpu.memory_space<vmem>> -> memref<16x200xi32, #tpu.memory_space<vmem>>
      %dma_wait3A_621 = arith.constant 0 : i32
      %dma_wait3A_622 = tpu.memref_slice %arg3[%add3A_205, %dma_wait3A_621] : memref<4096x200xi32, #tpu.memory_space<hbm>> -> memref<16x200xi32, #tpu.memory_space<hbm>>
      %dma_wait3A_623 = arith.constant 0 : i32
      %dma_wait3A_624 = arith.constant 0 : i32
      %dma_wait3A_625 = tpu.memref_slice %arg15[%rem3A_207, %dma_wait3A_623, %dma_wait3A_624] : memref<2x16x200xi32, #tpu.memory_space<vmem>> -> memref<1x16x200xi32, #tpu.memory_space<vmem>>
      %dma_wait3A_626 = tpu.memref_squeeze %dma_wait3A_625 : memref<1x16x200xi32, #tpu.memory_space<vmem>> -> memref<16x200xi32, #tpu.memory_space<vmem>>
      %dma_wait3A_627 = arith.constant 0 : i32
      %dma_wait3A_628 = tpu.memref_slice %arg3[%add3A_205, %dma_wait3A_627] : memref<4096x200xi32, #tpu.memory_space<hbm>> -> memref<16x200xi32, #tpu.memory_space<hbm>>
      tpu.wait_dma2 semaphore(%run_scoped3A_604 : memref<!tpu.dma_semaphore, #tpu.memory_space<semaphore_mem>>) src(%dma_wait3A_628 : memref<16x200xi32, #tpu.memory_space<hbm>>) dst(%dma_wait3A_626 : memref<16x200xi32, #tpu.memory_space<vmem>>)
      tpu.yield
    }) : () -> ()
    "tpu.region"() ({
      %run_scoped3A_604 = tpu.sem_alloc : memref<!tpu.dma_semaphore, #tpu.memory_space<semaphore_mem>>
      %dma_start3A_605 = arith.constant 0 : i32
      %dma_start3A_606 = arith.constant 0 : i32
      %dma_start3A_607 = tpu.memref_slice %arg16[%rem3A_207, %dma_start3A_605, %dma_start3A_606] : memref<2x16x200xi32, #tpu.memory_space<vmem>> -> memref<1x16x200xi32, #tpu.memory_space<vmem>>
      %dma_start3A_608 = tpu.memref_squeeze %dma_start3A_607 : memref<1x16x200xi32, #tpu.memory_space<vmem>> -> memref<16x200xi32, #tpu.memory_space<vmem>>
      %dma_start3A_609 = arith.constant 0 : i32
      %dma_start3A_610 = tpu.memref_slice %arg4[%add3A_205, %dma_start3A_609] : memref<4096x200xi32, #tpu.memory_space<hbm>> -> memref<16x200xi32, #tpu.memory_space<hbm>>
      %dma_start3A_611 = arith.constant 0 : i32
      %dma_start3A_612 = arith.constant 0 : i32
      %dma_start3A_613 = tpu.memref_slice %arg16[%rem3A_207, %dma_start3A_611, %dma_start3A_612] : memref<2x16x200xi32, #tpu.memory_space<vmem>> -> memref<1x16x200xi32, #tpu.memory_space<vmem>>
      %dma_start3A_614 = tpu.memref_squeeze %dma_start3A_613 : memref<1x16x200xi32, #tpu.memory_space<vmem>> -> memref<16x200xi32, #tpu.memory_space<vmem>>
      %dma_start3A_615 = arith.constant 0 : i32
      %dma_start3A_616 = tpu.memref_slice %arg4[%add3A_205, %dma_start3A_615] : memref<4096x200xi32, #tpu.memory_space<hbm>> -> memref<16x200xi32, #tpu.memory_space<hbm>>
      tpu.enqueue_dma source(%dma_start3A_616 : memref<16x200xi32, #tpu.memory_space<hbm>>) target(%dma_start3A_614 : memref<16x200xi32, #tpu.memory_space<vmem>>) target_semaphore(%run_scoped3A_604 : memref<!tpu.dma_semaphore, #tpu.memory_space<semaphore_mem>>)
      %dma_wait3A_617 = arith.constant 0 : i32
      %dma_wait3A_618 = arith.constant 0 : i32
      %dma_wait3A_619 = tpu.memref_slice %arg16[%rem3A_207, %dma_wait3A_617, %dma_wait3A_618] : memref<2x16x200xi32, #tpu.memory_space<vmem>> -> memref<1x16x200xi32, #tpu.memory_space<vmem>>
      %dma_wait3A_620 = tpu.memref_squeeze %dma_wait3A_619 : memref<1x16x200xi32, #tpu.memory_space<vmem>> -> memref<16x200xi32, #tpu.memory_space<vmem>>
      %dma_wait3A_621 = arith.constant 0 : i32
      %dma_wait3A_622 = tpu.memref_slice %arg4[%add3A_205, %dma_wait3A_621] : memref<4096x200xi32, #tpu.memory_space<hbm>> -> memref<16x200xi32, #tpu.memory_space<hbm>>
      %dma_wait3A_623 = arith.constant 0 : i32
      %dma_wait3A_624 = arith.constant 0 : i32
      %dma_wait3A_625 = tpu.memref_slice %arg16[%rem3A_207, %dma_wait3A_623, %dma_wait3A_624] : memref<2x16x200xi32, #tpu.memory_space<vmem>> -> memref<1x16x200xi32, #tpu.memory_space<vmem>>
      %dma_wait3A_626 = tpu.memref_squeeze %dma_wait3A_625 : memref<1x16x200xi32, #tpu.memory_space<vmem>> -> memref<16x200xi32, #tpu.memory_space<vmem>>
      %dma_wait3A_627 = arith.constant 0 : i32
      %dma_wait3A_628 = tpu.memref_slice %arg4[%add3A_205, %dma_wait3A_627] : memref<4096x200xi32, #tpu.memory_space<hbm>> -> memref<16x200xi32, #tpu.memory_space<hbm>>
      tpu.wait_dma2 semaphore(%run_scoped3A_604 : memref<!tpu.dma_semaphore, #tpu.memory_space<semaphore_mem>>) src(%dma_wait3A_628 : memref<16x200xi32, #tpu.memory_space<hbm>>) dst(%dma_wait3A_626 : memref<16x200xi32, #tpu.memory_space<vmem>>)
      tpu.yield
    }) : () -> ()
    %add3A_208 = arith.constant 16 : i32
    %add3A_209 = arith.addi %mul3A_2, %add3A_208 : i32
    %rem3A_210 = arith.constant 1 : i32
    %rem3A_211 = arith.constant 2 : i32
    %rem3A_212 = arith.remsi %rem3A_210, %rem3A_211 : i32
    %dma_start3A = arith.constant 0 : i32
    %dma_start3A_213 = arith.constant 0 : i32
    %dma_start3A_214 = tpu.memref_slice %arg14[%rem3A_212, %dma_start3A, %dma_start3A_213] : memref<2x16x200xi32, #tpu.memory_space<vmem>> -> memref<1x16x200xi32, #tpu.memory_space<vmem>>
    %dma_start3A_215 = tpu.memref_squeeze %dma_start3A_214 : memref<1x16x200xi32, #tpu.memory_space<vmem>> -> memref<16x200xi32, #tpu.memory_space<vmem>>
    %dma_start3A_216 = arith.constant 0 : i32
    %dma_start3A_217 = tpu.memref_slice %arg2[%add3A_209, %dma_start3A_216] : memref<4096x200xi32, #tpu.memory_space<hbm>> -> memref<16x200xi32, #tpu.memory_space<hbm>>
    %dma_start3A_218 = arith.constant 0 : i32
    %dma_start3A_219 = arith.constant 0 : i32
    %dma_start3A_220 = tpu.memref_slice %arg14[%rem3A_212, %dma_start3A_218, %dma_start3A_219] : memref<2x16x200xi32, #tpu.memory_space<vmem>> -> memref<1x16x200xi32, #tpu.memory_space<vmem>>
    %dma_start3A_221 = tpu.memref_squeeze %dma_start3A_220 : memref<1x16x200xi32, #tpu.memory_space<vmem>> -> memref<16x200xi32, #tpu.memory_space<vmem>>
    %dma_start3A_222 = arith.constant 0 : i32
    %dma_start3A_223 = tpu.memref_slice %arg2[%add3A_209, %dma_start3A_222] : memref<4096x200xi32, #tpu.memory_space<hbm>> -> memref<16x200xi32, #tpu.memory_space<hbm>>
    tpu.enqueue_dma source(%dma_start3A_223 : memref<16x200xi32, #tpu.memory_space<hbm>>) target(%dma_start3A_221 : memref<16x200xi32, #tpu.memory_space<vmem>>) target_semaphore(%arg27 : memref<!tpu.dma_semaphore, #tpu.memory_space<semaphore_mem>>)
    %dma_start3A_224 = arith.constant 0 : i32
    %dma_start3A_225 = arith.constant 0 : i32
    %dma_start3A_226 = tpu.memref_slice %arg15[%rem3A_212, %dma_start3A_224, %dma_start3A_225] : memref<2x16x200xi32, #tpu.memory_space<vmem>> -> memref<1x16x200xi32, #tpu.memory_space<vmem>>
    %dma_start3A_227 = tpu.memref_squeeze %dma_start3A_226 : memref<1x16x200xi32, #tpu.memory_space<vmem>> -> memref<16x200xi32, #tpu.memory_space<vmem>>
    %dma_start3A_228 = arith.constant 0 : i32
    %dma_start3A_229 = tpu.memref_slice %arg3[%add3A_209, %dma_start3A_228] : memref<4096x200xi32, #tpu.memory_space<hbm>> -> memref<16x200xi32, #tpu.memory_space<hbm>>
    %dma_start3A_230 = arith.constant 0 : i32
    %dma_start3A_231 = arith.constant 0 : i32
    %dma_start3A_232 = tpu.memref_slice %arg15[%rem3A_212, %dma_start3A_230, %dma_start3A_231] : memref<2x16x200xi32, #tpu.memory_space<vmem>> -> memref<1x16x200xi32, #tpu.memory_space<vmem>>
    %dma_start3A_233 = tpu.memref_squeeze %dma_start3A_232 : memref<1x16x200xi32, #tpu.memory_space<vmem>> -> memref<16x200xi32, #tpu.memory_space<vmem>>
    %dma_start3A_234 = arith.constant 0 : i32
    %dma_start3A_235 = tpu.memref_slice %arg3[%add3A_209, %dma_start3A_234] : memref<4096x200xi32, #tpu.memory_space<hbm>> -> memref<16x200xi32, #tpu.memory_space<hbm>>
    tpu.enqueue_dma source(%dma_start3A_235 : memref<16x200xi32, #tpu.memory_space<hbm>>) target(%dma_start3A_233 : memref<16x200xi32, #tpu.memory_space<vmem>>) target_semaphore(%arg27 : memref<!tpu.dma_semaphore, #tpu.memory_space<semaphore_mem>>)
    %dma_start3A_236 = arith.constant 0 : i32
    %dma_start3A_237 = arith.constant 0 : i32
    %dma_start3A_238 = tpu.memref_slice %arg16[%rem3A_212, %dma_start3A_236, %dma_start3A_237] : memref<2x16x200xi32, #tpu.memory_space<vmem>> -> memref<1x16x200xi32, #tpu.memory_space<vmem>>
    %dma_start3A_239 = tpu.memref_squeeze %dma_start3A_238 : memref<1x16x200xi32, #tpu.memory_space<vmem>> -> memref<16x200xi32, #tpu.memory_space<vmem>>
    %dma_start3A_240 = arith.constant 0 : i32
    %dma_start3A_241 = tpu.memref_slice %arg4[%add3A_209, %dma_start3A_240] : memref<4096x200xi32, #tpu.memory_space<hbm>> -> memref<16x200xi32, #tpu.memory_space<hbm>>
    %dma_start3A_242 = arith.constant 0 : i32
    %dma_start3A_243 = arith.constant 0 : i32
    %dma_start3A_244 = tpu.memref_slice %arg16[%rem3A_212, %dma_start3A_242, %dma_start3A_243] : memref<2x16x200xi32, #tpu.memory_space<vmem>> -> memref<1x16x200xi32, #tpu.memory_space<vmem>>
    %dma_start3A_245 = tpu.memref_squeeze %dma_start3A_244 : memref<1x16x200xi32, #tpu.memory_space<vmem>> -> memref<16x200xi32, #tpu.memory_space<vmem>>
    %dma_start3A_246 = arith.constant 0 : i32
    %dma_start3A_247 = tpu.memref_slice %arg4[%add3A_209, %dma_start3A_246] : memref<4096x200xi32, #tpu.memory_space<hbm>> -> memref<16x200xi32, #tpu.memory_space<hbm>>
    tpu.enqueue_dma source(%dma_start3A_247 : memref<16x200xi32, #tpu.memory_space<hbm>>) target(%dma_start3A_245 : memref<16x200xi32, #tpu.memory_space<vmem>>) target_semaphore(%arg27 : memref<!tpu.dma_semaphore, #tpu.memory_space<semaphore_mem>>)
    %rem3A_248 = arith.constant 0 : i32
    %rem3A_249 = arith.constant 2 : i32
    %rem3A_250 = arith.remsi %rem3A_248, %rem3A_249 : i32
    %rem3A_251 = arith.constant 0 : i32
    %rem3A_252 = arith.constant 16 : i32
    %rem3A_253 = arith.remsi %rem3A_251, %rem3A_252 : i32
    %get3A_254 = arith.index_cast %rem3A_250 : i32 to index
    %get3A_255 = arith.index_cast %rem3A_253 : i32 to index
    %get3A_256 = arith.constant 0 : index
    %get3A_257 = tpu.vector_load %arg15[%get3A_254, %get3A_255, %get3A_256] {strides = array<i32>} : memref<2x16x200xi32, #tpu.memory_space<vmem>>, vector<1x1x16xi32>,
    %get3A_258 = vector.shape_cast %get3A_257 : vector<1x1x16xi32> to vector<16xi32>
    %mul3A_259 = arith.constant 9 : i32
    %mul3A_260 = vector.broadcast %mul3A_259 : i32 to vector<16xi32>
    %mul3A_261 = arith.muli %get3A_258, %mul3A_260 : vector<16xi32>
    %get3A_262 = arith.index_cast %rem3A_250 : i32 to index
    %get3A_263 = arith.index_cast %rem3A_253 : i32 to index
    %get3A_264 = arith.constant 0 : index
    %get3A_265 = tpu.vector_load %arg16[%get3A_262, %get3A_263, %get3A_264] {strides = array<i32>} : memref<2x16x200xi32, #tpu.memory_space<vmem>>, vector<1x1x16xi32>,
    %get3A_266 = vector.shape_cast %get3A_265 : vector<1x1x16xi32> to vector<16xi32>
    %add3A_267 = arith.addi %mul3A_261, %get3A_266 : vector<16xi32>
    %swap3A = arith.constant 0 : i32
    %swap3A_268 = arith.index_cast %swap3A : i32 to index
    %swap3A_269 = arith.constant 0 : index
    %swap3A_270 = tpu.vector_load %arg17[%swap3A_268, %swap3A_269] {strides = array<i32>} : memref<2x200xi32, #tpu.memory_space<vmem>>, vector<1x16xi32>,
    %swap3A_271 = vector.shape_cast %swap3A_270 : vector<1x16xi32> to vector<16xi32>
    %swap3A_272 = vector.shape_cast %add3A_267 : vector<16xi32> to vector<1x16xi32>
    tpu.vector_store %arg17[%swap3A_268, %swap3A_269], %swap3A_272 {strides = array<i32>} : memref<2x200xi32, #tpu.memory_space<vmem>>, vector<1x16xi32>,
    %get3A_273 = arith.index_cast %rem3A_250 : i32 to index
    %get3A_274 = arith.index_cast %rem3A_253 : i32 to index
    %get3A_275 = arith.constant 16 : index
    %get3A_276 = tpu.vector_load %arg15[%get3A_273, %get3A_274, %get3A_275] {strides = array<i32>} : memref<2x16x200xi32, #tpu.memory_space<vmem>>, vector<1x1x16xi32>,
    %get3A_277 = vector.shape_cast %get3A_276 : vector<1x1x16xi32> to vector<16xi32>
    %mul3A_278 = arith.constant 9 : i32
    %mul3A_279 = vector.broadcast %mul3A_278 : i32 to vector<16xi32>
    %mul3A_280 = arith.muli %get3A_277, %mul3A_279 : vector<16xi32>
    %get3A_281 = arith.index_cast %rem3A_250 : i32 to index
    %get3A_282 = arith.index_cast %rem3A_253 : i32 to index
    %get3A_283 = arith.constant 16 : index
    %get3A_284 = tpu.vector_load %arg16[%get3A_281, %get3A_282, %get3A_283] {strides = array<i32>} : memref<2x16x200xi32, #tpu.memory_space<vmem>>, vector<1x1x16xi32>,
    %get3A_285 = vector.shape_cast %get3A_284 : vector<1x1x16xi32> to vector<16xi32>
    %add3A_286 = arith.addi %mul3A_280, %get3A_285 : vector<16xi32>
    %swap3A_287 = arith.constant 0 : i32
    %swap3A_288 = arith.index_cast %swap3A_287 : i32 to index
    %swap3A_289 = arith.constant 16 : index
    %swap3A_290 = tpu.vector_load %arg17[%swap3A_288, %swap3A_289] {strides = array<i32>} : memref<2x200xi32, #tpu.memory_space<vmem>>, vector<1x16xi32>,
    %swap3A_291 = vector.shape_cast %swap3A_290 : vector<1x16xi32> to vector<16xi32>
    %swap3A_292 = vector.shape_cast %add3A_286 : vector<16xi32> to vector<1x16xi32>
    tpu.vector_store %arg17[%swap3A_288, %swap3A_289], %swap3A_292 {strides = array<i32>} : memref<2x200xi32, #tpu.memory_space<vmem>>, vector<1x16xi32>,
    %get3A_293 = arith.index_cast %rem3A_250 : i32 to index
    %get3A_294 = arith.index_cast %rem3A_253 : i32 to index
    %get3A_295 = arith.constant 32 : index
    %get3A_296 = tpu.vector_load %arg15[%get3A_293, %get3A_294, %get3A_295] {strides = array<i32>} : memref<2x16x200xi32, #tpu.memory_space<vmem>>, vector<1x1x16xi32>,
    %get3A_297 = vector.shape_cast %get3A_296 : vector<1x1x16xi32> to vector<16xi32>
    %mul3A_298 = arith.constant 9 : i32
    %mul3A_299 = vector.broadcast %mul3A_298 : i32 to vector<16xi32>
    %mul3A_300 = arith.muli %get3A_297, %mul3A_299 : vector<16xi32>
    %get3A_301 = arith.index_cast %rem3A_250 : i32 to index
    %get3A_302 = arith.index_cast %rem3A_253 : i32 to index
    %get3A_303 = arith.constant 32 : index
    %get3A_304 = tpu.vector_load %arg16[%get3A_301, %get3A_302, %get3A_303] {strides = array<i32>} : memref<2x16x200xi32, #tpu.memory_space<vmem>>, vector<1x1x16xi32>,
    %get3A_305 = vector.shape_cast %get3A_304 : vector<1x1x16xi32> to vector<16xi32>
    %add3A_306 = arith.addi %mul3A_300, %get3A_305 : vector<16xi32>
    %swap3A_307 = arith.constant 0 : i32
    %swap3A_308 = arith.index_cast %swap3A_307 : i32 to index
    %swap3A_309 = arith.constant 32 : index
    %swap3A_310 = tpu.vector_load %arg17[%swap3A_308, %swap3A_309] {strides = array<i32>} : memref<2x200xi32, #tpu.memory_space<vmem>>, vector<1x16xi32>,
    %swap3A_311 = vector.shape_cast %swap3A_310 : vector<1x16xi32> to vector<16xi32>
    %swap3A_312 = vector.shape_cast %add3A_306 : vector<16xi32> to vector<1x16xi32>
    tpu.vector_store %arg17[%swap3A_308, %swap3A_309], %swap3A_312 {strides = array<i32>} : memref<2x200xi32, #tpu.memory_space<vmem>>, vector<1x16xi32>,
    %get3A_313 = arith.index_cast %rem3A_250 : i32 to index
    %get3A_314 = arith.index_cast %rem3A_253 : i32 to index
    %get3A_315 = arith.constant 48 : index
    %get3A_316 = tpu.vector_load %arg15[%get3A_313, %get3A_314, %get3A_315] {strides = array<i32>} : memref<2x16x200xi32, #tpu.memory_space<vmem>>, vector<1x1x16xi32>,
    %get3A_317 = vector.shape_cast %get3A_316 : vector<1x1x16xi32> to vector<16xi32>
    %mul3A_318 = arith.constant 9 : i32
    %mul3A_319 = vector.broadcast %mul3A_318 : i32 to vector<16xi32>
    %mul3A_320 = arith.muli %get3A_317, %mul3A_319 : vector<16xi32>
    %get3A_321 = arith.index_cast %rem3A_250 : i32 to index
    %get3A_322 = arith.index_cast %rem3A_253 : i32 to index
    %get3A_323 = arith.constant 48 : index
    %get3A_324 = tpu.vector_load %arg16[%get3A_321, %get3A_322, %get3A_323] {strides = array<i32>} : memref<2x16x200xi32, #tpu.memory_space<vmem>>, vector<1x1x16xi32>,
    %get3A_325 = vector.shape_cast %get3A_324 : vector<1x1x16xi32> to vector<16xi32>
    %add3A_326 = arith.addi %mul3A_320, %get3A_325 : vector<16xi32>
    %swap3A_327 = arith.constant 0 : i32
    %swap3A_328 = arith.index_cast %swap3A_327 : i32 to index
    %swap3A_329 = arith.constant 48 : index
    %swap3A_330 = tpu.vector_load %arg17[%swap3A_328, %swap3A_329] {strides = array<i32>} : memref<2x200xi32, #tpu.memory_space<vmem>>, vector<1x16xi32>,
    %swap3A_331 = vector.shape_cast %swap3A_330 : vector<1x16xi32> to vector<16xi32>
    %swap3A_332 = vector.shape_cast %add3A_326 : vector<16xi32> to vector<1x16xi32>
    tpu.vector_store %arg17[%swap3A_328, %swap3A_329], %swap3A_332 {strides = array<i32>} : memref<2x200xi32, #tpu.memory_space<vmem>>, vector<1x16xi32>,
    %get3A_333 = arith.index_cast %rem3A_250 : i32 to index
    %get3A_334 = arith.index_cast %rem3A_253 : i32 to index
    %get3A_335 = arith.constant 64 : index
    %get3A_336 = tpu.vector_load %arg15[%get3A_333, %get3A_334, %get3A_335] {strides = array<i32>} : memref<2x16x200xi32, #tpu.memory_space<vmem>>, vector<1x1x16xi32>,
    %get3A_337 = vector.shape_cast %get3A_336 : vector<1x1x16xi32> to vector<16xi32>
    %mul3A_338 = arith.constant 9 : i32
    %mul3A_339 = vector.broadcast %mul3A_338 : i32 to vector<16xi32>
    %mul3A_340 = arith.muli %get3A_337, %mul3A_339 : vector<16xi32>
    %get3A_341 = arith.index_cast %rem3A_250 : i32 to index
    %get3A_342 = arith.index_cast %rem3A_253 : i32 to index
    %get3A_343 = arith.constant 64 : index
    %get3A_344 = tpu.vector_load %arg16[%get3A_341, %get3A_342, %get3A_343] {strides = array<i32>} : memref<2x16x200xi32, #tpu.memory_space<vmem>>, vector<1x1x16xi32>,
    %get3A_345 = vector.shape_cast %get3A_344 : vector<1x1x16xi32> to vector<16xi32>
    %add3A_346 = arith.addi %mul3A_340, %get3A_345 : vector<16xi32>
    %swap3A_347 = arith.constant 0 : i32
    %swap3A_348 = arith.index_cast %swap3A_347 : i32 to index
    %swap3A_349 = arith.constant 64 : index
    %swap3A_350 = tpu.vector_load %arg17[%swap3A_348, %swap3A_349] {strides = array<i32>} : memref<2x200xi32, #tpu.memory_space<vmem>>, vector<1x16xi32>,
    %swap3A_351 = vector.shape_cast %swap3A_350 : vector<1x16xi32> to vector<16xi32>
    %swap3A_352 = vector.shape_cast %add3A_346 : vector<16xi32> to vector<1x16xi32>
    tpu.vector_store %arg17[%swap3A_348, %swap3A_349], %swap3A_352 {strides = array<i32>} : memref<2x200xi32, #tpu.memory_space<vmem>>, vector<1x16xi32>,
    %get3A_353 = arith.index_cast %rem3A_250 : i32 to index
    %get3A_354 = arith.index_cast %rem3A_253 : i32 to index
    %get3A_355 = arith.constant 80 : index
    %get3A_356 = tpu.vector_load %arg15[%get3A_353, %get3A_354, %get3A_355] {strides = array<i32>} : memref<2x16x200xi32, #tpu.memory_space<vmem>>, vector<1x1x16xi32>,
    %get3A_357 = vector.shape_cast %get3A_356 : vector<1x1x16xi32> to vector<16xi32>
    %mul3A_358 = arith.constant 9 : i32
    %mul3A_359 = vector.broadcast %mul3A_358 : i32 to vector<16xi32>
    %mul3A_360 = arith.muli %get3A_357, %mul3A_359 : vector<16xi32>
    %get3A_361 = arith.index_cast %rem3A_250 : i32 to index
    %get3A_362 = arith.index_cast %rem3A_253 : i32 to index
    %get3A_363 = arith.constant 80 : index
    %get3A_364 = tpu.vector_load %arg16[%get3A_361, %get3A_362, %get3A_363] {strides = array<i32>} : memref<2x16x200xi32, #tpu.memory_space<vmem>>, vector<1x1x16xi32>,
    %get3A_365 = vector.shape_cast %get3A_364 : vector<1x1x16xi32> to vector<16xi32>
    %add3A_366 = arith.addi %mul3A_360, %get3A_365 : vector<16xi32>
    %swap3A_367 = arith.constant 0 : i32
    %swap3A_368 = arith.index_cast %swap3A_367 : i32 to index
    %swap3A_369 = arith.constant 80 : index
    %swap3A_370 = tpu.vector_load %arg17[%swap3A_368, %swap3A_369] {strides = array<i32>} : memref<2x200xi32, #tpu.memory_space<vmem>>, vector<1x16xi32>,
    %swap3A_371 = vector.shape_cast %swap3A_370 : vector<1x16xi32> to vector<16xi32>
    %swap3A_372 = vector.shape_cast %add3A_366 : vector<16xi32> to vector<1x16xi32>
    tpu.vector_store %arg17[%swap3A_368, %swap3A_369], %swap3A_372 {strides = array<i32>} : memref<2x200xi32, #tpu.memory_space<vmem>>, vector<1x16xi32>,
    %get3A_373 = arith.index_cast %rem3A_250 : i32 to index
    %get3A_374 = arith.index_cast %rem3A_253 : i32 to index
    %get3A_375 = arith.constant 96 : index
    %get3A_376 = tpu.vector_load %arg15[%get3A_373, %get3A_374, %get3A_375] {strides = array<i32>} : memref<2x16x200xi32, #tpu.memory_space<vmem>>, vector<1x1x16xi32>,
    %get3A_377 = vector.shape_cast %get3A_376 : vector<1x1x16xi32> to vector<16xi32>
    %mul3A_378 = arith.constant 9 : i32
    %mul3A_379 = vector.broadcast %mul3A_378 : i32 to vector<16xi32>
    %mul3A_380 = arith.muli %get3A_377, %mul3A_379 : vector<16xi32>
    %get3A_381 = arith.index_cast %rem3A_250 : i32 to index
    %get3A_382 = arith.index_cast %rem3A_253 : i32 to index
    %get3A_383 = arith.constant 96 : index
    %get3A_384 = tpu.vector_load %arg16[%get3A_381, %get3A_382, %get3A_383] {strides = array<i32>} : memref<2x16x200xi32, #tpu.memory_space<vmem>>, vector<1x1x16xi32>,
    %get3A_385 = vector.shape_cast %get3A_384 : vector<1x1x16xi32> to vector<16xi32>
    %add3A_386 = arith.addi %mul3A_380, %get3A_385 : vector<16xi32>
    %swap3A_387 = arith.constant 0 : i32
    %swap3A_388 = arith.index_cast %swap3A_387 : i32 to index
    %swap3A_389 = arith.constant 96 : index
    %swap3A_390 = tpu.vector_load %arg17[%swap3A_388, %swap3A_389] {strides = array<i32>} : memref<2x200xi32, #tpu.memory_space<vmem>>, vector<1x16xi32>,
    %swap3A_391 = vector.shape_cast %swap3A_390 : vector<1x16xi32> to vector<16xi32>
    %swap3A_392 = vector.shape_cast %add3A_386 : vector<16xi32> to vector<1x16xi32>
    tpu.vector_store %arg17[%swap3A_388, %swap3A_389], %swap3A_392 {strides = array<i32>} : memref<2x200xi32, #tpu.memory_space<vmem>>, vector<1x16xi32>,
    %get3A_393 = arith.index_cast %rem3A_250 : i32 to index
    %get3A_394 = arith.index_cast %rem3A_253 : i32 to index
    %get3A_395 = arith.constant 112 : index
    %get3A_396 = tpu.vector_load %arg15[%get3A_393, %get3A_394, %get3A_395] {strides = array<i32>} : memref<2x16x200xi32, #tpu.memory_space<vmem>>, vector<1x1x16xi32>,
    %get3A_397 = vector.shape_cast %get3A_396 : vector<1x1x16xi32> to vector<16xi32>
    %mul3A_398 = arith.constant 9 : i32
    %mul3A_399 = vector.broadcast %mul3A_398 : i32 to vector<16xi32>
    %mul3A_400 = arith.muli %get3A_397, %mul3A_399 : vector<16xi32>
    %get3A_401 = arith.index_cast %rem3A_250 : i32 to index
    %get3A_402 = arith.index_cast %rem3A_253 : i32 to index
    %get3A_403 = arith.constant 112 : index
    %get3A_404 = tpu.vector_load %arg16[%get3A_401, %get3A_402, %get3A_403] {strides = array<i32>} : memref<2x16x200xi32, #tpu.memory_space<vmem>>, vector<1x1x16xi32>,
    %get3A_405 = vector.shape_cast %get3A_404 : vector<1x1x16xi32> to vector<16xi32>
    %add3A_406 = arith.addi %mul3A_400, %get3A_405 : vector<16xi32>
    %swap3A_407 = arith.constant 0 : i32
    %swap3A_408 = arith.index_cast %swap3A_407 : i32 to index
    %swap3A_409 = arith.constant 112 : index
    %swap3A_410 = tpu.vector_load %arg17[%swap3A_408, %swap3A_409] {strides = array<i32>} : memref<2x200xi32, #tpu.memory_space<vmem>>, vector<1x16xi32>,
    %swap3A_411 = vector.shape_cast %swap3A_410 : vector<1x16xi32> to vector<16xi32>
    %swap3A_412 = vector.shape_cast %add3A_406 : vector<16xi32> to vector<1x16xi32>
    tpu.vector_store %arg17[%swap3A_408, %swap3A_409], %swap3A_412 {strides = array<i32>} : memref<2x200xi32, #tpu.memory_space<vmem>>, vector<1x16xi32>,
    %get3A_413 = arith.index_cast %rem3A_250 : i32 to index
    %get3A_414 = arith.index_cast %rem3A_253 : i32 to index
    %get3A_415 = arith.constant 128 : index
    %get3A_416 = tpu.vector_load %arg15[%get3A_413, %get3A_414, %get3A_415] {strides = array<i32>} : memref<2x16x200xi32, #tpu.memory_space<vmem>>, vector<1x1x16xi32>,
    %get3A_417 = vector.shape_cast %get3A_416 : vector<1x1x16xi32> to vector<16xi32>
    %mul3A_418 = arith.constant 9 : i32
    %mul3A_419 = vector.broadcast %mul3A_418 : i32 to vector<16xi32>
    %mul3A_420 = arith.muli %get3A_417, %mul3A_419 : vector<16xi32>
    %get3A_421 = arith.index_cast %rem3A_250 : i32 to index
    %get3A_422 = arith.index_cast %rem3A_253 : i32 to index
    %get3A_423 = arith.constant 128 : index
    %get3A_424 = tpu.vector_load %arg16[%get3A_421, %get3A_422, %get3A_423] {strides = array<i32>} : memref<2x16x200xi32, #tpu.memory_space<vmem>>, vector<1x1x16xi32>,
    %get3A_425 = vector.shape_cast %get3A_424 : vector<1x1x16xi32> to vector<16xi32>
    %add3A_426 = arith.addi %mul3A_420, %get3A_425 : vector<16xi32>
    %swap3A_427 = arith.constant 0 : i32
    %swap3A_428 = arith.index_cast %swap3A_427 : i32 to index
    %swap3A_429 = arith.constant 128 : index
    %swap3A_430 = tpu.vector_load %arg17[%swap3A_428, %swap3A_429] {strides = array<i32>} : memref<2x200xi32, #tpu.memory_space<vmem>>, vector<1x16xi32>,
    %swap3A_431 = vector.shape_cast %swap3A_430 : vector<1x16xi32> to vector<16xi32>
    %swap3A_432 = vector.shape_cast %add3A_426 : vector<16xi32> to vector<1x16xi32>
    tpu.vector_store %arg17[%swap3A_428, %swap3A_429], %swap3A_432 {strides = array<i32>} : memref<2x200xi32, #tpu.memory_space<vmem>>, vector<1x16xi32>,
    %get3A_433 = arith.index_cast %rem3A_250 : i32 to index
    %get3A_434 = arith.index_cast %rem3A_253 : i32 to index
    %get3A_435 = arith.constant 144 : index
    %get3A_436 = tpu.vector_load %arg15[%get3A_433, %get3A_434, %get3A_435] {strides = array<i32>} : memref<2x16x200xi32, #tpu.memory_space<vmem>>, vector<1x1x16xi32>,
    %get3A_437 = vector.shape_cast %get3A_436 : vector<1x1x16xi32> to vector<16xi32>
    %mul3A_438 = arith.constant 9 : i32
    %mul3A_439 = vector.broadcast %mul3A_438 : i32 to vector<16xi32>
    %mul3A_440 = arith.muli %get3A_437, %mul3A_439 : vector<16xi32>
    %get3A_441 = arith.index_cast %rem3A_250 : i32 to index
    %get3A_442 = arith.index_cast %rem3A_253 : i32 to index
    %get3A_443 = arith.constant 144 : index
    %get3A_444 = tpu.vector_load %arg16[%get3A_441, %get3A_442, %get3A_443] {strides = array<i32>} : memref<2x16x200xi32, #tpu.memory_space<vmem>>, vector<1x1x16xi32>,
    %get3A_445 = vector.shape_cast %get3A_444 : vector<1x1x16xi32> to vector<16xi32>
    %add3A_446 = arith.addi %mul3A_440, %get3A_445 : vector<16xi32>
    %swap3A_447 = arith.constant 0 : i32
    %swap3A_448 = arith.index_cast %swap3A_447 : i32 to index
    %swap3A_449 = arith.constant 144 : index
    %swap3A_450 = tpu.vector_load %arg17[%swap3A_448, %swap3A_449] {strides = array<i32>} : memref<2x200xi32, #tpu.memory_space<vmem>>, vector<1x16xi32>,
    %swap3A_451 = vector.shape_cast %swap3A_450 : vector<1x16xi32> to vector<16xi32>
    %swap3A_452 = vector.shape_cast %add3A_446 : vector<16xi32> to vector<1x16xi32>
    tpu.vector_store %arg17[%swap3A_448, %swap3A_449], %swap3A_452 {strides = array<i32>} : memref<2x200xi32, #tpu.memory_space<vmem>>, vector<1x16xi32>,
    %get3A_453 = arith.index_cast %rem3A_250 : i32 to index
    %get3A_454 = arith.index_cast %rem3A_253 : i32 to index
    %get3A_455 = arith.constant 160 : index
    %get3A_456 = tpu.vector_load %arg15[%get3A_453, %get3A_454, %get3A_455] {strides = array<i32>} : memref<2x16x200xi32, #tpu.memory_space<vmem>>, vector<1x1x16xi32>,
    %get3A_457 = vector.shape_cast %get3A_456 : vector<1x1x16xi32> to vector<16xi32>
    %mul3A_458 = arith.constant 9 : i32
    %mul3A_459 = vector.broadcast %mul3A_458 : i32 to vector<16xi32>
    %mul3A_460 = arith.muli %get3A_457, %mul3A_459 : vector<16xi32>
    %get3A_461 = arith.index_cast %rem3A_250 : i32 to index
    %get3A_462 = arith.index_cast %rem3A_253 : i32 to index
    %get3A_463 = arith.constant 160 : index
    %get3A_464 = tpu.vector_load %arg16[%get3A_461, %get3A_462, %get3A_463] {strides = array<i32>} : memref<2x16x200xi32, #tpu.memory_space<vmem>>, vector<1x1x16xi32>,
    %get3A_465 = vector.shape_cast %get3A_464 : vector<1x1x16xi32> to vector<16xi32>
    %add3A_466 = arith.addi %mul3A_460, %get3A_465 : vector<16xi32>
    %swap3A_467 = arith.constant 0 : i32
    %swap3A_468 = arith.index_cast %swap3A_467 : i32 to index
    %swap3A_469 = arith.constant 160 : index
    %swap3A_470 = tpu.vector_load %arg17[%swap3A_468, %swap3A_469] {strides = array<i32>} : memref<2x200xi32, #tpu.memory_space<vmem>>, vector<1x16xi32>,
    %swap3A_471 = vector.shape_cast %swap3A_470 : vector<1x16xi32> to vector<16xi32>
    %swap3A_472 = vector.shape_cast %add3A_466 : vector<16xi32> to vector<1x16xi32>
    tpu.vector_store %arg17[%swap3A_468, %swap3A_469], %swap3A_472 {strides = array<i32>} : memref<2x200xi32, #tpu.memory_space<vmem>>, vector<1x16xi32>,
    %get3A_473 = arith.index_cast %rem3A_250 : i32 to index
    %get3A_474 = arith.index_cast %rem3A_253 : i32 to index
    %get3A_475 = arith.constant 176 : index
    %get3A_476 = tpu.vector_load %arg15[%get3A_473, %get3A_474, %get3A_475] {strides = array<i32>} : memref<2x16x200xi32, #tpu.memory_space<vmem>>, vector<1x1x16xi32>,
    %get3A_477 = vector.shape_cast %get3A_476 : vector<1x1x16xi32> to vector<16xi32>
    %mul3A_478 = arith.constant 9 : i32
    %mul3A_479 = vector.broadcast %mul3A_478 : i32 to vector<16xi32>
    %mul3A_480 = arith.muli %get3A_477, %mul3A_479 : vector<16xi32>
    %get3A_481 = arith.index_cast %rem3A_250 : i32 to index
    %get3A_482 = arith.index_cast %rem3A_253 : i32 to index
    %get3A_483 = arith.constant 176 : index
    %get3A_484 = tpu.vector_load %arg16[%get3A_481, %get3A_482, %get3A_483] {strides = array<i32>} : memref<2x16x200xi32, #tpu.memory_space<vmem>>, vector<1x1x16xi32>,
    %get3A_485 = vector.shape_cast %get3A_484 : vector<1x1x16xi32> to vector<16xi32>
    %add3A_486 = arith.addi %mul3A_480, %get3A_485 : vector<16xi32>
    %swap3A_487 = arith.constant 0 : i32
    %swap3A_488 = arith.index_cast %swap3A_487 : i32 to index
    %swap3A_489 = arith.constant 176 : index
    %swap3A_490 = tpu.vector_load %arg17[%swap3A_488, %swap3A_489] {strides = array<i32>} : memref<2x200xi32, #tpu.memory_space<vmem>>, vector<1x16xi32>,
    %swap3A_491 = vector.shape_cast %swap3A_490 : vector<1x16xi32> to vector<16xi32>
    %swap3A_492 = vector.shape_cast %add3A_486 : vector<16xi32> to vector<1x16xi32>
    tpu.vector_store %arg17[%swap3A_488, %swap3A_489], %swap3A_492 {strides = array<i32>} : memref<2x200xi32, #tpu.memory_space<vmem>>, vector<1x16xi32>,
    %get3A_493 = arith.index_cast %rem3A_250 : i32 to index
    %get3A_494 = arith.index_cast %rem3A_253 : i32 to index
    %get3A_495 = arith.constant 184 : index
    %get3A_496 = tpu.vector_load %arg15[%get3A_493, %get3A_494, %get3A_495] {strides = array<i32>} : memref<2x16x200xi32, #tpu.memory_space<vmem>>, vector<1x1x16xi32>,
    %get3A_497 = vector.shape_cast %get3A_496 : vector<1x1x16xi32> to vector<16xi32>
    %mul3A_498 = arith.constant 9 : i32
    %mul3A_499 = vector.broadcast %mul3A_498 : i32 to vector<16xi32>
    %mul3A_500 = arith.muli %get3A_497, %mul3A_499 : vector<16xi32>
    %get3A_501 = arith.index_cast %rem3A_250 : i32 to index
    %get3A_502 = arith.index_cast %rem3A_253 : i32 to index
    %get3A_503 = arith.constant 184 : index
    %get3A_504 = tpu.vector_load %arg16[%get3A_501, %get3A_502, %get3A_503] {strides = array<i32>} : memref<2x16x200xi32, #tpu.memory_space<vmem>>, vector<1x1x16xi32>,
    %get3A_505 = vector.shape_cast %get3A_504 : vector<1x1x16xi32> to vector<16xi32>
    %add3A_506 = arith.addi %mul3A_500, %get3A_505 : vector<16xi32>
    %swap3A_507 = arith.constant 0 : i32
    %swap3A_508 = arith.index_cast %swap3A_507 : i32 to index
    %swap3A_509 = arith.constant 184 : index
    %swap3A_510 = tpu.vector_load %arg17[%swap3A_508, %swap3A_509] {strides = array<i32>} : memref<2x200xi32, #tpu.memory_space<vmem>>, vector<1x16xi32>,
    %swap3A_511 = vector.shape_cast %swap3A_510 : vector<1x16xi32> to vector<16xi32>
    %swap3A_512 = vector.shape_cast %add3A_506 : vector<16xi32> to vector<1x16xi32>
    tpu.vector_store %arg17[%swap3A_508, %swap3A_509], %swap3A_512 {strides = array<i32>} : memref<2x200xi32, #tpu.memory_space<vmem>>, vector<1x16xi32>,
    %rem3A_513 = arith.constant 0 : i32
    %rem3A_514 = arith.constant 2 : i32
    %rem3A_515 = arith.remsi %rem3A_513, %rem3A_514 : i32
    %rem3A_516 = arith.constant 0 : i32
    %rem3A_517 = arith.constant 16 : i32
    %rem3A_518 = arith.remsi %rem3A_516, %rem3A_517 : i32
    %dma_start3A_519 = arith.constant 0 : i32
    %dma_start3A_520 = arith.constant 0 : i32
    %dma_start3A_521 = arith.constant 0 : i32
    %dma_start3A_522 = tpu.memref_slice %arg18[%dma_start3A_519, %dma_start3A_520, %dma_start3A_521] : memref<2x200x64xf32, #tpu.memory_space<vmem>> -> memref<1x104x64xf32, #tpu.memory_space<vmem>>
    %dma_start3A_523 = tpu.memref_squeeze %dma_start3A_522 : memref<1x104x64xf32, #tpu.memory_space<vmem>> -> memref<104x64xf32, #tpu.memory_space<vmem>>
    %dma_start3A_524 = arith.constant 0 : i32
    %dma_start3A_525 = tpu.memref_slice %arg14[%rem3A_515, %rem3A_518, %dma_start3A_524] : memref<2x16x200xi32, #tpu.memory_space<vmem>> -> memref<1x1x104xi32, #tpu.memory_space<vmem>>
    %dma_start3A_526 = tpu.memref_squeeze %dma_start3A_525 : memref<1x1x104xi32, #tpu.memory_space<vmem>> -> memref<104xi32, #tpu.memory_space<vmem>>
    %dma_start3A_527 = arith.constant 0 : i32
    %dma_start3A_528 = arith.constant 0 : i32
    %dma_start3A_529 = tpu.memref_slice %arg6[%dma_start3A_527, %dma_start3A_528] : memref<100001x64xf32, #tpu.memory_space<hbm>> -> memref<100001x64xf32, #tpu.memory_space<hbm>>
    tpu.enqueue_indirect_dma source(%dma_start3A_529 : memref<100001x64xf32, #tpu.memory_space<hbm>>) target(%dma_start3A_523 : memref<104x64xf32, #tpu.memory_space<vmem>>) offsets(%dma_start3A_526 : memref<104xi32, #tpu.memory_space<vmem>>) semaphore(%arg21 : memref<!tpu.dma_semaphore, #tpu.memory_space<semaphore_mem>>)
    %dma_start3A_530 = arith.constant 0 : i32
    %dma_start3A_531 = arith.constant 104 : i32
    %dma_start3A_532 = arith.constant 0 : i32
    %dma_start3A_533 = tpu.memref_slice %arg18[%dma_start3A_530, %dma_start3A_531, %dma_start3A_532] : memref<2x200x64xf32, #tpu.memory_space<vmem>> -> memref<1x96x64xf32, #tpu.memory_space<vmem>>
    %dma_start3A_534 = tpu.memref_squeeze %dma_start3A_533 : memref<1x96x64xf32, #tpu.memory_space<vmem>> -> memref<96x64xf32, #tpu.memory_space<vmem>>
    %dma_start3A_535 = arith.constant 104 : i32
    %dma_start3A_536 = tpu.memref_slice %arg14[%rem3A_515, %rem3A_518, %dma_start3A_535] : memref<2x16x200xi32, #tpu.memory_space<vmem>> -> memref<1x1x96xi32, #tpu.memory_space<vmem>>
    %dma_start3A_537 = tpu.memref_squeeze %dma_start3A_536 : memref<1x1x96xi32, #tpu.memory_space<vmem>> -> memref<96xi32, #tpu.memory_space<vmem>>
    %dma_start3A_538 = arith.constant 0 : i32
    %dma_start3A_539 = arith.constant 0 : i32
    %dma_start3A_540 = tpu.memref_slice %arg6[%dma_start3A_538, %dma_start3A_539] : memref<100001x64xf32, #tpu.memory_space<hbm>> -> memref<100001x64xf32, #tpu.memory_space<hbm>>
    tpu.enqueue_indirect_dma source(%dma_start3A_540 : memref<100001x64xf32, #tpu.memory_space<hbm>>) target(%dma_start3A_534 : memref<96x64xf32, #tpu.memory_space<vmem>>) offsets(%dma_start3A_537 : memref<96xi32, #tpu.memory_space<vmem>>) semaphore(%arg21 : memref<!tpu.dma_semaphore, #tpu.memory_space<semaphore_mem>>)
    %dma_start3A_541 = arith.constant 0 : i32
    %dma_start3A_542 = arith.constant 0 : i32
    %dma_start3A_543 = arith.constant 0 : i32
    %dma_start3A_544 = arith.constant 0 : i32
    %dma_start3A_545 = tpu.memref_slice %arg19[%dma_start3A_542, %dma_start3A_543, %dma_start3A_544] : memref<2x200x64xf32, #tpu.memory_space<vmem>> -> memref<1x104x64xf32, #tpu.memory_space<vmem>>
    %dma_start3A_546 = tpu.memref_squeeze %dma_start3A_545 : memref<1x104x64xf32, #tpu.memory_space<vmem>> -> memref<104x64xf32, #tpu.memory_space<vmem>>
    %dma_start3A_547 = arith.constant 0 : i32
    %dma_start3A_548 = tpu.memref_slice %arg17[%dma_start3A_541, %dma_start3A_547] : memref<2x200xi32, #tpu.memory_space<vmem>> -> memref<1x104xi32, #tpu.memory_space<vmem>>
    %dma_start3A_549 = tpu.memref_squeeze %dma_start3A_548 : memref<1x104xi32, #tpu.memory_space<vmem>> -> memref<104xi32, #tpu.memory_space<vmem>>
    %dma_start3A_550 = arith.constant 0 : i32
    %dma_start3A_551 = arith.constant 0 : i32
    %dma_start3A_552 = tpu.memref_slice %arg10[%dma_start3A_550, %dma_start3A_551] : memref<3744x64xf32, #tpu.memory_space<vmem_shared>> -> memref<3744x64xf32, #tpu.memory_space<vmem_shared>>
    tpu.enqueue_indirect_dma source(%dma_start3A_552 : memref<3744x64xf32, #tpu.memory_space<vmem_shared>>) target(%dma_start3A_546 : memref<104x64xf32, #tpu.memory_space<vmem>>) offsets(%dma_start3A_549 : memref<104xi32, #tpu.memory_space<vmem>>) semaphore(%arg23 : memref<!tpu.dma_semaphore, #tpu.memory_space<semaphore_mem>>)
    %dma_start3A_553 = arith.constant 0 : i32
    %dma_start3A_554 = arith.constant 0 : i32
    %dma_start3A_555 = arith.constant 104 : i32
    %dma_start3A_556 = arith.constant 0 : i32
    %dma_start3A_557 = tpu.memref_slice %arg19[%dma_start3A_554, %dma_start3A_555, %dma_start3A_556] : memref<2x200x64xf32, #tpu.memory_space<vmem>> -> memref<1x96x64xf32, #tpu.memory_space<vmem>>
    %dma_start3A_558 = tpu.memref_squeeze %dma_start3A_557 : memref<1x96x64xf32, #tpu.memory_space<vmem>> -> memref<96x64xf32, #tpu.memory_space<vmem>>
    %dma_start3A_559 = arith.constant 104 : i32
    %dma_start3A_560 = tpu.memref_slice %arg17[%dma_start3A_553, %dma_start3A_559] : memref<2x200xi32, #tpu.memory_space<vmem>> -> memref<1x96xi32, #tpu.memory_space<vmem>>
    %dma_start3A_561 = tpu.memref_squeeze %dma_start3A_560 : memref<1x96xi32, #tpu.memory_space<vmem>> -> memref<96xi32, #tpu.memory_space<vmem>>
    %dma_start3A_562 = arith.constant 0 : i32
    %dma_start3A_563 = arith.constant 0 : i32
    %dma_start3A_564 = tpu.memref_slice %arg10[%dma_start3A_562, %dma_start3A_563] : memref<3744x64xf32, #tpu.memory_space<vmem_shared>> -> memref<3744x64xf32, #tpu.memory_space<vmem_shared>>
    tpu.enqueue_indirect_dma source(%dma_start3A_564 : memref<3744x64xf32, #tpu.memory_space<vmem_shared>>) target(%dma_start3A_558 : memref<96x64xf32, #tpu.memory_space<vmem>>) offsets(%dma_start3A_561 : memref<96xi32, #tpu.memory_space<vmem>>) semaphore(%arg23 : memref<!tpu.dma_semaphore, #tpu.memory_space<semaphore_mem>>)
    %scan3A_565 = arith.constant 0 : i32
    %scan3A_566 = arith.constant 0 : i32
    %scan3A_567 = arith.constant 64 : i32
    %scan3A_568 = arith.addi %scan3A_566, %scan3A_567 : i32
    %scan3A_569 = arith.constant 1 : i32
    scf.for %scan3A_604 = %scan3A_566 to %scan3A_568 step %scan3A_569  : i32 {
      %mul3A_605 = arith.constant 2 : i32
      %mul3A_606 = arith.muli %mul3A_605, %scan3A_604 : i32
      %add3A_607 = arith.constant 0 : i32
      %add3A_608 = arith.addi %mul3A_606, %add3A_607 : i32
      %jit3A = arith.constant 16 : i32
      %div3A = arith.divsi %add3A_608, %jit3A : i32
      %sign3A = arith.constant 0 : i32
      %sign3A_609 = arith.cmpi sgt, %add3A_608, %sign3A : i32
      %sign3A_610 = arith.extui %sign3A_609 : i1 to i32
      %sign3A_611 = arith.constant 0 : i32
      %sign3A_612 = arith.cmpi slt, %add3A_608, %sign3A_611 : i32
      %sign3A_613 = arith.extui %sign3A_612 : i1 to i32
      %sign3A_614 = arith.subi %sign3A_610, %sign3A_613 : i32
      %sign3A_615 = arith.constant 0 : i32
      %sign3A_616 = arith.cmpi sgt, %jit3A, %sign3A_615 : i32
      %sign3A_617 = arith.extui %sign3A_616 : i1 to i32
      %sign3A_618 = arith.constant 0 : i32
      %sign3A_619 = arith.cmpi slt, %jit3A, %sign3A_618 : i32
      %sign3A_620 = arith.extui %sign3A_619 : i1 to i32
      %sign3A_621 = arith.subi %sign3A_617, %sign3A_620 : i32
      %ne3A = arith.cmpi ne, %sign3A_614, %sign3A_621 : i32
      %rem3A_622 = arith.remsi %add3A_608, %jit3A : i32
      %ne3A_623 = arith.constant 0 : i32
      %ne3A_624 = arith.cmpi ne, %rem3A_622, %ne3A_623 : i32
      %and3A = arith.andi %ne3A, %ne3A_624 : i1
      %sub3A = arith.constant 1 : i32
      %sub3A_625 = arith.subi %div3A, %sub3A : i32
      %select_n3A = arith.select %and3A, %sub3A_625, %div3A : i32
      %rem3A_626 = arith.constant 2 : i32
      %rem3A_627 = arith.remsi %select_n3A, %rem3A_626 : i32
      %rem3A_628 = arith.constant 16 : i32
      %rem3A_629 = arith.remsi %add3A_608, %rem3A_628 : i32
      %dma_wait3A_630 = arith.constant 0 : i32
      %dma_wait3A_631 = arith.constant 0 : i32
      %dma_wait3A_632 = arith.constant 0 : i32
      %dma_wait3A_633 = tpu.memref_slice %arg18[%dma_wait3A_630, %dma_wait3A_631, %dma_wait3A_632] : memref<2x200x64xf32, #tpu.memory_space<vmem>> -> memref<1x104x64xf32, #tpu.memory_space<vmem>>
      %dma_wait3A_634 = tpu.memref_squeeze %dma_wait3A_633 : memref<1x104x64xf32, #tpu.memory_space<vmem>> -> memref<104x64xf32, #tpu.memory_space<vmem>>
      %dma_wait3A_635 = arith.constant 0 : i32
      %dma_wait3A_636 = tpu.memref_slice %arg14[%rem3A_627, %rem3A_629, %dma_wait3A_635] : memref<2x16x200xi32, #tpu.memory_space<vmem>> -> memref<1x1x104xi32, #tpu.memory_space<vmem>>
      %dma_wait3A_637 = tpu.memref_squeeze %dma_wait3A_636 : memref<1x1x104xi32, #tpu.memory_space<vmem>> -> memref<104xi32, #tpu.memory_space<vmem>>
      %dma_wait3A_638 = arith.constant 0 : i32
      %dma_wait3A_639 = arith.constant 0 : i32
      %dma_wait3A_640 = tpu.memref_slice %arg6[%dma_wait3A_638, %dma_wait3A_639] : memref<100001x64xf32, #tpu.memory_space<hbm>> -> memref<100001x64xf32, #tpu.memory_space<hbm>>
      tpu.wait_indirect_dma semaphore(%arg21 : memref<!tpu.dma_semaphore, #tpu.memory_space<semaphore_mem>>) src(%dma_wait3A_640 : memref<100001x64xf32, #tpu.memory_space<hbm>>) dst(%dma_wait3A_634 : memref<104x64xf32, #tpu.memory_space<vmem>>)
      %dma_wait3A_641 = arith.constant 0 : i32
      %dma_wait3A_642 = arith.constant 104 : i32
      %dma_wait3A_643 = arith.constant 0 : i32
      %dma_wait3A_644 = tpu.memref_slice %arg18[%dma_wait3A_641, %dma_wait3A_642, %dma_wait3A_643] : memref<2x200x64xf32, #tpu.memory_space<vmem>> -> memref<1x96x64xf32, #tpu.memory_space<vmem>>
      %dma_wait3A_645 = tpu.memref_squeeze %dma_wait3A_644 : memref<1x96x64xf32, #tpu.memory_space<vmem>> -> memref<96x64xf32, #tpu.memory_space<vmem>>
      %dma_wait3A_646 = arith.constant 104 : i32
      %dma_wait3A_647 = tpu.memref_slice %arg14[%rem3A_627, %rem3A_629, %dma_wait3A_646] : memref<2x16x200xi32, #tpu.memory_space<vmem>> -> memref<1x1x96xi32, #tpu.memory_space<vmem>>
      %dma_wait3A_648 = tpu.memref_squeeze %dma_wait3A_647 : memref<1x1x96xi32, #tpu.memory_space<vmem>> -> memref<96xi32, #tpu.memory_space<vmem>>
      %dma_wait3A_649 = arith.constant 0 : i32
      %dma_wait3A_650 = arith.constant 0 : i32
      %dma_wait3A_651 = tpu.memref_slice %arg6[%dma_wait3A_649, %dma_wait3A_650] : memref<100001x64xf32, #tpu.memory_space<hbm>> -> memref<100001x64xf32, #tpu.memory_space<hbm>>
      tpu.wait_indirect_dma semaphore(%arg21 : memref<!tpu.dma_semaphore, #tpu.memory_space<semaphore_mem>>) src(%dma_wait3A_651 : memref<100001x64xf32, #tpu.memory_space<hbm>>) dst(%dma_wait3A_645 : memref<96x64xf32, #tpu.memory_space<vmem>>)
      %dma_wait3A_652 = arith.constant 0 : i32
      %dma_wait3A_653 = arith.constant 0 : i32
      %dma_wait3A_654 = arith.constant 0 : i32
      %dma_wait3A_655 = arith.constant 0 : i32
      %dma_wait3A_656 = tpu.memref_slice %arg19[%dma_wait3A_653, %dma_wait3A_654, %dma_wait3A_655] : memref<2x200x64xf32, #tpu.memory_space<vmem>> -> memref<1x104x64xf32, #tpu.memory_space<vmem>>
      %dma_wait3A_657 = tpu.memref_squeeze %dma_wait3A_656 : memref<1x104x64xf32, #tpu.memory_space<vmem>> -> memref<104x64xf32, #tpu.memory_space<vmem>>
      %dma_wait3A_658 = arith.constant 0 : i32
      %dma_wait3A_659 = tpu.memref_slice %arg17[%dma_wait3A_652, %dma_wait3A_658] : memref<2x200xi32, #tpu.memory_space<vmem>> -> memref<1x104xi32, #tpu.memory_space<vmem>>
      %dma_wait3A_660 = tpu.memref_squeeze %dma_wait3A_659 : memref<1x104xi32, #tpu.memory_space<vmem>> -> memref<104xi32, #tpu.memory_space<vmem>>
      %dma_wait3A_661 = arith.constant 0 : i32
      %dma_wait3A_662 = arith.constant 0 : i32
      %dma_wait3A_663 = tpu.memref_slice %arg10[%dma_wait3A_661, %dma_wait3A_662] : memref<3744x64xf32, #tpu.memory_space<vmem_shared>> -> memref<3744x64xf32, #tpu.memory_space<vmem_shared>>
      tpu.wait_indirect_dma semaphore(%arg23 : memref<!tpu.dma_semaphore, #tpu.memory_space<semaphore_mem>>) src(%dma_wait3A_663 : memref<3744x64xf32, #tpu.memory_space<vmem_shared>>) dst(%dma_wait3A_657 : memref<104x64xf32, #tpu.memory_space<vmem>>)
      %dma_wait3A_664 = arith.constant 0 : i32
      %dma_wait3A_665 = arith.constant 0 : i32
      %dma_wait3A_666 = arith.constant 104 : i32
      %dma_wait3A_667 = arith.constant 0 : i32
      %dma_wait3A_668 = tpu.memref_slice %arg19[%dma_wait3A_665, %dma_wait3A_666, %dma_wait3A_667] : memref<2x200x64xf32, #tpu.memory_space<vmem>> -> memref<1x96x64xf32, #tpu.memory_space<vmem>>
      %dma_wait3A_669 = tpu.memref_squeeze %dma_wait3A_668 : memref<1x96x64xf32, #tpu.memory_space<vmem>> -> memref<96x64xf32, #tpu.memory_space<vmem>>
      %dma_wait3A_670 = arith.constant 104 : i32
      %dma_wait3A_671 = tpu.memref_slice %arg17[%dma_wait3A_664, %dma_wait3A_670] : memref<2x200xi32, #tpu.memory_space<vmem>> -> memref<1x96xi32, #tpu.memory_space<vmem>>
      %dma_wait3A_672 = tpu.memref_squeeze %dma_wait3A_671 : memref<1x96xi32, #tpu.memory_space<vmem>> -> memref<96xi32, #tpu.memory_space<vmem>>
      %dma_wait3A_673 = arith.constant 0 : i32
      %dma_wait3A_674 = arith.constant 0 : i32
      %dma_wait3A_675 = tpu.memref_slice %arg10[%dma_wait3A_673, %dma_wait3A_674] : memref<3744x64xf32, #tpu.memory_space<vmem_shared>> -> memref<3744x64xf32, #tpu.memory_space<vmem_shared>>
      tpu.wait_indirect_dma semaphore(%arg23 : memref<!tpu.dma_semaphore, #tpu.memory_space<semaphore_mem>>) src(%dma_wait3A_675 : memref<3744x64xf32, #tpu.memory_space<vmem_shared>>) dst(%dma_wait3A_669 : memref<96x64xf32, #tpu.memory_space<vmem>>)
      %add3A_676 = arith.constant 1 : i32
      %add3A_677 = arith.addi %add3A_608, %add3A_676 : i32
      %lt3A = arith.constant 128 : i32
      %lt3A_678 = arith.cmpi slt, %add3A_677, %lt3A : i32
      %convert_element_type3A = arith.extui %lt3A_678 : i1 to i32
      %cond3A = arith.constant 0 : i32
      %cond3A_679 = arith.cmpi ne, %convert_element_type3A, %cond3A : i32
      scf.if %cond3A_679 {
        %rem3A_850 = arith.constant 16 : i32
        %rem3A_851 = arith.remsi %add3A_677, %rem3A_850 : i32
        %eq3A = arith.constant 0 : i32
        %eq3A_852 = arith.cmpi eq, %rem3A_851, %eq3A : i32
        %convert_element_type3A_853 = arith.extui %eq3A_852 : i1 to i32
        %cond3A_854 = arith.constant 0 : i32
        %cond3A_855 = arith.cmpi ne, %convert_element_type3A_853, %cond3A_854 : i32
        scf.if %cond3A_855 {
          %jit3A_1254 = arith.constant 16 : i32
          %div3A_1255 = arith.divsi %add3A_677, %jit3A_1254 : i32
          %sign3A_1256 = arith.constant 0 : i32
          %sign3A_1257 = arith.cmpi sgt, %add3A_677, %sign3A_1256 : i32
          %sign3A_1258 = arith.extui %sign3A_1257 : i1 to i32
          %sign3A_1259 = arith.constant 0 : i32
          %sign3A_1260 = arith.cmpi slt, %add3A_677, %sign3A_1259 : i32
          %sign3A_1261 = arith.extui %sign3A_1260 : i1 to i32
          %sign3A_1262 = arith.subi %sign3A_1258, %sign3A_1261 : i32
          %sign3A_1263 = arith.constant 0 : i32
          %sign3A_1264 = arith.cmpi sgt, %jit3A_1254, %sign3A_1263 : i32
          %sign3A_1265 = arith.extui %sign3A_1264 : i1 to i32
          %sign3A_1266 = arith.constant 0 : i32
          %sign3A_1267 = arith.cmpi slt, %jit3A_1254, %sign3A_1266 : i32
          %sign3A_1268 = arith.extui %sign3A_1267 : i1 to i32
          %sign3A_1269 = arith.subi %sign3A_1265, %sign3A_1268 : i32
          %ne3A_1270 = arith.cmpi ne, %sign3A_1262, %sign3A_1269 : i32
          %rem3A_1271 = arith.remsi %add3A_677, %jit3A_1254 : i32
          %ne3A_1272 = arith.constant 0 : i32
          %ne3A_1273 = arith.cmpi ne, %rem3A_1271, %ne3A_1272 : i32
          %and3A_1274 = arith.andi %ne3A_1270, %ne3A_1273 : i1
          %sub3A_1275 = arith.constant 1 : i32
          %sub3A_1276 = arith.subi %div3A_1255, %sub3A_1275 : i32
          %select_n3A_1277 = arith.select %and3A_1274, %sub3A_1276, %div3A_1255 : i32
          %mul3A_1278 = arith.constant 16 : i32
          %mul3A_1279 = arith.muli %select_n3A_1277, %mul3A_1278 : i32
          %add3A_1280 = arith.addi %mul3A_2, %mul3A_1279 : i32
          %rem3A_1281 = arith.constant 2 : i32
          %rem3A_1282 = arith.remsi %select_n3A_1277, %rem3A_1281 : i32
          %dma_wait3A_1283 = arith.constant 0 : i32
          %dma_wait3A_1284 = arith.constant 0 : i32
          %dma_wait3A_1285 = tpu.memref_slice %arg14[%rem3A_1282, %dma_wait3A_1283, %dma_wait3A_1284] : memref<2x16x200xi32, #tpu.memory_space<vmem>> -> memref<1x16x200xi32, #tpu.memory_space<vmem>>
          %dma_wait3A_1286 = tpu.memref_squeeze %dma_wait3A_1285 : memref<1x16x200xi32, #tpu.memory_space<vmem>> -> memref<16x200xi32, #tpu.memory_space<vmem>>
          %dma_wait3A_1287 = arith.constant 0 : i32
          %dma_wait3A_1288 = tpu.memref_slice %arg2[%add3A_1280, %dma_wait3A_1287] : memref<4096x200xi32, #tpu.memory_space<hbm>> -> memref<16x200xi32, #tpu.memory_space<hbm>>
          %dma_wait3A_1289 = arith.constant 0 : i32
          %dma_wait3A_1290 = arith.constant 0 : i32
          %dma_wait3A_1291 = tpu.memref_slice %arg14[%rem3A_1282, %dma_wait3A_1289, %dma_wait3A_1290] : memref<2x16x200xi32, #tpu.memory_space<vmem>> -> memref<1x16x200xi32, #tpu.memory_space<vmem>>
          %dma_wait3A_1292 = tpu.memref_squeeze %dma_wait3A_1291 : memref<1x16x200xi32, #tpu.memory_space<vmem>> -> memref<16x200xi32, #tpu.memory_space<vmem>>
          %dma_wait3A_1293 = arith.constant 0 : i32
          %dma_wait3A_1294 = tpu.memref_slice %arg2[%add3A_1280, %dma_wait3A_1293] : memref<4096x200xi32, #tpu.memory_space<hbm>> -> memref<16x200xi32, #tpu.memory_space<hbm>>
          tpu.wait_dma2 semaphore(%arg27 : memref<!tpu.dma_semaphore, #tpu.memory_space<semaphore_mem>>) src(%dma_wait3A_1294 : memref<16x200xi32, #tpu.memory_space<hbm>>) dst(%dma_wait3A_1292 : memref<16x200xi32, #tpu.memory_space<vmem>>)
          %dma_wait3A_1295 = arith.constant 0 : i32
          %dma_wait3A_1296 = arith.constant 0 : i32
          %dma_wait3A_1297 = tpu.memref_slice %arg15[%rem3A_1282, %dma_wait3A_1295, %dma_wait3A_1296] : memref<2x16x200xi32, #tpu.memory_space<vmem>> -> memref<1x16x200xi32, #tpu.memory_space<vmem>>
          %dma_wait3A_1298 = tpu.memref_squeeze %dma_wait3A_1297 : memref<1x16x200xi32, #tpu.memory_space<vmem>> -> memref<16x200xi32, #tpu.memory_space<vmem>>
          %dma_wait3A_1299 = arith.constant 0 : i32
          %dma_wait3A_1300 = tpu.memref_slice %arg3[%add3A_1280, %dma_wait3A_1299] : memref<4096x200xi32, #tpu.memory_space<hbm>> -> memref<16x200xi32, #tpu.memory_space<hbm>>
          %dma_wait3A_1301 = arith.constant 0 : i32
          %dma_wait3A_1302 = arith.constant 0 : i32
          %dma_wait3A_1303 = tpu.memref_slice %arg15[%rem3A_1282, %dma_wait3A_1301, %dma_wait3A_1302] : memref<2x16x200xi32, #tpu.memory_space<vmem>> -> memref<1x16x200xi32, #tpu.memory_space<vmem>>
          %dma_wait3A_1304 = tpu.memref_squeeze %dma_wait3A_1303 : memref<1x16x200xi32, #tpu.memory_space<vmem>> -> memref<16x200xi32, #tpu.memory_space<vmem>>
          %dma_wait3A_1305 = arith.constant 0 : i32
          %dma_wait3A_1306 = tpu.memref_slice %arg3[%add3A_1280, %dma_wait3A_1305] : memref<4096x200xi32, #tpu.memory_space<hbm>> -> memref<16x200xi32, #tpu.memory_space<hbm>>
          tpu.wait_dma2 semaphore(%arg27 : memref<!tpu.dma_semaphore, #tpu.memory_space<semaphore_mem>>) src(%dma_wait3A_1306 : memref<16x200xi32, #tpu.memory_space<hbm>>) dst(%dma_wait3A_1304 : memref<16x200xi32, #tpu.memory_space<vmem>>)
          %dma_wait3A_1307 = arith.constant 0 : i32
          %dma_wait3A_1308 = arith.constant 0 : i32
          %dma_wait3A_1309 = tpu.memref_slice %arg16[%rem3A_1282, %dma_wait3A_1307, %dma_wait3A_1308] : memref<2x16x200xi32, #tpu.memory_space<vmem>> -> memref<1x16x200xi32, #tpu.memory_space<vmem>>
          %dma_wait3A_1310 = tpu.memref_squeeze %dma_wait3A_1309 : memref<1x16x200xi32, #tpu.memory_space<vmem>> -> memref<16x200xi32, #tpu.memory_space<vmem>>
          %dma_wait3A_1311 = arith.constant 0 : i32
          %dma_wait3A_1312 = tpu.memref_slice %arg4[%add3A_1280, %dma_wait3A_1311] : memref<4096x200xi32, #tpu.memory_space<hbm>> -> memref<16x200xi32, #tpu.memory_space<hbm>>
          %dma_wait3A_1313 = arith.constant 0 : i32
          %dma_wait3A_1314 = arith.constant 0 : i32
          %dma_wait3A_1315 = tpu.memref_slice %arg16[%rem3A_1282, %dma_wait3A_1313, %dma_wait3A_1314] : memref<2x16x200xi32, #tpu.memory_space<vmem>> -> memref<1x16x200xi32, #tpu.memory_space<vmem>>
          %dma_wait3A_1316 = tpu.memref_squeeze %dma_wait3A_1315 : memref<1x16x200xi32, #tpu.memory_space<vmem>> -> memref<16x200xi32, #tpu.memory_space<vmem>>
          %dma_wait3A_1317 = arith.constant 0 : i32
          %dma_wait3A_1318 = tpu.memref_slice %arg4[%add3A_1280, %dma_wait3A_1317] : memref<4096x200xi32, #tpu.memory_space<hbm>> -> memref<16x200xi32, #tpu.memory_space<hbm>>
          tpu.wait_dma2 semaphore(%arg27 : memref<!tpu.dma_semaphore, #tpu.memory_space<semaphore_mem>>) src(%dma_wait3A_1318 : memref<16x200xi32, #tpu.memory_space<hbm>>) dst(%dma_wait3A_1316 : memref<16x200xi32, #tpu.memory_space<vmem>>)
        } else {
        }
        %jit3A_856 = arith.constant 16 : i32
        %div3A_857 = arith.divsi %add3A_677, %jit3A_856 : i32
        %sign3A_858 = arith.constant 0 : i32
        %sign3A_859 = arith.cmpi sgt, %add3A_677, %sign3A_858 : i32
        %sign3A_860 = arith.extui %sign3A_859 : i1 to i32
        %sign3A_861 = arith.constant 0 : i32
        %sign3A_862 = arith.cmpi slt, %add3A_677, %sign3A_861 : i32
        %sign3A_863 = arith.extui %sign3A_862 : i1 to i32
        %sign3A_864 = arith.subi %sign3A_860, %sign3A_863 : i32
        %sign3A_865 = arith.constant 0 : i32
        %sign3A_866 = arith.cmpi sgt, %jit3A_856, %sign3A_865 : i32
        %sign3A_867 = arith.extui %sign3A_866 : i1 to i32
        %sign3A_868 = arith.constant 0 : i32
        %sign3A_869 = arith.cmpi slt, %jit3A_856, %sign3A_868 : i32
        %sign3A_870 = arith.extui %sign3A_869 : i1 to i32
        %sign3A_871 = arith.subi %sign3A_867, %sign3A_870 : i32
        %ne3A_872 = arith.cmpi ne, %sign3A_864, %sign3A_871 : i32
        %rem3A_873 = arith.remsi %add3A_677, %jit3A_856 : i32
        %ne3A_874 = arith.constant 0 : i32
        %ne3A_875 = arith.cmpi ne, %rem3A_873, %ne3A_874 : i32
        %and3A_876 = arith.andi %ne3A_872, %ne3A_875 : i1
        %sub3A_877 = arith.constant 1 : i32
        %sub3A_878 = arith.subi %div3A_857, %sub3A_877 : i32
        %select_n3A_879 = arith.select %and3A_876, %sub3A_878, %div3A_857 : i32
        %rem3A_880 = arith.constant 2 : i32
        %rem3A_881 = arith.remsi %select_n3A_879, %rem3A_880 : i32
        %rem3A_882 = arith.constant 16 : i32
        %rem3A_883 = arith.remsi %add3A_677, %rem3A_882 : i32
        %get3A_884 = arith.index_cast %rem3A_881 : i32 to index
        %get3A_885 = arith.index_cast %rem3A_883 : i32 to index
        %get3A_886 = arith.constant 0 : index
        %get3A_887 = tpu.vector_load %arg15[%get3A_884, %get3A_885, %get3A_886] {strides = array<i32>} : memref<2x16x200xi32, #tpu.memory_space<vmem>>, vector<1x1x16xi32>,
        %get3A_888 = vector.shape_cast %get3A_887 : vector<1x1x16xi32> to vector<16xi32>
        %mul3A_889 = arith.constant 9 : i32
        %mul3A_890 = vector.broadcast %mul3A_889 : i32 to vector<16xi32>
        %mul3A_891 = arith.muli %get3A_888, %mul3A_890 : vector<16xi32>
        %get3A_892 = arith.index_cast %rem3A_881 : i32 to index
        %get3A_893 = arith.index_cast %rem3A_883 : i32 to index
        %get3A_894 = arith.constant 0 : index
        %get3A_895 = tpu.vector_load %arg16[%get3A_892, %get3A_893, %get3A_894] {strides = array<i32>} : memref<2x16x200xi32, #tpu.memory_space<vmem>>, vector<1x1x16xi32>,
        %get3A_896 = vector.shape_cast %get3A_895 : vector<1x1x16xi32> to vector<16xi32>
        %add3A_897 = arith.addi %mul3A_891, %get3A_896 : vector<16xi32>
        %swap3A_898 = arith.constant 1 : i32
        %swap3A_899 = arith.index_cast %swap3A_898 : i32 to index
        %swap3A_900 = arith.constant 0 : index
        %swap3A_901 = tpu.vector_load %arg17[%swap3A_899, %swap3A_900] {strides = array<i32>} : memref<2x200xi32, #tpu.memory_space<vmem>>, vector<1x16xi32>,
        %swap3A_902 = vector.shape_cast %swap3A_901 : vector<1x16xi32> to vector<16xi32>
        %swap3A_903 = vector.shape_cast %add3A_897 : vector<16xi32> to vector<1x16xi32>
        tpu.vector_store %arg17[%swap3A_899, %swap3A_900], %swap3A_903 {strides = array<i32>} : memref<2x200xi32, #tpu.memory_space<vmem>>, vector<1x16xi32>,
        %get3A_904 = arith.index_cast %rem3A_881 : i32 to index
        %get3A_905 = arith.index_cast %rem3A_883 : i32 to index
        %get3A_906 = arith.constant 16 : index
        %get3A_907 = tpu.vector_load %arg15[%get3A_904, %get3A_905, %get3A_906] {strides = array<i32>} : memref<2x16x200xi32, #tpu.memory_space<vmem>>, vector<1x1x16xi32>,
        %get3A_908 = vector.shape_cast %get3A_907 : vector<1x1x16xi32> to vector<16xi32>
        %mul3A_909 = arith.constant 9 : i32
        %mul3A_910 = vector.broadcast %mul3A_909 : i32 to vector<16xi32>
        %mul3A_911 = arith.muli %get3A_908, %mul3A_910 : vector<16xi32>
        %get3A_912 = arith.index_cast %rem3A_881 : i32 to index
        %get3A_913 = arith.index_cast %rem3A_883 : i32 to index
        %get3A_914 = arith.constant 16 : index
        %get3A_915 = tpu.vector_load %arg16[%get3A_912, %get3A_913, %get3A_914] {strides = array<i32>} : memref<2x16x200xi32, #tpu.memory_space<vmem>>, vector<1x1x16xi32>,
        %get3A_916 = vector.shape_cast %get3A_915 : vector<1x1x16xi32> to vector<16xi32>
        %add3A_917 = arith.addi %mul3A_911, %get3A_916 : vector<16xi32>
        %swap3A_918 = arith.constant 1 : i32
        %swap3A_919 = arith.index_cast %swap3A_918 : i32 to index
        %swap3A_920 = arith.constant 16 : index
        %swap3A_921 = tpu.vector_load %arg17[%swap3A_919, %swap3A_920] {strides = array<i32>} : memref<2x200xi32, #tpu.memory_space<vmem>>, vector<1x16xi32>,
        %swap3A_922 = vector.shape_cast %swap3A_921 : vector<1x16xi32> to vector<16xi32>
        %swap3A_923 = vector.shape_cast %add3A_917 : vector<16xi32> to vector<1x16xi32>
        tpu.vector_store %arg17[%swap3A_919, %swap3A_920], %swap3A_923 {strides = array<i32>} : memref<2x200xi32, #tpu.memory_space<vmem>>, vector<1x16xi32>,
        %get3A_924 = arith.index_cast %rem3A_881 : i32 to index
        %get3A_925 = arith.index_cast %rem3A_883 : i32 to index
        %get3A_926 = arith.constant 32 : index
        %get3A_927 = tpu.vector_load %arg15[%get3A_924, %get3A_925, %get3A_926] {strides = array<i32>} : memref<2x16x200xi32, #tpu.memory_space<vmem>>, vector<1x1x16xi32>,
        %get3A_928 = vector.shape_cast %get3A_927 : vector<1x1x16xi32> to vector<16xi32>
        %mul3A_929 = arith.constant 9 : i32
        %mul3A_930 = vector.broadcast %mul3A_929 : i32 to vector<16xi32>
        %mul3A_931 = arith.muli %get3A_928, %mul3A_930 : vector<16xi32>
        %get3A_932 = arith.index_cast %rem3A_881 : i32 to index
        %get3A_933 = arith.index_cast %rem3A_883 : i32 to index
        %get3A_934 = arith.constant 32 : index
        %get3A_935 = tpu.vector_load %arg16[%get3A_932, %get3A_933, %get3A_934] {strides = array<i32>} : memref<2x16x200xi32, #tpu.memory_space<vmem>>, vector<1x1x16xi32>,
        %get3A_936 = vector.shape_cast %get3A_935 : vector<1x1x16xi32> to vector<16xi32>
        %add3A_937 = arith.addi %mul3A_931, %get3A_936 : vector<16xi32>
        %swap3A_938 = arith.constant 1 : i32
        %swap3A_939 = arith.index_cast %swap3A_938 : i32 to index
        %swap3A_940 = arith.constant 32 : index
        %swap3A_941 = tpu.vector_load %arg17[%swap3A_939, %swap3A_940] {strides = array<i32>} : memref<2x200xi32, #tpu.memory_space<vmem>>, vector<1x16xi32>,
        %swap3A_942 = vector.shape_cast %swap3A_941 : vector<1x16xi32> to vector<16xi32>
        %swap3A_943 = vector.shape_cast %add3A_937 : vector<16xi32> to vector<1x16xi32>
        tpu.vector_store %arg17[%swap3A_939, %swap3A_940], %swap3A_943 {strides = array<i32>} : memref<2x200xi32, #tpu.memory_space<vmem>>, vector<1x16xi32>,
        %get3A_944 = arith.index_cast %rem3A_881 : i32 to index
        %get3A_945 = arith.index_cast %rem3A_883 : i32 to index
        %get3A_946 = arith.constant 48 : index
        %get3A_947 = tpu.vector_load %arg15[%get3A_944, %get3A_945, %get3A_946] {strides = array<i32>} : memref<2x16x200xi32, #tpu.memory_space<vmem>>, vector<1x1x16xi32>,
        %get3A_948 = vector.shape_cast %get3A_947 : vector<1x1x16xi32> to vector<16xi32>
        %mul3A_949 = arith.constant 9 : i32
        %mul3A_950 = vector.broadcast %mul3A_949 : i32 to vector<16xi32>
        %mul3A_951 = arith.muli %get3A_948, %mul3A_950 : vector<16xi32>
        %get3A_952 = arith.index_cast %rem3A_881 : i32 to index
        %get3A_953 = arith.index_cast %rem3A_883 : i32 to index
        %get3A_954 = arith.constant 48 : index
        %get3A_955 = tpu.vector_load %arg16[%get3A_952, %get3A_953, %get3A_954] {strides = array<i32>} : memref<2x16x200xi32, #tpu.memory_space<vmem>>, vector<1x1x16xi32>,
        %get3A_956 = vector.shape_cast %get3A_955 : vector<1x1x16xi32> to vector<16xi32>
        %add3A_957 = arith.addi %mul3A_951, %get3A_956 : vector<16xi32>
        %swap3A_958 = arith.constant 1 : i32
        %swap3A_959 = arith.index_cast %swap3A_958 : i32 to index
        %swap3A_960 = arith.constant 48 : index
        %swap3A_961 = tpu.vector_load %arg17[%swap3A_959, %swap3A_960] {strides = array<i32>} : memref<2x200xi32, #tpu.memory_space<vmem>>, vector<1x16xi32>,
        %swap3A_962 = vector.shape_cast %swap3A_961 : vector<1x16xi32> to vector<16xi32>
        %swap3A_963 = vector.shape_cast %add3A_957 : vector<16xi32> to vector<1x16xi32>
        tpu.vector_store %arg17[%swap3A_959, %swap3A_960], %swap3A_963 {strides = array<i32>} : memref<2x200xi32, #tpu.memory_space<vmem>>, vector<1x16xi32>,
        %get3A_964 = arith.index_cast %rem3A_881 : i32 to index
        %get3A_965 = arith.index_cast %rem3A_883 : i32 to index
        %get3A_966 = arith.constant 64 : index
        %get3A_967 = tpu.vector_load %arg15[%get3A_964, %get3A_965, %get3A_966] {strides = array<i32>} : memref<2x16x200xi32, #tpu.memory_space<vmem>>, vector<1x1x16xi32>,
        %get3A_968 = vector.shape_cast %get3A_967 : vector<1x1x16xi32> to vector<16xi32>
        %mul3A_969 = arith.constant 9 : i32
        %mul3A_970 = vector.broadcast %mul3A_969 : i32 to vector<16xi32>
        %mul3A_971 = arith.muli %get3A_968, %mul3A_970 : vector<16xi32>
        %get3A_972 = arith.index_cast %rem3A_881 : i32 to index
        %get3A_973 = arith.index_cast %rem3A_883 : i32 to index
        %get3A_974 = arith.constant 64 : index
        %get3A_975 = tpu.vector_load %arg16[%get3A_972, %get3A_973, %get3A_974] {strides = array<i32>} : memref<2x16x200xi32, #tpu.memory_space<vmem>>, vector<1x1x16xi32>,
        %get3A_976 = vector.shape_cast %get3A_975 : vector<1x1x16xi32> to vector<16xi32>
        %add3A_977 = arith.addi %mul3A_971, %get3A_976 : vector<16xi32>
        %swap3A_978 = arith.constant 1 : i32
        %swap3A_979 = arith.index_cast %swap3A_978 : i32 to index
        %swap3A_980 = arith.constant 64 : index
        %swap3A_981 = tpu.vector_load %arg17[%swap3A_979, %swap3A_980] {strides = array<i32>} : memref<2x200xi32, #tpu.memory_space<vmem>>, vector<1x16xi32>,
        %swap3A_982 = vector.shape_cast %swap3A_981 : vector<1x16xi32> to vector<16xi32>
        %swap3A_983 = vector.shape_cast %add3A_977 : vector<16xi32> to vector<1x16xi32>
        tpu.vector_store %arg17[%swap3A_979, %swap3A_980], %swap3A_983 {strides = array<i32>} : memref<2x200xi32, #tpu.memory_space<vmem>>, vector<1x16xi32>,
        %get3A_984 = arith.index_cast %rem3A_881 : i32 to index
        %get3A_985 = arith.index_cast %rem3A_883 : i32 to index
        %get3A_986 = arith.constant 80 : index
        %get3A_987 = tpu.vector_load %arg15[%get3A_984, %get3A_985, %get3A_986] {strides = array<i32>} : memref<2x16x200xi32, #tpu.memory_space<vmem>>, vector<1x1x16xi32>,
        %get3A_988 = vector.shape_cast %get3A_987 : vector<1x1x16xi32> to vector<16xi32>
        %mul3A_989 = arith.constant 9 : i32
        %mul3A_990 = vector.broadcast %mul3A_989 : i32 to vector<16xi32>
        %mul3A_991 = arith.muli %get3A_988, %mul3A_990 : vector<16xi32>
        %get3A_992 = arith.index_cast %rem3A_881 : i32 to index
        %get3A_993 = arith.index_cast %rem3A_883 : i32 to index
        %get3A_994 = arith.constant 80 : index
        %get3A_995 = tpu.vector_load %arg16[%get3A_992, %get3A_993, %get3A_994] {strides = array<i32>} : memref<2x16x200xi32, #tpu.memory_space<vmem>>, vector<1x1x16xi32>,
        %get3A_996 = vector.shape_cast %get3A_995 : vector<1x1x16xi32> to vector<16xi32>
        %add3A_997 = arith.addi %mul3A_991, %get3A_996 : vector<16xi32>
        %swap3A_998 = arith.constant 1 : i32
        %swap3A_999 = arith.index_cast %swap3A_998 : i32 to index
        %swap3A_1000 = arith.constant 80 : index
        %swap3A_1001 = tpu.vector_load %arg17[%swap3A_999, %swap3A_1000] {strides = array<i32>} : memref<2x200xi32, #tpu.memory_space<vmem>>, vector<1x16xi32>,
        %swap3A_1002 = vector.shape_cast %swap3A_1001 : vector<1x16xi32> to vector<16xi32>
        %swap3A_1003 = vector.shape_cast %add3A_997 : vector<16xi32> to vector<1x16xi32>
        tpu.vector_store %arg17[%swap3A_999, %swap3A_1000], %swap3A_1003 {strides = array<i32>} : memref<2x200xi32, #tpu.memory_space<vmem>>, vector<1x16xi32>,
        %get3A_1004 = arith.index_cast %rem3A_881 : i32 to index
        %get3A_1005 = arith.index_cast %rem3A_883 : i32 to index
        %get3A_1006 = arith.constant 96 : index
        %get3A_1007 = tpu.vector_load %arg15[%get3A_1004, %get3A_1005, %get3A_1006] {strides = array<i32>} : memref<2x16x200xi32, #tpu.memory_space<vmem>>, vector<1x1x16xi32>,
        %get3A_1008 = vector.shape_cast %get3A_1007 : vector<1x1x16xi32> to vector<16xi32>
        %mul3A_1009 = arith.constant 9 : i32
        %mul3A_1010 = vector.broadcast %mul3A_1009 : i32 to vector<16xi32>
        %mul3A_1011 = arith.muli %get3A_1008, %mul3A_1010 : vector<16xi32>
        %get3A_1012 = arith.index_cast %rem3A_881 : i32 to index
        %get3A_1013 = arith.index_cast %rem3A_883 : i32 to index
        %get3A_1014 = arith.constant 96 : index
        %get3A_1015 = tpu.vector_load %arg16[%get3A_1012, %get3A_1013, %get3A_1014] {strides = array<i32>} : memref<2x16x200xi32, #tpu.memory_space<vmem>>, vector<1x1x16xi32>,
        %get3A_1016 = vector.shape_cast %get3A_1015 : vector<1x1x16xi32> to vector<16xi32>
        %add3A_1017 = arith.addi %mul3A_1011, %get3A_1016 : vector<16xi32>
        %swap3A_1018 = arith.constant 1 : i32
        %swap3A_1019 = arith.index_cast %swap3A_1018 : i32 to index
        %swap3A_1020 = arith.constant 96 : index
        %swap3A_1021 = tpu.vector_load %arg17[%swap3A_1019, %swap3A_1020] {strides = array<i32>} : memref<2x200xi32, #tpu.memory_space<vmem>>, vector<1x16xi32>,
        %swap3A_1022 = vector.shape_cast %swap3A_1021 : vector<1x16xi32> to vector<16xi32>
        %swap3A_1023 = vector.shape_cast %add3A_1017 : vector<16xi32> to vector<1x16xi32>
        tpu.vector_store %arg17[%swap3A_1019, %swap3A_1020], %swap3A_1023 {strides = array<i32>} : memref<2x200xi32, #tpu.memory_space<vmem>>, vector<1x16xi32>,
        %get3A_1024 = arith.index_cast %rem3A_881 : i32 to index
        %get3A_1025 = arith.index_cast %rem3A_883 : i32 to index
        %get3A_1026 = arith.constant 112 : index
        %get3A_1027 = tpu.vector_load %arg15[%get3A_1024, %get3A_1025, %get3A_1026] {strides = array<i32>} : memref<2x16x200xi32, #tpu.memory_space<vmem>>, vector<1x1x16xi32>,
        %get3A_1028 = vector.shape_cast %get3A_1027 : vector<1x1x16xi32> to vector<16xi32>
        %mul3A_1029 = arith.constant 9 : i32
        %mul3A_1030 = vector.broadcast %mul3A_1029 : i32 to vector<16xi32>
        %mul3A_1031 = arith.muli %get3A_1028, %mul3A_1030 : vector<16xi32>
        %get3A_1032 = arith.index_cast %rem3A_881 : i32 to index
        %get3A_1033 = arith.index_cast %rem3A_883 : i32 to index
        %get3A_1034 = arith.constant 112 : index
        %get3A_1035 = tpu.vector_load %arg16[%get3A_1032, %get3A_1033, %get3A_1034] {strides = array<i32>} : memref<2x16x200xi32, #tpu.memory_space<vmem>>, vector<1x1x16xi32>,
        %get3A_1036 = vector.shape_cast %get3A_1035 : vector<1x1x16xi32> to vector<16xi32>
        %add3A_1037 = arith.addi %mul3A_1031, %get3A_1036 : vector<16xi32>
        %swap3A_1038 = arith.constant 1 : i32
        %swap3A_1039 = arith.index_cast %swap3A_1038 : i32 to index
        %swap3A_1040 = arith.constant 112 : index
        %swap3A_1041 = tpu.vector_load %arg17[%swap3A_1039, %swap3A_1040] {strides = array<i32>} : memref<2x200xi32, #tpu.memory_space<vmem>>, vector<1x16xi32>,
        %swap3A_1042 = vector.shape_cast %swap3A_1041 : vector<1x16xi32> to vector<16xi32>
        %swap3A_1043 = vector.shape_cast %add3A_1037 : vector<16xi32> to vector<1x16xi32>
        tpu.vector_store %arg17[%swap3A_1039, %swap3A_1040], %swap3A_1043 {strides = array<i32>} : memref<2x200xi32, #tpu.memory_space<vmem>>, vector<1x16xi32>,
        %get3A_1044 = arith.index_cast %rem3A_881 : i32 to index
        %get3A_1045 = arith.index_cast %rem3A_883 : i32 to index
        %get3A_1046 = arith.constant 128 : index
        %get3A_1047 = tpu.vector_load %arg15[%get3A_1044, %get3A_1045, %get3A_1046] {strides = array<i32>} : memref<2x16x200xi32, #tpu.memory_space<vmem>>, vector<1x1x16xi32>,
        %get3A_1048 = vector.shape_cast %get3A_1047 : vector<1x1x16xi32> to vector<16xi32>
        %mul3A_1049 = arith.constant 9 : i32
        %mul3A_1050 = vector.broadcast %mul3A_1049 : i32 to vector<16xi32>
        %mul3A_1051 = arith.muli %get3A_1048, %mul3A_1050 : vector<16xi32>
        %get3A_1052 = arith.index_cast %rem3A_881 : i32 to index
        %get3A_1053 = arith.index_cast %rem3A_883 : i32 to index
        %get3A_1054 = arith.constant 128 : index
        %get3A_1055 = tpu.vector_load %arg16[%get3A_1052, %get3A_1053, %get3A_1054] {strides = array<i32>} : memref<2x16x200xi32, #tpu.memory_space<vmem>>, vector<1x1x16xi32>,
        %get3A_1056 = vector.shape_cast %get3A_1055 : vector<1x1x16xi32> to vector<16xi32>
        %add3A_1057 = arith.addi %mul3A_1051, %get3A_1056 : vector<16xi32>
        %swap3A_1058 = arith.constant 1 : i32
        %swap3A_1059 = arith.index_cast %swap3A_1058 : i32 to index
        %swap3A_1060 = arith.constant 128 : index
        %swap3A_1061 = tpu.vector_load %arg17[%swap3A_1059, %swap3A_1060] {strides = array<i32>} : memref<2x200xi32, #tpu.memory_space<vmem>>, vector<1x16xi32>,
        %swap3A_1062 = vector.shape_cast %swap3A_1061 : vector<1x16xi32> to vector<16xi32>
        %swap3A_1063 = vector.shape_cast %add3A_1057 : vector<16xi32> to vector<1x16xi32>
        tpu.vector_store %arg17[%swap3A_1059, %swap3A_1060], %swap3A_1063 {strides = array<i32>} : memref<2x200xi32, #tpu.memory_space<vmem>>, vector<1x16xi32>,
        %get3A_1064 = arith.index_cast %rem3A_881 : i32 to index
        %get3A_1065 = arith.index_cast %rem3A_883 : i32 to index
        %get3A_1066 = arith.constant 144 : index
        %get3A_1067 = tpu.vector_load %arg15[%get3A_1064, %get3A_1065, %get3A_1066] {strides = array<i32>} : memref<2x16x200xi32, #tpu.memory_space<vmem>>, vector<1x1x16xi32>,
        %get3A_1068 = vector.shape_cast %get3A_1067 : vector<1x1x16xi32> to vector<16xi32>
        %mul3A_1069 = arith.constant 9 : i32
        %mul3A_1070 = vector.broadcast %mul3A_1069 : i32 to vector<16xi32>
        %mul3A_1071 = arith.muli %get3A_1068, %mul3A_1070 : vector<16xi32>
        %get3A_1072 = arith.index_cast %rem3A_881 : i32 to index
        %get3A_1073 = arith.index_cast %rem3A_883 : i32 to index
        %get3A_1074 = arith.constant 144 : index
        %get3A_1075 = tpu.vector_load %arg16[%get3A_1072, %get3A_1073, %get3A_1074] {strides = array<i32>} : memref<2x16x200xi32, #tpu.memory_space<vmem>>, vector<1x1x16xi32>,
        %get3A_1076 = vector.shape_cast %get3A_1075 : vector<1x1x16xi32> to vector<16xi32>
        %add3A_1077 = arith.addi %mul3A_1071, %get3A_1076 : vector<16xi32>
        %swap3A_1078 = arith.constant 1 : i32
        %swap3A_1079 = arith.index_cast %swap3A_1078 : i32 to index
        %swap3A_1080 = arith.constant 144 : index
        %swap3A_1081 = tpu.vector_load %arg17[%swap3A_1079, %swap3A_1080] {strides = array<i32>} : memref<2x200xi32, #tpu.memory_space<vmem>>, vector<1x16xi32>,
        %swap3A_1082 = vector.shape_cast %swap3A_1081 : vector<1x16xi32> to vector<16xi32>
        %swap3A_1083 = vector.shape_cast %add3A_1077 : vector<16xi32> to vector<1x16xi32>
        tpu.vector_store %arg17[%swap3A_1079, %swap3A_1080], %swap3A_1083 {strides = array<i32>} : memref<2x200xi32, #tpu.memory_space<vmem>>, vector<1x16xi32>,
        %get3A_1084 = arith.index_cast %rem3A_881 : i32 to index
        %get3A_1085 = arith.index_cast %rem3A_883 : i32 to index
        %get3A_1086 = arith.constant 160 : index
        %get3A_1087 = tpu.vector_load %arg15[%get3A_1084, %get3A_1085, %get3A_1086] {strides = array<i32>} : memref<2x16x200xi32, #tpu.memory_space<vmem>>, vector<1x1x16xi32>,
        %get3A_1088 = vector.shape_cast %get3A_1087 : vector<1x1x16xi32> to vector<16xi32>
        %mul3A_1089 = arith.constant 9 : i32
        %mul3A_1090 = vector.broadcast %mul3A_1089 : i32 to vector<16xi32>
        %mul3A_1091 = arith.muli %get3A_1088, %mul3A_1090 : vector<16xi32>
        %get3A_1092 = arith.index_cast %rem3A_881 : i32 to index
        %get3A_1093 = arith.index_cast %rem3A_883 : i32 to index
        %get3A_1094 = arith.constant 160 : index
        %get3A_1095 = tpu.vector_load %arg16[%get3A_1092, %get3A_1093, %get3A_1094] {strides = array<i32>} : memref<2x16x200xi32, #tpu.memory_space<vmem>>, vector<1x1x16xi32>,
        %get3A_1096 = vector.shape_cast %get3A_1095 : vector<1x1x16xi32> to vector<16xi32>
        %add3A_1097 = arith.addi %mul3A_1091, %get3A_1096 : vector<16xi32>
        %swap3A_1098 = arith.constant 1 : i32
        %swap3A_1099 = arith.index_cast %swap3A_1098 : i32 to index
        %swap3A_1100 = arith.constant 160 : index
        %swap3A_1101 = tpu.vector_load %arg17[%swap3A_1099, %swap3A_1100] {strides = array<i32>} : memref<2x200xi32, #tpu.memory_space<vmem>>, vector<1x16xi32>,
        %swap3A_1102 = vector.shape_cast %swap3A_1101 : vector<1x16xi32> to vector<16xi32>
        %swap3A_1103 = vector.shape_cast %add3A_1097 : vector<16xi32> to vector<1x16xi32>
        tpu.vector_store %arg17[%swap3A_1099, %swap3A_1100], %swap3A_1103 {strides = array<i32>} : memref<2x200xi32, #tpu.memory_space<vmem>>, vector<1x16xi32>,
        %get3A_1104 = arith.index_cast %rem3A_881 : i32 to index
        %get3A_1105 = arith.index_cast %rem3A_883 : i32 to index
        %get3A_1106 = arith.constant 176 : index
        %get3A_1107 = tpu.vector_load %arg15[%get3A_1104, %get3A_1105, %get3A_1106] {strides = array<i32>} : memref<2x16x200xi32, #tpu.memory_space<vmem>>, vector<1x1x16xi32>,
        %get3A_1108 = vector.shape_cast %get3A_1107 : vector<1x1x16xi32> to vector<16xi32>
        %mul3A_1109 = arith.constant 9 : i32
        %mul3A_1110 = vector.broadcast %mul3A_1109 : i32 to vector<16xi32>
        %mul3A_1111 = arith.muli %get3A_1108, %mul3A_1110 : vector<16xi32>
        %get3A_1112 = arith.index_cast %rem3A_881 : i32 to index
        %get3A_1113 = arith.index_cast %rem3A_883 : i32 to index
        %get3A_1114 = arith.constant 176 : index
        %get3A_1115 = tpu.vector_load %arg16[%get3A_1112, %get3A_1113, %get3A_1114] {strides = array<i32>} : memref<2x16x200xi32, #tpu.memory_space<vmem>>, vector<1x1x16xi32>,
        %get3A_1116 = vector.shape_cast %get3A_1115 : vector<1x1x16xi32> to vector<16xi32>
        %add3A_1117 = arith.addi %mul3A_1111, %get3A_1116 : vector<16xi32>
        %swap3A_1118 = arith.constant 1 : i32
        %swap3A_1119 = arith.index_cast %swap3A_1118 : i32 to index
        %swap3A_1120 = arith.constant 176 : index
        %swap3A_1121 = tpu.vector_load %arg17[%swap3A_1119, %swap3A_1120] {strides = array<i32>} : memref<2x200xi32, #tpu.memory_space<vmem>>, vector<1x16xi32>,
        %swap3A_1122 = vector.shape_cast %swap3A_1121 : vector<1x16xi32> to vector<16xi32>
        %swap3A_1123 = vector.shape_cast %add3A_1117 : vector<16xi32> to vector<1x16xi32>
        tpu.vector_store %arg17[%swap3A_1119, %swap3A_1120], %swap3A_1123 {strides = array<i32>} : memref<2x200xi32, #tpu.memory_space<vmem>>, vector<1x16xi32>,
        %get3A_1124 = arith.index_cast %rem3A_881 : i32 to index
        %get3A_1125 = arith.index_cast %rem3A_883 : i32 to index
        %get3A_1126 = arith.constant 184 : index
        %get3A_1127 = tpu.vector_load %arg15[%get3A_1124, %get3A_1125, %get3A_1126] {strides = array<i32>} : memref<2x16x200xi32, #tpu.memory_space<vmem>>, vector<1x1x16xi32>,
        %get3A_1128 = vector.shape_cast %get3A_1127 : vector<1x1x16xi32> to vector<16xi32>
        %mul3A_1129 = arith.constant 9 : i32
        %mul3A_1130 = vector.broadcast %mul3A_1129 : i32 to vector<16xi32>
        %mul3A_1131 = arith.muli %get3A_1128, %mul3A_1130 : vector<16xi32>
        %get3A_1132 = arith.index_cast %rem3A_881 : i32 to index
        %get3A_1133 = arith.index_cast %rem3A_883 : i32 to index
        %get3A_1134 = arith.constant 184 : index
        %get3A_1135 = tpu.vector_load %arg16[%get3A_1132, %get3A_1133, %get3A_1134] {strides = array<i32>} : memref<2x16x200xi32, #tpu.memory_space<vmem>>, vector<1x1x16xi32>,
        %get3A_1136 = vector.shape_cast %get3A_1135 : vector<1x1x16xi32> to vector<16xi32>
        %add3A_1137 = arith.addi %mul3A_1131, %get3A_1136 : vector<16xi32>
        %swap3A_1138 = arith.constant 1 : i32
        %swap3A_1139 = arith.index_cast %swap3A_1138 : i32 to index
        %swap3A_1140 = arith.constant 184 : index
        %swap3A_1141 = tpu.vector_load %arg17[%swap3A_1139, %swap3A_1140] {strides = array<i32>} : memref<2x200xi32, #tpu.memory_space<vmem>>, vector<1x16xi32>,
        %swap3A_1142 = vector.shape_cast %swap3A_1141 : vector<1x16xi32> to vector<16xi32>
        %swap3A_1143 = vector.shape_cast %add3A_1137 : vector<16xi32> to vector<1x16xi32>
        tpu.vector_store %arg17[%swap3A_1139, %swap3A_1140], %swap3A_1143 {strides = array<i32>} : memref<2x200xi32, #tpu.memory_space<vmem>>, vector<1x16xi32>,
        %jit3A_1144 = arith.constant 16 : i32
        %div3A_1145 = arith.divsi %add3A_677, %jit3A_1144 : i32
        %sign3A_1146 = arith.constant 0 : i32
        %sign3A_1147 = arith.cmpi sgt, %add3A_677, %sign3A_1146 : i32
        %sign3A_1148 = arith.extui %sign3A_1147 : i1 to i32
        %sign3A_1149 = arith.constant 0 : i32
        %sign3A_1150 = arith.cmpi slt, %add3A_677, %sign3A_1149 : i32
        %sign3A_1151 = arith.extui %sign3A_1150 : i1 to i32
        %sign3A_1152 = arith.subi %sign3A_1148, %sign3A_1151 : i32
        %sign3A_1153 = arith.constant 0 : i32
        %sign3A_1154 = arith.cmpi sgt, %jit3A_1144, %sign3A_1153 : i32
        %sign3A_1155 = arith.extui %sign3A_1154 : i1 to i32
        %sign3A_1156 = arith.constant 0 : i32
        %sign3A_1157 = arith.cmpi slt, %jit3A_1144, %sign3A_1156 : i32
        %sign3A_1158 = arith.extui %sign3A_1157 : i1 to i32
        %sign3A_1159 = arith.subi %sign3A_1155, %sign3A_1158 : i32
        %ne3A_1160 = arith.cmpi ne, %sign3A_1152, %sign3A_1159 : i32
        %rem3A_1161 = arith.remsi %add3A_677, %jit3A_1144 : i32
        %ne3A_1162 = arith.constant 0 : i32
        %ne3A_1163 = arith.cmpi ne, %rem3A_1161, %ne3A_1162 : i32
        %and3A_1164 = arith.andi %ne3A_1160, %ne3A_1163 : i1
        %sub3A_1165 = arith.constant 1 : i32
        %sub3A_1166 = arith.subi %div3A_1145, %sub3A_1165 : i32
        %select_n3A_1167 = arith.select %and3A_1164, %sub3A_1166, %div3A_1145 : i32
        %rem3A_1168 = arith.constant 2 : i32
        %rem3A_1169 = arith.remsi %select_n3A_1167, %rem3A_1168 : i32
        %rem3A_1170 = arith.constant 16 : i32
        %rem3A_1171 = arith.remsi %add3A_677, %rem3A_1170 : i32
        %dma_start3A_1172 = arith.constant 1 : i32
        %dma_start3A_1173 = arith.constant 0 : i32
        %dma_start3A_1174 = arith.constant 0 : i32
        %dma_start3A_1175 = tpu.memref_slice %arg18[%dma_start3A_1172, %dma_start3A_1173, %dma_start3A_1174] : memref<2x200x64xf32, #tpu.memory_space<vmem>> -> memref<1x104x64xf32, #tpu.memory_space<vmem>>
        %dma_start3A_1176 = tpu.memref_squeeze %dma_start3A_1175 : memref<1x104x64xf32, #tpu.memory_space<vmem>> -> memref<104x64xf32, #tpu.memory_space<vmem>>
        %dma_start3A_1177 = arith.constant 0 : i32
        %dma_start3A_1178 = tpu.memref_slice %arg14[%rem3A_1169, %rem3A_1171, %dma_start3A_1177] : memref<2x16x200xi32, #tpu.memory_space<vmem>> -> memref<1x1x104xi32, #tpu.memory_space<vmem>>
        %dma_start3A_1179 = tpu.memref_squeeze %dma_start3A_1178 : memref<1x1x104xi32, #tpu.memory_space<vmem>> -> memref<104xi32, #tpu.memory_space<vmem>>
        %dma_start3A_1180 = arith.constant 0 : i32
        %dma_start3A_1181 = arith.constant 0 : i32
        %dma_start3A_1182 = tpu.memref_slice %arg6[%dma_start3A_1180, %dma_start3A_1181] : memref<100001x64xf32, #tpu.memory_space<hbm>> -> memref<100001x64xf32, #tpu.memory_space<hbm>>
        tpu.enqueue_indirect_dma source(%dma_start3A_1182 : memref<100001x64xf32, #tpu.memory_space<hbm>>) target(%dma_start3A_1176 : memref<104x64xf32, #tpu.memory_space<vmem>>) offsets(%dma_start3A_1179 : memref<104xi32, #tpu.memory_space<vmem>>) semaphore(%arg22 : memref<!tpu.dma_semaphore, #tpu.memory_space<semaphore_mem>>)
        %dma_start3A_1183 = arith.constant 1 : i32
        %dma_start3A_1184 = arith.constant 104 : i32
        %dma_start3A_1185 = arith.constant 0 : i32
        %dma_start3A_1186 = tpu.memref_slice %arg18[%dma_start3A_1183, %dma_start3A_1184, %dma_start3A_1185] : memref<2x200x64xf32, #tpu.memory_space<vmem>> -> memref<1x96x64xf32, #tpu.memory_space<vmem>>
        %dma_start3A_1187 = tpu.memref_squeeze %dma_start3A_1186 : memref<1x96x64xf32, #tpu.memory_space<vmem>> -> memref<96x64xf32, #tpu.memory_space<vmem>>
        %dma_start3A_1188 = arith.constant 104 : i32
        %dma_start3A_1189 = tpu.memref_slice %arg14[%rem3A_1169, %rem3A_1171, %dma_start3A_1188] : memref<2x16x200xi32, #tpu.memory_space<vmem>> -> memref<1x1x96xi32, #tpu.memory_space<vmem>>
        %dma_start3A_1190 = tpu.memref_squeeze %dma_start3A_1189 : memref<1x1x96xi32, #tpu.memory_space<vmem>> -> memref<96xi32, #tpu.memory_space<vmem>>
        %dma_start3A_1191 = arith.constant 0 : i32
        %dma_start3A_1192 = arith.constant 0 : i32
        %dma_start3A_1193 = tpu.memref_slice %arg6[%dma_start3A_1191, %dma_start3A_1192] : memref<100001x64xf32, #tpu.memory_space<hbm>> -> memref<100001x64xf32, #tpu.memory_space<hbm>>
        tpu.enqueue_indirect_dma source(%dma_start3A_1193 : memref<100001x64xf32, #tpu.memory_space<hbm>>) target(%dma_start3A_1187 : memref<96x64xf32, #tpu.memory_space<vmem>>) offsets(%dma_start3A_1190 : memref<96xi32, #tpu.memory_space<vmem>>) semaphore(%arg22 : memref<!tpu.dma_semaphore, #tpu.memory_space<semaphore_mem>>)
        %dma_start3A_1194 = arith.constant 1 : i32
        %dma_start3A_1195 = arith.constant 1 : i32
        %dma_start3A_1196 = arith.constant 0 : i32
        %dma_start3A_1197 = arith.constant 0 : i32
        %dma_start3A_1198 = tpu.memref_slice %arg19[%dma_start3A_1195, %dma_start3A_1196, %dma_start3A_1197] : memref<2x200x64xf32, #tpu.memory_space<vmem>> -> memref<1x104x64xf32, #tpu.memory_space<vmem>>
        %dma_start3A_1199 = tpu.memref_squeeze %dma_start3A_1198 : memref<1x104x64xf32, #tpu.memory_space<vmem>> -> memref<104x64xf32, #tpu.memory_space<vmem>>
        %dma_start3A_1200 = arith.constant 0 : i32
        %dma_start3A_1201 = tpu.memref_slice %arg17[%dma_start3A_1194, %dma_start3A_1200] : memref<2x200xi32, #tpu.memory_space<vmem>> -> memref<1x104xi32, #tpu.memory_space<vmem>>
        %dma_start3A_1202 = tpu.memref_squeeze %dma_start3A_1201 : memref<1x104xi32, #tpu.memory_space<vmem>> -> memref<104xi32, #tpu.memory_space<vmem>>
        %dma_start3A_1203 = arith.constant 0 : i32
        %dma_start3A_1204 = arith.constant 0 : i32
        %dma_start3A_1205 = tpu.memref_slice %arg10[%dma_start3A_1203, %dma_start3A_1204] : memref<3744x64xf32, #tpu.memory_space<vmem_shared>> -> memref<3744x64xf32, #tpu.memory_space<vmem_shared>>
        tpu.enqueue_indirect_dma source(%dma_start3A_1205 : memref<3744x64xf32, #tpu.memory_space<vmem_shared>>) target(%dma_start3A_1199 : memref<104x64xf32, #tpu.memory_space<vmem>>) offsets(%dma_start3A_1202 : memref<104xi32, #tpu.memory_space<vmem>>) semaphore(%arg24 : memref<!tpu.dma_semaphore, #tpu.memory_space<semaphore_mem>>)
        %dma_start3A_1206 = arith.constant 1 : i32
        %dma_start3A_1207 = arith.constant 1 : i32
        %dma_start3A_1208 = arith.constant 104 : i32
        %dma_start3A_1209 = arith.constant 0 : i32
        %dma_start3A_1210 = tpu.memref_slice %arg19[%dma_start3A_1207, %dma_start3A_1208, %dma_start3A_1209] : memref<2x200x64xf32, #tpu.memory_space<vmem>> -> memref<1x96x64xf32, #tpu.memory_space<vmem>>
        %dma_start3A_1211 = tpu.memref_squeeze %dma_start3A_1210 : memref<1x96x64xf32, #tpu.memory_space<vmem>> -> memref<96x64xf32, #tpu.memory_space<vmem>>
        %dma_start3A_1212 = arith.constant 104 : i32
        %dma_start3A_1213 = tpu.memref_slice %arg17[%dma_start3A_1206, %dma_start3A_1212] : memref<2x200xi32, #tpu.memory_space<vmem>> -> memref<1x96xi32, #tpu.memory_space<vmem>>
        %dma_start3A_1214 = tpu.memref_squeeze %dma_start3A_1213 : memref<1x96xi32, #tpu.memory_space<vmem>> -> memref<96xi32, #tpu.memory_space<vmem>>
        %dma_start3A_1215 = arith.constant 0 : i32
        %dma_start3A_1216 = arith.constant 0 : i32
        %dma_start3A_1217 = tpu.memref_slice %arg10[%dma_start3A_1215, %dma_start3A_1216] : memref<3744x64xf32, #tpu.memory_space<vmem_shared>> -> memref<3744x64xf32, #tpu.memory_space<vmem_shared>>
        tpu.enqueue_indirect_dma source(%dma_start3A_1217 : memref<3744x64xf32, #tpu.memory_space<vmem_shared>>) target(%dma_start3A_1211 : memref<96x64xf32, #tpu.memory_space<vmem>>) offsets(%dma_start3A_1214 : memref<96xi32, #tpu.memory_space<vmem>>) semaphore(%arg24 : memref<!tpu.dma_semaphore, #tpu.memory_space<semaphore_mem>>)
        %rem3A_1218 = arith.constant 16 : i32
        %rem3A_1219 = arith.remsi %add3A_677, %rem3A_1218 : i32
        %eq3A_1220 = arith.constant 8 : i32
        %eq3A_1221 = arith.cmpi eq, %rem3A_1219, %eq3A_1220 : i32
        %jit3A_1222 = arith.constant 16 : i32
        %div3A_1223 = arith.divsi %add3A_677, %jit3A_1222 : i32
        %sign3A_1224 = arith.constant 0 : i32
        %sign3A_1225 = arith.cmpi sgt, %add3A_677, %sign3A_1224 : i32
        %sign3A_1226 = arith.extui %sign3A_1225 : i1 to i32
        %sign3A_1227 = arith.constant 0 : i32
        %sign3A_1228 = arith.cmpi slt, %add3A_677, %sign3A_1227 : i32
        %sign3A_1229 = arith.extui %sign3A_1228 : i1 to i32
        %sign3A_1230 = arith.subi %sign3A_1226, %sign3A_1229 : i32
        %sign3A_1231 = arith.constant 0 : i32
        %sign3A_1232 = arith.cmpi sgt, %jit3A_1222, %sign3A_1231 : i32
        %sign3A_1233 = arith.extui %sign3A_1232 : i1 to i32
        %sign3A_1234 = arith.constant 0 : i32
        %sign3A_1235 = arith.cmpi slt, %jit3A_1222, %sign3A_1234 : i32
        %sign3A_1236 = arith.extui %sign3A_1235 : i1 to i32
        %sign3A_1237 = arith.subi %sign3A_1233, %sign3A_1236 : i32
        %ne3A_1238 = arith.cmpi ne, %sign3A_1230, %sign3A_1237 : i32
        %rem3A_1239 = arith.remsi %add3A_677, %jit3A_1222 : i32
        %ne3A_1240 = arith.constant 0 : i32
        %ne3A_1241 = arith.cmpi ne, %rem3A_1239, %ne3A_1240 : i32
        %and3A_1242 = arith.andi %ne3A_1238, %ne3A_1241 : i1
        %sub3A_1243 = arith.constant 1 : i32
        %sub3A_1244 = arith.subi %div3A_1223, %sub3A_1243 : i32
        %select_n3A_1245 = arith.select %and3A_1242, %sub3A_1244, %div3A_1223 : i32
        %add3A_1246 = arith.constant 1 : i32
        %add3A_1247 = arith.addi %select_n3A_1245, %add3A_1246 : i32
        %lt3A_1248 = arith.constant 8 : i32
        %lt3A_1249 = arith.cmpi slt, %add3A_1247, %lt3A_1248 : i32
        %and3A_1250 = arith.andi %eq3A_1221, %lt3A_1249 : i1
        %convert_element_type3A_1251 = arith.extui %and3A_1250 : i1 to i32
        %cond3A_1252 = arith.constant 0 : i32
        %cond3A_1253 = arith.cmpi ne, %convert_element_type3A_1251, %cond3A_1252 : i32
        scf.if %cond3A_1253 {
          %jit3A_1254 = arith.constant 16 : i32
          %div3A_1255 = arith.divsi %add3A_677, %jit3A_1254 : i32
          %sign3A_1256 = arith.constant 0 : i32
          %sign3A_1257 = arith.cmpi sgt, %add3A_677, %sign3A_1256 : i32
          %sign3A_1258 = arith.extui %sign3A_1257 : i1 to i32
          %sign3A_1259 = arith.constant 0 : i32
          %sign3A_1260 = arith.cmpi slt, %add3A_677, %sign3A_1259 : i32
          %sign3A_1261 = arith.extui %sign3A_1260 : i1 to i32
          %sign3A_1262 = arith.subi %sign3A_1258, %sign3A_1261 : i32
          %sign3A_1263 = arith.constant 0 : i32
          %sign3A_1264 = arith.cmpi sgt, %jit3A_1254, %sign3A_1263 : i32
          %sign3A_1265 = arith.extui %sign3A_1264 : i1 to i32
          %sign3A_1266 = arith.constant 0 : i32
          %sign3A_1267 = arith.cmpi slt, %jit3A_1254, %sign3A_1266 : i32
          %sign3A_1268 = arith.extui %sign3A_1267 : i1 to i32
          %sign3A_1269 = arith.subi %sign3A_1265, %sign3A_1268 : i32
          %ne3A_1270 = arith.cmpi ne, %sign3A_1262, %sign3A_1269 : i32
          %rem3A_1271 = arith.remsi %add3A_677, %jit3A_1254 : i32
          %ne3A_1272 = arith.constant 0 : i32
          %ne3A_1273 = arith.cmpi ne, %rem3A_1271, %ne3A_1272 : i32
          %and3A_1274 = arith.andi %ne3A_1270, %ne3A_1273 : i1
          %sub3A_1275 = arith.constant 1 : i32
          %sub3A_1276 = arith.subi %div3A_1255, %sub3A_1275 : i32
          %select_n3A_1277 = arith.select %and3A_1274, %sub3A_1276, %div3A_1255 : i32
          %add3A_1278 = arith.constant 1 : i32
          %add3A_1279 = arith.addi %select_n3A_1277, %add3A_1278 : i32
          %mul3A_1280 = arith.constant 16 : i32
          %mul3A_1281 = arith.muli %add3A_1279, %mul3A_1280 : i32
          %add3A_1282 = arith.addi %mul3A_2, %mul3A_1281 : i32
          %rem3A_1283 = arith.constant 2 : i32
          %rem3A_1284 = arith.remsi %add3A_1279, %rem3A_1283 : i32
          %dma_start3A_1285 = arith.constant 0 : i32
          %dma_start3A_1286 = arith.constant 0 : i32
          %dma_start3A_1287 = tpu.memref_slice %arg14[%rem3A_1284, %dma_start3A_1285, %dma_start3A_1286] : memref<2x16x200xi32, #tpu.memory_space<vmem>> -> memref<1x16x200xi32, #tpu.memory_space<vmem>>
          %dma_start3A_1288 = tpu.memref_squeeze %dma_start3A_1287 : memref<1x16x200xi32, #tpu.memory_space<vmem>> -> memref<16x200xi32, #tpu.memory_space<vmem>>
          %dma_start3A_1289 = arith.constant 0 : i32
          %dma_start3A_1290 = tpu.memref_slice %arg2[%add3A_1282, %dma_start3A_1289] : memref<4096x200xi32, #tpu.memory_space<hbm>> -> memref<16x200xi32, #tpu.memory_space<hbm>>
          %dma_start3A_1291 = arith.constant 0 : i32
          %dma_start3A_1292 = arith.constant 0 : i32
          %dma_start3A_1293 = tpu.memref_slice %arg14[%rem3A_1284, %dma_start3A_1291, %dma_start3A_1292] : memref<2x16x200xi32, #tpu.memory_space<vmem>> -> memref<1x16x200xi32, #tpu.memory_space<vmem>>
          %dma_start3A_1294 = tpu.memref_squeeze %dma_start3A_1293 : memref<1x16x200xi32, #tpu.memory_space<vmem>> -> memref<16x200xi32, #tpu.memory_space<vmem>>
          %dma_start3A_1295 = arith.constant 0 : i32
          %dma_start3A_1296 = tpu.memref_slice %arg2[%add3A_1282, %dma_start3A_1295] : memref<4096x200xi32, #tpu.memory_space<hbm>> -> memref<16x200xi32, #tpu.memory_space<hbm>>
          tpu.enqueue_dma source(%dma_start3A_1296 : memref<16x200xi32, #tpu.memory_space<hbm>>) target(%dma_start3A_1294 : memref<16x200xi32, #tpu.memory_space<vmem>>) target_semaphore(%arg27 : memref<!tpu.dma_semaphore, #tpu.memory_space<semaphore_mem>>)
          %dma_start3A_1297 = arith.constant 0 : i32
          %dma_start3A_1298 = arith.constant 0 : i32
          %dma_start3A_1299 = tpu.memref_slice %arg15[%rem3A_1284, %dma_start3A_1297, %dma_start3A_1298] : memref<2x16x200xi32, #tpu.memory_space<vmem>> -> memref<1x16x200xi32, #tpu.memory_space<vmem>>
          %dma_start3A_1300 = tpu.memref_squeeze %dma_start3A_1299 : memref<1x16x200xi32, #tpu.memory_space<vmem>> -> memref<16x200xi32, #tpu.memory_space<vmem>>
          %dma_start3A_1301 = arith.constant 0 : i32
          %dma_start3A_1302 = tpu.memref_slice %arg3[%add3A_1282, %dma_start3A_1301] : memref<4096x200xi32, #tpu.memory_space<hbm>> -> memref<16x200xi32, #tpu.memory_space<hbm>>
          %dma_start3A_1303 = arith.constant 0 : i32
          %dma_start3A_1304 = arith.constant 0 : i32
          %dma_start3A_1305 = tpu.memref_slice %arg15[%rem3A_1284, %dma_start3A_1303, %dma_start3A_1304] : memref<2x16x200xi32, #tpu.memory_space<vmem>> -> memref<1x16x200xi32, #tpu.memory_space<vmem>>
          %dma_start3A_1306 = tpu.memref_squeeze %dma_start3A_1305 : memref<1x16x200xi32, #tpu.memory_space<vmem>> -> memref<16x200xi32, #tpu.memory_space<vmem>>
          %dma_start3A_1307 = arith.constant 0 : i32
          %dma_start3A_1308 = tpu.memref_slice %arg3[%add3A_1282, %dma_start3A_1307] : memref<4096x200xi32, #tpu.memory_space<hbm>> -> memref<16x200xi32, #tpu.memory_space<hbm>>
          tpu.enqueue_dma source(%dma_start3A_1308 : memref<16x200xi32, #tpu.memory_space<hbm>>) target(%dma_start3A_1306 : memref<16x200xi32, #tpu.memory_space<vmem>>) target_semaphore(%arg27 : memref<!tpu.dma_semaphore, #tpu.memory_space<semaphore_mem>>)
          %dma_start3A_1309 = arith.constant 0 : i32
          %dma_start3A_1310 = arith.constant 0 : i32
          %dma_start3A_1311 = tpu.memref_slice %arg16[%rem3A_1284, %dma_start3A_1309, %dma_start3A_1310] : memref<2x16x200xi32, #tpu.memory_space<vmem>> -> memref<1x16x200xi32, #tpu.memory_space<vmem>>
          %dma_start3A_1312 = tpu.memref_squeeze %dma_start3A_1311 : memref<1x16x200xi32, #tpu.memory_space<vmem>> -> memref<16x200xi32, #tpu.memory_space<vmem>>
          %dma_start3A_1313 = arith.constant 0 : i32
          %dma_start3A_1314 = tpu.memref_slice %arg4[%add3A_1282, %dma_start3A_1313] : memref<4096x200xi32, #tpu.memory_space<hbm>> -> memref<16x200xi32, #tpu.memory_space<hbm>>
          %dma_start3A_1315 = arith.constant 0 : i32
          %dma_start3A_1316 = arith.constant 0 : i32
          %dma_start3A_1317 = tpu.memref_slice %arg16[%rem3A_1284, %dma_start3A_1315, %dma_start3A_1316] : memref<2x16x200xi32, #tpu.memory_space<vmem>> -> memref<1x16x200xi32, #tpu.memory_space<vmem>>
          %dma_start3A_1318 = tpu.memref_squeeze %dma_start3A_1317 : memref<1x16x200xi32, #tpu.memory_space<vmem>> -> memref<16x200xi32, #tpu.memory_space<vmem>>
          %dma_start3A_1319 = arith.constant 0 : i32
          %dma_start3A_1320 = tpu.memref_slice %arg4[%add3A_1282, %dma_start3A_1319] : memref<4096x200xi32, #tpu.memory_space<hbm>> -> memref<16x200xi32, #tpu.memory_space<hbm>>
          tpu.enqueue_dma source(%dma_start3A_1320 : memref<16x200xi32, #tpu.memory_space<hbm>>) target(%dma_start3A_1318 : memref<16x200xi32, #tpu.memory_space<vmem>>) target_semaphore(%arg27 : memref<!tpu.dma_semaphore, #tpu.memory_space<semaphore_mem>>)
        } else {
        }
      } else {
      }
      %ge3A = arith.constant 2 : i32
      %ge3A_680 = arith.cmpi sge, %add3A_608, %ge3A : i32
      %convert_element_type3A_681 = arith.extui %ge3A_680 : i1 to i32
      %cond3A_682 = arith.constant 0 : i32
      %cond3A_683 = arith.cmpi ne, %convert_element_type3A_681, %cond3A_682 : i32
      scf.if %cond3A_683 {
        %sub3A_850 = arith.constant 2 : i32
        %sub3A_851 = arith.subi %add3A_608, %sub3A_850 : i32
        %add3A_852 = arith.addi %mul3A_2, %sub3A_851 : i32
        %mul3A_853 = arith.constant 100 : i32
        %mul3A_854 = arith.muli %add3A_852, %mul3A_853 : i32
        %dma_wait3A_855 = arith.constant 0 : i32
        %dma_wait3A_856 = arith.constant 0 : i32
        %dma_wait3A_857 = arith.constant 0 : i32
        %dma_wait3A_858 = tpu.memref_slice %arg20[%dma_wait3A_855, %dma_wait3A_856, %dma_wait3A_857] : memref<2x100x128xf32, #tpu.memory_space<vmem>> -> memref<1x100x128xf32, #tpu.memory_space<vmem>>
        %dma_wait3A_859 = tpu.memref_squeeze %dma_wait3A_858 : memref<1x100x128xf32, #tpu.memory_space<vmem>> -> memref<100x128xf32, #tpu.memory_space<vmem>>
        %dma_wait3A_860 = arith.constant 0 : i32
        %dma_wait3A_861 = tpu.memref_slice %arg9[%mul3A_854, %dma_wait3A_860] : memref<409600x128xf32, #tpu.memory_space<hbm>> -> memref<100x128xf32, #tpu.memory_space<hbm>>
        %dma_wait3A_862 = arith.constant 0 : i32
        %dma_wait3A_863 = tpu.memref_slice %arg9[%mul3A_854, %dma_wait3A_862] : memref<409600x128xf32, #tpu.memory_space<hbm>> -> memref<100x128xf32, #tpu.memory_space<hbm>>
        %dma_wait3A_864 = arith.constant 0 : i32
        %dma_wait3A_865 = arith.constant 0 : i32
        %dma_wait3A_866 = tpu.memref_slice %arg20[%dma_wait3A_855, %dma_wait3A_864, %dma_wait3A_865] : memref<2x100x128xf32, #tpu.memory_space<vmem>> -> memref<1x100x128xf32, #tpu.memory_space<vmem>>
        %dma_wait3A_867 = tpu.memref_squeeze %dma_wait3A_866 : memref<1x100x128xf32, #tpu.memory_space<vmem>> -> memref<100x128xf32, #tpu.memory_space<vmem>>
        tpu.wait_dma2 semaphore(%arg25 : memref<!tpu.dma_semaphore, #tpu.memory_space<semaphore_mem>>) src(%dma_wait3A_867 : memref<100x128xf32, #tpu.memory_space<vmem>>) dst(%dma_wait3A_863 : memref<100x128xf32, #tpu.memory_space<hbm>>)
      } else {
      }
      %get3A_684 = arith.index_cast %add3A_608 : i32 to index
      %get3A_685 = arith.constant 0 : index
      %get3A_686 = tpu.vector_load %arg13[%get3A_684, %get3A_685] {strides = array<i32>} : memref<128x64xf32, #tpu.memory_space<vmem>>, vector<1x16xf32>,
      %get3A_687 = vector.shape_cast %get3A_686 : vector<1x16xf32> to vector<16xf32>
      %get3A_688 = arith.index_cast %add3A_608 : i32 to index
      %get3A_689 = arith.constant 16 : index
      %get3A_690 = tpu.vector_load %arg13[%get3A_688, %get3A_689] {strides = array<i32>} : memref<128x64xf32, #tpu.memory_space<vmem>>, vector<1x16xf32>,
      %get3A_691 = vector.shape_cast %get3A_690 : vector<1x16xf32> to vector<16xf32>
      %get3A_692 = arith.index_cast %add3A_608 : i32 to index
      %get3A_693 = arith.constant 32 : index
      %get3A_694 = tpu.vector_load %arg13[%get3A_692, %get3A_693] {strides = array<i32>} : memref<128x64xf32, #tpu.memory_space<vmem>>, vector<1x16xf32>,
      %get3A_695 = vector.shape_cast %get3A_694 : vector<1x16xf32> to vector<16xf32>
      %get3A_696 = arith.index_cast %add3A_608 : i32 to index
      %get3A_697 = arith.constant 48 : index
      %get3A_698 = tpu.vector_load %arg13[%get3A_696, %get3A_697] {strides = array<i32>} : memref<128x64xf32, #tpu.memory_space<vmem>>, vector<1x16xf32>,
      %get3A_699 = vector.shape_cast %get3A_698 : vector<1x16xf32> to vector<16xf32>
      %scan3A_700 = arith.constant 0 : i32
      %scan3A_701 = arith.constant 0 : i32
      %scan3A_702 = arith.constant 50 : i32
      %scan3A_703 = arith.addi %scan3A_701, %scan3A_702 : i32
      %scan3A_704 = arith.constant 1 : i32
      scf.for %scan3A_850 = %scan3A_701 to %scan3A_703 step %scan3A_704  : i32 {
        %mul3A_851 = arith.constant 4 : i32
        %mul3A_852 = arith.muli %scan3A_850, %mul3A_851 : i32
        %add3A_853 = arith.constant 0 : i32
        %add3A_854 = arith.addi %mul3A_852, %add3A_853 : i32
        %mul3A_855 = arith.constant 2 : i32
        %mul3A_856 = arith.muli %mul3A_855, %scan3A_850 : i32
        %add3A_857 = arith.constant 0 : i32
        %add3A_858 = arith.addi %mul3A_856, %add3A_857 : i32
        %get3A_859 = arith.constant 0 : i32
        %get3A_860 = arith.index_cast %get3A_859 : i32 to index
        %get3A_861 = arith.index_cast %add3A_854 : i32 to index
        %get3A_862 = arith.constant 0 : index
        %get3A_863 = tpu.vector_load %arg18[%get3A_860, %get3A_861, %get3A_862] {strides = array<i32>} : memref<2x200x64xf32, #tpu.memory_space<vmem>>, vector<1x1x16xf32>,
        %get3A_864 = vector.shape_cast %get3A_863 : vector<1x1x16xf32> to vector<16xf32>
        %get3A_865 = arith.constant 0 : i32
        %get3A_866 = arith.index_cast %get3A_865 : i32 to index
        %get3A_867 = arith.index_cast %add3A_854 : i32 to index
        %get3A_868 = arith.constant 0 : index
        %get3A_869 = tpu.vector_load %arg19[%get3A_866, %get3A_867, %get3A_868] {strides = array<i32>} : memref<2x200x64xf32, #tpu.memory_space<vmem>>, vector<1x1x16xf32>,
        %get3A_870 = vector.shape_cast %get3A_869 : vector<1x1x16xf32> to vector<16xf32>
        %add3A_871 = arith.addf %get3A_864, %get3A_870 : vector<16xf32>
        %add3A_872 = arith.addf %add3A_871, %get3A_687 : vector<16xf32>
        %swap3A_873 = arith.constant 0 : i32
        %swap3A_874 = arith.index_cast %swap3A_873 : i32 to index
        %swap3A_875 = arith.index_cast %add3A_858 : i32 to index
        %swap3A_876 = arith.constant 0 : index
        %swap3A_877 = tpu.vector_load %arg20[%swap3A_874, %swap3A_875, %swap3A_876] {strides = array<i32>} : memref<2x100x128xf32, #tpu.memory_space<vmem>>, vector<1x1x16xf32>,
        %swap3A_878 = vector.shape_cast %swap3A_877 : vector<1x1x16xf32> to vector<16xf32>
        %swap3A_879 = vector.shape_cast %add3A_872 : vector<16xf32> to vector<1x1x16xf32>
        tpu.vector_store %arg20[%swap3A_874, %swap3A_875, %swap3A_876], %swap3A_879 {strides = array<i32>} : memref<2x100x128xf32, #tpu.memory_space<vmem>>, vector<1x1x16xf32>,
        %get3A_880 = arith.constant 0 : i32
        %get3A_881 = arith.index_cast %get3A_880 : i32 to index
        %get3A_882 = arith.index_cast %add3A_854 : i32 to index
        %get3A_883 = arith.constant 16 : index
        %get3A_884 = tpu.vector_load %arg18[%get3A_881, %get3A_882, %get3A_883] {strides = array<i32>} : memref<2x200x64xf32, #tpu.memory_space<vmem>>, vector<1x1x16xf32>,
        %get3A_885 = vector.shape_cast %get3A_884 : vector<1x1x16xf32> to vector<16xf32>
        %get3A_886 = arith.constant 0 : i32
        %get3A_887 = arith.index_cast %get3A_886 : i32 to index
        %get3A_888 = arith.index_cast %add3A_854 : i32 to index
        %get3A_889 = arith.constant 16 : index
        %get3A_890 = tpu.vector_load %arg19[%get3A_887, %get3A_888, %get3A_889] {strides = array<i32>} : memref<2x200x64xf32, #tpu.memory_space<vmem>>, vector<1x1x16xf32>,
        %get3A_891 = vector.shape_cast %get3A_890 : vector<1x1x16xf32> to vector<16xf32>
        %add3A_892 = arith.addf %get3A_885, %get3A_891 : vector<16xf32>
        %add3A_893 = arith.addf %add3A_892, %get3A_691 : vector<16xf32>
        %swap3A_894 = arith.constant 0 : i32
        %swap3A_895 = arith.index_cast %swap3A_894 : i32 to index
        %swap3A_896 = arith.index_cast %add3A_858 : i32 to index
        %swap3A_897 = arith.constant 16 : index
        %swap3A_898 = tpu.vector_load %arg20[%swap3A_895, %swap3A_896, %swap3A_897] {strides = array<i32>} : memref<2x100x128xf32, #tpu.memory_space<vmem>>, vector<1x1x16xf32>,
        %swap3A_899 = vector.shape_cast %swap3A_898 : vector<1x1x16xf32> to vector<16xf32>
        %swap3A_900 = vector.shape_cast %add3A_893 : vector<16xf32> to vector<1x1x16xf32>
        tpu.vector_store %arg20[%swap3A_895, %swap3A_896, %swap3A_897], %swap3A_900 {strides = array<i32>} : memref<2x100x128xf32, #tpu.memory_space<vmem>>, vector<1x1x16xf32>,
        %get3A_901 = arith.constant 0 : i32
        %get3A_902 = arith.index_cast %get3A_901 : i32 to index
        %get3A_903 = arith.index_cast %add3A_854 : i32 to index
        %get3A_904 = arith.constant 32 : index
        %get3A_905 = tpu.vector_load %arg18[%get3A_902, %get3A_903, %get3A_904] {strides = array<i32>} : memref<2x200x64xf32, #tpu.memory_space<vmem>>, vector<1x1x16xf32>,
        %get3A_906 = vector.shape_cast %get3A_905 : vector<1x1x16xf32> to vector<16xf32>
        %get3A_907 = arith.constant 0 : i32
        %get3A_908 = arith.index_cast %get3A_907 : i32 to index
        %get3A_909 = arith.index_cast %add3A_854 : i32 to index
        %get3A_910 = arith.constant 32 : index
        %get3A_911 = tpu.vector_load %arg19[%get3A_908, %get3A_909, %get3A_910] {strides = array<i32>} : memref<2x200x64xf32, #tpu.memory_space<vmem>>, vector<1x1x16xf32>,
        %get3A_912 = vector.shape_cast %get3A_911 : vector<1x1x16xf32> to vector<16xf32>
        %add3A_913 = arith.addf %get3A_906, %get3A_912 : vector<16xf32>
        %add3A_914 = arith.addf %add3A_913, %get3A_695 : vector<16xf32>
        %swap3A_915 = arith.constant 0 : i32
        %swap3A_916 = arith.index_cast %swap3A_915 : i32 to index
        %swap3A_917 = arith.index_cast %add3A_858 : i32 to index
        %swap3A_918 = arith.constant 32 : index
        %swap3A_919 = tpu.vector_load %arg20[%swap3A_916, %swap3A_917, %swap3A_918] {strides = array<i32>} : memref<2x100x128xf32, #tpu.memory_space<vmem>>, vector<1x1x16xf32>,
        %swap3A_920 = vector.shape_cast %swap3A_919 : vector<1x1x16xf32> to vector<16xf32>
        %swap3A_921 = vector.shape_cast %add3A_914 : vector<16xf32> to vector<1x1x16xf32>
        tpu.vector_store %arg20[%swap3A_916, %swap3A_917, %swap3A_918], %swap3A_921 {strides = array<i32>} : memref<2x100x128xf32, #tpu.memory_space<vmem>>, vector<1x1x16xf32>,
        %get3A_922 = arith.constant 0 : i32
        %get3A_923 = arith.index_cast %get3A_922 : i32 to index
        %get3A_924 = arith.index_cast %add3A_854 : i32 to index
        %get3A_925 = arith.constant 48 : index
        %get3A_926 = tpu.vector_load %arg18[%get3A_923, %get3A_924, %get3A_925] {strides = array<i32>} : memref<2x200x64xf32, #tpu.memory_space<vmem>>, vector<1x1x16xf32>,
        %get3A_927 = vector.shape_cast %get3A_926 : vector<1x1x16xf32> to vector<16xf32>
        %get3A_928 = arith.constant 0 : i32
        %get3A_929 = arith.index_cast %get3A_928 : i32 to index
        %get3A_930 = arith.index_cast %add3A_854 : i32 to index
        %get3A_931 = arith.constant 48 : index
        %get3A_932 = tpu.vector_load %arg19[%get3A_929, %get3A_930, %get3A_931] {strides = array<i32>} : memref<2x200x64xf32, #tpu.memory_space<vmem>>, vector<1x1x16xf32>,
        %get3A_933 = vector.shape_cast %get3A_932 : vector<1x1x16xf32> to vector<16xf32>
        %add3A_934 = arith.addf %get3A_927, %get3A_933 : vector<16xf32>
        %add3A_935 = arith.addf %add3A_934, %get3A_699 : vector<16xf32>
        %swap3A_936 = arith.constant 0 : i32
        %swap3A_937 = arith.index_cast %swap3A_936 : i32 to index
        %swap3A_938 = arith.index_cast %add3A_858 : i32 to index
        %swap3A_939 = arith.constant 48 : index
        %swap3A_940 = tpu.vector_load %arg20[%swap3A_937, %swap3A_938, %swap3A_939] {strides = array<i32>} : memref<2x100x128xf32, #tpu.memory_space<vmem>>, vector<1x1x16xf32>,
        %swap3A_941 = vector.shape_cast %swap3A_940 : vector<1x1x16xf32> to vector<16xf32>
        %swap3A_942 = vector.shape_cast %add3A_935 : vector<16xf32> to vector<1x1x16xf32>
        tpu.vector_store %arg20[%swap3A_937, %swap3A_938, %swap3A_939], %swap3A_942 {strides = array<i32>} : memref<2x100x128xf32, #tpu.memory_space<vmem>>, vector<1x1x16xf32>,
        %mul3A_943 = arith.constant 4 : i32
        %mul3A_944 = arith.muli %scan3A_850, %mul3A_943 : i32
        %add3A_945 = arith.constant 1 : i32
        %add3A_946 = arith.addi %mul3A_944, %add3A_945 : i32
        %mul3A_947 = arith.constant 2 : i32
        %mul3A_948 = arith.muli %mul3A_947, %scan3A_850 : i32
        %add3A_949 = arith.constant 0 : i32
        %add3A_950 = arith.addi %mul3A_948, %add3A_949 : i32
        %get3A_951 = arith.constant 0 : i32
        %get3A_952 = arith.index_cast %get3A_951 : i32 to index
        %get3A_953 = arith.index_cast %add3A_946 : i32 to index
        %get3A_954 = arith.constant 0 : index
        %get3A_955 = tpu.vector_load %arg18[%get3A_952, %get3A_953, %get3A_954] {strides = array<i32>} : memref<2x200x64xf32, #tpu.memory_space<vmem>>, vector<1x1x16xf32>,
        %get3A_956 = vector.shape_cast %get3A_955 : vector<1x1x16xf32> to vector<16xf32>
        %get3A_957 = arith.constant 0 : i32
        %get3A_958 = arith.index_cast %get3A_957 : i32 to index
        %get3A_959 = arith.index_cast %add3A_946 : i32 to index
        %get3A_960 = arith.constant 0 : index
        %get3A_961 = tpu.vector_load %arg19[%get3A_958, %get3A_959, %get3A_960] {strides = array<i32>} : memref<2x200x64xf32, #tpu.memory_space<vmem>>, vector<1x1x16xf32>,
        %get3A_962 = vector.shape_cast %get3A_961 : vector<1x1x16xf32> to vector<16xf32>
        %add3A_963 = arith.addf %get3A_956, %get3A_962 : vector<16xf32>
        %add3A_964 = arith.addf %add3A_963, %get3A_687 : vector<16xf32>
        %swap3A_965 = arith.constant 0 : i32
        %swap3A_966 = arith.index_cast %swap3A_965 : i32 to index
        %swap3A_967 = arith.index_cast %add3A_950 : i32 to index
        %swap3A_968 = arith.constant 64 : index
        %swap3A_969 = tpu.vector_load %arg20[%swap3A_966, %swap3A_967, %swap3A_968] {strides = array<i32>} : memref<2x100x128xf32, #tpu.memory_space<vmem>>, vector<1x1x16xf32>,
        %swap3A_970 = vector.shape_cast %swap3A_969 : vector<1x1x16xf32> to vector<16xf32>
        %swap3A_971 = vector.shape_cast %add3A_964 : vector<16xf32> to vector<1x1x16xf32>
        tpu.vector_store %arg20[%swap3A_966, %swap3A_967, %swap3A_968], %swap3A_971 {strides = array<i32>} : memref<2x100x128xf32, #tpu.memory_space<vmem>>, vector<1x1x16xf32>,
        %get3A_972 = arith.constant 0 : i32
        %get3A_973 = arith.index_cast %get3A_972 : i32 to index
        %get3A_974 = arith.index_cast %add3A_946 : i32 to index
        %get3A_975 = arith.constant 16 : index
        %get3A_976 = tpu.vector_load %arg18[%get3A_973, %get3A_974, %get3A_975] {strides = array<i32>} : memref<2x200x64xf32, #tpu.memory_space<vmem>>, vector<1x1x16xf32>,
        %get3A_977 = vector.shape_cast %get3A_976 : vector<1x1x16xf32> to vector<16xf32>
        %get3A_978 = arith.constant 0 : i32
        %get3A_979 = arith.index_cast %get3A_978 : i32 to index
        %get3A_980 = arith.index_cast %add3A_946 : i32 to index
        %get3A_981 = arith.constant 16 : index
        %get3A_982 = tpu.vector_load %arg19[%get3A_979, %get3A_980, %get3A_981] {strides = array<i32>} : memref<2x200x64xf32, #tpu.memory_space<vmem>>, vector<1x1x16xf32>,
        %get3A_983 = vector.shape_cast %get3A_982 : vector<1x1x16xf32> to vector<16xf32>
        %add3A_984 = arith.addf %get3A_977, %get3A_983 : vector<16xf32>
        %add3A_985 = arith.addf %add3A_984, %get3A_691 : vector<16xf32>
        %swap3A_986 = arith.constant 0 : i32
        %swap3A_987 = arith.index_cast %swap3A_986 : i32 to index
        %swap3A_988 = arith.index_cast %add3A_950 : i32 to index
        %swap3A_989 = arith.constant 80 : index
        %swap3A_990 = tpu.vector_load %arg20[%swap3A_987, %swap3A_988, %swap3A_989] {strides = array<i32>} : memref<2x100x128xf32, #tpu.memory_space<vmem>>, vector<1x1x16xf32>,
        %swap3A_991 = vector.shape_cast %swap3A_990 : vector<1x1x16xf32> to vector<16xf32>
        %swap3A_992 = vector.shape_cast %add3A_985 : vector<16xf32> to vector<1x1x16xf32>
        tpu.vector_store %arg20[%swap3A_987, %swap3A_988, %swap3A_989], %swap3A_992 {strides = array<i32>} : memref<2x100x128xf32, #tpu.memory_space<vmem>>, vector<1x1x16xf32>,
        %get3A_993 = arith.constant 0 : i32
        %get3A_994 = arith.index_cast %get3A_993 : i32 to index
        %get3A_995 = arith.index_cast %add3A_946 : i32 to index
        %get3A_996 = arith.constant 32 : index
        %get3A_997 = tpu.vector_load %arg18[%get3A_994, %get3A_995, %get3A_996] {strides = array<i32>} : memref<2x200x64xf32, #tpu.memory_space<vmem>>, vector<1x1x16xf32>,
        %get3A_998 = vector.shape_cast %get3A_997 : vector<1x1x16xf32> to vector<16xf32>
        %get3A_999 = arith.constant 0 : i32
        %get3A_1000 = arith.index_cast %get3A_999 : i32 to index
        %get3A_1001 = arith.index_cast %add3A_946 : i32 to index
        %get3A_1002 = arith.constant 32 : index
        %get3A_1003 = tpu.vector_load %arg19[%get3A_1000, %get3A_1001, %get3A_1002] {strides = array<i32>} : memref<2x200x64xf32, #tpu.memory_space<vmem>>, vector<1x1x16xf32>,
        %get3A_1004 = vector.shape_cast %get3A_1003 : vector<1x1x16xf32> to vector<16xf32>
        %add3A_1005 = arith.addf %get3A_998, %get3A_1004 : vector<16xf32>
        %add3A_1006 = arith.addf %add3A_1005, %get3A_695 : vector<16xf32>
        %swap3A_1007 = arith.constant 0 : i32
        %swap3A_1008 = arith.index_cast %swap3A_1007 : i32 to index
        %swap3A_1009 = arith.index_cast %add3A_950 : i32 to index
        %swap3A_1010 = arith.constant 96 : index
        %swap3A_1011 = tpu.vector_load %arg20[%swap3A_1008, %swap3A_1009, %swap3A_1010] {strides = array<i32>} : memref<2x100x128xf32, #tpu.memory_space<vmem>>, vector<1x1x16xf32>,
        %swap3A_1012 = vector.shape_cast %swap3A_1011 : vector<1x1x16xf32> to vector<16xf32>
        %swap3A_1013 = vector.shape_cast %add3A_1006 : vector<16xf32> to vector<1x1x16xf32>
        tpu.vector_store %arg20[%swap3A_1008, %swap3A_1009, %swap3A_1010], %swap3A_1013 {strides = array<i32>} : memref<2x100x128xf32, #tpu.memory_space<vmem>>, vector<1x1x16xf32>,
        %get3A_1014 = arith.constant 0 : i32
        %get3A_1015 = arith.index_cast %get3A_1014 : i32 to index
        %get3A_1016 = arith.index_cast %add3A_946 : i32 to index
        %get3A_1017 = arith.constant 48 : index
        %get3A_1018 = tpu.vector_load %arg18[%get3A_1015, %get3A_1016, %get3A_1017] {strides = array<i32>} : memref<2x200x64xf32, #tpu.memory_space<vmem>>, vector<1x1x16xf32>,
        %get3A_1019 = vector.shape_cast %get3A_1018 : vector<1x1x16xf32> to vector<16xf32>
        %get3A_1020 = arith.constant 0 : i32
        %get3A_1021 = arith.index_cast %get3A_1020 : i32 to index
        %get3A_1022 = arith.index_cast %add3A_946 : i32 to index
        %get3A_1023 = arith.constant 48 : index
        %get3A_1024 = tpu.vector_load %arg19[%get3A_1021, %get3A_1022, %get3A_1023] {strides = array<i32>} : memref<2x200x64xf32, #tpu.memory_space<vmem>>, vector<1x1x16xf32>,
        %get3A_1025 = vector.shape_cast %get3A_1024 : vector<1x1x16xf32> to vector<16xf32>
        %add3A_1026 = arith.addf %get3A_1019, %get3A_1025 : vector<16xf32>
        %add3A_1027 = arith.addf %add3A_1026, %get3A_699 : vector<16xf32>
        %swap3A_1028 = arith.constant 0 : i32
        %swap3A_1029 = arith.index_cast %swap3A_1028 : i32 to index
        %swap3A_1030 = arith.index_cast %add3A_950 : i32 to index
        %swap3A_1031 = arith.constant 112 : index
        %swap3A_1032 = tpu.vector_load %arg20[%swap3A_1029, %swap3A_1030, %swap3A_1031] {strides = array<i32>} : memref<2x100x128xf32, #tpu.memory_space<vmem>>, vector<1x1x16xf32>,
        %swap3A_1033 = vector.shape_cast %swap3A_1032 : vector<1x1x16xf32> to vector<16xf32>
        %swap3A_1034 = vector.shape_cast %add3A_1027 : vector<16xf32> to vector<1x1x16xf32>
        tpu.vector_store %arg20[%swap3A_1029, %swap3A_1030, %swap3A_1031], %swap3A_1034 {strides = array<i32>} : memref<2x100x128xf32, #tpu.memory_space<vmem>>, vector<1x1x16xf32>,
        %mul3A_1035 = arith.constant 4 : i32
        %mul3A_1036 = arith.muli %scan3A_850, %mul3A_1035 : i32
        %add3A_1037 = arith.constant 2 : i32
        %add3A_1038 = arith.addi %mul3A_1036, %add3A_1037 : i32
        %mul3A_1039 = arith.constant 2 : i32
        %mul3A_1040 = arith.muli %mul3A_1039, %scan3A_850 : i32
        %add3A_1041 = arith.constant 1 : i32
        %add3A_1042 = arith.addi %mul3A_1040, %add3A_1041 : i32
        %get3A_1043 = arith.constant 0 : i32
        %get3A_1044 = arith.index_cast %get3A_1043 : i32 to index
        %get3A_1045 = arith.index_cast %add3A_1038 : i32 to index
        %get3A_1046 = arith.constant 0 : index
        %get3A_1047 = tpu.vector_load %arg18[%get3A_1044, %get3A_1045, %get3A_1046] {strides = array<i32>} : memref<2x200x64xf32, #tpu.memory_space<vmem>>, vector<1x1x16xf32>,
        %get3A_1048 = vector.shape_cast %get3A_1047 : vector<1x1x16xf32> to vector<16xf32>
        %get3A_1049 = arith.constant 0 : i32
        %get3A_1050 = arith.index_cast %get3A_1049 : i32 to index
        %get3A_1051 = arith.index_cast %add3A_1038 : i32 to index
        %get3A_1052 = arith.constant 0 : index
        %get3A_1053 = tpu.vector_load %arg19[%get3A_1050, %get3A_1051, %get3A_1052] {strides = array<i32>} : memref<2x200x64xf32, #tpu.memory_space<vmem>>, vector<1x1x16xf32>,
        %get3A_1054 = vector.shape_cast %get3A_1053 : vector<1x1x16xf32> to vector<16xf32>
        %add3A_1055 = arith.addf %get3A_1048, %get3A_1054 : vector<16xf32>
        %add3A_1056 = arith.addf %add3A_1055, %get3A_687 : vector<16xf32>
        %swap3A_1057 = arith.constant 0 : i32
        %swap3A_1058 = arith.index_cast %swap3A_1057 : i32 to index
        %swap3A_1059 = arith.index_cast %add3A_1042 : i32 to index
        %swap3A_1060 = arith.constant 0 : index
        %swap3A_1061 = tpu.vector_load %arg20[%swap3A_1058, %swap3A_1059, %swap3A_1060] {strides = array<i32>} : memref<2x100x128xf32, #tpu.memory_space<vmem>>, vector<1x1x16xf32>,
        %swap3A_1062 = vector.shape_cast %swap3A_1061 : vector<1x1x16xf32> to vector<16xf32>
        %swap3A_1063 = vector.shape_cast %add3A_1056 : vector<16xf32> to vector<1x1x16xf32>
        tpu.vector_store %arg20[%swap3A_1058, %swap3A_1059, %swap3A_1060], %swap3A_1063 {strides = array<i32>} : memref<2x100x128xf32, #tpu.memory_space<vmem>>, vector<1x1x16xf32>,
        %get3A_1064 = arith.constant 0 : i32
        %get3A_1065 = arith.index_cast %get3A_1064 : i32 to index
        %get3A_1066 = arith.index_cast %add3A_1038 : i32 to index
        %get3A_1067 = arith.constant 16 : index
        %get3A_1068 = tpu.vector_load %arg18[%get3A_1065, %get3A_1066, %get3A_1067] {strides = array<i32>} : memref<2x200x64xf32, #tpu.memory_space<vmem>>, vector<1x1x16xf32>,
        %get3A_1069 = vector.shape_cast %get3A_1068 : vector<1x1x16xf32> to vector<16xf32>
        %get3A_1070 = arith.constant 0 : i32
        %get3A_1071 = arith.index_cast %get3A_1070 : i32 to index
        %get3A_1072 = arith.index_cast %add3A_1038 : i32 to index
        %get3A_1073 = arith.constant 16 : index
        %get3A_1074 = tpu.vector_load %arg19[%get3A_1071, %get3A_1072, %get3A_1073] {strides = array<i32>} : memref<2x200x64xf32, #tpu.memory_space<vmem>>, vector<1x1x16xf32>,
        %get3A_1075 = vector.shape_cast %get3A_1074 : vector<1x1x16xf32> to vector<16xf32>
        %add3A_1076 = arith.addf %get3A_1069, %get3A_1075 : vector<16xf32>
        %add3A_1077 = arith.addf %add3A_1076, %get3A_691 : vector<16xf32>
        %swap3A_1078 = arith.constant 0 : i32
        %swap3A_1079 = arith.index_cast %swap3A_1078 : i32 to index
        %swap3A_1080 = arith.index_cast %add3A_1042 : i32 to index
        %swap3A_1081 = arith.constant 16 : index
        %swap3A_1082 = tpu.vector_load %arg20[%swap3A_1079, %swap3A_1080, %swap3A_1081] {strides = array<i32>} : memref<2x100x128xf32, #tpu.memory_space<vmem>>, vector<1x1x16xf32>,
        %swap3A_1083 = vector.shape_cast %swap3A_1082 : vector<1x1x16xf32> to vector<16xf32>
        %swap3A_1084 = vector.shape_cast %add3A_1077 : vector<16xf32> to vector<1x1x16xf32>
        tpu.vector_store %arg20[%swap3A_1079, %swap3A_1080, %swap3A_1081], %swap3A_1084 {strides = array<i32>} : memref<2x100x128xf32, #tpu.memory_space<vmem>>, vector<1x1x16xf32>,
        %get3A_1085 = arith.constant 0 : i32
        %get3A_1086 = arith.index_cast %get3A_1085 : i32 to index
        %get3A_1087 = arith.index_cast %add3A_1038 : i32 to index
        %get3A_1088 = arith.constant 32 : index
        %get3A_1089 = tpu.vector_load %arg18[%get3A_1086, %get3A_1087, %get3A_1088] {strides = array<i32>} : memref<2x200x64xf32, #tpu.memory_space<vmem>>, vector<1x1x16xf32>,
        %get3A_1090 = vector.shape_cast %get3A_1089 : vector<1x1x16xf32> to vector<16xf32>
        %get3A_1091 = arith.constant 0 : i32
        %get3A_1092 = arith.index_cast %get3A_1091 : i32 to index
        %get3A_1093 = arith.index_cast %add3A_1038 : i32 to index
        %get3A_1094 = arith.constant 32 : index
        %get3A_1095 = tpu.vector_load %arg19[%get3A_1092, %get3A_1093, %get3A_1094] {strides = array<i32>} : memref<2x200x64xf32, #tpu.memory_space<vmem>>, vector<1x1x16xf32>,
        %get3A_1096 = vector.shape_cast %get3A_1095 : vector<1x1x16xf32> to vector<16xf32>
        %add3A_1097 = arith.addf %get3A_1090, %get3A_1096 : vector<16xf32>
        %add3A_1098 = arith.addf %add3A_1097, %get3A_695 : vector<16xf32>
        %swap3A_1099 = arith.constant 0 : i32
        %swap3A_1100 = arith.index_cast %swap3A_1099 : i32 to index
        %swap3A_1101 = arith.index_cast %add3A_1042 : i32 to index
        %swap3A_1102 = arith.constant 32 : index
        %swap3A_1103 = tpu.vector_load %arg20[%swap3A_1100, %swap3A_1101, %swap3A_1102] {strides = array<i32>} : memref<2x100x128xf32, #tpu.memory_space<vmem>>, vector<1x1x16xf32>,
        %swap3A_1104 = vector.shape_cast %swap3A_1103 : vector<1x1x16xf32> to vector<16xf32>
        %swap3A_1105 = vector.shape_cast %add3A_1098 : vector<16xf32> to vector<1x1x16xf32>
        tpu.vector_store %arg20[%swap3A_1100, %swap3A_1101, %swap3A_1102], %swap3A_1105 {strides = array<i32>} : memref<2x100x128xf32, #tpu.memory_space<vmem>>, vector<1x1x16xf32>,
        %get3A_1106 = arith.constant 0 : i32
        %get3A_1107 = arith.index_cast %get3A_1106 : i32 to index
        %get3A_1108 = arith.index_cast %add3A_1038 : i32 to index
        %get3A_1109 = arith.constant 48 : index
        %get3A_1110 = tpu.vector_load %arg18[%get3A_1107, %get3A_1108, %get3A_1109] {strides = array<i32>} : memref<2x200x64xf32, #tpu.memory_space<vmem>>, vector<1x1x16xf32>,
        %get3A_1111 = vector.shape_cast %get3A_1110 : vector<1x1x16xf32> to vector<16xf32>
        %get3A_1112 = arith.constant 0 : i32
        %get3A_1113 = arith.index_cast %get3A_1112 : i32 to index
        %get3A_1114 = arith.index_cast %add3A_1038 : i32 to index
        %get3A_1115 = arith.constant 48 : index
        %get3A_1116 = tpu.vector_load %arg19[%get3A_1113, %get3A_1114, %get3A_1115] {strides = array<i32>} : memref<2x200x64xf32, #tpu.memory_space<vmem>>, vector<1x1x16xf32>,
        %get3A_1117 = vector.shape_cast %get3A_1116 : vector<1x1x16xf32> to vector<16xf32>
        %add3A_1118 = arith.addf %get3A_1111, %get3A_1117 : vector<16xf32>
        %add3A_1119 = arith.addf %add3A_1118, %get3A_699 : vector<16xf32>
        %swap3A_1120 = arith.constant 0 : i32
        %swap3A_1121 = arith.index_cast %swap3A_1120 : i32 to index
        %swap3A_1122 = arith.index_cast %add3A_1042 : i32 to index
        %swap3A_1123 = arith.constant 48 : index
        %swap3A_1124 = tpu.vector_load %arg20[%swap3A_1121, %swap3A_1122, %swap3A_1123] {strides = array<i32>} : memref<2x100x128xf32, #tpu.memory_space<vmem>>, vector<1x1x16xf32>,
        %swap3A_1125 = vector.shape_cast %swap3A_1124 : vector<1x1x16xf32> to vector<16xf32>
        %swap3A_1126 = vector.shape_cast %add3A_1119 : vector<16xf32> to vector<1x1x16xf32>
        tpu.vector_store %arg20[%swap3A_1121, %swap3A_1122, %swap3A_1123], %swap3A_1126 {strides = array<i32>} : memref<2x100x128xf32, #tpu.memory_space<vmem>>, vector<1x1x16xf32>,
        %mul3A_1127 = arith.constant 4 : i32
        %mul3A_1128 = arith.muli %scan3A_850, %mul3A_1127 : i32
        %add3A_1129 = arith.constant 3 : i32
        %add3A_1130 = arith.addi %mul3A_1128, %add3A_1129 : i32
        %mul3A_1131 = arith.constant 2 : i32
        %mul3A_1132 = arith.muli %mul3A_1131, %scan3A_850 : i32
        %add3A_1133 = arith.constant 1 : i32
        %add3A_1134 = arith.addi %mul3A_1132, %add3A_1133 : i32
        %get3A_1135 = arith.constant 0 : i32
        %get3A_1136 = arith.index_cast %get3A_1135 : i32 to index
        %get3A_1137 = arith.index_cast %add3A_1130 : i32 to index
        %get3A_1138 = arith.constant 0 : index
        %get3A_1139 = tpu.vector_load %arg18[%get3A_1136, %get3A_1137, %get3A_1138] {strides = array<i32>} : memref<2x200x64xf32, #tpu.memory_space<vmem>>, vector<1x1x16xf32>,
        %get3A_1140 = vector.shape_cast %get3A_1139 : vector<1x1x16xf32> to vector<16xf32>
        %get3A_1141 = arith.constant 0 : i32
        %get3A_1142 = arith.index_cast %get3A_1141 : i32 to index
        %get3A_1143 = arith.index_cast %add3A_1130 : i32 to index
        %get3A_1144 = arith.constant 0 : index
        %get3A_1145 = tpu.vector_load %arg19[%get3A_1142, %get3A_1143, %get3A_1144] {strides = array<i32>} : memref<2x200x64xf32, #tpu.memory_space<vmem>>, vector<1x1x16xf32>,
        %get3A_1146 = vector.shape_cast %get3A_1145 : vector<1x1x16xf32> to vector<16xf32>
        %add3A_1147 = arith.addf %get3A_1140, %get3A_1146 : vector<16xf32>
        %add3A_1148 = arith.addf %add3A_1147, %get3A_687 : vector<16xf32>
        %swap3A_1149 = arith.constant 0 : i32
        %swap3A_1150 = arith.index_cast %swap3A_1149 : i32 to index
        %swap3A_1151 = arith.index_cast %add3A_1134 : i32 to index
        %swap3A_1152 = arith.constant 64 : index
        %swap3A_1153 = tpu.vector_load %arg20[%swap3A_1150, %swap3A_1151, %swap3A_1152] {strides = array<i32>} : memref<2x100x128xf32, #tpu.memory_space<vmem>>, vector<1x1x16xf32>,
        %swap3A_1154 = vector.shape_cast %swap3A_1153 : vector<1x1x16xf32> to vector<16xf32>
        %swap3A_1155 = vector.shape_cast %add3A_1148 : vector<16xf32> to vector<1x1x16xf32>
        tpu.vector_store %arg20[%swap3A_1150, %swap3A_1151, %swap3A_1152], %swap3A_1155 {strides = array<i32>} : memref<2x100x128xf32, #tpu.memory_space<vmem>>, vector<1x1x16xf32>,
        %get3A_1156 = arith.constant 0 : i32
        %get3A_1157 = arith.index_cast %get3A_1156 : i32 to index
        %get3A_1158 = arith.index_cast %add3A_1130 : i32 to index
        %get3A_1159 = arith.constant 16 : index
        %get3A_1160 = tpu.vector_load %arg18[%get3A_1157, %get3A_1158, %get3A_1159] {strides = array<i32>} : memref<2x200x64xf32, #tpu.memory_space<vmem>>, vector<1x1x16xf32>,
        %get3A_1161 = vector.shape_cast %get3A_1160 : vector<1x1x16xf32> to vector<16xf32>
        %get3A_1162 = arith.constant 0 : i32
        %get3A_1163 = arith.index_cast %get3A_1162 : i32 to index
        %get3A_1164 = arith.index_cast %add3A_1130 : i32 to index
        %get3A_1165 = arith.constant 16 : index
        %get3A_1166 = tpu.vector_load %arg19[%get3A_1163, %get3A_1164, %get3A_1165] {strides = array<i32>} : memref<2x200x64xf32, #tpu.memory_space<vmem>>, vector<1x1x16xf32>,
        %get3A_1167 = vector.shape_cast %get3A_1166 : vector<1x1x16xf32> to vector<16xf32>
        %add3A_1168 = arith.addf %get3A_1161, %get3A_1167 : vector<16xf32>
        %add3A_1169 = arith.addf %add3A_1168, %get3A_691 : vector<16xf32>
        %swap3A_1170 = arith.constant 0 : i32
        %swap3A_1171 = arith.index_cast %swap3A_1170 : i32 to index
        %swap3A_1172 = arith.index_cast %add3A_1134 : i32 to index
        %swap3A_1173 = arith.constant 80 : index
        %swap3A_1174 = tpu.vector_load %arg20[%swap3A_1171, %swap3A_1172, %swap3A_1173] {strides = array<i32>} : memref<2x100x128xf32, #tpu.memory_space<vmem>>, vector<1x1x16xf32>,
        %swap3A_1175 = vector.shape_cast %swap3A_1174 : vector<1x1x16xf32> to vector<16xf32>
        %swap3A_1176 = vector.shape_cast %add3A_1169 : vector<16xf32> to vector<1x1x16xf32>
        tpu.vector_store %arg20[%swap3A_1171, %swap3A_1172, %swap3A_1173], %swap3A_1176 {strides = array<i32>} : memref<2x100x128xf32, #tpu.memory_space<vmem>>, vector<1x1x16xf32>,
        %get3A_1177 = arith.constant 0 : i32
        %get3A_1178 = arith.index_cast %get3A_1177 : i32 to index
        %get3A_1179 = arith.index_cast %add3A_1130 : i32 to index
        %get3A_1180 = arith.constant 32 : index
        %get3A_1181 = tpu.vector_load %arg18[%get3A_1178, %get3A_1179, %get3A_1180] {strides = array<i32>} : memref<2x200x64xf32, #tpu.memory_space<vmem>>, vector<1x1x16xf32>,
        %get3A_1182 = vector.shape_cast %get3A_1181 : vector<1x1x16xf32> to vector<16xf32>
        %get3A_1183 = arith.constant 0 : i32
        %get3A_1184 = arith.index_cast %get3A_1183 : i32 to index
        %get3A_1185 = arith.index_cast %add3A_1130 : i32 to index
        %get3A_1186 = arith.constant 32 : index
        %get3A_1187 = tpu.vector_load %arg19[%get3A_1184, %get3A_1185, %get3A_1186] {strides = array<i32>} : memref<2x200x64xf32, #tpu.memory_space<vmem>>, vector<1x1x16xf32>,
        %get3A_1188 = vector.shape_cast %get3A_1187 : vector<1x1x16xf32> to vector<16xf32>
        %add3A_1189 = arith.addf %get3A_1182, %get3A_1188 : vector<16xf32>
        %add3A_1190 = arith.addf %add3A_1189, %get3A_695 : vector<16xf32>
        %swap3A_1191 = arith.constant 0 : i32
        %swap3A_1192 = arith.index_cast %swap3A_1191 : i32 to index
        %swap3A_1193 = arith.index_cast %add3A_1134 : i32 to index
        %swap3A_1194 = arith.constant 96 : index
        %swap3A_1195 = tpu.vector_load %arg20[%swap3A_1192, %swap3A_1193, %swap3A_1194] {strides = array<i32>} : memref<2x100x128xf32, #tpu.memory_space<vmem>>, vector<1x1x16xf32>,
        %swap3A_1196 = vector.shape_cast %swap3A_1195 : vector<1x1x16xf32> to vector<16xf32>
        %swap3A_1197 = vector.shape_cast %add3A_1190 : vector<16xf32> to vector<1x1x16xf32>
        tpu.vector_store %arg20[%swap3A_1192, %swap3A_1193, %swap3A_1194], %swap3A_1197 {strides = array<i32>} : memref<2x100x128xf32, #tpu.memory_space<vmem>>, vector<1x1x16xf32>,
        %get3A_1198 = arith.constant 0 : i32
        %get3A_1199 = arith.index_cast %get3A_1198 : i32 to index
        %get3A_1200 = arith.index_cast %add3A_1130 : i32 to index
        %get3A_1201 = arith.constant 48 : index
        %get3A_1202 = tpu.vector_load %arg18[%get3A_1199, %get3A_1200, %get3A_1201] {strides = array<i32>} : memref<2x200x64xf32, #tpu.memory_space<vmem>>, vector<1x1x16xf32>,
        %get3A_1203 = vector.shape_cast %get3A_1202 : vector<1x1x16xf32> to vector<16xf32>
        %get3A_1204 = arith.constant 0 : i32
        %get3A_1205 = arith.index_cast %get3A_1204 : i32 to index
        %get3A_1206 = arith.index_cast %add3A_1130 : i32 to index
        %get3A_1207 = arith.constant 48 : index
        %get3A_1208 = tpu.vector_load %arg19[%get3A_1205, %get3A_1206, %get3A_1207] {strides = array<i32>} : memref<2x200x64xf32, #tpu.memory_space<vmem>>, vector<1x1x16xf32>,
        %get3A_1209 = vector.shape_cast %get3A_1208 : vector<1x1x16xf32> to vector<16xf32>
        %add3A_1210 = arith.addf %get3A_1203, %get3A_1209 : vector<16xf32>
        %add3A_1211 = arith.addf %add3A_1210, %get3A_699 : vector<16xf32>
        %swap3A_1212 = arith.constant 0 : i32
        %swap3A_1213 = arith.index_cast %swap3A_1212 : i32 to index
        %swap3A_1214 = arith.index_cast %add3A_1134 : i32 to index
        %swap3A_1215 = arith.constant 112 : index
        %swap3A_1216 = tpu.vector_load %arg20[%swap3A_1213, %swap3A_1214, %swap3A_1215] {strides = array<i32>} : memref<2x100x128xf32, #tpu.memory_space<vmem>>, vector<1x1x16xf32>,
        %swap3A_1217 = vector.shape_cast %swap3A_1216 : vector<1x1x16xf32> to vector<16xf32>
        %swap3A_1218 = vector.shape_cast %add3A_1211 : vector<16xf32> to vector<1x1x16xf32>
        tpu.vector_store %arg20[%swap3A_1213, %swap3A_1214, %swap3A_1215], %swap3A_1218 {strides = array<i32>} : memref<2x100x128xf32, #tpu.memory_space<vmem>>, vector<1x1x16xf32>,
      }
      %scan3A_705 = arith.constant 50 : i32
      %add3A_706 = arith.addi %mul3A_2, %add3A_608 : i32
      %mul3A_707 = arith.constant 100 : i32
      %mul3A_708 = arith.muli %add3A_706, %mul3A_707 : i32
      %dma_start3A_709 = arith.constant 0 : i32
      %dma_start3A_710 = arith.constant 0 : i32
      %dma_start3A_711 = arith.constant 0 : i32
      %dma_start3A_712 = tpu.memref_slice %arg20[%dma_start3A_709, %dma_start3A_710, %dma_start3A_711] : memref<2x100x128xf32, #tpu.memory_space<vmem>> -> memref<1x100x128xf32, #tpu.memory_space<vmem>>
      %dma_start3A_713 = tpu.memref_squeeze %dma_start3A_712 : memref<1x100x128xf32, #tpu.memory_space<vmem>> -> memref<100x128xf32, #tpu.memory_space<vmem>>
      %dma_start3A_714 = arith.constant 0 : i32
      %dma_start3A_715 = tpu.memref_slice %arg9[%mul3A_708, %dma_start3A_714] : memref<409600x128xf32, #tpu.memory_space<hbm>> -> memref<100x128xf32, #tpu.memory_space<hbm>>
      %dma_start3A_716 = arith.constant 0 : i32
      %dma_start3A_717 = tpu.memref_slice %arg9[%mul3A_708, %dma_start3A_716] : memref<409600x128xf32, #tpu.memory_space<hbm>> -> memref<100x128xf32, #tpu.memory_space<hbm>>
      %dma_start3A_718 = arith.constant 0 : i32
      %dma_start3A_719 = arith.constant 0 : i32
      %dma_start3A_720 = tpu.memref_slice %arg20[%dma_start3A_709, %dma_start3A_718, %dma_start3A_719] : memref<2x100x128xf32, #tpu.memory_space<vmem>> -> memref<1x100x128xf32, #tpu.memory_space<vmem>>
      %dma_start3A_721 = tpu.memref_squeeze %dma_start3A_720 : memref<1x100x128xf32, #tpu.memory_space<vmem>> -> memref<100x128xf32, #tpu.memory_space<vmem>>
      tpu.enqueue_dma source(%dma_start3A_721 : memref<100x128xf32, #tpu.memory_space<vmem>>) target(%dma_start3A_717 : memref<100x128xf32, #tpu.memory_space<hbm>>) target_semaphore(%arg25 : memref<!tpu.dma_semaphore, #tpu.memory_space<semaphore_mem>>)
      %mul3A_722 = arith.constant 2 : i32
      %mul3A_723 = arith.muli %mul3A_722, %scan3A_604 : i32
      %add3A_724 = arith.constant 1 : i32
      %add3A_725 = arith.addi %mul3A_723, %add3A_724 : i32
      %jit3A_726 = arith.constant 16 : i32
      %div3A_727 = arith.divsi %add3A_725, %jit3A_726 : i32
      %sign3A_728 = arith.constant 0 : i32
      %sign3A_729 = arith.cmpi sgt, %add3A_725, %sign3A_728 : i32
      %sign3A_730 = arith.extui %sign3A_729 : i1 to i32
      %sign3A_731 = arith.constant 0 : i32
      %sign3A_732 = arith.cmpi slt, %add3A_725, %sign3A_731 : i32
      %sign3A_733 = arith.extui %sign3A_732 : i1 to i32
      %sign3A_734 = arith.subi %sign3A_730, %sign3A_733 : i32
      %sign3A_735 = arith.constant 0 : i32
      %sign3A_736 = arith.cmpi sgt, %jit3A_726, %sign3A_735 : i32
      %sign3A_737 = arith.extui %sign3A_736 : i1 to i32
      %sign3A_738 = arith.constant 0 : i32
      %sign3A_739 = arith.cmpi slt, %jit3A_726, %sign3A_738 : i32
      %sign3A_740 = arith.extui %sign3A_739 : i1 to i32
      %sign3A_741 = arith.subi %sign3A_737, %sign3A_740 : i32
      %ne3A_742 = arith.cmpi ne, %sign3A_734, %sign3A_741 : i32
      %rem3A_743 = arith.remsi %add3A_725, %jit3A_726 : i32
      %ne3A_744 = arith.constant 0 : i32
      %ne3A_745 = arith.cmpi ne, %rem3A_743, %ne3A_744 : i32
      %and3A_746 = arith.andi %ne3A_742, %ne3A_745 : i1
      %sub3A_747 = arith.constant 1 : i32
      %sub3A_748 = arith.subi %div3A_727, %sub3A_747 : i32
      %select_n3A_749 = arith.select %and3A_746, %sub3A_748, %div3A_727 : i32
      %rem3A_750 = arith.constant 2 : i32
      %rem3A_751 = arith.remsi %select_n3A_749, %rem3A_750 : i32
      %rem3A_752 = arith.constant 16 : i32
      %rem3A_753 = arith.remsi %add3A_725, %rem3A_752 : i32
      %dma_wait3A_754 = arith.constant 1 : i32
      %dma_wait3A_755 = arith.constant 0 : i32
      %dma_wait3A_756 = arith.constant 0 : i32
      %dma_wait3A_757 = tpu.memref_slice %arg18[%dma_wait3A_754, %dma_wait3A_755, %dma_wait3A_756] : memref<2x200x64xf32, #tpu.memory_space<vmem>> -> memref<1x104x64xf32, #tpu.memory_space<vmem>>
      %dma_wait3A_758 = tpu.memref_squeeze %dma_wait3A_757 : memref<1x104x64xf32, #tpu.memory_space<vmem>> -> memref<104x64xf32, #tpu.memory_space<vmem>>
      %dma_wait3A_759 = arith.constant 0 : i32
      %dma_wait3A_760 = tpu.memref_slice %arg14[%rem3A_751, %rem3A_753, %dma_wait3A_759] : memref<2x16x200xi32, #tpu.memory_space<vmem>> -> memref<1x1x104xi32, #tpu.memory_space<vmem>>
      %dma_wait3A_761 = tpu.memref_squeeze %dma_wait3A_760 : memref<1x1x104xi32, #tpu.memory_space<vmem>> -> memref<104xi32, #tpu.memory_space<vmem>>
      %dma_wait3A_762 = arith.constant 0 : i32
      %dma_wait3A_763 = arith.constant 0 : i32
      %dma_wait3A_764 = tpu.memref_slice %arg6[%dma_wait3A_762, %dma_wait3A_763] : memref<100001x64xf32, #tpu.memory_space<hbm>> -> memref<100001x64xf32, #tpu.memory_space<hbm>>
      tpu.wait_indirect_dma semaphore(%arg22 : memref<!tpu.dma_semaphore, #tpu.memory_space<semaphore_mem>>) src(%dma_wait3A_764 : memref<100001x64xf32, #tpu.memory_space<hbm>>) dst(%dma_wait3A_758 : memref<104x64xf32, #tpu.memory_space<vmem>>)
      %dma_wait3A_765 = arith.constant 1 : i32
      %dma_wait3A_766 = arith.constant 104 : i32
      %dma_wait3A_767 = arith.constant 0 : i32
      %dma_wait3A_768 = tpu.memref_slice %arg18[%dma_wait3A_765, %dma_wait3A_766, %dma_wait3A_767] : memref<2x200x64xf32, #tpu.memory_space<vmem>> -> memref<1x96x64xf32, #tpu.memory_space<vmem>>
      %dma_wait3A_769 = tpu.memref_squeeze %dma_wait3A_768 : memref<1x96x64xf32, #tpu.memory_space<vmem>> -> memref<96x64xf32, #tpu.memory_space<vmem>>
      %dma_wait3A_770 = arith.constant 104 : i32
      %dma_wait3A_771 = tpu.memref_slice %arg14[%rem3A_751, %rem3A_753, %dma_wait3A_770] : memref<2x16x200xi32, #tpu.memory_space<vmem>> -> memref<1x1x96xi32, #tpu.memory_space<vmem>>
      %dma_wait3A_772 = tpu.memref_squeeze %dma_wait3A_771 : memref<1x1x96xi32, #tpu.memory_space<vmem>> -> memref<96xi32, #tpu.memory_space<vmem>>
      %dma_wait3A_773 = arith.constant 0 : i32
      %dma_wait3A_774 = arith.constant 0 : i32
      %dma_wait3A_775 = tpu.memref_slice %arg6[%dma_wait3A_773, %dma_wait3A_774] : memref<100001x64xf32, #tpu.memory_space<hbm>> -> memref<100001x64xf32, #tpu.memory_space<hbm>>
      tpu.wait_indirect_dma semaphore(%arg22 : memref<!tpu.dma_semaphore, #tpu.memory_space<semaphore_mem>>) src(%dma_wait3A_775 : memref<100001x64xf32, #tpu.memory_space<hbm>>) dst(%dma_wait3A_769 : memref<96x64xf32, #tpu.memory_space<vmem>>)
      %dma_wait3A_776 = arith.constant 1 : i32
      %dma_wait3A_777 = arith.constant 1 : i32
      %dma_wait3A_778 = arith.constant 0 : i32
      %dma_wait3A_779 = arith.constant 0 : i32
      %dma_wait3A_780 = tpu.memref_slice %arg19[%dma_wait3A_777, %dma_wait3A_778, %dma_wait3A_779] : memref<2x200x64xf32, #tpu.memory_space<vmem>> -> memref<1x104x64xf32, #tpu.memory_space<vmem>>
      %dma_wait3A_781 = tpu.memref_squeeze %dma_wait3A_780 : memref<1x104x64xf32, #tpu.memory_space<vmem>> -> memref<104x64xf32, #tpu.memory_space<vmem>>
      %dma_wait3A_782 = arith.constant 0 : i32
      %dma_wait3A_783 = tpu.memref_slice %arg17[%dma_wait3A_776, %dma_wait3A_782] : memref<2x200xi32, #tpu.memory_space<vmem>> -> memref<1x104xi32, #tpu.memory_space<vmem>>
      %dma_wait3A_784 = tpu.memref_squeeze %dma_wait3A_783 : memref<1x104xi32, #tpu.memory_space<vmem>> -> memref<104xi32, #tpu.memory_space<vmem>>
      %dma_wait3A_785 = arith.constant 0 : i32
      %dma_wait3A_786 = arith.constant 0 : i32
      %dma_wait3A_787 = tpu.memref_slice %arg10[%dma_wait3A_785, %dma_wait3A_786] : memref<3744x64xf32, #tpu.memory_space<vmem_shared>> -> memref<3744x64xf32, #tpu.memory_space<vmem_shared>>
      tpu.wait_indirect_dma semaphore(%arg24 : memref<!tpu.dma_semaphore, #tpu.memory_space<semaphore_mem>>) src(%dma_wait3A_787 : memref<3744x64xf32, #tpu.memory_space<vmem_shared>>) dst(%dma_wait3A_781 : memref<104x64xf32, #tpu.memory_space<vmem>>)
      %dma_wait3A_788 = arith.constant 1 : i32
      %dma_wait3A_789 = arith.constant 1 : i32
      %dma_wait3A_790 = arith.constant 104 : i32
      %dma_wait3A_791 = arith.constant 0 : i32
      %dma_wait3A_792 = tpu.memref_slice %arg19[%dma_wait3A_789, %dma_wait3A_790, %dma_wait3A_791] : memref<2x200x64xf32, #tpu.memory_space<vmem>> -> memref<1x96x64xf32, #tpu.memory_space<vmem>>
      %dma_wait3A_793 = tpu.memref_squeeze %dma_wait3A_792 : memref<1x96x64xf32, #tpu.memory_space<vmem>> -> memref<96x64xf32, #tpu.memory_space<vmem>>
      %dma_wait3A_794 = arith.constant 104 : i32
      %dma_wait3A_795 = tpu.memref_slice %arg17[%dma_wait3A_788, %dma_wait3A_794] : memref<2x200xi32, #tpu.memory_space<vmem>> -> memref<1x96xi32, #tpu.memory_space<vmem>>
      %dma_wait3A_796 = tpu.memref_squeeze %dma_wait3A_795 : memref<1x96xi32, #tpu.memory_space<vmem>> -> memref<96xi32, #tpu.memory_space<vmem>>
      %dma_wait3A_797 = arith.constant 0 : i32
      %dma_wait3A_798 = arith.constant 0 : i32
      %dma_wait3A_799 = tpu.memref_slice %arg10[%dma_wait3A_797, %dma_wait3A_798] : memref<3744x64xf32, #tpu.memory_space<vmem_shared>> -> memref<3744x64xf32, #tpu.memory_space<vmem_shared>>
      tpu.wait_indirect_dma semaphore(%arg24 : memref<!tpu.dma_semaphore, #tpu.memory_space<semaphore_mem>>) src(%dma_wait3A_799 : memref<3744x64xf32, #tpu.memory_space<vmem_shared>>) dst(%dma_wait3A_793 : memref<96x64xf32, #tpu.memory_space<vmem>>)
      %add3A_800 = arith.constant 1 : i32
      %add3A_801 = arith.addi %add3A_725, %add3A_800 : i32
      %lt3A_802 = arith.constant 128 : i32
      %lt3A_803 = arith.cmpi slt, %add3A_801, %lt3A_802 : i32
      %convert_element_type3A_804 = arith.extui %lt3A_803 : i1 to i32
      %cond3A_805 = arith.constant 0 : i32
      %cond3A_806 = arith.cmpi ne, %convert_element_type3A_804, %cond3A_805 : i32
      scf.if %cond3A_806 {
        %rem3A_850 = arith.constant 16 : i32
        %rem3A_851 = arith.remsi %add3A_801, %rem3A_850 : i32
        %eq3A = arith.constant 0 : i32
        %eq3A_852 = arith.cmpi eq, %rem3A_851, %eq3A : i32
        %convert_element_type3A_853 = arith.extui %eq3A_852 : i1 to i32
        %cond3A_854 = arith.constant 0 : i32
        %cond3A_855 = arith.cmpi ne, %convert_element_type3A_853, %cond3A_854 : i32
        scf.if %cond3A_855 {
          %jit3A_1254 = arith.constant 16 : i32
          %div3A_1255 = arith.divsi %add3A_801, %jit3A_1254 : i32
          %sign3A_1256 = arith.constant 0 : i32
          %sign3A_1257 = arith.cmpi sgt, %add3A_801, %sign3A_1256 : i32
          %sign3A_1258 = arith.extui %sign3A_1257 : i1 to i32
          %sign3A_1259 = arith.constant 0 : i32
          %sign3A_1260 = arith.cmpi slt, %add3A_801, %sign3A_1259 : i32
          %sign3A_1261 = arith.extui %sign3A_1260 : i1 to i32
          %sign3A_1262 = arith.subi %sign3A_1258, %sign3A_1261 : i32
          %sign3A_1263 = arith.constant 0 : i32
          %sign3A_1264 = arith.cmpi sgt, %jit3A_1254, %sign3A_1263 : i32
          %sign3A_1265 = arith.extui %sign3A_1264 : i1 to i32
          %sign3A_1266 = arith.constant 0 : i32
          %sign3A_1267 = arith.cmpi slt, %jit3A_1254, %sign3A_1266 : i32
          %sign3A_1268 = arith.extui %sign3A_1267 : i1 to i32
          %sign3A_1269 = arith.subi %sign3A_1265, %sign3A_1268 : i32
          %ne3A_1270 = arith.cmpi ne, %sign3A_1262, %sign3A_1269 : i32
          %rem3A_1271 = arith.remsi %add3A_801, %jit3A_1254 : i32
          %ne3A_1272 = arith.constant 0 : i32
          %ne3A_1273 = arith.cmpi ne, %rem3A_1271, %ne3A_1272 : i32
          %and3A_1274 = arith.andi %ne3A_1270, %ne3A_1273 : i1
          %sub3A_1275 = arith.constant 1 : i32
          %sub3A_1276 = arith.subi %div3A_1255, %sub3A_1275 : i32
          %select_n3A_1277 = arith.select %and3A_1274, %sub3A_1276, %div3A_1255 : i32
          %mul3A_1278 = arith.constant 16 : i32
          %mul3A_1279 = arith.muli %select_n3A_1277, %mul3A_1278 : i32
          %add3A_1280 = arith.addi %mul3A_2, %mul3A_1279 : i32
          %rem3A_1281 = arith.constant 2 : i32
          %rem3A_1282 = arith.remsi %select_n3A_1277, %rem3A_1281 : i32
          %dma_wait3A_1283 = arith.constant 0 : i32
          %dma_wait3A_1284 = arith.constant 0 : i32
          %dma_wait3A_1285 = tpu.memref_slice %arg14[%rem3A_1282, %dma_wait3A_1283, %dma_wait3A_1284] : memref<2x16x200xi32, #tpu.memory_space<vmem>> -> memref<1x16x200xi32, #tpu.memory_space<vmem>>
          %dma_wait3A_1286 = tpu.memref_squeeze %dma_wait3A_1285 : memref<1x16x200xi32, #tpu.memory_space<vmem>> -> memref<16x200xi32, #tpu.memory_space<vmem>>
          %dma_wait3A_1287 = arith.constant 0 : i32
          %dma_wait3A_1288 = tpu.memref_slice %arg2[%add3A_1280, %dma_wait3A_1287] : memref<4096x200xi32, #tpu.memory_space<hbm>> -> memref<16x200xi32, #tpu.memory_space<hbm>>
          %dma_wait3A_1289 = arith.constant 0 : i32
          %dma_wait3A_1290 = arith.constant 0 : i32
          %dma_wait3A_1291 = tpu.memref_slice %arg14[%rem3A_1282, %dma_wait3A_1289, %dma_wait3A_1290] : memref<2x16x200xi32, #tpu.memory_space<vmem>> -> memref<1x16x200xi32, #tpu.memory_space<vmem>>
          %dma_wait3A_1292 = tpu.memref_squeeze %dma_wait3A_1291 : memref<1x16x200xi32, #tpu.memory_space<vmem>> -> memref<16x200xi32, #tpu.memory_space<vmem>>
          %dma_wait3A_1293 = arith.constant 0 : i32
          %dma_wait3A_1294 = tpu.memref_slice %arg2[%add3A_1280, %dma_wait3A_1293] : memref<4096x200xi32, #tpu.memory_space<hbm>> -> memref<16x200xi32, #tpu.memory_space<hbm>>
          tpu.wait_dma2 semaphore(%arg27 : memref<!tpu.dma_semaphore, #tpu.memory_space<semaphore_mem>>) src(%dma_wait3A_1294 : memref<16x200xi32, #tpu.memory_space<hbm>>) dst(%dma_wait3A_1292 : memref<16x200xi32, #tpu.memory_space<vmem>>)
          %dma_wait3A_1295 = arith.constant 0 : i32
          %dma_wait3A_1296 = arith.constant 0 : i32
          %dma_wait3A_1297 = tpu.memref_slice %arg15[%rem3A_1282, %dma_wait3A_1295, %dma_wait3A_1296] : memref<2x16x200xi32, #tpu.memory_space<vmem>> -> memref<1x16x200xi32, #tpu.memory_space<vmem>>
          %dma_wait3A_1298 = tpu.memref_squeeze %dma_wait3A_1297 : memref<1x16x200xi32, #tpu.memory_space<vmem>> -> memref<16x200xi32, #tpu.memory_space<vmem>>
          %dma_wait3A_1299 = arith.constant 0 : i32
          %dma_wait3A_1300 = tpu.memref_slice %arg3[%add3A_1280, %dma_wait3A_1299] : memref<4096x200xi32, #tpu.memory_space<hbm>> -> memref<16x200xi32, #tpu.memory_space<hbm>>
          %dma_wait3A_1301 = arith.constant 0 : i32
          %dma_wait3A_1302 = arith.constant 0 : i32
          %dma_wait3A_1303 = tpu.memref_slice %arg15[%rem3A_1282, %dma_wait3A_1301, %dma_wait3A_1302] : memref<2x16x200xi32, #tpu.memory_space<vmem>> -> memref<1x16x200xi32, #tpu.memory_space<vmem>>
          %dma_wait3A_1304 = tpu.memref_squeeze %dma_wait3A_1303 : memref<1x16x200xi32, #tpu.memory_space<vmem>> -> memref<16x200xi32, #tpu.memory_space<vmem>>
          %dma_wait3A_1305 = arith.constant 0 : i32
          %dma_wait3A_1306 = tpu.memref_slice %arg3[%add3A_1280, %dma_wait3A_1305] : memref<4096x200xi32, #tpu.memory_space<hbm>> -> memref<16x200xi32, #tpu.memory_space<hbm>>
          tpu.wait_dma2 semaphore(%arg27 : memref<!tpu.dma_semaphore, #tpu.memory_space<semaphore_mem>>) src(%dma_wait3A_1306 : memref<16x200xi32, #tpu.memory_space<hbm>>) dst(%dma_wait3A_1304 : memref<16x200xi32, #tpu.memory_space<vmem>>)
          %dma_wait3A_1307 = arith.constant 0 : i32
          %dma_wait3A_1308 = arith.constant 0 : i32
          %dma_wait3A_1309 = tpu.memref_slice %arg16[%rem3A_1282, %dma_wait3A_1307, %dma_wait3A_1308] : memref<2x16x200xi32, #tpu.memory_space<vmem>> -> memref<1x16x200xi32, #tpu.memory_space<vmem>>
          %dma_wait3A_1310 = tpu.memref_squeeze %dma_wait3A_1309 : memref<1x16x200xi32, #tpu.memory_space<vmem>> -> memref<16x200xi32, #tpu.memory_space<vmem>>
          %dma_wait3A_1311 = arith.constant 0 : i32
          %dma_wait3A_1312 = tpu.memref_slice %arg4[%add3A_1280, %dma_wait3A_1311] : memref<4096x200xi32, #tpu.memory_space<hbm>> -> memref<16x200xi32, #tpu.memory_space<hbm>>
          %dma_wait3A_1313 = arith.constant 0 : i32
          %dma_wait3A_1314 = arith.constant 0 : i32
          %dma_wait3A_1315 = tpu.memref_slice %arg16[%rem3A_1282, %dma_wait3A_1313, %dma_wait3A_1314] : memref<2x16x200xi32, #tpu.memory_space<vmem>> -> memref<1x16x200xi32, #tpu.memory_space<vmem>>
          %dma_wait3A_1316 = tpu.memref_squeeze %dma_wait3A_1315 : memref<1x16x200xi32, #tpu.memory_space<vmem>> -> memref<16x200xi32, #tpu.memory_space<vmem>>
          %dma_wait3A_1317 = arith.constant 0 : i32
          %dma_wait3A_1318 = tpu.memref_slice %arg4[%add3A_1280, %dma_wait3A_1317] : memref<4096x200xi32, #tpu.memory_space<hbm>> -> memref<16x200xi32, #tpu.memory_space<hbm>>
          tpu.wait_dma2 semaphore(%arg27 : memref<!tpu.dma_semaphore, #tpu.memory_space<semaphore_mem>>) src(%dma_wait3A_1318 : memref<16x200xi32, #tpu.memory_space<hbm>>) dst(%dma_wait3A_1316 : memref<16x200xi32, #tpu.memory_space<vmem>>)
        } else {
        }
        %jit3A_856 = arith.constant 16 : i32
        %div3A_857 = arith.divsi %add3A_801, %jit3A_856 : i32
        %sign3A_858 = arith.constant 0 : i32
        %sign3A_859 = arith.cmpi sgt, %add3A_801, %sign3A_858 : i32
        %sign3A_860 = arith.extui %sign3A_859 : i1 to i32
        %sign3A_861 = arith.constant 0 : i32
        %sign3A_862 = arith.cmpi slt, %add3A_801, %sign3A_861 : i32
        %sign3A_863 = arith.extui %sign3A_862 : i1 to i32
        %sign3A_864 = arith.subi %sign3A_860, %sign3A_863 : i32
        %sign3A_865 = arith.constant 0 : i32
        %sign3A_866 = arith.cmpi sgt, %jit3A_856, %sign3A_865 : i32
        %sign3A_867 = arith.extui %sign3A_866 : i1 to i32
        %sign3A_868 = arith.constant 0 : i32
        %sign3A_869 = arith.cmpi slt, %jit3A_856, %sign3A_868 : i32
        %sign3A_870 = arith.extui %sign3A_869 : i1 to i32
        %sign3A_871 = arith.subi %sign3A_867, %sign3A_870 : i32
        %ne3A_872 = arith.cmpi ne, %sign3A_864, %sign3A_871 : i32
        %rem3A_873 = arith.remsi %add3A_801, %jit3A_856 : i32
        %ne3A_874 = arith.constant 0 : i32
        %ne3A_875 = arith.cmpi ne, %rem3A_873, %ne3A_874 : i32
        %and3A_876 = arith.andi %ne3A_872, %ne3A_875 : i1
        %sub3A_877 = arith.constant 1 : i32
        %sub3A_878 = arith.subi %div3A_857, %sub3A_877 : i32
        %select_n3A_879 = arith.select %and3A_876, %sub3A_878, %div3A_857 : i32
        %rem3A_880 = arith.constant 2 : i32
        %rem3A_881 = arith.remsi %select_n3A_879, %rem3A_880 : i32
        %rem3A_882 = arith.constant 16 : i32
        %rem3A_883 = arith.remsi %add3A_801, %rem3A_882 : i32
        %get3A_884 = arith.index_cast %rem3A_881 : i32 to index
        %get3A_885 = arith.index_cast %rem3A_883 : i32 to index
        %get3A_886 = arith.constant 0 : index
        %get3A_887 = tpu.vector_load %arg15[%get3A_884, %get3A_885, %get3A_886] {strides = array<i32>} : memref<2x16x200xi32, #tpu.memory_space<vmem>>, vector<1x1x16xi32>,
        %get3A_888 = vector.shape_cast %get3A_887 : vector<1x1x16xi32> to vector<16xi32>
        %mul3A_889 = arith.constant 9 : i32
        %mul3A_890 = vector.broadcast %mul3A_889 : i32 to vector<16xi32>
        %mul3A_891 = arith.muli %get3A_888, %mul3A_890 : vector<16xi32>
        %get3A_892 = arith.index_cast %rem3A_881 : i32 to index
        %get3A_893 = arith.index_cast %rem3A_883 : i32 to index
        %get3A_894 = arith.constant 0 : index
        %get3A_895 = tpu.vector_load %arg16[%get3A_892, %get3A_893, %get3A_894] {strides = array<i32>} : memref<2x16x200xi32, #tpu.memory_space<vmem>>, vector<1x1x16xi32>,
        %get3A_896 = vector.shape_cast %get3A_895 : vector<1x1x16xi32> to vector<16xi32>
        %add3A_897 = arith.addi %mul3A_891, %get3A_896 : vector<16xi32>
        %swap3A_898 = arith.constant 0 : i32
        %swap3A_899 = arith.index_cast %swap3A_898 : i32 to index
        %swap3A_900 = arith.constant 0 : index
        %swap3A_901 = tpu.vector_load %arg17[%swap3A_899, %swap3A_900] {strides = array<i32>} : memref<2x200xi32, #tpu.memory_space<vmem>>, vector<1x16xi32>,
        %swap3A_902 = vector.shape_cast %swap3A_901 : vector<1x16xi32> to vector<16xi32>
        %swap3A_903 = vector.shape_cast %add3A_897 : vector<16xi32> to vector<1x16xi32>
        tpu.vector_store %arg17[%swap3A_899, %swap3A_900], %swap3A_903 {strides = array<i32>} : memref<2x200xi32, #tpu.memory_space<vmem>>, vector<1x16xi32>,
        %get3A_904 = arith.index_cast %rem3A_881 : i32 to index
        %get3A_905 = arith.index_cast %rem3A_883 : i32 to index
        %get3A_906 = arith.constant 16 : index
        %get3A_907 = tpu.vector_load %arg15[%get3A_904, %get3A_905, %get3A_906] {strides = array<i32>} : memref<2x16x200xi32, #tpu.memory_space<vmem>>, vector<1x1x16xi32>,
        %get3A_908 = vector.shape_cast %get3A_907 : vector<1x1x16xi32> to vector<16xi32>
        %mul3A_909 = arith.constant 9 : i32
        %mul3A_910 = vector.broadcast %mul3A_909 : i32 to vector<16xi32>
        %mul3A_911 = arith.muli %get3A_908, %mul3A_910 : vector<16xi32>
        %get3A_912 = arith.index_cast %rem3A_881 : i32 to index
        %get3A_913 = arith.index_cast %rem3A_883 : i32 to index
        %get3A_914 = arith.constant 16 : index
        %get3A_915 = tpu.vector_load %arg16[%get3A_912, %get3A_913, %get3A_914] {strides = array<i32>} : memref<2x16x200xi32, #tpu.memory_space<vmem>>, vector<1x1x16xi32>,
        %get3A_916 = vector.shape_cast %get3A_915 : vector<1x1x16xi32> to vector<16xi32>
        %add3A_917 = arith.addi %mul3A_911, %get3A_916 : vector<16xi32>
        %swap3A_918 = arith.constant 0 : i32
        %swap3A_919 = arith.index_cast %swap3A_918 : i32 to index
        %swap3A_920 = arith.constant 16 : index
        %swap3A_921 = tpu.vector_load %arg17[%swap3A_919, %swap3A_920] {strides = array<i32>} : memref<2x200xi32, #tpu.memory_space<vmem>>, vector<1x16xi32>,
        %swap3A_922 = vector.shape_cast %swap3A_921 : vector<1x16xi32> to vector<16xi32>
        %swap3A_923 = vector.shape_cast %add3A_917 : vector<16xi32> to vector<1x16xi32>
        tpu.vector_store %arg17[%swap3A_919, %swap3A_920], %swap3A_923 {strides = array<i32>} : memref<2x200xi32, #tpu.memory_space<vmem>>, vector<1x16xi32>,
        %get3A_924 = arith.index_cast %rem3A_881 : i32 to index
        %get3A_925 = arith.index_cast %rem3A_883 : i32 to index
        %get3A_926 = arith.constant 32 : index
        %get3A_927 = tpu.vector_load %arg15[%get3A_924, %get3A_925, %get3A_926] {strides = array<i32>} : memref<2x16x200xi32, #tpu.memory_space<vmem>>, vector<1x1x16xi32>,
        %get3A_928 = vector.shape_cast %get3A_927 : vector<1x1x16xi32> to vector<16xi32>
        %mul3A_929 = arith.constant 9 : i32
        %mul3A_930 = vector.broadcast %mul3A_929 : i32 to vector<16xi32>
        %mul3A_931 = arith.muli %get3A_928, %mul3A_930 : vector<16xi32>
        %get3A_932 = arith.index_cast %rem3A_881 : i32 to index
        %get3A_933 = arith.index_cast %rem3A_883 : i32 to index
        %get3A_934 = arith.constant 32 : index
        %get3A_935 = tpu.vector_load %arg16[%get3A_932, %get3A_933, %get3A_934] {strides = array<i32>} : memref<2x16x200xi32, #tpu.memory_space<vmem>>, vector<1x1x16xi32>,
        %get3A_936 = vector.shape_cast %get3A_935 : vector<1x1x16xi32> to vector<16xi32>
        %add3A_937 = arith.addi %mul3A_931, %get3A_936 : vector<16xi32>
        %swap3A_938 = arith.constant 0 : i32
        %swap3A_939 = arith.index_cast %swap3A_938 : i32 to index
        %swap3A_940 = arith.constant 32 : index
        %swap3A_941 = tpu.vector_load %arg17[%swap3A_939, %swap3A_940] {strides = array<i32>} : memref<2x200xi32, #tpu.memory_space<vmem>>, vector<1x16xi32>,
        %swap3A_942 = vector.shape_cast %swap3A_941 : vector<1x16xi32> to vector<16xi32>
        %swap3A_943 = vector.shape_cast %add3A_937 : vector<16xi32> to vector<1x16xi32>
        tpu.vector_store %arg17[%swap3A_939, %swap3A_940], %swap3A_943 {strides = array<i32>} : memref<2x200xi32, #tpu.memory_space<vmem>>, vector<1x16xi32>,
        %get3A_944 = arith.index_cast %rem3A_881 : i32 to index
        %get3A_945 = arith.index_cast %rem3A_883 : i32 to index
        %get3A_946 = arith.constant 48 : index
        %get3A_947 = tpu.vector_load %arg15[%get3A_944, %get3A_945, %get3A_946] {strides = array<i32>} : memref<2x16x200xi32, #tpu.memory_space<vmem>>, vector<1x1x16xi32>,
        %get3A_948 = vector.shape_cast %get3A_947 : vector<1x1x16xi32> to vector<16xi32>
        %mul3A_949 = arith.constant 9 : i32
        %mul3A_950 = vector.broadcast %mul3A_949 : i32 to vector<16xi32>
        %mul3A_951 = arith.muli %get3A_948, %mul3A_950 : vector<16xi32>
        %get3A_952 = arith.index_cast %rem3A_881 : i32 to index
        %get3A_953 = arith.index_cast %rem3A_883 : i32 to index
        %get3A_954 = arith.constant 48 : index
        %get3A_955 = tpu.vector_load %arg16[%get3A_952, %get3A_953, %get3A_954] {strides = array<i32>} : memref<2x16x200xi32, #tpu.memory_space<vmem>>, vector<1x1x16xi32>,
        %get3A_956 = vector.shape_cast %get3A_955 : vector<1x1x16xi32> to vector<16xi32>
        %add3A_957 = arith.addi %mul3A_951, %get3A_956 : vector<16xi32>
        %swap3A_958 = arith.constant 0 : i32
        %swap3A_959 = arith.index_cast %swap3A_958 : i32 to index
        %swap3A_960 = arith.constant 48 : index
        %swap3A_961 = tpu.vector_load %arg17[%swap3A_959, %swap3A_960] {strides = array<i32>} : memref<2x200xi32, #tpu.memory_space<vmem>>, vector<1x16xi32>,
        %swap3A_962 = vector.shape_cast %swap3A_961 : vector<1x16xi32> to vector<16xi32>
        %swap3A_963 = vector.shape_cast %add3A_957 : vector<16xi32> to vector<1x16xi32>
        tpu.vector_store %arg17[%swap3A_959, %swap3A_960], %swap3A_963 {strides = array<i32>} : memref<2x200xi32, #tpu.memory_space<vmem>>, vector<1x16xi32>,
        %get3A_964 = arith.index_cast %rem3A_881 : i32 to index
        %get3A_965 = arith.index_cast %rem3A_883 : i32 to index
        %get3A_966 = arith.constant 64 : index
        %get3A_967 = tpu.vector_load %arg15[%get3A_964, %get3A_965, %get3A_966] {strides = array<i32>} : memref<2x16x200xi32, #tpu.memory_space<vmem>>, vector<1x1x16xi32>,
        %get3A_968 = vector.shape_cast %get3A_967 : vector<1x1x16xi32> to vector<16xi32>
        %mul3A_969 = arith.constant 9 : i32
        %mul3A_970 = vector.broadcast %mul3A_969 : i32 to vector<16xi32>
        %mul3A_971 = arith.muli %get3A_968, %mul3A_970 : vector<16xi32>
        %get3A_972 = arith.index_cast %rem3A_881 : i32 to index
        %get3A_973 = arith.index_cast %rem3A_883 : i32 to index
        %get3A_974 = arith.constant 64 : index
        %get3A_975 = tpu.vector_load %arg16[%get3A_972, %get3A_973, %get3A_974] {strides = array<i32>} : memref<2x16x200xi32, #tpu.memory_space<vmem>>, vector<1x1x16xi32>,
        %get3A_976 = vector.shape_cast %get3A_975 : vector<1x1x16xi32> to vector<16xi32>
        %add3A_977 = arith.addi %mul3A_971, %get3A_976 : vector<16xi32>
        %swap3A_978 = arith.constant 0 : i32
        %swap3A_979 = arith.index_cast %swap3A_978 : i32 to index
        %swap3A_980 = arith.constant 64 : index
        %swap3A_981 = tpu.vector_load %arg17[%swap3A_979, %swap3A_980] {strides = array<i32>} : memref<2x200xi32, #tpu.memory_space<vmem>>, vector<1x16xi32>,
        %swap3A_982 = vector.shape_cast %swap3A_981 : vector<1x16xi32> to vector<16xi32>
        %swap3A_983 = vector.shape_cast %add3A_977 : vector<16xi32> to vector<1x16xi32>
        tpu.vector_store %arg17[%swap3A_979, %swap3A_980], %swap3A_983 {strides = array<i32>} : memref<2x200xi32, #tpu.memory_space<vmem>>, vector<1x16xi32>,
        %get3A_984 = arith.index_cast %rem3A_881 : i32 to index
        %get3A_985 = arith.index_cast %rem3A_883 : i32 to index
        %get3A_986 = arith.constant 80 : index
        %get3A_987 = tpu.vector_load %arg15[%get3A_984, %get3A_985, %get3A_986] {strides = array<i32>} : memref<2x16x200xi32, #tpu.memory_space<vmem>>, vector<1x1x16xi32>,
        %get3A_988 = vector.shape_cast %get3A_987 : vector<1x1x16xi32> to vector<16xi32>
        %mul3A_989 = arith.constant 9 : i32
        %mul3A_990 = vector.broadcast %mul3A_989 : i32 to vector<16xi32>
        %mul3A_991 = arith.muli %get3A_988, %mul3A_990 : vector<16xi32>
        %get3A_992 = arith.index_cast %rem3A_881 : i32 to index
        %get3A_993 = arith.index_cast %rem3A_883 : i32 to index
        %get3A_994 = arith.constant 80 : index
        %get3A_995 = tpu.vector_load %arg16[%get3A_992, %get3A_993, %get3A_994] {strides = array<i32>} : memref<2x16x200xi32, #tpu.memory_space<vmem>>, vector<1x1x16xi32>,
        %get3A_996 = vector.shape_cast %get3A_995 : vector<1x1x16xi32> to vector<16xi32>
        %add3A_997 = arith.addi %mul3A_991, %get3A_996 : vector<16xi32>
        %swap3A_998 = arith.constant 0 : i32
        %swap3A_999 = arith.index_cast %swap3A_998 : i32 to index
        %swap3A_1000 = arith.constant 80 : index
        %swap3A_1001 = tpu.vector_load %arg17[%swap3A_999, %swap3A_1000] {strides = array<i32>} : memref<2x200xi32, #tpu.memory_space<vmem>>, vector<1x16xi32>,
        %swap3A_1002 = vector.shape_cast %swap3A_1001 : vector<1x16xi32> to vector<16xi32>
        %swap3A_1003 = vector.shape_cast %add3A_997 : vector<16xi32> to vector<1x16xi32>
        tpu.vector_store %arg17[%swap3A_999, %swap3A_1000], %swap3A_1003 {strides = array<i32>} : memref<2x200xi32, #tpu.memory_space<vmem>>, vector<1x16xi32>,
        %get3A_1004 = arith.index_cast %rem3A_881 : i32 to index
        %get3A_1005 = arith.index_cast %rem3A_883 : i32 to index
        %get3A_1006 = arith.constant 96 : index
        %get3A_1007 = tpu.vector_load %arg15[%get3A_1004, %get3A_1005, %get3A_1006] {strides = array<i32>} : memref<2x16x200xi32, #tpu.memory_space<vmem>>, vector<1x1x16xi32>,
        %get3A_1008 = vector.shape_cast %get3A_1007 : vector<1x1x16xi32> to vector<16xi32>
        %mul3A_1009 = arith.constant 9 : i32
        %mul3A_1010 = vector.broadcast %mul3A_1009 : i32 to vector<16xi32>
        %mul3A_1011 = arith.muli %get3A_1008, %mul3A_1010 : vector<16xi32>
        %get3A_1012 = arith.index_cast %rem3A_881 : i32 to index
        %get3A_1013 = arith.index_cast %rem3A_883 : i32 to index
        %get3A_1014 = arith.constant 96 : index
        %get3A_1015 = tpu.vector_load %arg16[%get3A_1012, %get3A_1013, %get3A_1014] {strides = array<i32>} : memref<2x16x200xi32, #tpu.memory_space<vmem>>, vector<1x1x16xi32>,
        %get3A_1016 = vector.shape_cast %get3A_1015 : vector<1x1x16xi32> to vector<16xi32>
        %add3A_1017 = arith.addi %mul3A_1011, %get3A_1016 : vector<16xi32>
        %swap3A_1018 = arith.constant 0 : i32
        %swap3A_1019 = arith.index_cast %swap3A_1018 : i32 to index
        %swap3A_1020 = arith.constant 96 : index
        %swap3A_1021 = tpu.vector_load %arg17[%swap3A_1019, %swap3A_1020] {strides = array<i32>} : memref<2x200xi32, #tpu.memory_space<vmem>>, vector<1x16xi32>,
        %swap3A_1022 = vector.shape_cast %swap3A_1021 : vector<1x16xi32> to vector<16xi32>
        %swap3A_1023 = vector.shape_cast %add3A_1017 : vector<16xi32> to vector<1x16xi32>
        tpu.vector_store %arg17[%swap3A_1019, %swap3A_1020], %swap3A_1023 {strides = array<i32>} : memref<2x200xi32, #tpu.memory_space<vmem>>, vector<1x16xi32>,
        %get3A_1024 = arith.index_cast %rem3A_881 : i32 to index
        %get3A_1025 = arith.index_cast %rem3A_883 : i32 to index
        %get3A_1026 = arith.constant 112 : index
        %get3A_1027 = tpu.vector_load %arg15[%get3A_1024, %get3A_1025, %get3A_1026] {strides = array<i32>} : memref<2x16x200xi32, #tpu.memory_space<vmem>>, vector<1x1x16xi32>,
        %get3A_1028 = vector.shape_cast %get3A_1027 : vector<1x1x16xi32> to vector<16xi32>
        %mul3A_1029 = arith.constant 9 : i32
        %mul3A_1030 = vector.broadcast %mul3A_1029 : i32 to vector<16xi32>
        %mul3A_1031 = arith.muli %get3A_1028, %mul3A_1030 : vector<16xi32>
        %get3A_1032 = arith.index_cast %rem3A_881 : i32 to index
        %get3A_1033 = arith.index_cast %rem3A_883 : i32 to index
        %get3A_1034 = arith.constant 112 : index
        %get3A_1035 = tpu.vector_load %arg16[%get3A_1032, %get3A_1033, %get3A_1034] {strides = array<i32>} : memref<2x16x200xi32, #tpu.memory_space<vmem>>, vector<1x1x16xi32>,
        %get3A_1036 = vector.shape_cast %get3A_1035 : vector<1x1x16xi32> to vector<16xi32>
        %add3A_1037 = arith.addi %mul3A_1031, %get3A_1036 : vector<16xi32>
        %swap3A_1038 = arith.constant 0 : i32
        %swap3A_1039 = arith.index_cast %swap3A_1038 : i32 to index
        %swap3A_1040 = arith.constant 112 : index
        %swap3A_1041 = tpu.vector_load %arg17[%swap3A_1039, %swap3A_1040] {strides = array<i32>} : memref<2x200xi32, #tpu.memory_space<vmem>>, vector<1x16xi32>,
        %swap3A_1042 = vector.shape_cast %swap3A_1041 : vector<1x16xi32> to vector<16xi32>
        %swap3A_1043 = vector.shape_cast %add3A_1037 : vector<16xi32> to vector<1x16xi32>
        tpu.vector_store %arg17[%swap3A_1039, %swap3A_1040], %swap3A_1043 {strides = array<i32>} : memref<2x200xi32, #tpu.memory_space<vmem>>, vector<1x16xi32>,
        %get3A_1044 = arith.index_cast %rem3A_881 : i32 to index
        %get3A_1045 = arith.index_cast %rem3A_883 : i32 to index
        %get3A_1046 = arith.constant 128 : index
        %get3A_1047 = tpu.vector_load %arg15[%get3A_1044, %get3A_1045, %get3A_1046] {strides = array<i32>} : memref<2x16x200xi32, #tpu.memory_space<vmem>>, vector<1x1x16xi32>,
        %get3A_1048 = vector.shape_cast %get3A_1047 : vector<1x1x16xi32> to vector<16xi32>
        %mul3A_1049 = arith.constant 9 : i32
        %mul3A_1050 = vector.broadcast %mul3A_1049 : i32 to vector<16xi32>
        %mul3A_1051 = arith.muli %get3A_1048, %mul3A_1050 : vector<16xi32>
        %get3A_1052 = arith.index_cast %rem3A_881 : i32 to index
        %get3A_1053 = arith.index_cast %rem3A_883 : i32 to index
        %get3A_1054 = arith.constant 128 : index
        %get3A_1055 = tpu.vector_load %arg16[%get3A_1052, %get3A_1053, %get3A_1054] {strides = array<i32>} : memref<2x16x200xi32, #tpu.memory_space<vmem>>, vector<1x1x16xi32>,
        %get3A_1056 = vector.shape_cast %get3A_1055 : vector<1x1x16xi32> to vector<16xi32>
        %add3A_1057 = arith.addi %mul3A_1051, %get3A_1056 : vector<16xi32>
        %swap3A_1058 = arith.constant 0 : i32
        %swap3A_1059 = arith.index_cast %swap3A_1058 : i32 to index
        %swap3A_1060 = arith.constant 128 : index
        %swap3A_1061 = tpu.vector_load %arg17[%swap3A_1059, %swap3A_1060] {strides = array<i32>} : memref<2x200xi32, #tpu.memory_space<vmem>>, vector<1x16xi32>,
        %swap3A_1062 = vector.shape_cast %swap3A_1061 : vector<1x16xi32> to vector<16xi32>
        %swap3A_1063 = vector.shape_cast %add3A_1057 : vector<16xi32> to vector<1x16xi32>
        tpu.vector_store %arg17[%swap3A_1059, %swap3A_1060], %swap3A_1063 {strides = array<i32>} : memref<2x200xi32, #tpu.memory_space<vmem>>, vector<1x16xi32>,
        %get3A_1064 = arith.index_cast %rem3A_881 : i32 to index
        %get3A_1065 = arith.index_cast %rem3A_883 : i32 to index
        %get3A_1066 = arith.constant 144 : index
        %get3A_1067 = tpu.vector_load %arg15[%get3A_1064, %get3A_1065, %get3A_1066] {strides = array<i32>} : memref<2x16x200xi32, #tpu.memory_space<vmem>>, vector<1x1x16xi32>,
        %get3A_1068 = vector.shape_cast %get3A_1067 : vector<1x1x16xi32> to vector<16xi32>
        %mul3A_1069 = arith.constant 9 : i32
        %mul3A_1070 = vector.broadcast %mul3A_1069 : i32 to vector<16xi32>
        %mul3A_1071 = arith.muli %get3A_1068, %mul3A_1070 : vector<16xi32>
        %get3A_1072 = arith.index_cast %rem3A_881 : i32 to index
        %get3A_1073 = arith.index_cast %rem3A_883 : i32 to index
        %get3A_1074 = arith.constant 144 : index
        %get3A_1075 = tpu.vector_load %arg16[%get3A_1072, %get3A_1073, %get3A_1074] {strides = array<i32>} : memref<2x16x200xi32, #tpu.memory_space<vmem>>, vector<1x1x16xi32>,
        %get3A_1076 = vector.shape_cast %get3A_1075 : vector<1x1x16xi32> to vector<16xi32>
        %add3A_1077 = arith.addi %mul3A_1071, %get3A_1076 : vector<16xi32>
        %swap3A_1078 = arith.constant 0 : i32
        %swap3A_1079 = arith.index_cast %swap3A_1078 : i32 to index
        %swap3A_1080 = arith.constant 144 : index
        %swap3A_1081 = tpu.vector_load %arg17[%swap3A_1079, %swap3A_1080] {strides = array<i32>} : memref<2x200xi32, #tpu.memory_space<vmem>>, vector<1x16xi32>,
        %swap3A_1082 = vector.shape_cast %swap3A_1081 : vector<1x16xi32> to vector<16xi32>
        %swap3A_1083 = vector.shape_cast %add3A_1077 : vector<16xi32> to vector<1x16xi32>
        tpu.vector_store %arg17[%swap3A_1079, %swap3A_1080], %swap3A_1083 {strides = array<i32>} : memref<2x200xi32, #tpu.memory_space<vmem>>, vector<1x16xi32>,
        %get3A_1084 = arith.index_cast %rem3A_881 : i32 to index
        %get3A_1085 = arith.index_cast %rem3A_883 : i32 to index
        %get3A_1086 = arith.constant 160 : index
        %get3A_1087 = tpu.vector_load %arg15[%get3A_1084, %get3A_1085, %get3A_1086] {strides = array<i32>} : memref<2x16x200xi32, #tpu.memory_space<vmem>>, vector<1x1x16xi32>,
        %get3A_1088 = vector.shape_cast %get3A_1087 : vector<1x1x16xi32> to vector<16xi32>
        %mul3A_1089 = arith.constant 9 : i32
        %mul3A_1090 = vector.broadcast %mul3A_1089 : i32 to vector<16xi32>
        %mul3A_1091 = arith.muli %get3A_1088, %mul3A_1090 : vector<16xi32>
        %get3A_1092 = arith.index_cast %rem3A_881 : i32 to index
        %get3A_1093 = arith.index_cast %rem3A_883 : i32 to index
        %get3A_1094 = arith.constant 160 : index
        %get3A_1095 = tpu.vector_load %arg16[%get3A_1092, %get3A_1093, %get3A_1094] {strides = array<i32>} : memref<2x16x200xi32, #tpu.memory_space<vmem>>, vector<1x1x16xi32>,
        %get3A_1096 = vector.shape_cast %get3A_1095 : vector<1x1x16xi32> to vector<16xi32>
        %add3A_1097 = arith.addi %mul3A_1091, %get3A_1096 : vector<16xi32>
        %swap3A_1098 = arith.constant 0 : i32
        %swap3A_1099 = arith.index_cast %swap3A_1098 : i32 to index
        %swap3A_1100 = arith.constant 160 : index
        %swap3A_1101 = tpu.vector_load %arg17[%swap3A_1099, %swap3A_1100] {strides = array<i32>} : memref<2x200xi32, #tpu.memory_space<vmem>>, vector<1x16xi32>,
        %swap3A_1102 = vector.shape_cast %swap3A_1101 : vector<1x16xi32> to vector<16xi32>
        %swap3A_1103 = vector.shape_cast %add3A_1097 : vector<16xi32> to vector<1x16xi32>
        tpu.vector_store %arg17[%swap3A_1099, %swap3A_1100], %swap3A_1103 {strides = array<i32>} : memref<2x200xi32, #tpu.memory_space<vmem>>, vector<1x16xi32>,
        %get3A_1104 = arith.index_cast %rem3A_881 : i32 to index
        %get3A_1105 = arith.index_cast %rem3A_883 : i32 to index
        %get3A_1106 = arith.constant 176 : index
        %get3A_1107 = tpu.vector_load %arg15[%get3A_1104, %get3A_1105, %get3A_1106] {strides = array<i32>} : memref<2x16x200xi32, #tpu.memory_space<vmem>>, vector<1x1x16xi32>,
        %get3A_1108 = vector.shape_cast %get3A_1107 : vector<1x1x16xi32> to vector<16xi32>
        %mul3A_1109 = arith.constant 9 : i32
        %mul3A_1110 = vector.broadcast %mul3A_1109 : i32 to vector<16xi32>
        %mul3A_1111 = arith.muli %get3A_1108, %mul3A_1110 : vector<16xi32>
        %get3A_1112 = arith.index_cast %rem3A_881 : i32 to index
        %get3A_1113 = arith.index_cast %rem3A_883 : i32 to index
        %get3A_1114 = arith.constant 176 : index
        %get3A_1115 = tpu.vector_load %arg16[%get3A_1112, %get3A_1113, %get3A_1114] {strides = array<i32>} : memref<2x16x200xi32, #tpu.memory_space<vmem>>, vector<1x1x16xi32>,
        %get3A_1116 = vector.shape_cast %get3A_1115 : vector<1x1x16xi32> to vector<16xi32>
        %add3A_1117 = arith.addi %mul3A_1111, %get3A_1116 : vector<16xi32>
        %swap3A_1118 = arith.constant 0 : i32
        %swap3A_1119 = arith.index_cast %swap3A_1118 : i32 to index
        %swap3A_1120 = arith.constant 176 : index
        %swap3A_1121 = tpu.vector_load %arg17[%swap3A_1119, %swap3A_1120] {strides = array<i32>} : memref<2x200xi32, #tpu.memory_space<vmem>>, vector<1x16xi32>,
        %swap3A_1122 = vector.shape_cast %swap3A_1121 : vector<1x16xi32> to vector<16xi32>
        %swap3A_1123 = vector.shape_cast %add3A_1117 : vector<16xi32> to vector<1x16xi32>
        tpu.vector_store %arg17[%swap3A_1119, %swap3A_1120], %swap3A_1123 {strides = array<i32>} : memref<2x200xi32, #tpu.memory_space<vmem>>, vector<1x16xi32>,
        %get3A_1124 = arith.index_cast %rem3A_881 : i32 to index
        %get3A_1125 = arith.index_cast %rem3A_883 : i32 to index
        %get3A_1126 = arith.constant 184 : index
        %get3A_1127 = tpu.vector_load %arg15[%get3A_1124, %get3A_1125, %get3A_1126] {strides = array<i32>} : memref<2x16x200xi32, #tpu.memory_space<vmem>>, vector<1x1x16xi32>,
        %get3A_1128 = vector.shape_cast %get3A_1127 : vector<1x1x16xi32> to vector<16xi32>
        %mul3A_1129 = arith.constant 9 : i32
        %mul3A_1130 = vector.broadcast %mul3A_1129 : i32 to vector<16xi32>
        %mul3A_1131 = arith.muli %get3A_1128, %mul3A_1130 : vector<16xi32>
        %get3A_1132 = arith.index_cast %rem3A_881 : i32 to index
        %get3A_1133 = arith.index_cast %rem3A_883 : i32 to index
        %get3A_1134 = arith.constant 184 : index
        %get3A_1135 = tpu.vector_load %arg16[%get3A_1132, %get3A_1133, %get3A_1134] {strides = array<i32>} : memref<2x16x200xi32, #tpu.memory_space<vmem>>, vector<1x1x16xi32>,
        %get3A_1136 = vector.shape_cast %get3A_1135 : vector<1x1x16xi32> to vector<16xi32>
        %add3A_1137 = arith.addi %mul3A_1131, %get3A_1136 : vector<16xi32>
        %swap3A_1138 = arith.constant 0 : i32
        %swap3A_1139 = arith.index_cast %swap3A_1138 : i32 to index
        %swap3A_1140 = arith.constant 184 : index
        %swap3A_1141 = tpu.vector_load %arg17[%swap3A_1139, %swap3A_1140] {strides = array<i32>} : memref<2x200xi32, #tpu.memory_space<vmem>>, vector<1x16xi32>,
        %swap3A_1142 = vector.shape_cast %swap3A_1141 : vector<1x16xi32> to vector<16xi32>
        %swap3A_1143 = vector.shape_cast %add3A_1137 : vector<16xi32> to vector<1x16xi32>
        tpu.vector_store %arg17[%swap3A_1139, %swap3A_1140], %swap3A_1143 {strides = array<i32>} : memref<2x200xi32, #tpu.memory_space<vmem>>, vector<1x16xi32>,
        %jit3A_1144 = arith.constant 16 : i32
        %div3A_1145 = arith.divsi %add3A_801, %jit3A_1144 : i32
        %sign3A_1146 = arith.constant 0 : i32
        %sign3A_1147 = arith.cmpi sgt, %add3A_801, %sign3A_1146 : i32
        %sign3A_1148 = arith.extui %sign3A_1147 : i1 to i32
        %sign3A_1149 = arith.constant 0 : i32
        %sign3A_1150 = arith.cmpi slt, %add3A_801, %sign3A_1149 : i32
        %sign3A_1151 = arith.extui %sign3A_1150 : i1 to i32
        %sign3A_1152 = arith.subi %sign3A_1148, %sign3A_1151 : i32
        %sign3A_1153 = arith.constant 0 : i32
        %sign3A_1154 = arith.cmpi sgt, %jit3A_1144, %sign3A_1153 : i32
        %sign3A_1155 = arith.extui %sign3A_1154 : i1 to i32
        %sign3A_1156 = arith.constant 0 : i32
        %sign3A_1157 = arith.cmpi slt, %jit3A_1144, %sign3A_1156 : i32
        %sign3A_1158 = arith.extui %sign3A_1157 : i1 to i32
        %sign3A_1159 = arith.subi %sign3A_1155, %sign3A_1158 : i32
        %ne3A_1160 = arith.cmpi ne, %sign3A_1152, %sign3A_1159 : i32
        %rem3A_1161 = arith.remsi %add3A_801, %jit3A_1144 : i32
        %ne3A_1162 = arith.constant 0 : i32
        %ne3A_1163 = arith.cmpi ne, %rem3A_1161, %ne3A_1162 : i32
        %and3A_1164 = arith.andi %ne3A_1160, %ne3A_1163 : i1
        %sub3A_1165 = arith.constant 1 : i32
        %sub3A_1166 = arith.subi %div3A_1145, %sub3A_1165 : i32
        %select_n3A_1167 = arith.select %and3A_1164, %sub3A_1166, %div3A_1145 : i32
        %rem3A_1168 = arith.constant 2 : i32
        %rem3A_1169 = arith.remsi %select_n3A_1167, %rem3A_1168 : i32
        %rem3A_1170 = arith.constant 16 : i32
        %rem3A_1171 = arith.remsi %add3A_801, %rem3A_1170 : i32
        %dma_start3A_1172 = arith.constant 0 : i32
        %dma_start3A_1173 = arith.constant 0 : i32
        %dma_start3A_1174 = arith.constant 0 : i32
        %dma_start3A_1175 = tpu.memref_slice %arg18[%dma_start3A_1172, %dma_start3A_1173, %dma_start3A_1174] : memref<2x200x64xf32, #tpu.memory_space<vmem>> -> memref<1x104x64xf32, #tpu.memory_space<vmem>>
        %dma_start3A_1176 = tpu.memref_squeeze %dma_start3A_1175 : memref<1x104x64xf32, #tpu.memory_space<vmem>> -> memref<104x64xf32, #tpu.memory_space<vmem>>
        %dma_start3A_1177 = arith.constant 0 : i32
        %dma_start3A_1178 = tpu.memref_slice %arg14[%rem3A_1169, %rem3A_1171, %dma_start3A_1177] : memref<2x16x200xi32, #tpu.memory_space<vmem>> -> memref<1x1x104xi32, #tpu.memory_space<vmem>>
        %dma_start3A_1179 = tpu.memref_squeeze %dma_start3A_1178 : memref<1x1x104xi32, #tpu.memory_space<vmem>> -> memref<104xi32, #tpu.memory_space<vmem>>
        %dma_start3A_1180 = arith.constant 0 : i32
        %dma_start3A_1181 = arith.constant 0 : i32
        %dma_start3A_1182 = tpu.memref_slice %arg6[%dma_start3A_1180, %dma_start3A_1181] : memref<100001x64xf32, #tpu.memory_space<hbm>> -> memref<100001x64xf32, #tpu.memory_space<hbm>>
        tpu.enqueue_indirect_dma source(%dma_start3A_1182 : memref<100001x64xf32, #tpu.memory_space<hbm>>) target(%dma_start3A_1176 : memref<104x64xf32, #tpu.memory_space<vmem>>) offsets(%dma_start3A_1179 : memref<104xi32, #tpu.memory_space<vmem>>) semaphore(%arg21 : memref<!tpu.dma_semaphore, #tpu.memory_space<semaphore_mem>>)
        %dma_start3A_1183 = arith.constant 0 : i32
        %dma_start3A_1184 = arith.constant 104 : i32
        %dma_start3A_1185 = arith.constant 0 : i32
        %dma_start3A_1186 = tpu.memref_slice %arg18[%dma_start3A_1183, %dma_start3A_1184, %dma_start3A_1185] : memref<2x200x64xf32, #tpu.memory_space<vmem>> -> memref<1x96x64xf32, #tpu.memory_space<vmem>>
        %dma_start3A_1187 = tpu.memref_squeeze %dma_start3A_1186 : memref<1x96x64xf32, #tpu.memory_space<vmem>> -> memref<96x64xf32, #tpu.memory_space<vmem>>
        %dma_start3A_1188 = arith.constant 104 : i32
        %dma_start3A_1189 = tpu.memref_slice %arg14[%rem3A_1169, %rem3A_1171, %dma_start3A_1188] : memref<2x16x200xi32, #tpu.memory_space<vmem>> -> memref<1x1x96xi32, #tpu.memory_space<vmem>>
        %dma_start3A_1190 = tpu.memref_squeeze %dma_start3A_1189 : memref<1x1x96xi32, #tpu.memory_space<vmem>> -> memref<96xi32, #tpu.memory_space<vmem>>
        %dma_start3A_1191 = arith.constant 0 : i32
        %dma_start3A_1192 = arith.constant 0 : i32
        %dma_start3A_1193 = tpu.memref_slice %arg6[%dma_start3A_1191, %dma_start3A_1192] : memref<100001x64xf32, #tpu.memory_space<hbm>> -> memref<100001x64xf32, #tpu.memory_space<hbm>>
        tpu.enqueue_indirect_dma source(%dma_start3A_1193 : memref<100001x64xf32, #tpu.memory_space<hbm>>) target(%dma_start3A_1187 : memref<96x64xf32, #tpu.memory_space<vmem>>) offsets(%dma_start3A_1190 : memref<96xi32, #tpu.memory_space<vmem>>) semaphore(%arg21 : memref<!tpu.dma_semaphore, #tpu.memory_space<semaphore_mem>>)
        %dma_start3A_1194 = arith.constant 0 : i32
        %dma_start3A_1195 = arith.constant 0 : i32
        %dma_start3A_1196 = arith.constant 0 : i32
        %dma_start3A_1197 = arith.constant 0 : i32
        %dma_start3A_1198 = tpu.memref_slice %arg19[%dma_start3A_1195, %dma_start3A_1196, %dma_start3A_1197] : memref<2x200x64xf32, #tpu.memory_space<vmem>> -> memref<1x104x64xf32, #tpu.memory_space<vmem>>
        %dma_start3A_1199 = tpu.memref_squeeze %dma_start3A_1198 : memref<1x104x64xf32, #tpu.memory_space<vmem>> -> memref<104x64xf32, #tpu.memory_space<vmem>>
        %dma_start3A_1200 = arith.constant 0 : i32
        %dma_start3A_1201 = tpu.memref_slice %arg17[%dma_start3A_1194, %dma_start3A_1200] : memref<2x200xi32, #tpu.memory_space<vmem>> -> memref<1x104xi32, #tpu.memory_space<vmem>>
        %dma_start3A_1202 = tpu.memref_squeeze %dma_start3A_1201 : memref<1x104xi32, #tpu.memory_space<vmem>> -> memref<104xi32, #tpu.memory_space<vmem>>
        %dma_start3A_1203 = arith.constant 0 : i32
        %dma_start3A_1204 = arith.constant 0 : i32
        %dma_start3A_1205 = tpu.memref_slice %arg10[%dma_start3A_1203, %dma_start3A_1204] : memref<3744x64xf32, #tpu.memory_space<vmem_shared>> -> memref<3744x64xf32, #tpu.memory_space<vmem_shared>>
        tpu.enqueue_indirect_dma source(%dma_start3A_1205 : memref<3744x64xf32, #tpu.memory_space<vmem_shared>>) target(%dma_start3A_1199 : memref<104x64xf32, #tpu.memory_space<vmem>>) offsets(%dma_start3A_1202 : memref<104xi32, #tpu.memory_space<vmem>>) semaphore(%arg23 : memref<!tpu.dma_semaphore, #tpu.memory_space<semaphore_mem>>)
        %dma_start3A_1206 = arith.constant 0 : i32
        %dma_start3A_1207 = arith.constant 0 : i32
        %dma_start3A_1208 = arith.constant 104 : i32
        %dma_start3A_1209 = arith.constant 0 : i32
        %dma_start3A_1210 = tpu.memref_slice %arg19[%dma_start3A_1207, %dma_start3A_1208, %dma_start3A_1209] : memref<2x200x64xf32, #tpu.memory_space<vmem>> -> memref<1x96x64xf32, #tpu.memory_space<vmem>>
        %dma_start3A_1211 = tpu.memref_squeeze %dma_start3A_1210 : memref<1x96x64xf32, #tpu.memory_space<vmem>> -> memref<96x64xf32, #tpu.memory_space<vmem>>
        %dma_start3A_1212 = arith.constant 104 : i32
        %dma_start3A_1213 = tpu.memref_slice %arg17[%dma_start3A_1206, %dma_start3A_1212] : memref<2x200xi32, #tpu.memory_space<vmem>> -> memref<1x96xi32, #tpu.memory_space<vmem>>
        %dma_start3A_1214 = tpu.memref_squeeze %dma_start3A_1213 : memref<1x96xi32, #tpu.memory_space<vmem>> -> memref<96xi32, #tpu.memory_space<vmem>>
        %dma_start3A_1215 = arith.constant 0 : i32
        %dma_start3A_1216 = arith.constant 0 : i32
        %dma_start3A_1217 = tpu.memref_slice %arg10[%dma_start3A_1215, %dma_start3A_1216] : memref<3744x64xf32, #tpu.memory_space<vmem_shared>> -> memref<3744x64xf32, #tpu.memory_space<vmem_shared>>
        tpu.enqueue_indirect_dma source(%dma_start3A_1217 : memref<3744x64xf32, #tpu.memory_space<vmem_shared>>) target(%dma_start3A_1211 : memref<96x64xf32, #tpu.memory_space<vmem>>) offsets(%dma_start3A_1214 : memref<96xi32, #tpu.memory_space<vmem>>) semaphore(%arg23 : memref<!tpu.dma_semaphore, #tpu.memory_space<semaphore_mem>>)
        %rem3A_1218 = arith.constant 16 : i32
        %rem3A_1219 = arith.remsi %add3A_801, %rem3A_1218 : i32
        %eq3A_1220 = arith.constant 8 : i32
        %eq3A_1221 = arith.cmpi eq, %rem3A_1219, %eq3A_1220 : i32
        %jit3A_1222 = arith.constant 16 : i32
        %div3A_1223 = arith.divsi %add3A_801, %jit3A_1222 : i32
        %sign3A_1224 = arith.constant 0 : i32
        %sign3A_1225 = arith.cmpi sgt, %add3A_801, %sign3A_1224 : i32
        %sign3A_1226 = arith.extui %sign3A_1225 : i1 to i32
        %sign3A_1227 = arith.constant 0 : i32
        %sign3A_1228 = arith.cmpi slt, %add3A_801, %sign3A_1227 : i32
        %sign3A_1229 = arith.extui %sign3A_1228 : i1 to i32
        %sign3A_1230 = arith.subi %sign3A_1226, %sign3A_1229 : i32
        %sign3A_1231 = arith.constant 0 : i32
        %sign3A_1232 = arith.cmpi sgt, %jit3A_1222, %sign3A_1231 : i32
        %sign3A_1233 = arith.extui %sign3A_1232 : i1 to i32
        %sign3A_1234 = arith.constant 0 : i32
        %sign3A_1235 = arith.cmpi slt, %jit3A_1222, %sign3A_1234 : i32
        %sign3A_1236 = arith.extui %sign3A_1235 : i1 to i32
        %sign3A_1237 = arith.subi %sign3A_1233, %sign3A_1236 : i32
        %ne3A_1238 = arith.cmpi ne, %sign3A_1230, %sign3A_1237 : i32
        %rem3A_1239 = arith.remsi %add3A_801, %jit3A_1222 : i32
        %ne3A_1240 = arith.constant 0 : i32
        %ne3A_1241 = arith.cmpi ne, %rem3A_1239, %ne3A_1240 : i32
        %and3A_1242 = arith.andi %ne3A_1238, %ne3A_1241 : i1
        %sub3A_1243 = arith.constant 1 : i32
        %sub3A_1244 = arith.subi %div3A_1223, %sub3A_1243 : i32
        %select_n3A_1245 = arith.select %and3A_1242, %sub3A_1244, %div3A_1223 : i32
        %add3A_1246 = arith.constant 1 : i32
        %add3A_1247 = arith.addi %select_n3A_1245, %add3A_1246 : i32
        %lt3A_1248 = arith.constant 8 : i32
        %lt3A_1249 = arith.cmpi slt, %add3A_1247, %lt3A_1248 : i32
        %and3A_1250 = arith.andi %eq3A_1221, %lt3A_1249 : i1
        %convert_element_type3A_1251 = arith.extui %and3A_1250 : i1 to i32
        %cond3A_1252 = arith.constant 0 : i32
        %cond3A_1253 = arith.cmpi ne, %convert_element_type3A_1251, %cond3A_1252 : i32
        scf.if %cond3A_1253 {
          %jit3A_1254 = arith.constant 16 : i32
          %div3A_1255 = arith.divsi %add3A_801, %jit3A_1254 : i32
          %sign3A_1256 = arith.constant 0 : i32
          %sign3A_1257 = arith.cmpi sgt, %add3A_801, %sign3A_1256 : i32
          %sign3A_1258 = arith.extui %sign3A_1257 : i1 to i32
          %sign3A_1259 = arith.constant 0 : i32
          %sign3A_1260 = arith.cmpi slt, %add3A_801, %sign3A_1259 : i32
          %sign3A_1261 = arith.extui %sign3A_1260 : i1 to i32
          %sign3A_1262 = arith.subi %sign3A_1258, %sign3A_1261 : i32
          %sign3A_1263 = arith.constant 0 : i32
          %sign3A_1264 = arith.cmpi sgt, %jit3A_1254, %sign3A_1263 : i32
          %sign3A_1265 = arith.extui %sign3A_1264 : i1 to i32
          %sign3A_1266 = arith.constant 0 : i32
          %sign3A_1267 = arith.cmpi slt, %jit3A_1254, %sign3A_1266 : i32
          %sign3A_1268 = arith.extui %sign3A_1267 : i1 to i32
          %sign3A_1269 = arith.subi %sign3A_1265, %sign3A_1268 : i32
          %ne3A_1270 = arith.cmpi ne, %sign3A_1262, %sign3A_1269 : i32
          %rem3A_1271 = arith.remsi %add3A_801, %jit3A_1254 : i32
          %ne3A_1272 = arith.constant 0 : i32
          %ne3A_1273 = arith.cmpi ne, %rem3A_1271, %ne3A_1272 : i32
          %and3A_1274 = arith.andi %ne3A_1270, %ne3A_1273 : i1
          %sub3A_1275 = arith.constant 1 : i32
          %sub3A_1276 = arith.subi %div3A_1255, %sub3A_1275 : i32
          %select_n3A_1277 = arith.select %and3A_1274, %sub3A_1276, %div3A_1255 : i32
          %add3A_1278 = arith.constant 1 : i32
          %add3A_1279 = arith.addi %select_n3A_1277, %add3A_1278 : i32
          %mul3A_1280 = arith.constant 16 : i32
          %mul3A_1281 = arith.muli %add3A_1279, %mul3A_1280 : i32
          %add3A_1282 = arith.addi %mul3A_2, %mul3A_1281 : i32
          %rem3A_1283 = arith.constant 2 : i32
          %rem3A_1284 = arith.remsi %add3A_1279, %rem3A_1283 : i32
          %dma_start3A_1285 = arith.constant 0 : i32
          %dma_start3A_1286 = arith.constant 0 : i32
          %dma_start3A_1287 = tpu.memref_slice %arg14[%rem3A_1284, %dma_start3A_1285, %dma_start3A_1286] : memref<2x16x200xi32, #tpu.memory_space<vmem>> -> memref<1x16x200xi32, #tpu.memory_space<vmem>>
          %dma_start3A_1288 = tpu.memref_squeeze %dma_start3A_1287 : memref<1x16x200xi32, #tpu.memory_space<vmem>> -> memref<16x200xi32, #tpu.memory_space<vmem>>
          %dma_start3A_1289 = arith.constant 0 : i32
          %dma_start3A_1290 = tpu.memref_slice %arg2[%add3A_1282, %dma_start3A_1289] : memref<4096x200xi32, #tpu.memory_space<hbm>> -> memref<16x200xi32, #tpu.memory_space<hbm>>
          %dma_start3A_1291 = arith.constant 0 : i32
          %dma_start3A_1292 = arith.constant 0 : i32
          %dma_start3A_1293 = tpu.memref_slice %arg14[%rem3A_1284, %dma_start3A_1291, %dma_start3A_1292] : memref<2x16x200xi32, #tpu.memory_space<vmem>> -> memref<1x16x200xi32, #tpu.memory_space<vmem>>
          %dma_start3A_1294 = tpu.memref_squeeze %dma_start3A_1293 : memref<1x16x200xi32, #tpu.memory_space<vmem>> -> memref<16x200xi32, #tpu.memory_space<vmem>>
          %dma_start3A_1295 = arith.constant 0 : i32
          %dma_start3A_1296 = tpu.memref_slice %arg2[%add3A_1282, %dma_start3A_1295] : memref<4096x200xi32, #tpu.memory_space<hbm>> -> memref<16x200xi32, #tpu.memory_space<hbm>>
          tpu.enqueue_dma source(%dma_start3A_1296 : memref<16x200xi32, #tpu.memory_space<hbm>>) target(%dma_start3A_1294 : memref<16x200xi32, #tpu.memory_space<vmem>>) target_semaphore(%arg27 : memref<!tpu.dma_semaphore, #tpu.memory_space<semaphore_mem>>)
          %dma_start3A_1297 = arith.constant 0 : i32
          %dma_start3A_1298 = arith.constant 0 : i32
          %dma_start3A_1299 = tpu.memref_slice %arg15[%rem3A_1284, %dma_start3A_1297, %dma_start3A_1298] : memref<2x16x200xi32, #tpu.memory_space<vmem>> -> memref<1x16x200xi32, #tpu.memory_space<vmem>>
          %dma_start3A_1300 = tpu.memref_squeeze %dma_start3A_1299 : memref<1x16x200xi32, #tpu.memory_space<vmem>> -> memref<16x200xi32, #tpu.memory_space<vmem>>
          %dma_start3A_1301 = arith.constant 0 : i32
          %dma_start3A_1302 = tpu.memref_slice %arg3[%add3A_1282, %dma_start3A_1301] : memref<4096x200xi32, #tpu.memory_space<hbm>> -> memref<16x200xi32, #tpu.memory_space<hbm>>
          %dma_start3A_1303 = arith.constant 0 : i32
          %dma_start3A_1304 = arith.constant 0 : i32
          %dma_start3A_1305 = tpu.memref_slice %arg15[%rem3A_1284, %dma_start3A_1303, %dma_start3A_1304] : memref<2x16x200xi32, #tpu.memory_space<vmem>> -> memref<1x16x200xi32, #tpu.memory_space<vmem>>
          %dma_start3A_1306 = tpu.memref_squeeze %dma_start3A_1305 : memref<1x16x200xi32, #tpu.memory_space<vmem>> -> memref<16x200xi32, #tpu.memory_space<vmem>>
          %dma_start3A_1307 = arith.constant 0 : i32
          %dma_start3A_1308 = tpu.memref_slice %arg3[%add3A_1282, %dma_start3A_1307] : memref<4096x200xi32, #tpu.memory_space<hbm>> -> memref<16x200xi32, #tpu.memory_space<hbm>>
          tpu.enqueue_dma source(%dma_start3A_1308 : memref<16x200xi32, #tpu.memory_space<hbm>>) target(%dma_start3A_1306 : memref<16x200xi32, #tpu.memory_space<vmem>>) target_semaphore(%arg27 : memref<!tpu.dma_semaphore, #tpu.memory_space<semaphore_mem>>)
          %dma_start3A_1309 = arith.constant 0 : i32
          %dma_start3A_1310 = arith.constant 0 : i32
          %dma_start3A_1311 = tpu.memref_slice %arg16[%rem3A_1284, %dma_start3A_1309, %dma_start3A_1310] : memref<2x16x200xi32, #tpu.memory_space<vmem>> -> memref<1x16x200xi32, #tpu.memory_space<vmem>>
          %dma_start3A_1312 = tpu.memref_squeeze %dma_start3A_1311 : memref<1x16x200xi32, #tpu.memory_space<vmem>> -> memref<16x200xi32, #tpu.memory_space<vmem>>
          %dma_start3A_1313 = arith.constant 0 : i32
          %dma_start3A_1314 = tpu.memref_slice %arg4[%add3A_1282, %dma_start3A_1313] : memref<4096x200xi32, #tpu.memory_space<hbm>> -> memref<16x200xi32, #tpu.memory_space<hbm>>
          %dma_start3A_1315 = arith.constant 0 : i32
          %dma_start3A_1316 = arith.constant 0 : i32
          %dma_start3A_1317 = tpu.memref_slice %arg16[%rem3A_1284, %dma_start3A_1315, %dma_start3A_1316] : memref<2x16x200xi32, #tpu.memory_space<vmem>> -> memref<1x16x200xi32, #tpu.memory_space<vmem>>
          %dma_start3A_1318 = tpu.memref_squeeze %dma_start3A_1317 : memref<1x16x200xi32, #tpu.memory_space<vmem>> -> memref<16x200xi32, #tpu.memory_space<vmem>>
          %dma_start3A_1319 = arith.constant 0 : i32
          %dma_start3A_1320 = tpu.memref_slice %arg4[%add3A_1282, %dma_start3A_1319] : memref<4096x200xi32, #tpu.memory_space<hbm>> -> memref<16x200xi32, #tpu.memory_space<hbm>>
          tpu.enqueue_dma source(%dma_start3A_1320 : memref<16x200xi32, #tpu.memory_space<hbm>>) target(%dma_start3A_1318 : memref<16x200xi32, #tpu.memory_space<vmem>>) target_semaphore(%arg27 : memref<!tpu.dma_semaphore, #tpu.memory_space<semaphore_mem>>)
        } else {
        }
      } else {
      }
      %ge3A_807 = arith.constant 2 : i32
      %ge3A_808 = arith.cmpi sge, %add3A_725, %ge3A_807 : i32
      %convert_element_type3A_809 = arith.extui %ge3A_808 : i1 to i32
      %cond3A_810 = arith.constant 0 : i32
      %cond3A_811 = arith.cmpi ne, %convert_element_type3A_809, %cond3A_810 : i32
      scf.if %cond3A_811 {
        %sub3A_850 = arith.constant 2 : i32
        %sub3A_851 = arith.subi %add3A_725, %sub3A_850 : i32
        %add3A_852 = arith.addi %mul3A_2, %sub3A_851 : i32
        %mul3A_853 = arith.constant 100 : i32
        %mul3A_854 = arith.muli %add3A_852, %mul3A_853 : i32
        %dma_wait3A_855 = arith.constant 1 : i32
        %dma_wait3A_856 = arith.constant 0 : i32
        %dma_wait3A_857 = arith.constant 0 : i32
        %dma_wait3A_858 = tpu.memref_slice %arg20[%dma_wait3A_855, %dma_wait3A_856, %dma_wait3A_857] : memref<2x100x128xf32, #tpu.memory_space<vmem>> -> memref<1x100x128xf32, #tpu.memory_space<vmem>>
        %dma_wait3A_859 = tpu.memref_squeeze %dma_wait3A_858 : memref<1x100x128xf32, #tpu.memory_space<vmem>> -> memref<100x128xf32, #tpu.memory_space<vmem>>
        %dma_wait3A_860 = arith.constant 0 : i32
        %dma_wait3A_861 = tpu.memref_slice %arg9[%mul3A_854, %dma_wait3A_860] : memref<409600x128xf32, #tpu.memory_space<hbm>> -> memref<100x128xf32, #tpu.memory_space<hbm>>
        %dma_wait3A_862 = arith.constant 0 : i32
        %dma_wait3A_863 = tpu.memref_slice %arg9[%mul3A_854, %dma_wait3A_862] : memref<409600x128xf32, #tpu.memory_space<hbm>> -> memref<100x128xf32, #tpu.memory_space<hbm>>
        %dma_wait3A_864 = arith.constant 0 : i32
        %dma_wait3A_865 = arith.constant 0 : i32
        %dma_wait3A_866 = tpu.memref_slice %arg20[%dma_wait3A_855, %dma_wait3A_864, %dma_wait3A_865] : memref<2x100x128xf32, #tpu.memory_space<vmem>> -> memref<1x100x128xf32, #tpu.memory_space<vmem>>
        %dma_wait3A_867 = tpu.memref_squeeze %dma_wait3A_866 : memref<1x100x128xf32, #tpu.memory_space<vmem>> -> memref<100x128xf32, #tpu.memory_space<vmem>>
        tpu.wait_dma2 semaphore(%arg26 : memref<!tpu.dma_semaphore, #tpu.memory_space<semaphore_mem>>) src(%dma_wait3A_867 : memref<100x128xf32, #tpu.memory_space<vmem>>) dst(%dma_wait3A_863 : memref<100x128xf32, #tpu.memory_space<hbm>>)
      } else {
      }
      %get3A_812 = arith.index_cast %add3A_725 : i32 to index
      %get3A_813 = arith.constant 0 : index
      %get3A_814 = tpu.vector_load %arg13[%get3A_812, %get3A_813] {strides = array<i32>} : memref<128x64xf32, #tpu.memory_space<vmem>>, vector<1x16xf32>,
      %get3A_815 = vector.shape_cast %get3A_814 : vector<1x16xf32> to vector<16xf32>
      %get3A_816 = arith.index_cast %add3A_725 : i32 to index
      %get3A_817 = arith.constant 16 : index
      %get3A_818 = tpu.vector_load %arg13[%get3A_816, %get3A_817] {strides = array<i32>} : memref<128x64xf32, #tpu.memory_space<vmem>>, vector<1x16xf32>,
      %get3A_819 = vector.shape_cast %get3A_818 : vector<1x16xf32> to vector<16xf32>
      %get3A_820 = arith.index_cast %add3A_725 : i32 to index
      %get3A_821 = arith.constant 32 : index
      %get3A_822 = tpu.vector_load %arg13[%get3A_820, %get3A_821] {strides = array<i32>} : memref<128x64xf32, #tpu.memory_space<vmem>>, vector<1x16xf32>,
      %get3A_823 = vector.shape_cast %get3A_822 : vector<1x16xf32> to vector<16xf32>
      %get3A_824 = arith.index_cast %add3A_725 : i32 to index
      %get3A_825 = arith.constant 48 : index
      %get3A_826 = tpu.vector_load %arg13[%get3A_824, %get3A_825] {strides = array<i32>} : memref<128x64xf32, #tpu.memory_space<vmem>>, vector<1x16xf32>,
      %get3A_827 = vector.shape_cast %get3A_826 : vector<1x16xf32> to vector<16xf32>
      %scan3A_828 = arith.constant 0 : i32
      %scan3A_829 = arith.constant 0 : i32
      %scan3A_830 = arith.constant 50 : i32
      %scan3A_831 = arith.addi %scan3A_829, %scan3A_830 : i32
      %scan3A_832 = arith.constant 1 : i32
      scf.for %scan3A_850 = %scan3A_829 to %scan3A_831 step %scan3A_832  : i32 {
        %mul3A_851 = arith.constant 4 : i32
        %mul3A_852 = arith.muli %scan3A_850, %mul3A_851 : i32
        %add3A_853 = arith.constant 0 : i32
        %add3A_854 = arith.addi %mul3A_852, %add3A_853 : i32
        %mul3A_855 = arith.constant 2 : i32
        %mul3A_856 = arith.muli %mul3A_855, %scan3A_850 : i32
        %add3A_857 = arith.constant 0 : i32
        %add3A_858 = arith.addi %mul3A_856, %add3A_857 : i32
        %get3A_859 = arith.constant 1 : i32
        %get3A_860 = arith.index_cast %get3A_859 : i32 to index
        %get3A_861 = arith.index_cast %add3A_854 : i32 to index
        %get3A_862 = arith.constant 0 : index
        %get3A_863 = tpu.vector_load %arg18[%get3A_860, %get3A_861, %get3A_862] {strides = array<i32>} : memref<2x200x64xf32, #tpu.memory_space<vmem>>, vector<1x1x16xf32>,
        %get3A_864 = vector.shape_cast %get3A_863 : vector<1x1x16xf32> to vector<16xf32>
        %get3A_865 = arith.constant 1 : i32
        %get3A_866 = arith.index_cast %get3A_865 : i32 to index
        %get3A_867 = arith.index_cast %add3A_854 : i32 to index
        %get3A_868 = arith.constant 0 : index
        %get3A_869 = tpu.vector_load %arg19[%get3A_866, %get3A_867, %get3A_868] {strides = array<i32>} : memref<2x200x64xf32, #tpu.memory_space<vmem>>, vector<1x1x16xf32>,
        %get3A_870 = vector.shape_cast %get3A_869 : vector<1x1x16xf32> to vector<16xf32>
        %add3A_871 = arith.addf %get3A_864, %get3A_870 : vector<16xf32>
        %add3A_872 = arith.addf %add3A_871, %get3A_815 : vector<16xf32>
        %swap3A_873 = arith.constant 1 : i32
        %swap3A_874 = arith.index_cast %swap3A_873 : i32 to index
        %swap3A_875 = arith.index_cast %add3A_858 : i32 to index
        %swap3A_876 = arith.constant 0 : index
        %swap3A_877 = tpu.vector_load %arg20[%swap3A_874, %swap3A_875, %swap3A_876] {strides = array<i32>} : memref<2x100x128xf32, #tpu.memory_space<vmem>>, vector<1x1x16xf32>,
        %swap3A_878 = vector.shape_cast %swap3A_877 : vector<1x1x16xf32> to vector<16xf32>
        %swap3A_879 = vector.shape_cast %add3A_872 : vector<16xf32> to vector<1x1x16xf32>
        tpu.vector_store %arg20[%swap3A_874, %swap3A_875, %swap3A_876], %swap3A_879 {strides = array<i32>} : memref<2x100x128xf32, #tpu.memory_space<vmem>>, vector<1x1x16xf32>,
        %get3A_880 = arith.constant 1 : i32
        %get3A_881 = arith.index_cast %get3A_880 : i32 to index
        %get3A_882 = arith.index_cast %add3A_854 : i32 to index
        %get3A_883 = arith.constant 16 : index
        %get3A_884 = tpu.vector_load %arg18[%get3A_881, %get3A_882, %get3A_883] {strides = array<i32>} : memref<2x200x64xf32, #tpu.memory_space<vmem>>, vector<1x1x16xf32>,
        %get3A_885 = vector.shape_cast %get3A_884 : vector<1x1x16xf32> to vector<16xf32>
        %get3A_886 = arith.constant 1 : i32
        %get3A_887 = arith.index_cast %get3A_886 : i32 to index
        %get3A_888 = arith.index_cast %add3A_854 : i32 to index
        %get3A_889 = arith.constant 16 : index
        %get3A_890 = tpu.vector_load %arg19[%get3A_887, %get3A_888, %get3A_889] {strides = array<i32>} : memref<2x200x64xf32, #tpu.memory_space<vmem>>, vector<1x1x16xf32>,
        %get3A_891 = vector.shape_cast %get3A_890 : vector<1x1x16xf32> to vector<16xf32>
        %add3A_892 = arith.addf %get3A_885, %get3A_891 : vector<16xf32>
        %add3A_893 = arith.addf %add3A_892, %get3A_819 : vector<16xf32>
        %swap3A_894 = arith.constant 1 : i32
        %swap3A_895 = arith.index_cast %swap3A_894 : i32 to index
        %swap3A_896 = arith.index_cast %add3A_858 : i32 to index
        %swap3A_897 = arith.constant 16 : index
        %swap3A_898 = tpu.vector_load %arg20[%swap3A_895, %swap3A_896, %swap3A_897] {strides = array<i32>} : memref<2x100x128xf32, #tpu.memory_space<vmem>>, vector<1x1x16xf32>,
        %swap3A_899 = vector.shape_cast %swap3A_898 : vector<1x1x16xf32> to vector<16xf32>
        %swap3A_900 = vector.shape_cast %add3A_893 : vector<16xf32> to vector<1x1x16xf32>
        tpu.vector_store %arg20[%swap3A_895, %swap3A_896, %swap3A_897], %swap3A_900 {strides = array<i32>} : memref<2x100x128xf32, #tpu.memory_space<vmem>>, vector<1x1x16xf32>,
        %get3A_901 = arith.constant 1 : i32
        %get3A_902 = arith.index_cast %get3A_901 : i32 to index
        %get3A_903 = arith.index_cast %add3A_854 : i32 to index
        %get3A_904 = arith.constant 32 : index
        %get3A_905 = tpu.vector_load %arg18[%get3A_902, %get3A_903, %get3A_904] {strides = array<i32>} : memref<2x200x64xf32, #tpu.memory_space<vmem>>, vector<1x1x16xf32>,
        %get3A_906 = vector.shape_cast %get3A_905 : vector<1x1x16xf32> to vector<16xf32>
        %get3A_907 = arith.constant 1 : i32
        %get3A_908 = arith.index_cast %get3A_907 : i32 to index
        %get3A_909 = arith.index_cast %add3A_854 : i32 to index
        %get3A_910 = arith.constant 32 : index
        %get3A_911 = tpu.vector_load %arg19[%get3A_908, %get3A_909, %get3A_910] {strides = array<i32>} : memref<2x200x64xf32, #tpu.memory_space<vmem>>, vector<1x1x16xf32>,
        %get3A_912 = vector.shape_cast %get3A_911 : vector<1x1x16xf32> to vector<16xf32>
        %add3A_913 = arith.addf %get3A_906, %get3A_912 : vector<16xf32>
        %add3A_914 = arith.addf %add3A_913, %get3A_823 : vector<16xf32>
        %swap3A_915 = arith.constant 1 : i32
        %swap3A_916 = arith.index_cast %swap3A_915 : i32 to index
        %swap3A_917 = arith.index_cast %add3A_858 : i32 to index
        %swap3A_918 = arith.constant 32 : index
        %swap3A_919 = tpu.vector_load %arg20[%swap3A_916, %swap3A_917, %swap3A_918] {strides = array<i32>} : memref<2x100x128xf32, #tpu.memory_space<vmem>>, vector<1x1x16xf32>,
        %swap3A_920 = vector.shape_cast %swap3A_919 : vector<1x1x16xf32> to vector<16xf32>
        %swap3A_921 = vector.shape_cast %add3A_914 : vector<16xf32> to vector<1x1x16xf32>
        tpu.vector_store %arg20[%swap3A_916, %swap3A_917, %swap3A_918], %swap3A_921 {strides = array<i32>} : memref<2x100x128xf32, #tpu.memory_space<vmem>>, vector<1x1x16xf32>,
        %get3A_922 = arith.constant 1 : i32
        %get3A_923 = arith.index_cast %get3A_922 : i32 to index
        %get3A_924 = arith.index_cast %add3A_854 : i32 to index
        %get3A_925 = arith.constant 48 : index
        %get3A_926 = tpu.vector_load %arg18[%get3A_923, %get3A_924, %get3A_925] {strides = array<i32>} : memref<2x200x64xf32, #tpu.memory_space<vmem>>, vector<1x1x16xf32>,
        %get3A_927 = vector.shape_cast %get3A_926 : vector<1x1x16xf32> to vector<16xf32>
        %get3A_928 = arith.constant 1 : i32
        %get3A_929 = arith.index_cast %get3A_928 : i32 to index
        %get3A_930 = arith.index_cast %add3A_854 : i32 to index
        %get3A_931 = arith.constant 48 : index
        %get3A_932 = tpu.vector_load %arg19[%get3A_929, %get3A_930, %get3A_931] {strides = array<i32>} : memref<2x200x64xf32, #tpu.memory_space<vmem>>, vector<1x1x16xf32>,
        %get3A_933 = vector.shape_cast %get3A_932 : vector<1x1x16xf32> to vector<16xf32>
        %add3A_934 = arith.addf %get3A_927, %get3A_933 : vector<16xf32>
        %add3A_935 = arith.addf %add3A_934, %get3A_827 : vector<16xf32>
        %swap3A_936 = arith.constant 1 : i32
        %swap3A_937 = arith.index_cast %swap3A_936 : i32 to index
        %swap3A_938 = arith.index_cast %add3A_858 : i32 to index
        %swap3A_939 = arith.constant 48 : index
        %swap3A_940 = tpu.vector_load %arg20[%swap3A_937, %swap3A_938, %swap3A_939] {strides = array<i32>} : memref<2x100x128xf32, #tpu.memory_space<vmem>>, vector<1x1x16xf32>,
        %swap3A_941 = vector.shape_cast %swap3A_940 : vector<1x1x16xf32> to vector<16xf32>
        %swap3A_942 = vector.shape_cast %add3A_935 : vector<16xf32> to vector<1x1x16xf32>
        tpu.vector_store %arg20[%swap3A_937, %swap3A_938, %swap3A_939], %swap3A_942 {strides = array<i32>} : memref<2x100x128xf32, #tpu.memory_space<vmem>>, vector<1x1x16xf32>,
        %mul3A_943 = arith.constant 4 : i32
        %mul3A_944 = arith.muli %scan3A_850, %mul3A_943 : i32
        %add3A_945 = arith.constant 1 : i32
        %add3A_946 = arith.addi %mul3A_944, %add3A_945 : i32
        %mul3A_947 = arith.constant 2 : i32
        %mul3A_948 = arith.muli %mul3A_947, %scan3A_850 : i32
        %add3A_949 = arith.constant 0 : i32
        %add3A_950 = arith.addi %mul3A_948, %add3A_949 : i32
        %get3A_951 = arith.constant 1 : i32
        %get3A_952 = arith.index_cast %get3A_951 : i32 to index
        %get3A_953 = arith.index_cast %add3A_946 : i32 to index
        %get3A_954 = arith.constant 0 : index
        %get3A_955 = tpu.vector_load %arg18[%get3A_952, %get3A_953, %get3A_954] {strides = array<i32>} : memref<2x200x64xf32, #tpu.memory_space<vmem>>, vector<1x1x16xf32>,
        %get3A_956 = vector.shape_cast %get3A_955 : vector<1x1x16xf32> to vector<16xf32>
        %get3A_957 = arith.constant 1 : i32
        %get3A_958 = arith.index_cast %get3A_957 : i32 to index
        %get3A_959 = arith.index_cast %add3A_946 : i32 to index
        %get3A_960 = arith.constant 0 : index
        %get3A_961 = tpu.vector_load %arg19[%get3A_958, %get3A_959, %get3A_960] {strides = array<i32>} : memref<2x200x64xf32, #tpu.memory_space<vmem>>, vector<1x1x16xf32>,
        %get3A_962 = vector.shape_cast %get3A_961 : vector<1x1x16xf32> to vector<16xf32>
        %add3A_963 = arith.addf %get3A_956, %get3A_962 : vector<16xf32>
        %add3A_964 = arith.addf %add3A_963, %get3A_815 : vector<16xf32>
        %swap3A_965 = arith.constant 1 : i32
        %swap3A_966 = arith.index_cast %swap3A_965 : i32 to index
        %swap3A_967 = arith.index_cast %add3A_950 : i32 to index
        %swap3A_968 = arith.constant 64 : index
        %swap3A_969 = tpu.vector_load %arg20[%swap3A_966, %swap3A_967, %swap3A_968] {strides = array<i32>} : memref<2x100x128xf32, #tpu.memory_space<vmem>>, vector<1x1x16xf32>,
        %swap3A_970 = vector.shape_cast %swap3A_969 : vector<1x1x16xf32> to vector<16xf32>
        %swap3A_971 = vector.shape_cast %add3A_964 : vector<16xf32> to vector<1x1x16xf32>
        tpu.vector_store %arg20[%swap3A_966, %swap3A_967, %swap3A_968], %swap3A_971 {strides = array<i32>} : memref<2x100x128xf32, #tpu.memory_space<vmem>>, vector<1x1x16xf32>,
        %get3A_972 = arith.constant 1 : i32
        %get3A_973 = arith.index_cast %get3A_972 : i32 to index
        %get3A_974 = arith.index_cast %add3A_946 : i32 to index
        %get3A_975 = arith.constant 16 : index
        %get3A_976 = tpu.vector_load %arg18[%get3A_973, %get3A_974, %get3A_975] {strides = array<i32>} : memref<2x200x64xf32, #tpu.memory_space<vmem>>, vector<1x1x16xf32>,
        %get3A_977 = vector.shape_cast %get3A_976 : vector<1x1x16xf32> to vector<16xf32>
        %get3A_978 = arith.constant 1 : i32
        %get3A_979 = arith.index_cast %get3A_978 : i32 to index
        %get3A_980 = arith.index_cast %add3A_946 : i32 to index
        %get3A_981 = arith.constant 16 : index
        %get3A_982 = tpu.vector_load %arg19[%get3A_979, %get3A_980, %get3A_981] {strides = array<i32>} : memref<2x200x64xf32, #tpu.memory_space<vmem>>, vector<1x1x16xf32>,
        %get3A_983 = vector.shape_cast %get3A_982 : vector<1x1x16xf32> to vector<16xf32>
        %add3A_984 = arith.addf %get3A_977, %get3A_983 : vector<16xf32>
        %add3A_985 = arith.addf %add3A_984, %get3A_819 : vector<16xf32>
        %swap3A_986 = arith.constant 1 : i32
        %swap3A_987 = arith.index_cast %swap3A_986 : i32 to index
        %swap3A_988 = arith.index_cast %add3A_950 : i32 to index
        %swap3A_989 = arith.constant 80 : index
        %swap3A_990 = tpu.vector_load %arg20[%swap3A_987, %swap3A_988, %swap3A_989] {strides = array<i32>} : memref<2x100x128xf32, #tpu.memory_space<vmem>>, vector<1x1x16xf32>,
        %swap3A_991 = vector.shape_cast %swap3A_990 : vector<1x1x16xf32> to vector<16xf32>
        %swap3A_992 = vector.shape_cast %add3A_985 : vector<16xf32> to vector<1x1x16xf32>
        tpu.vector_store %arg20[%swap3A_987, %swap3A_988, %swap3A_989], %swap3A_992 {strides = array<i32>} : memref<2x100x128xf32, #tpu.memory_space<vmem>>, vector<1x1x16xf32>,
        %get3A_993 = arith.constant 1 : i32
        %get3A_994 = arith.index_cast %get3A_993 : i32 to index
        %get3A_995 = arith.index_cast %add3A_946 : i32 to index
        %get3A_996 = arith.constant 32 : index
        %get3A_997 = tpu.vector_load %arg18[%get3A_994, %get3A_995, %get3A_996] {strides = array<i32>} : memref<2x200x64xf32, #tpu.memory_space<vmem>>, vector<1x1x16xf32>,
        %get3A_998 = vector.shape_cast %get3A_997 : vector<1x1x16xf32> to vector<16xf32>
        %get3A_999 = arith.constant 1 : i32
        %get3A_1000 = arith.index_cast %get3A_999 : i32 to index
        %get3A_1001 = arith.index_cast %add3A_946 : i32 to index
        %get3A_1002 = arith.constant 32 : index
        %get3A_1003 = tpu.vector_load %arg19[%get3A_1000, %get3A_1001, %get3A_1002] {strides = array<i32>} : memref<2x200x64xf32, #tpu.memory_space<vmem>>, vector<1x1x16xf32>,
        %get3A_1004 = vector.shape_cast %get3A_1003 : vector<1x1x16xf32> to vector<16xf32>
        %add3A_1005 = arith.addf %get3A_998, %get3A_1004 : vector<16xf32>
        %add3A_1006 = arith.addf %add3A_1005, %get3A_823 : vector<16xf32>
        %swap3A_1007 = arith.constant 1 : i32
        %swap3A_1008 = arith.index_cast %swap3A_1007 : i32 to index
        %swap3A_1009 = arith.index_cast %add3A_950 : i32 to index
        %swap3A_1010 = arith.constant 96 : index
        %swap3A_1011 = tpu.vector_load %arg20[%swap3A_1008, %swap3A_1009, %swap3A_1010] {strides = array<i32>} : memref<2x100x128xf32, #tpu.memory_space<vmem>>, vector<1x1x16xf32>,
        %swap3A_1012 = vector.shape_cast %swap3A_1011 : vector<1x1x16xf32> to vector<16xf32>
        %swap3A_1013 = vector.shape_cast %add3A_1006 : vector<16xf32> to vector<1x1x16xf32>
        tpu.vector_store %arg20[%swap3A_1008, %swap3A_1009, %swap3A_1010], %swap3A_1013 {strides = array<i32>} : memref<2x100x128xf32, #tpu.memory_space<vmem>>, vector<1x1x16xf32>,
        %get3A_1014 = arith.constant 1 : i32
        %get3A_1015 = arith.index_cast %get3A_1014 : i32 to index
        %get3A_1016 = arith.index_cast %add3A_946 : i32 to index
        %get3A_1017 = arith.constant 48 : index
        %get3A_1018 = tpu.vector_load %arg18[%get3A_1015, %get3A_1016, %get3A_1017] {strides = array<i32>} : memref<2x200x64xf32, #tpu.memory_space<vmem>>, vector<1x1x16xf32>,
        %get3A_1019 = vector.shape_cast %get3A_1018 : vector<1x1x16xf32> to vector<16xf32>
        %get3A_1020 = arith.constant 1 : i32
        %get3A_1021 = arith.index_cast %get3A_1020 : i32 to index
        %get3A_1022 = arith.index_cast %add3A_946 : i32 to index
        %get3A_1023 = arith.constant 48 : index
        %get3A_1024 = tpu.vector_load %arg19[%get3A_1021, %get3A_1022, %get3A_1023] {strides = array<i32>} : memref<2x200x64xf32, #tpu.memory_space<vmem>>, vector<1x1x16xf32>,
        %get3A_1025 = vector.shape_cast %get3A_1024 : vector<1x1x16xf32> to vector<16xf32>
        %add3A_1026 = arith.addf %get3A_1019, %get3A_1025 : vector<16xf32>
        %add3A_1027 = arith.addf %add3A_1026, %get3A_827 : vector<16xf32>
        %swap3A_1028 = arith.constant 1 : i32
        %swap3A_1029 = arith.index_cast %swap3A_1028 : i32 to index
        %swap3A_1030 = arith.index_cast %add3A_950 : i32 to index
        %swap3A_1031 = arith.constant 112 : index
        %swap3A_1032 = tpu.vector_load %arg20[%swap3A_1029, %swap3A_1030, %swap3A_1031] {strides = array<i32>} : memref<2x100x128xf32, #tpu.memory_space<vmem>>, vector<1x1x16xf32>,
        %swap3A_1033 = vector.shape_cast %swap3A_1032 : vector<1x1x16xf32> to vector<16xf32>
        %swap3A_1034 = vector.shape_cast %add3A_1027 : vector<16xf32> to vector<1x1x16xf32>
        tpu.vector_store %arg20[%swap3A_1029, %swap3A_1030, %swap3A_1031], %swap3A_1034 {strides = array<i32>} : memref<2x100x128xf32, #tpu.memory_space<vmem>>, vector<1x1x16xf32>,
        %mul3A_1035 = arith.constant 4 : i32
        %mul3A_1036 = arith.muli %scan3A_850, %mul3A_1035 : i32
        %add3A_1037 = arith.constant 2 : i32
        %add3A_1038 = arith.addi %mul3A_1036, %add3A_1037 : i32
        %mul3A_1039 = arith.constant 2 : i32
        %mul3A_1040 = arith.muli %mul3A_1039, %scan3A_850 : i32
        %add3A_1041 = arith.constant 1 : i32
        %add3A_1042 = arith.addi %mul3A_1040, %add3A_1041 : i32
        %get3A_1043 = arith.constant 1 : i32
        %get3A_1044 = arith.index_cast %get3A_1043 : i32 to index
        %get3A_1045 = arith.index_cast %add3A_1038 : i32 to index
        %get3A_1046 = arith.constant 0 : index
        %get3A_1047 = tpu.vector_load %arg18[%get3A_1044, %get3A_1045, %get3A_1046] {strides = array<i32>} : memref<2x200x64xf32, #tpu.memory_space<vmem>>, vector<1x1x16xf32>,
        %get3A_1048 = vector.shape_cast %get3A_1047 : vector<1x1x16xf32> to vector<16xf32>
        %get3A_1049 = arith.constant 1 : i32
        %get3A_1050 = arith.index_cast %get3A_1049 : i32 to index
        %get3A_1051 = arith.index_cast %add3A_1038 : i32 to index
        %get3A_1052 = arith.constant 0 : index
        %get3A_1053 = tpu.vector_load %arg19[%get3A_1050, %get3A_1051, %get3A_1052] {strides = array<i32>} : memref<2x200x64xf32, #tpu.memory_space<vmem>>, vector<1x1x16xf32>,
        %get3A_1054 = vector.shape_cast %get3A_1053 : vector<1x1x16xf32> to vector<16xf32>
        %add3A_1055 = arith.addf %get3A_1048, %get3A_1054 : vector<16xf32>
        %add3A_1056 = arith.addf %add3A_1055, %get3A_815 : vector<16xf32>
        %swap3A_1057 = arith.constant 1 : i32
        %swap3A_1058 = arith.index_cast %swap3A_1057 : i32 to index
        %swap3A_1059 = arith.index_cast %add3A_1042 : i32 to index
        %swap3A_1060 = arith.constant 0 : index
        %swap3A_1061 = tpu.vector_load %arg20[%swap3A_1058, %swap3A_1059, %swap3A_1060] {strides = array<i32>} : memref<2x100x128xf32, #tpu.memory_space<vmem>>, vector<1x1x16xf32>,
        %swap3A_1062 = vector.shape_cast %swap3A_1061 : vector<1x1x16xf32> to vector<16xf32>
        %swap3A_1063 = vector.shape_cast %add3A_1056 : vector<16xf32> to vector<1x1x16xf32>
        tpu.vector_store %arg20[%swap3A_1058, %swap3A_1059, %swap3A_1060], %swap3A_1063 {strides = array<i32>} : memref<2x100x128xf32, #tpu.memory_space<vmem>>, vector<1x1x16xf32>,
        %get3A_1064 = arith.constant 1 : i32
        %get3A_1065 = arith.index_cast %get3A_1064 : i32 to index
        %get3A_1066 = arith.index_cast %add3A_1038 : i32 to index
        %get3A_1067 = arith.constant 16 : index
        %get3A_1068 = tpu.vector_load %arg18[%get3A_1065, %get3A_1066, %get3A_1067] {strides = array<i32>} : memref<2x200x64xf32, #tpu.memory_space<vmem>>, vector<1x1x16xf32>,
        %get3A_1069 = vector.shape_cast %get3A_1068 : vector<1x1x16xf32> to vector<16xf32>
        %get3A_1070 = arith.constant 1 : i32
        %get3A_1071 = arith.index_cast %get3A_1070 : i32 to index
        %get3A_1072 = arith.index_cast %add3A_1038 : i32 to index
        %get3A_1073 = arith.constant 16 : index
        %get3A_1074 = tpu.vector_load %arg19[%get3A_1071, %get3A_1072, %get3A_1073] {strides = array<i32>} : memref<2x200x64xf32, #tpu.memory_space<vmem>>, vector<1x1x16xf32>,
        %get3A_1075 = vector.shape_cast %get3A_1074 : vector<1x1x16xf32> to vector<16xf32>
        %add3A_1076 = arith.addf %get3A_1069, %get3A_1075 : vector<16xf32>
        %add3A_1077 = arith.addf %add3A_1076, %get3A_819 : vector<16xf32>
        %swap3A_1078 = arith.constant 1 : i32
        %swap3A_1079 = arith.index_cast %swap3A_1078 : i32 to index
        %swap3A_1080 = arith.index_cast %add3A_1042 : i32 to index
        %swap3A_1081 = arith.constant 16 : index
        %swap3A_1082 = tpu.vector_load %arg20[%swap3A_1079, %swap3A_1080, %swap3A_1081] {strides = array<i32>} : memref<2x100x128xf32, #tpu.memory_space<vmem>>, vector<1x1x16xf32>,
        %swap3A_1083 = vector.shape_cast %swap3A_1082 : vector<1x1x16xf32> to vector<16xf32>
        %swap3A_1084 = vector.shape_cast %add3A_1077 : vector<16xf32> to vector<1x1x16xf32>
        tpu.vector_store %arg20[%swap3A_1079, %swap3A_1080, %swap3A_1081], %swap3A_1084 {strides = array<i32>} : memref<2x100x128xf32, #tpu.memory_space<vmem>>, vector<1x1x16xf32>,
        %get3A_1085 = arith.constant 1 : i32
        %get3A_1086 = arith.index_cast %get3A_1085 : i32 to index
        %get3A_1087 = arith.index_cast %add3A_1038 : i32 to index
        %get3A_1088 = arith.constant 32 : index
        %get3A_1089 = tpu.vector_load %arg18[%get3A_1086, %get3A_1087, %get3A_1088] {strides = array<i32>} : memref<2x200x64xf32, #tpu.memory_space<vmem>>, vector<1x1x16xf32>,
        %get3A_1090 = vector.shape_cast %get3A_1089 : vector<1x1x16xf32> to vector<16xf32>
        %get3A_1091 = arith.constant 1 : i32
        %get3A_1092 = arith.index_cast %get3A_1091 : i32 to index
        %get3A_1093 = arith.index_cast %add3A_1038 : i32 to index
        %get3A_1094 = arith.constant 32 : index
        %get3A_1095 = tpu.vector_load %arg19[%get3A_1092, %get3A_1093, %get3A_1094] {strides = array<i32>} : memref<2x200x64xf32, #tpu.memory_space<vmem>>, vector<1x1x16xf32>,
        %get3A_1096 = vector.shape_cast %get3A_1095 : vector<1x1x16xf32> to vector<16xf32>
        %add3A_1097 = arith.addf %get3A_1090, %get3A_1096 : vector<16xf32>
        %add3A_1098 = arith.addf %add3A_1097, %get3A_823 : vector<16xf32>
        %swap3A_1099 = arith.constant 1 : i32
        %swap3A_1100 = arith.index_cast %swap3A_1099 : i32 to index
        %swap3A_1101 = arith.index_cast %add3A_1042 : i32 to index
        %swap3A_1102 = arith.constant 32 : index
        %swap3A_1103 = tpu.vector_load %arg20[%swap3A_1100, %swap3A_1101, %swap3A_1102] {strides = array<i32>} : memref<2x100x128xf32, #tpu.memory_space<vmem>>, vector<1x1x16xf32>,
        %swap3A_1104 = vector.shape_cast %swap3A_1103 : vector<1x1x16xf32> to vector<16xf32>
        %swap3A_1105 = vector.shape_cast %add3A_1098 : vector<16xf32> to vector<1x1x16xf32>
        tpu.vector_store %arg20[%swap3A_1100, %swap3A_1101, %swap3A_1102], %swap3A_1105 {strides = array<i32>} : memref<2x100x128xf32, #tpu.memory_space<vmem>>, vector<1x1x16xf32>,
        %get3A_1106 = arith.constant 1 : i32
        %get3A_1107 = arith.index_cast %get3A_1106 : i32 to index
        %get3A_1108 = arith.index_cast %add3A_1038 : i32 to index
        %get3A_1109 = arith.constant 48 : index
        %get3A_1110 = tpu.vector_load %arg18[%get3A_1107, %get3A_1108, %get3A_1109] {strides = array<i32>} : memref<2x200x64xf32, #tpu.memory_space<vmem>>, vector<1x1x16xf32>,
        %get3A_1111 = vector.shape_cast %get3A_1110 : vector<1x1x16xf32> to vector<16xf32>
        %get3A_1112 = arith.constant 1 : i32
        %get3A_1113 = arith.index_cast %get3A_1112 : i32 to index
        %get3A_1114 = arith.index_cast %add3A_1038 : i32 to index
        %get3A_1115 = arith.constant 48 : index
        %get3A_1116 = tpu.vector_load %arg19[%get3A_1113, %get3A_1114, %get3A_1115] {strides = array<i32>} : memref<2x200x64xf32, #tpu.memory_space<vmem>>, vector<1x1x16xf32>,
        %get3A_1117 = vector.shape_cast %get3A_1116 : vector<1x1x16xf32> to vector<16xf32>
        %add3A_1118 = arith.addf %get3A_1111, %get3A_1117 : vector<16xf32>
        %add3A_1119 = arith.addf %add3A_1118, %get3A_827 : vector<16xf32>
        %swap3A_1120 = arith.constant 1 : i32
        %swap3A_1121 = arith.index_cast %swap3A_1120 : i32 to index
        %swap3A_1122 = arith.index_cast %add3A_1042 : i32 to index
        %swap3A_1123 = arith.constant 48 : index
        %swap3A_1124 = tpu.vector_load %arg20[%swap3A_1121, %swap3A_1122, %swap3A_1123] {strides = array<i32>} : memref<2x100x128xf32, #tpu.memory_space<vmem>>, vector<1x1x16xf32>,
        %swap3A_1125 = vector.shape_cast %swap3A_1124 : vector<1x1x16xf32> to vector<16xf32>
        %swap3A_1126 = vector.shape_cast %add3A_1119 : vector<16xf32> to vector<1x1x16xf32>
        tpu.vector_store %arg20[%swap3A_1121, %swap3A_1122, %swap3A_1123], %swap3A_1126 {strides = array<i32>} : memref<2x100x128xf32, #tpu.memory_space<vmem>>, vector<1x1x16xf32>,
        %mul3A_1127 = arith.constant 4 : i32
        %mul3A_1128 = arith.muli %scan3A_850, %mul3A_1127 : i32
        %add3A_1129 = arith.constant 3 : i32
        %add3A_1130 = arith.addi %mul3A_1128, %add3A_1129 : i32
        %mul3A_1131 = arith.constant 2 : i32
        %mul3A_1132 = arith.muli %mul3A_1131, %scan3A_850 : i32
        %add3A_1133 = arith.constant 1 : i32
        %add3A_1134 = arith.addi %mul3A_1132, %add3A_1133 : i32
        %get3A_1135 = arith.constant 1 : i32
        %get3A_1136 = arith.index_cast %get3A_1135 : i32 to index
        %get3A_1137 = arith.index_cast %add3A_1130 : i32 to index
        %get3A_1138 = arith.constant 0 : index
        %get3A_1139 = tpu.vector_load %arg18[%get3A_1136, %get3A_1137, %get3A_1138] {strides = array<i32>} : memref<2x200x64xf32, #tpu.memory_space<vmem>>, vector<1x1x16xf32>,
        %get3A_1140 = vector.shape_cast %get3A_1139 : vector<1x1x16xf32> to vector<16xf32>
        %get3A_1141 = arith.constant 1 : i32
        %get3A_1142 = arith.index_cast %get3A_1141 : i32 to index
        %get3A_1143 = arith.index_cast %add3A_1130 : i32 to index
        %get3A_1144 = arith.constant 0 : index
        %get3A_1145 = tpu.vector_load %arg19[%get3A_1142, %get3A_1143, %get3A_1144] {strides = array<i32>} : memref<2x200x64xf32, #tpu.memory_space<vmem>>, vector<1x1x16xf32>,
        %get3A_1146 = vector.shape_cast %get3A_1145 : vector<1x1x16xf32> to vector<16xf32>
        %add3A_1147 = arith.addf %get3A_1140, %get3A_1146 : vector<16xf32>
        %add3A_1148 = arith.addf %add3A_1147, %get3A_815 : vector<16xf32>
        %swap3A_1149 = arith.constant 1 : i32
        %swap3A_1150 = arith.index_cast %swap3A_1149 : i32 to index
        %swap3A_1151 = arith.index_cast %add3A_1134 : i32 to index
        %swap3A_1152 = arith.constant 64 : index
        %swap3A_1153 = tpu.vector_load %arg20[%swap3A_1150, %swap3A_1151, %swap3A_1152] {strides = array<i32>} : memref<2x100x128xf32, #tpu.memory_space<vmem>>, vector<1x1x16xf32>,
        %swap3A_1154 = vector.shape_cast %swap3A_1153 : vector<1x1x16xf32> to vector<16xf32>
        %swap3A_1155 = vector.shape_cast %add3A_1148 : vector<16xf32> to vector<1x1x16xf32>
        tpu.vector_store %arg20[%swap3A_1150, %swap3A_1151, %swap3A_1152], %swap3A_1155 {strides = array<i32>} : memref<2x100x128xf32, #tpu.memory_space<vmem>>, vector<1x1x16xf32>,
        %get3A_1156 = arith.constant 1 : i32
        %get3A_1157 = arith.index_cast %get3A_1156 : i32 to index
        %get3A_1158 = arith.index_cast %add3A_1130 : i32 to index
        %get3A_1159 = arith.constant 16 : index
        %get3A_1160 = tpu.vector_load %arg18[%get3A_1157, %get3A_1158, %get3A_1159] {strides = array<i32>} : memref<2x200x64xf32, #tpu.memory_space<vmem>>, vector<1x1x16xf32>,
        %get3A_1161 = vector.shape_cast %get3A_1160 : vector<1x1x16xf32> to vector<16xf32>
        %get3A_1162 = arith.constant 1 : i32
        %get3A_1163 = arith.index_cast %get3A_1162 : i32 to index
        %get3A_1164 = arith.index_cast %add3A_1130 : i32 to index
        %get3A_1165 = arith.constant 16 : index
        %get3A_1166 = tpu.vector_load %arg19[%get3A_1163, %get3A_1164, %get3A_1165] {strides = array<i32>} : memref<2x200x64xf32, #tpu.memory_space<vmem>>, vector<1x1x16xf32>,
        %get3A_1167 = vector.shape_cast %get3A_1166 : vector<1x1x16xf32> to vector<16xf32>
        %add3A_1168 = arith.addf %get3A_1161, %get3A_1167 : vector<16xf32>
        %add3A_1169 = arith.addf %add3A_1168, %get3A_819 : vector<16xf32>
        %swap3A_1170 = arith.constant 1 : i32
        %swap3A_1171 = arith.index_cast %swap3A_1170 : i32 to index
        %swap3A_1172 = arith.index_cast %add3A_1134 : i32 to index
        %swap3A_1173 = arith.constant 80 : index
        %swap3A_1174 = tpu.vector_load %arg20[%swap3A_1171, %swap3A_1172, %swap3A_1173] {strides = array<i32>} : memref<2x100x128xf32, #tpu.memory_space<vmem>>, vector<1x1x16xf32>,
        %swap3A_1175 = vector.shape_cast %swap3A_1174 : vector<1x1x16xf32> to vector<16xf32>
        %swap3A_1176 = vector.shape_cast %add3A_1169 : vector<16xf32> to vector<1x1x16xf32>
        tpu.vector_store %arg20[%swap3A_1171, %swap3A_1172, %swap3A_1173], %swap3A_1176 {strides = array<i32>} : memref<2x100x128xf32, #tpu.memory_space<vmem>>, vector<1x1x16xf32>,
        %get3A_1177 = arith.constant 1 : i32
        %get3A_1178 = arith.index_cast %get3A_1177 : i32 to index
        %get3A_1179 = arith.index_cast %add3A_1130 : i32 to index
        %get3A_1180 = arith.constant 32 : index
        %get3A_1181 = tpu.vector_load %arg18[%get3A_1178, %get3A_1179, %get3A_1180] {strides = array<i32>} : memref<2x200x64xf32, #tpu.memory_space<vmem>>, vector<1x1x16xf32>,
        %get3A_1182 = vector.shape_cast %get3A_1181 : vector<1x1x16xf32> to vector<16xf32>
        %get3A_1183 = arith.constant 1 : i32
        %get3A_1184 = arith.index_cast %get3A_1183 : i32 to index
        %get3A_1185 = arith.index_cast %add3A_1130 : i32 to index
        %get3A_1186 = arith.constant 32 : index
        %get3A_1187 = tpu.vector_load %arg19[%get3A_1184, %get3A_1185, %get3A_1186] {strides = array<i32>} : memref<2x200x64xf32, #tpu.memory_space<vmem>>, vector<1x1x16xf32>,
        %get3A_1188 = vector.shape_cast %get3A_1187 : vector<1x1x16xf32> to vector<16xf32>
        %add3A_1189 = arith.addf %get3A_1182, %get3A_1188 : vector<16xf32>
        %add3A_1190 = arith.addf %add3A_1189, %get3A_823 : vector<16xf32>
        %swap3A_1191 = arith.constant 1 : i32
        %swap3A_1192 = arith.index_cast %swap3A_1191 : i32 to index
        %swap3A_1193 = arith.index_cast %add3A_1134 : i32 to index
        %swap3A_1194 = arith.constant 96 : index
        %swap3A_1195 = tpu.vector_load %arg20[%swap3A_1192, %swap3A_1193, %swap3A_1194] {strides = array<i32>} : memref<2x100x128xf32, #tpu.memory_space<vmem>>, vector<1x1x16xf32>,
        %swap3A_1196 = vector.shape_cast %swap3A_1195 : vector<1x1x16xf32> to vector<16xf32>
        %swap3A_1197 = vector.shape_cast %add3A_1190 : vector<16xf32> to vector<1x1x16xf32>
        tpu.vector_store %arg20[%swap3A_1192, %swap3A_1193, %swap3A_1194], %swap3A_1197 {strides = array<i32>} : memref<2x100x128xf32, #tpu.memory_space<vmem>>, vector<1x1x16xf32>,
        %get3A_1198 = arith.constant 1 : i32
        %get3A_1199 = arith.index_cast %get3A_1198 : i32 to index
        %get3A_1200 = arith.index_cast %add3A_1130 : i32 to index
        %get3A_1201 = arith.constant 48 : index
        %get3A_1202 = tpu.vector_load %arg18[%get3A_1199, %get3A_1200, %get3A_1201] {strides = array<i32>} : memref<2x200x64xf32, #tpu.memory_space<vmem>>, vector<1x1x16xf32>,
        %get3A_1203 = vector.shape_cast %get3A_1202 : vector<1x1x16xf32> to vector<16xf32>
        %get3A_1204 = arith.constant 1 : i32
        %get3A_1205 = arith.index_cast %get3A_1204 : i32 to index
        %get3A_1206 = arith.index_cast %add3A_1130 : i32 to index
        %get3A_1207 = arith.constant 48 : index
        %get3A_1208 = tpu.vector_load %arg19[%get3A_1205, %get3A_1206, %get3A_1207] {strides = array<i32>} : memref<2x200x64xf32, #tpu.memory_space<vmem>>, vector<1x1x16xf32>,
        %get3A_1209 = vector.shape_cast %get3A_1208 : vector<1x1x16xf32> to vector<16xf32>
        %add3A_1210 = arith.addf %get3A_1203, %get3A_1209 : vector<16xf32>
        %add3A_1211 = arith.addf %add3A_1210, %get3A_827 : vector<16xf32>
        %swap3A_1212 = arith.constant 1 : i32
        %swap3A_1213 = arith.index_cast %swap3A_1212 : i32 to index
        %swap3A_1214 = arith.index_cast %add3A_1134 : i32 to index
        %swap3A_1215 = arith.constant 112 : index
        %swap3A_1216 = tpu.vector_load %arg20[%swap3A_1213, %swap3A_1214, %swap3A_1215] {strides = array<i32>} : memref<2x100x128xf32, #tpu.memory_space<vmem>>, vector<1x1x16xf32>,
        %swap3A_1217 = vector.shape_cast %swap3A_1216 : vector<1x1x16xf32> to vector<16xf32>
        %swap3A_1218 = vector.shape_cast %add3A_1211 : vector<16xf32> to vector<1x1x16xf32>
        tpu.vector_store %arg20[%swap3A_1213, %swap3A_1214, %swap3A_1215], %swap3A_1218 {strides = array<i32>} : memref<2x100x128xf32, #tpu.memory_space<vmem>>, vector<1x1x16xf32>,
      }
      %scan3A_833 = arith.constant 50 : i32
      %add3A_834 = arith.addi %mul3A_2, %add3A_725 : i32
      %mul3A_835 = arith.constant 100 : i32
      %mul3A_836 = arith.muli %add3A_834, %mul3A_835 : i32
      %dma_start3A_837 = arith.constant 1 : i32
      %dma_start3A_838 = arith.constant 0 : i32
      %dma_start3A_839 = arith.constant 0 : i32
      %dma_start3A_840 = tpu.memref_slice %arg20[%dma_start3A_837, %dma_start3A_838, %dma_start3A_839] : memref<2x100x128xf32, #tpu.memory_space<vmem>> -> memref<1x100x128xf32, #tpu.memory_space<vmem>>
      %dma_start3A_841 = tpu.memref_squeeze %dma_start3A_840 : memref<1x100x128xf32, #tpu.memory_space<vmem>> -> memref<100x128xf32, #tpu.memory_space<vmem>>
      %dma_start3A_842 = arith.constant 0 : i32
      %dma_start3A_843 = tpu.memref_slice %arg9[%mul3A_836, %dma_start3A_842] : memref<409600x128xf32, #tpu.memory_space<hbm>> -> memref<100x128xf32, #tpu.memory_space<hbm>>
      %dma_start3A_844 = arith.constant 0 : i32
      %dma_start3A_845 = tpu.memref_slice %arg9[%mul3A_836, %dma_start3A_844] : memref<409600x128xf32, #tpu.memory_space<hbm>> -> memref<100x128xf32, #tpu.memory_space<hbm>>
      %dma_start3A_846 = arith.constant 0 : i32
      %dma_start3A_847 = arith.constant 0 : i32
      %dma_start3A_848 = tpu.memref_slice %arg20[%dma_start3A_837, %dma_start3A_846, %dma_start3A_847] : memref<2x100x128xf32, #tpu.memory_space<vmem>> -> memref<1x100x128xf32, #tpu.memory_space<vmem>>
      %dma_start3A_849 = tpu.memref_squeeze %dma_start3A_848 : memref<1x100x128xf32, #tpu.memory_space<vmem>> -> memref<100x128xf32, #tpu.memory_space<vmem>>
      tpu.enqueue_dma source(%dma_start3A_849 : memref<100x128xf32, #tpu.memory_space<vmem>>) target(%dma_start3A_845 : memref<100x128xf32, #tpu.memory_space<hbm>>) target_semaphore(%arg26 : memref<!tpu.dma_semaphore, #tpu.memory_space<semaphore_mem>>)
    }
    %scan3A_570 = arith.constant 64 : i32
    %add3A_571 = arith.constant 126 : i32
    %add3A_572 = arith.addi %mul3A_2, %add3A_571 : i32
    %mul3A_573 = arith.constant 100 : i32
    %mul3A_574 = arith.muli %add3A_572, %mul3A_573 : i32
    %dma_wait3A = arith.constant 0 : i32
    %dma_wait3A_575 = arith.constant 0 : i32
    %dma_wait3A_576 = arith.constant 0 : i32
    %dma_wait3A_577 = tpu.memref_slice %arg20[%dma_wait3A, %dma_wait3A_575, %dma_wait3A_576] : memref<2x100x128xf32, #tpu.memory_space<vmem>> -> memref<1x100x128xf32, #tpu.memory_space<vmem>>
    %dma_wait3A_578 = tpu.memref_squeeze %dma_wait3A_577 : memref<1x100x128xf32, #tpu.memory_space<vmem>> -> memref<100x128xf32, #tpu.memory_space<vmem>>
    %dma_wait3A_579 = arith.constant 0 : i32
    %dma_wait3A_580 = tpu.memref_slice %arg9[%mul3A_574, %dma_wait3A_579] : memref<409600x128xf32, #tpu.memory_space<hbm>> -> memref<100x128xf32, #tpu.memory_space<hbm>>
    %dma_wait3A_581 = arith.constant 0 : i32
    %dma_wait3A_582 = tpu.memref_slice %arg9[%mul3A_574, %dma_wait3A_581] : memref<409600x128xf32, #tpu.memory_space<hbm>> -> memref<100x128xf32, #tpu.memory_space<hbm>>
    %dma_wait3A_583 = arith.constant 0 : i32
    %dma_wait3A_584 = arith.constant 0 : i32
    %dma_wait3A_585 = tpu.memref_slice %arg20[%dma_wait3A, %dma_wait3A_583, %dma_wait3A_584] : memref<2x100x128xf32, #tpu.memory_space<vmem>> -> memref<1x100x128xf32, #tpu.memory_space<vmem>>
    %dma_wait3A_586 = tpu.memref_squeeze %dma_wait3A_585 : memref<1x100x128xf32, #tpu.memory_space<vmem>> -> memref<100x128xf32, #tpu.memory_space<vmem>>
    tpu.wait_dma2 semaphore(%arg25 : memref<!tpu.dma_semaphore, #tpu.memory_space<semaphore_mem>>) src(%dma_wait3A_586 : memref<100x128xf32, #tpu.memory_space<vmem>>) dst(%dma_wait3A_582 : memref<100x128xf32, #tpu.memory_space<hbm>>)
    %add3A_587 = arith.constant 127 : i32
    %add3A_588 = arith.addi %mul3A_2, %add3A_587 : i32
    %mul3A_589 = arith.constant 100 : i32
    %mul3A_590 = arith.muli %add3A_588, %mul3A_589 : i32
    %dma_wait3A_591 = arith.constant 1 : i32
    %dma_wait3A_592 = arith.constant 0 : i32
    %dma_wait3A_593 = arith.constant 0 : i32
    %dma_wait3A_594 = tpu.memref_slice %arg20[%dma_wait3A_591, %dma_wait3A_592, %dma_wait3A_593] : memref<2x100x128xf32, #tpu.memory_space<vmem>> -> memref<1x100x128xf32, #tpu.memory_space<vmem>>
    %dma_wait3A_595 = tpu.memref_squeeze %dma_wait3A_594 : memref<1x100x128xf32, #tpu.memory_space<vmem>> -> memref<100x128xf32, #tpu.memory_space<vmem>>
    %dma_wait3A_596 = arith.constant 0 : i32
    %dma_wait3A_597 = tpu.memref_slice %arg9[%mul3A_590, %dma_wait3A_596] : memref<409600x128xf32, #tpu.memory_space<hbm>> -> memref<100x128xf32, #tpu.memory_space<hbm>>
    %dma_wait3A_598 = arith.constant 0 : i32
    %dma_wait3A_599 = tpu.memref_slice %arg9[%mul3A_590, %dma_wait3A_598] : memref<409600x128xf32, #tpu.memory_space<hbm>> -> memref<100x128xf32, #tpu.memory_space<hbm>>
    %dma_wait3A_600 = arith.constant 0 : i32
    %dma_wait3A_601 = arith.constant 0 : i32
    %dma_wait3A_602 = tpu.memref_slice %arg20[%dma_wait3A_591, %dma_wait3A_600, %dma_wait3A_601] : memref<2x100x128xf32, #tpu.memory_space<vmem>> -> memref<1x100x128xf32, #tpu.memory_space<vmem>>
    %dma_wait3A_603 = tpu.memref_squeeze %dma_wait3A_602 : memref<1x100x128xf32, #tpu.memory_space<vmem>> -> memref<100x128xf32, #tpu.memory_space<vmem>>
    tpu.wait_dma2 semaphore(%arg26 : memref<!tpu.dma_semaphore, #tpu.memory_space<semaphore_mem>>) src(%dma_wait3A_603 : memref<100x128xf32, #tpu.memory_space<vmem>>) dst(%dma_wait3A_599 : memref<100x128xf32, #tpu.memory_space<hbm>>)
    return
  }
}

</mosaic_0001>

<sc_bundles>
// kernel: _run.3.cloned.1.call-start
scs
__scs_entry_jumppad:
0x0: {  	(pc) =	sbr.rel $0x88, $3  }
0x1: {  	(tag) =	ssettag $0x0;
	lr =	simm.s32 $0x1  }
0x2: {  	[smem:$0x3F99] =	sst lr;
	_ =	strace $0xD0000000  }
0x3: {  	_ = 	snop  }
0x4: {  	_ = 	snop  }
0x5: {  	_ = 	snop  }
0x6: {  	_ = 	snop  }
0x7: {  	_ = 	snop  }
__scs_overlays_trampoline_lowered:
0x8: {  	[smem:$0x3FA8] =	sst s0  }
0x9: {  	[smem:$0x3FA9] =	sst s1  }
0xa: {  	[smem:$0x3FAA] =	sst s2  }
0xb: {  	[smem:$0x3FAB] =	sst s3  }
0xc: {  	[smem:$0x3FAC] =	sst s4  }
0xd: {  	[smem:$0x3FAD] =	sst s5  }
0xe: {  	[smem:$0x3FAE] =	sst s6  }
0xf: {  	[smem:$0x3FAF] =	sst s7  }
0x10: {  	[smem:$0x3FB0] =	sst s8  }
0x11: {  	[smem:$0x3FB1] =	sst s9;
	s0 =	simm.s32 @!p0 $0x0  }
0x12: {  	s1 =	sld [smem:$0x3F97];
	s0 =	simm.s32 @p0 $0x1  }
0x13: {  	[smem:$0x3FB2] =	sst s0;
	s0 =	simm.s32 @!p1 $0x0  }
0x14: {  	s2 =	sld [smem:$0x3F96];
	s0 =	simm.s32 @p1 $0x1  }
0x15: {  	[smem:$0x3FB3] =	sst s0;
	s0 =	simm.s32 @!p2 $0x0  }
0x16: {  	s3 =	sld [smem:$0x3FDB];
	s0 =	simm.s32 @p2 $0x1  }
0x17: {  	s4 =	simm.s32 $0x1BF5;
	[smem:$0x3FB5] =	sst s0  }
0x18: {  	s0 =	sld [smem:$0x3F98];
	_ =	swait.ge [sflag:s4], $0x0  }
0x19: {  	s7 =	sld [smem:$0x3F99]  }
0x1a: {  	s8 =	sadd.s32 $0xFFFFE003, lr  }
0x1b: {  	s9 =	sadd.s32 $0xFFFFFEF7, lr;
	s5 =	simm.s32 $0xFFFFFFFF;
	p2 =	slt.u32 s8, $0xFFFFF086  }
0x1c: {  	p1 =	slt.u32 s9, $0xF7A;
	s5 =	simm.s32 @!p2 $0x0  }
0x1d: {  	s5 =	simm.s32 @p1 $0x1;
	p0 =	seq.s32 s7, s2  }
0x1e: {  	s7 =	smul.u32 @!p0 $0xF7A, s2;
	p2 =	seq.s32 @!p0 s5, $0x0  }
0x1f: {  	s9 =	smul.u32 $0xF7A, s1;
	s8 =	simm.s32 @!p0 $0x1BF5;
	p2 =	por !p2, p0  }
0x20: {  	[sflag:s8] =	ssyncset.s32 @!p0 $0xFFFFF086;
	s6 =	sadd.s32 @!p0 s3, s7;
	s7 =	simm.s32 @!p0 $0x108  }
0x21: {  	s3 =	sadd.s32 s3, s9;
	s6 =	sadd.s32 @!p0 $0x88, s6;
	s7 =	simm.s32 @p2 $0x1082  }
0x22: {  	[simem:s7], [sflag:s8] =	dma.local @!p0 [hbm:s6], $0xF7A  }
0x23: {  	s9 =	sor.u32 $0xD0000000, s2;
	s6 =	simm.s32 $0x108;
	_ =	swait.ge @!p0 [sflag:s8], $0x0  }
0x24: {  	s3 =	sadd.s32 $0x88, s3;
	s6 =	simm.s32 @!p1 $0x1082;
	[sflag:s4] =	ssyncset.s32 $0xFFFFF086  }
0x25: {  	[simem:s6], [sflag:s4] =	dma.local [hbm:s3], $0xF7A  }
0x26: {  	[smem:$0x3F99] =	sst s1;
	(tag) =	ssettag s2;
	_ =	strace s9  }
0x27: {  	s1 =	sld [smem:$0x3FA9]  }
0x28: {  	s2 =	sld [smem:$0x3FAA]  }
0x29: {  	s4 =	sld [smem:$0x3FAC]  }
0x2a: {  	p0 =	seq.s32 s5, $0x0;
	s5 =	sld [smem:$0x3FAD]  }
0x2b: {  	s6 =	sld [smem:$0x3FAE]  }
0x2c: {  	s7 =	sld [smem:$0x3FAF]  }
0x2d: {  	s3 =	simm.s32 $0x108;
	s8 =	sld [smem:$0x3FB0]  }
0x2e: {  	s3 =	simm.s32 @!p0 $0x1082;
	s9 =	sld [smem:$0x3FB1]  }
0x2f: {  	lr =	sadd.s32 s0, s3;
	s0 =	sld [smem:$0x3FA8]  }
0x30: {  	s3 =	sld [smem:$0x3FAB]  }
0x31: {  	[smem:$0x3FB4] =	sst s10  }
0x32: {  	s10 =	sld [smem:$0x3FB2];
	_ =	sdelay $0x3  }
0x33: {  	p0 =	seq.s32 s10, $0x1;
	s10 =	sld [smem:$0x3FB4];
	_ =	sdelay $0x3  }
0x34: {  	[smem:$0x3FB4] =	sst s10  }
0x35: {  	s10 =	sld [smem:$0x3FB3];
	_ =	sdelay $0x3  }
0x36: {  	p1 =	seq.s32 s10, $0x1;
	s10 =	sld [smem:$0x3FB4];
	_ =	sdelay $0x3  }
0x37: {  	[smem:$0x3FB4] =	sst s10  }
0x38: {  	s10 =	sld [smem:$0x3FB5]  }
0x39: {  	_ = 	snop;
	(pc) =	sbr.ind lr, $3  }
0x3a: {  	_ = 	snop  }
0x3b: {  	_ = 	snop  }
0x3c: {  	p2 =	seq.s32 s10, $0x1;
	s10 =	sld [smem:$0x3FB4]  }
0x3d: {  	_ =	shalt  }
0x3e: {  	_ =	shalt  }
0x3f: {  	_ =	shalt  }
0x40: {  	_ =	shalt  }
0x41: {  	_ =	shalt  }
0x42: {  	_ =	shalt  }
0x43: {  	_ =	shalt  }
0x44: {  	_ =	shalt  }
0x45: {  	_ =	shalt  }
0x46: {  	_ =	shalt  }
0x47: {  	_ =	shalt  }
0x48: {  	_ =	shalt  }
0x49: {  	_ =	shalt  }
0x4a: {  	_ =	shalt  }
0x4b: {  	_ =	shalt  }
0x4c: {  	_ =	shalt  }
0x4d: {  	_ =	shalt  }
0x4e: {  	_ =	shalt  }
0x4f: {  	_ =	shalt  }
0x50: {  	_ =	shalt  }
0x51: {  	_ =	shalt  }
0x52: {  	_ =	shalt  }
0x53: {  	_ =	shalt  }
0x54: {  	_ =	shalt  }
0x55: {  	_ =	shalt  }
0x56: {  	_ =	shalt  }
0x57: {  	_ =	shalt  }
0x58: {  	_ =	shalt  }
0x59: {  	_ =	shalt  }
0x5a: {  	_ =	shalt  }
0x5b: {  	_ =	shalt  }
0x5c: {  	_ =	shalt  }
0x5d: {  	_ =	shalt  }
0x5e: {  	_ =	shalt  }
0x5f: {  	_ =	shalt  }
0x60: {  	_ =	shalt  }
0x61: {  	_ =	shalt  }
0x62: {  	_ =	shalt  }
0x63: {  	_ =	shalt  }
0x64: {  	_ =	shalt  }
0x65: {  	_ =	shalt  }
0x66: {  	_ =	shalt  }
0x67: {  	_ =	shalt  }
0x68: {  	_ =	shalt  }
0x69: {  	_ =	shalt  }
0x6a: {  	_ =	shalt  }
0x6b: {  	_ =	shalt  }
0x6c: {  	_ =	shalt  }
0x6d: {  	_ =	shalt  }
0x6e: {  	_ =	shalt  }
0x6f: {  	_ =	shalt  }
0x70: {  	_ =	shalt  }
0x71: {  	_ =	shalt  }
0x72: {  	_ =	shalt  }
0x73: {  	_ =	shalt  }
0x74: {  	_ =	shalt  }
0x75: {  	_ =	shalt  }
0x76: {  	_ =	shalt  }
0x77: {  	_ =	shalt  }
0x78: {  	_ =	shalt  }
0x79: {  	_ =	shalt  }
0x7a: {  	_ =	shalt  }
0x7b: {  	_ =	shalt  }
0x7c: {  	_ =	shalt  }
0x7d: {  	_ =	shalt  }
0x7e: {  	_ =	shalt  }
0x7f: {  	_ =	shalt  }
0x80: {  	_ =	shalt  }
0x81: {  	_ =	shalt  }
0x82: {  	_ =	shalt  }
0x83: {  	_ =	shalt  }
0x84: {  	_ =	shalt  }
0x85: {  	_ =	shalt  }
0x86: {  	_ =	shalt  }
0x87: {  	_ =	shalt  }
.Lfunc_end0:
.L_simem_size_0:
called_computation.2_lowered:
.L_overlay_start_0:
0x88: {  	s2 =	sld [smem:$0x3FD9]  }
0x89: {  	s3 =	sld [smem:$0x3FFE];
	_ =	sdelay $0x1  }
0x8a: {  	s1 =	srdreg.scid  }
0x8b: {  	s0 =	sand.u32 $0x1, s1  }
0x8c: {  	s17 =	sshll.u32 s0, $0xA;
	s2 =	sadd.s32 s3, s2  }
0x8d: {  	s2 =	sadd.s32 s2, s17  }
0x8e: {  	[smem:$0x3FC0] =	sst s2  }
0x8f: {  	_ = 	snop  }
0x90: {  	s2 =	sld [smem:$0x3FD0];
	(tm) =	ssettm $0x1  }
0x91: {  	s18 =	sld [smem:$0x3FFB];
	_ =	sdelay $0x3  }
0x92: {  	_ =	strace s18  }
0x93: {  	s3 =	sld [smem:$0x3FFC];
	_ =	sdelay $0x3  }
0x94: {  	_ =	strace s3  }
0x95: {  	s3 =	sld [smem:$0x3FFD];
	_ =	sdelay $0x3  }
0x96: {  	_ =	strace s3  }
0x97: {  	_ =	strace $0x8FFFFFFF  }
0x98: {  	s19 =	sld [smem:$0x3FDB];
	_ =	sdelay $0x1  }
0x99: {  	s4 =	simm.s32 $_scs_section_size  }
0x9a: {  	s5 =	simm.s32 $_size__tile_overlayer_lowered;
	s6 =	simm.s32 $_tile_overlayer_lowered  }
0x9b: {  	s22 =	simm.s32 $0x1BFF;
	s21 =	sshll.u32 s6, $0x1;
	s3 =	sadd.s32 s4, s19  }
0x9c: {  	s7 =	simm.s32 $0x0;
	s20 =	sshll.u32 s5, $0x1;
	s5 =	sadd.s32 s21, s3  }
0x9d: {  	[timem:s7], [sflag:s22] =	dma.local [hbm:s5], s20  }
0x9e: {  	_ =	swait.ge [sflag:s22], s20  }
0x9f: {  	s4 =	ssub.s32 $0x0, s20;
	[sflag:s22] =	ssyncset.done $0x0  }
0xa0: {  	[sflag:s22] =	ssyncadd.s32 s4;
	_ =	sdelay $0x1  }
0xa1: {  	s23 =	simm.s32 $0x1B8B  }
0xa2: {  	_ =	swait.ge [sflag:s23], $0x1  }
0xa3: {  	[sflag:s23] =	ssyncset.done $0x0  }
0xa4: {  	s25 =	simm.s32 $0x1B8E;
	s24 =	sld [smem:$0x3FFE];
	[sflag:s23] =	ssyncadd.s32 $0xFFFFFFFF  }
0xa5: {  	s26 =	simm.s32 $execute0_lowered;
	[smem:$0x3FD2] =	sst s25  }
0xa6: {  	s5 =	sshll.u32 s26, $0x1;
	_ =	strace $0x80000049;
	[dreg:$0x1] =	wrdreg $0xFFFFFFFF  }
0xa7: {  	s28 =	simm.s32 $_size_execute0_lowered;
	s3 =	sadd.s32 s3, s5;
	[dreg:$0x0] =	wrdreg $0x0  }
0xa8: {  	s5 =	sshll.u32 s28, $0x1;
	[dreg:$0x2] =	wrdreg s3  }
0xa9: {  	[dreg:$0x3] =	wrdreg s5  }
0xaa: {  	[dreg:$0x4] =	wrdreg $0xC0  }
0xab: {  	_ =	task [dreg:s7], $0x5FFFF  }
0xac: {  	[dreg:$0x1] =	wrdreg $0xFFFFFFFF  }
0xad: {  	[dreg:$0x0] =	wrdreg $0x60  }
0xae: {  	[dreg:$0x2] =	wrdreg s24  }
0xaf: {  	[dreg:$0x3] =	wrdreg s2  }
0xb0: {  	[dreg:$0x4] =	wrdreg $0x0  }
0xb1: {  	[dreg:$0x5] =	wrdreg $0x9  }
0xb2: {  	_ =	task.clear_ibuf [dreg:s7], $0x6FFFF;
	_ =	strace $0x90000049  }
0xb3: {  	s29 =	simm.s32 $0x9;
	_ =	strace $0x8000004B  }
0xb4: {  	_ =	swait.ge [sflag:s29], $0x1  }
0xb5: {  	[sflag:s29] =	ssyncadd.s32 $0xFFFFFFFF  }
0xb6: {  	_ =	strace $0x9000004B  }
0xb7: {  	_ =	sfence  }
0xb8: {  	s30 =	sld [smem:$0x0];
	_ =	sdelay $0x2  }
0xb9: {  	s31 =	sshll.u32 s1, $0xD;
	s1 =	sshrl.u32 s1, $0x2  }
0xba: {  	s3 =	sand.u32 $0x4000, s31;
	s1 =	sadd.s32 s1, s30  }
0xbb: {  	s0 =	sor.u32 s3, s0;
	s1 =	sshll.u32 s1, $0x11  }
0xbc: {  	s0 =	sor.u32 s1, s0  }
0xbd: {  	s0 =	sadd.s32 $0x8F2B, s0  }
0xbe: {  	[sflag:s0] =	ssyncadd.remote.s32 $0x1  }
0xbf: {  	_ =	sfence.sel $0xFFFF  }
0xc0: {  	[dreg:$0x0] =	wrdreg $0xFFFFFFFF;
	(pc) =	sbr.abs _section_cstart, $3  }
0xc1: {  	[dreg:$0x1] =	wrdreg $0xFFFFFFFF  }
0xc2: {  	_ =	task.clear_ibuf [dreg:s7], $0x2FFFF;
	_ =	strace $0x9FFFFFFF  }
0xc3: {  	(tm) =	ssettm $0x7FFFFFFF  }
tec
execute0_lowered:
.L_overlay_start_1:
0x0: {  	(tag) =	ssettag $0x1  }
0x1: {  	s0 =	rddreg [dreg:$0x0]  }
0x2: {  	s1 =	rddreg [dreg:$0x1]  }
0x3: {  	s3 =	rddreg [dreg:$0x2]  }
0x4: {  	s2 =	srdreg.scid;
	s4 =	simm.s32 $0x0;
	s12 =	stileid.u32  }
0x5: {  	s29 =	simm.s32 $0x3;
	s30 =	simm.s32 $0xE1D0;
	s31 =	simm.s32 $0xFBD0  }
0x6: {  	s28 =	simm.s32 $0x15FD0;
	s13 =	simm.s32 $0x2;
	s14 =	simm.s32 $0x4  }
0x7: {  	s2 =	sand.u32 $0x1, s2;
	[smem:$0x7FF] =	sst s4;
	s5 =	sshll.u32 s12, $0x8  }
0x8: {  	s7 =	sadd.s32 $0x1B400, s0;
	s8 =	sadd.s32 $0x34400, s0;
	s11 =	smul.u32 $0xD0, s12  }
0x9: {  	s12 =	smul.u32 $0xEA00, s12;
	s6 =	sshll.u32 s2, $0x7;
	_ =	strace $0x8000004A  }
0xa: {  	s2 =	ssub.s32 $0x2, s2;
	s5 =	sor.u32 s6, s5;
	s6 =	sadd.s32 $0x2400, s0  }
0xb: {  	s11 =	sadd.s32 s11, s0;
	s15 =	sshrl.u32 s2, $0x1;
	s16 =	sshrl.u32 s12, $0x2  }
0xc: {  	s9 =	sshll.u32 s5, $0x3;
	s17 =	smul.u32 $0xC8, s5;
	s11 =	sadd.s32 $0x1600, s11  }
0xd: {  	s18 =	sadd.s32 s16, s3;
	s19 =	smul.u32 $0x19, s5;
	s16 =	simm.s32 $0x0  }
0xe: {  	s10 =	sadd.s32 s9, s0;
	s9 =	sadd.s32 $0x4D400, s0;
	[dreg:$0x5] =	wrdreg s11  }
0xf: {  	s0 =	sadd.s32 $0x1200, s0;
	[dreg:$0x6] =	wrdreg s18;
	s20 =	sadd.s32 $0x1D40, s18  }
0x10: {  	s11 =	simm.s32 $0x177D0;
	[dreg:$0x4] =	wrdreg s0;
	s0 =	ssub.s32 s2, s15  }
0x11: {  	s10 =	sadd.s32 $0x110A00, s10;
	[dreg:$0x8] =	wrdreg s20;
	s21 =	sshrl.u32 s17, $0x3  }
0x12: {  	s22 =	sadd.s32 s6, s19;
	s23 =	sadd.s32 s7, s19;
	[dreg:$0x7] =	wrdreg s10  }
0x13: {  	s2 =	sadd.s32 s8, s19;
	s15 =	simm.s32 $0x1A9D0;
	[dreg:$0x9] =	wrdreg s22  }
0x14: {  	s17 =	simm.s32 $0x6;
	[dreg:$0xa] =	wrdreg s23;
	s10 =	sadd.s32 $0x190, s21  }
0x15: {  	[dreg:$0xb] =	wrdreg s2;
	s0 =	smax.u32 s0, $0x1;
	s22 =	simm.s32 $0x68  }
0x16: {  	s2 =	simm.s32 $0x145D0;
	s24 =	sadd.s32 s6, s10;
	[dreg:$0xf] =	wrdreg s0  }
0x17: {  	s25 =	sadd.s32 s7, s10;
	s26 =	sadd.s32 s8, s10;
	[dreg:$0xc] =	wrdreg s24  }
0x18: {  	s0 =	simm.s32 $0xAF08;
	s10 =	simm.s32 $0xAF70;
	[dreg:$0xd] =	wrdreg s25  }
0x19: {  	[dreg:$0xe] =	wrdreg s26;
	s24 =	simm.s32 $0x60;
	s25 =	simm.s32 $0x1  }
.LBB2_1:
0x1a: {  	[dreg:$0x10] =	wrdreg s16  }
0x1b: {  	s12 =	rddreg [dreg:$0x5];
	s19 =	simm.s32 $0x3A80;
	s20 =	simm.s32 $0x8  }
0x1c: {  	[tilespmem:s19], [sflag:$0x8] =	stream.linear.gather [hbm4b:s12+s4], $0x680, $0x38;
	[tilespmem:$0x1DBD0] =	vst v63  }
0x1d: {  	_ =	swait.ge [sflag:s20], $0x680  }
0x1e: {  	[sflag:s20] =	ssyncset.done $0x0  }
0x1f: {  	s18 =	simm.s32 $0x4100;
	s21 =	rddreg [dreg:$0x4];
	[sflag:s20] =	ssyncadd.s32 $0xFFFFF980  }
0x20: {  	[tilespmem:s18], [sflag:$0x8] =	stream.linear.gather [hbm4b:s21+s4], $0x240, $0x38;
	[tilespmem:$0x1DBD0] =	vst v63  }
0x21: {  	_ =	swait.ge [sflag:s20], $0x240  }
0x22: {  	[sflag:s20] =	ssyncset.done $0x0  }
0x23: {  	s26 =	simm.s32 $0x4340;
	s23 =	rddreg [dreg:$0x7];
	[sflag:s20] =	ssyncadd.s32 $0xFFFFFDC0  }
0x24: {  	[tilespmem:s26], [sflag:$0x8] =	stream.linear.gather [hbm4b:s23+s4], $0x2000, $0x38;
	[tilespmem:$0x1DBD0] =	vst v63  }
0x25: {  	_ =	swait.ge [sflag:s20], $0x2000  }
0x26: {  	[sflag:s20] =	ssyncset.done $0x0  }
0x27: {  	[sflag:s20] =	ssyncadd.s32 $0xFFFFE000  }
0x28: {  	v10 =	vld [tilespmem:$0x4100]  }
0x29: {  	v11 =	vld [tilespmem:$0x4110]  }
0x2a: {  	v2 =	vld [tilespmem:$0x4120]  }
0x2b: {  	v1 =	vld [tilespmem:$0x4130]  }
0x2c: {  	v12 =	vld [tilespmem:$0x4140]  }
0x2d: {  	v13 =	vld [tilespmem:$0x4150]  }
0x2e: {  	v6 =	vld [tilespmem:$0x4160]  }
0x2f: {  	v0 =	vld [tilespmem:$0x4170]  }
0x30: {  	v16 =	vld [tilespmem:$0x4180]  }
0x31: {  	v17 =	vld [tilespmem:$0x4190]  }
0x32: {  	v14 =	vld [tilespmem:$0x41A0]  }
0x33: {  	v4 =	vld [tilespmem:$0x41B0]  }
0x34: {  	v19 =	vld [tilespmem:$0x41C0]  }
0x35: {  	v21 =	vld [tilespmem:$0x41D0]  }
0x36: {  	v15 =	vld [tilespmem:$0x41E0]  }
0x37: {  	v7 =	vld [tilespmem:$0x41F0]  }
0x38: {  	v23 =	vld [tilespmem:$0x4200]  }
0x39: {  	v25 =	vld [tilespmem:$0x4210]  }
0x3a: {  	v22 =	vld [tilespmem:$0x4220]  }
0x3b: {  	v3 =	vld [tilespmem:$0x4230]  }
0x3c: {  	v26 =	vld [tilespmem:$0x4240]  }
0x3d: {  	v27 =	vld [tilespmem:$0x4250]  }
0x3e: {  	v24 =	vld [tilespmem:$0x4260]  }
0x3f: {  	v5 =	vld [tilespmem:$0x4270]  }
0x40: {  	v29 =	vld [tilespmem:$0x4280]  }
0x41: {  	v31 =	vld [tilespmem:$0x4290]  }
0x42: {  	v20 =	vld [tilespmem:$0x42A0]  }
0x43: {  	v9 =	vld [tilespmem:$0x42B0]  }
0x44: {  	s12 =	simm.s32 $0x0;
	v32 =	vld [tilespmem:$0x42C0]  }
0x45: {  	v36 =	vld [tilespmem:s12+$0x3A80]  }
0x46: {  	v34 =	vld [tilespmem:$0x4300]  }
0x47: {  	v33 =	vld [tilespmem:$0x42D0]  }
0x48: {  	v28 =	vld [tilespmem:$0x42E0]  }
0x49: {  	v8 =	vld [tilespmem:$0x42F0]  }
0x4a: {  	v35 =	vld [tilespmem:$0x4310];
	v37 =	vadd.f32 v36, v10  }
0x4b: {  	s19 =	simm.s32 $0xB0F0;
	v30 =	vld [tilespmem:$0x4320];
	v38 =	vadd.f32 v36, v34  }
0x4c: {  	v18 =	vld [tilespmem:$0x4330];
	v39 =	vadd.f32 v36, v16;
	[tilespmem:s19+$0xFFFFFEE0] =	vst v37  }
0x4d: {  	v51 =	vadd.f32 v36, v12;
	[tilespmem:s19+$0xE0] =	vst v38  }
0x4e: {  	v52 =	vadd.f32 v36, v29;
	[tilespmem:s19+$0xFFFFFF60] =	vst v39  }
0x4f: {  	v53 =	vadd.f32 v36, v32;
	[tilespmem:s19+$0xFFFFFF20] =	vst v51  }
0x50: {  	v54 =	vadd.f32 v36, v19;
	[tilespmem:s19+$0x60] =	vst v52  }
0x51: {  	v55 =	vadd.f32 v36, v26;
	[tilespmem:s19+$0xA0] =	vst v53  }
0x52: {  	v36 =	vadd.f32 v36, v23;
	[tilespmem:s19+$0xFFFFFFA0] =	vst v54  }
0x53: {  	[tilespmem:s19+$0x20] =	vst v55  }
0x54: {  	[tilespmem:s19+$0xFFFFFFE0] =	vst v36  }
0x55: {  	v36 =	vld [tilespmem:s12+$0x3A90];
	_ =	sdelay $0x4  }
0x56: {  	v56 =	vadd.f32 v36, v11  }
0x57: {  	v57 =	vadd.f32 v36, v31  }
0x58: {  	v58 =	vadd.f32 v36, v17;
	[tilespmem:s19+$0xFFFFFEF0] =	vst v56  }
0x59: {  	v59 =	vadd.f32 v36, v27;
	[tilespmem:s19+$0x70] =	vst v57  }
0x5a: {  	v60 =	vadd.f32 v36, v33;
	[tilespmem:s19+$0xFFFFFF70] =	vst v58  }
0x5b: {  	v61 =	vadd.f32 v36, v25;
	[tilespmem:s19+$0x30] =	vst v59  }
0x5c: {  	v62 =	vadd.f32 v36, v13;
	[tilespmem:s19+$0xB0] =	vst v60  }
0x5d: {  	v63 =	vadd.f32 v36, v21;
	[tilespmem:s19+$0xFFFFFFF0] =	vst v61  }
0x5e: {  	[tilespmem:s19+$0xFFFFFF30] =	vst v62  }
0x5f: {  	s21 =	simm.s32 $0xB0F0;
	s20 =	simm.s32 $0x100;
	v36 =	vadd.f32 v36, v35;
	[tilespmem:s19+$0xFFFFFFB0] =	vst v63  }
.LBB2_2:
0x60: {  	p0 =	sne.s32 s20, $0xC00  }
0x61: {  	[tilespmem:s19+$0xF0] =	vst v36;
	s21 =	sadd.s32 $0x240, s21;
	s16 =	smov.u32 s20;
	s20 =	sadd.s32 $0x100, s20  }
0x62: {  	v36 =	vld [tilespmem:s12+$0x3AA0];
	_ =	sdelay $0x4  }
0x63: {  	v37 =	vadd.f32 v36, v14;
	v38 =	vadd.f32 v36, v22  }
0x64: {  	v39 =	vadd.f32 v36, v2;
	v40 =	vadd.f32 v36, v24  }
0x65: {  	v41 =	vadd.f32 v36, v6;
	[tilespmem:s19+$0xFFFFFF80] =	vst v37;
	v37 =	vadd.f32 v36, v15  }
0x66: {  	v42 =	vadd.f32 v36, v28;
	[tilespmem:s19+$0x0] =	vst v38;
	v38 =	vadd.f32 v36, v20  }
0x67: {  	v36 =	vadd.f32 v36, v30;
	[tilespmem:s19+$0x40] =	vst v40  }
0x68: {  	[tilespmem:s19+$0xFFFFFFC0] =	vst v37  }
0x69: {  	[tilespmem:s19+$0xC0] =	vst v42  }
0x6a: {  	[tilespmem:s19+$0x100] =	vst v36  }
0x6b: {  	[tilespmem:s19+$0x80] =	vst v38  }
0x6c: {  	[tilespmem:s19+$0xFFFFFF40] =	vst v41  }
0x6d: {  	[tilespmem:s19+$0xFFFFFF00] =	vst v39  }
0x6e: {  	v36 =	vld [tilespmem:s12+$0x3AB0];
	_ =	sdelay $0x4  }
0x6f: {  	v37 =	vadd.f32 v36, v1;
	v38 =	vadd.f32 v36, v0  }
0x70: {  	v39 =	vadd.f32 v36, v4;
	v40 =	vadd.f32 v36, v7  }
0x71: {  	v41 =	vadd.f32 v36, v5;
	[tilespmem:s19+$0xFFFFFF10] =	vst v37;
	v37 =	vadd.f32 v36, v3  }
0x72: {  	v42 =	vadd.f32 v36, v8;
	[tilespmem:s19+$0xFFFFFF90] =	vst v39;
	v39 =	vadd.f32 v36, v9  }
0x73: {  	v36 =	vadd.f32 v36, v18;
	[tilespmem:s19+$0xFFFFFFD0] =	vst v40  }
0x74: {  	[tilespmem:s19+$0x90] =	vst v39  }
0x75: {  	[tilespmem:s19+$0x110] =	vst v36  }
0x76: {  	[tilespmem:s19+$0xFFFFFF50] =	vst v38  }
0x77: {  	[tilespmem:s19+$0x10] =	vst v37  }
0x78: {  	[tilespmem:s19+$0x50] =	vst v41  }
0x79: {  	s12 =	sshra.s32 s16, $0x2;
	[tilespmem:s19+$0xD0] =	vst v42;
	s19 =	smov.u32 s21  }
0x7a: {  	v36 =	vld [tilespmem:s12+$0x3A80];
	_ =	sdelay $0x4  }
0x7b: {  	v37 =	vadd.f32 v36, v10;
	v38 =	vadd.f32 v36, v34  }
0x7c: {  	v39 =	vadd.f32 v36, v16;
	v40 =	vadd.f32 v36, v29  }
0x7d: {  	v41 =	vadd.f32 v36, v19;
	[tilespmem:s21+$0xFFFFFEE0] =	vst v37;
	v37 =	vadd.f32 v36, v12  }
0x7e: {  	v42 =	vadd.f32 v36, v23;
	v43 =	vadd.f32 v36, v26;
	[tilespmem:s21+$0xE0] =	vst v38  }
0x7f: {  	v36 =	vadd.f32 v36, v32;
	[tilespmem:s21+$0xFFFFFF60] =	vst v39  }
0x80: {  	[tilespmem:s21+$0xFFFFFF20] =	vst v37  }
0x81: {  	[tilespmem:s21+$0x60] =	vst v40  }
0x82: {  	[tilespmem:s21+$0xA0] =	vst v36  }
0x83: {  	[tilespmem:s21+$0xFFFFFFA0] =	vst v41  }
0x84: {  	[tilespmem:s21+$0x20] =	vst v43  }
0x85: {  	[tilespmem:s21+$0xFFFFFFE0] =	vst v42  }
0x86: {  	v36 =	vld [tilespmem:s12+$0x3A90];
	_ =	sdelay $0x4  }
0x87: {  	v37 =	vadd.f32 v36, v11;
	v38 =	vadd.f32 v36, v31  }
0x88: {  	v39 =	vadd.f32 v36, v17;
	v40 =	vadd.f32 v36, v25  }
0x89: {  	v41 =	vadd.f32 v36, v27;
	[tilespmem:s21+$0xFFFFFEF0] =	vst v37;
	v37 =	vadd.f32 v36, v21  }
0x8a: {  	v42 =	vadd.f32 v36, v13;
	[tilespmem:s21+$0x70] =	vst v38;
	v38 =	vadd.f32 v36, v33  }
0x8b: {  	v36 =	vadd.f32 v36, v35;
	[tilespmem:s21+$0xFFFFFF70] =	vst v39  }
.Ltmp0:
0x8c: {  	[tilespmem:s21+$0x30] =	vst v41;
	(pc) =	sbr.rel @p0 .LBB2_2-.Ltmp0, $4  }
0x8d: {  	[tilespmem:s21+$0xB0] =	vst v38  }
0x8e: {  	[tilespmem:s21+$0xFFFFFFF0] =	vst v40  }
0x8f: {  	[tilespmem:s21+$0xFFFFFF30] =	vst v42  }
0x90: {  	[tilespmem:s21+$0xFFFFFFB0] =	vst v37  }
0x91: {  	[tilespmem:s19+$0xF0] =	vst v36  }
0x92: {  	v36 =	vld [tilespmem:s12+$0x3AA0];
	_ =	sdelay $0x4  }
0x93: {  	v37 =	vadd.f32 v36, v14  }
0x94: {  	v38 =	vadd.f32 v36, v22  }
0x95: {  	v39 =	vadd.f32 v36, v24;
	[tilespmem:s19+$0xFFFFFF80] =	vst v37  }
0x96: {  	v56 =	vadd.f32 v36, v15;
	[tilespmem:s19+$0x0] =	vst v38  }
0x97: {  	v57 =	vadd.f32 v36, v28;
	[tilespmem:s19+$0x40] =	vst v39  }
0x98: {  	v58 =	vadd.f32 v36, v30;
	[tilespmem:s19+$0xFFFFFFC0] =	vst v56  }
0x99: {  	v59 =	vadd.f32 v36, v20;
	[tilespmem:s19+$0xC0] =	vst v57  }
0x9a: {  	v60 =	vadd.f32 v36, v6;
	[tilespmem:s19+$0x100] =	vst v58  }
0x9b: {  	v36 =	vadd.f32 v36, v2;
	[tilespmem:s19+$0x80] =	vst v59  }
0x9c: {  	[tilespmem:s19+$0xFFFFFF40] =	vst v60  }
0x9d: {  	[tilespmem:s19+$0xFFFFFF00] =	vst v36  }
0x9e: {  	v36 =	vld [tilespmem:s12+$0x3AB0];
	_ =	sdelay $0x4  }
0x9f: {  	v61 =	vadd.f32 v36, v1  }
0xa0: {  	v62 =	vadd.f32 v36, v4  }
0xa1: {  	v63 =	vadd.f32 v36, v7;
	[tilespmem:s19+$0xFFFFFF10] =	vst v61  }
0xa2: {  	v42 =	vadd.f32 v36, v9;
	[tilespmem:s19+$0xFFFFFF90] =	vst v62  }
0xa3: {  	v43 =	vadd.f32 v36, v18;
	[tilespmem:s19+$0xFFFFFFD0] =	vst v63  }
0xa4: {  	v44 =	vadd.f32 v36, v0;
	[tilespmem:s19+$0x90] =	vst v42  }
0xa5: {  	v45 =	vadd.f32 v36, v3;
	[tilespmem:s19+$0x110] =	vst v43  }
0xa6: {  	v46 =	vadd.f32 v36, v5;
	[tilespmem:s19+$0xFFFFFF50] =	vst v44  }
0xa7: {  	v36 =	vadd.f32 v36, v8;
	[tilespmem:s19+$0x10] =	vst v45  }
0xa8: {  	[tilespmem:s19+$0x50] =	vst v46  }
0xa9: {  	s23 =	rddreg [dreg:$0x6];
	s16 =	simm.s32 $0xAFD0;
	s26 =	simm.s32 $0x8;
	[tilespmem:s19+$0xD0] =	vst v36  }
0xaa: {  	[spmem:s23] =	stream.linear.scatter [tilespmem:s16], [sflag:$0x8], $0x1D40, $0x38;
	[tilespmem:$0x1DBD0] =	vst v63  }
0xab: {  	_ =	swait.ge [sflag:s26], $0x1D40  }
0xac: {  	[sflag:s26] =	ssyncset.done $0x0  }
0xad: {  	s12 =	simm.s32 $0x0;
	[sflag:s26] =	ssyncadd.s32 $0xFFFFE2C0  }
0xae: {  	v47 =	vld [tilespmem:s12+$0x3DC0];
	_ =	sdelay $0x4  }
0xaf: {  	v48 =	vadd.f32 v47, v10  }
0xb0: {  	s19 =	simm.s32 $0xB0F0;
	v49 =	vadd.f32 v47, v34  }
0xb1: {  	v50 =	vadd.f32 v47, v16;
	[tilespmem:s19+$0xFFFFFEE0] =	vst v48  }
0xb2: {  	v51 =	vadd.f32 v47, v12;
	[tilespmem:s19+$0xE0] =	vst v49  }
0xb3: {  	v52 =	vadd.f32 v47, v29;
	[tilespmem:s19+$0xFFFFFF60] =	vst v50  }
0xb4: {  	v53 =	vadd.f32 v47, v32;
	[tilespmem:s19+$0xFFFFFF20] =	vst v51  }
0xb5: {  	v54 =	vadd.f32 v47, v19;
	[tilespmem:s19+$0x60] =	vst v52  }
0xb6: {  	v55 =	vadd.f32 v47, v26;
	[tilespmem:s19+$0xA0] =	vst v53  }
0xb7: {  	v36 =	vadd.f32 v47, v23;
	[tilespmem:s19+$0xFFFFFFA0] =	vst v54  }
0xb8: {  	[tilespmem:s19+$0x20] =	vst v55  }
0xb9: {  	[tilespmem:s19+$0xFFFFFFE0] =	vst v36  }
0xba: {  	v36 =	vld [tilespmem:s12+$0x3DD0];
	_ =	sdelay $0x4  }
0xbb: {  	v56 =	vadd.f32 v36, v11  }
0xbc: {  	v57 =	vadd.f32 v36, v31  }
0xbd: {  	v58 =	vadd.f32 v36, v17;
	[tilespmem:s19+$0xFFFFFEF0] =	vst v56  }
0xbe: {  	v59 =	vadd.f32 v36, v27;
	[tilespmem:s19+$0x70] =	vst v57  }
0xbf: {  	v60 =	vadd.f32 v36, v33;
	[tilespmem:s19+$0xFFFFFF70] =	vst v58  }
0xc0: {  	v61 =	vadd.f32 v36, v25;
	[tilespmem:s19+$0x30] =	vst v59  }
0xc1: {  	v62 =	vadd.f32 v36, v13;
	[tilespmem:s19+$0xB0] =	vst v60  }
0xc2: {  	v63 =	vadd.f32 v36, v21;
	[tilespmem:s19+$0xFFFFFFF0] =	vst v61  }
0xc3: {  	[tilespmem:s19+$0xFFFFFF30] =	vst v62  }
0xc4: {  	s20 =	simm.s32 $0x100;
	s21 =	simm.s32 $0xB0F0;
	v36 =	vadd.f32 v36, v35;
	[tilespmem:s19+$0xFFFFFFB0] =	vst v63  }
.LBB2_4:
0xc5: {  	p0 =	sne.s32 s20, $0xC00  }
0xc6: {  	[tilespmem:s19+$0xF0] =	vst v36;
	s21 =	sadd.s32 $0x240, s21;
	s16 =	smov.u32 s20;
	s20 =	sadd.s32 $0x100, s20  }
0xc7: {  	v36 =	vld [tilespmem:s12+$0x3DE0];
	_ =	sdelay $0x4  }
0xc8: {  	v37 =	vadd.f32 v36, v14;
	v38 =	vadd.f32 v36, v22  }
0xc9: {  	v39 =	vadd.f32 v36, v2;
	v40 =	vadd.f32 v36, v24  }
0xca: {  	v41 =	vadd.f32 v36, v6;
	[tilespmem:s19+$0xFFFFFF80] =	vst v37;
	v37 =	vadd.f32 v36, v15  }
0xcb: {  	v42 =	vadd.f32 v36, v28;
	[tilespmem:s19+$0x0] =	vst v38;
	v38 =	vadd.f32 v36, v20  }
0xcc: {  	v36 =	vadd.f32 v36, v30;
	[tilespmem:s19+$0x40] =	vst v40  }
0xcd: {  	[tilespmem:s19+$0xFFFFFFC0] =	vst v37  }
0xce: {  	[tilespmem:s19+$0xC0] =	vst v42  }
0xcf: {  	[tilespmem:s19+$0x100] =	vst v36  }
0xd0: {  	[tilespmem:s19+$0x80] =	vst v38  }
0xd1: {  	[tilespmem:s19+$0xFFFFFF40] =	vst v41  }
0xd2: {  	[tilespmem:s19+$0xFFFFFF00] =	vst v39  }
0xd3: {  	v36 =	vld [tilespmem:s12+$0x3DF0];
	_ =	sdelay $0x4  }
0xd4: {  	v37 =	vadd.f32 v36, v1;
	v38 =	vadd.f32 v36, v0  }
0xd5: {  	v39 =	vadd.f32 v36, v4;
	v40 =	vadd.f32 v36, v7  }
0xd6: {  	v41 =	vadd.f32 v36, v5;
	[tilespmem:s19+$0xFFFFFF10] =	vst v37;
	v37 =	vadd.f32 v36, v3  }
0xd7: {  	v42 =	vadd.f32 v36, v8;
	[tilespmem:s19+$0xFFFFFF90] =	vst v39;
	v39 =	vadd.f32 v36, v9  }
0xd8: {  	v36 =	vadd.f32 v36, v18;
	[tilespmem:s19+$0xFFFFFFD0] =	vst v40  }
0xd9: {  	[tilespmem:s19+$0x90] =	vst v39  }
0xda: {  	[tilespmem:s19+$0x110] =	vst v36  }
0xdb: {  	[tilespmem:s19+$0xFFFFFF50] =	vst v38  }
0xdc: {  	[tilespmem:s19+$0x10] =	vst v37  }
0xdd: {  	[tilespmem:s19+$0x50] =	vst v41  }
0xde: {  	s12 =	sshra.s32 s16, $0x2;
	[tilespmem:s19+$0xD0] =	vst v42;
	s19 =	smov.u32 s21  }
0xdf: {  	v36 =	vld [tilespmem:s12+$0x3DC0];
	_ =	sdelay $0x4  }
0xe0: {  	v37 =	vadd.f32 v36, v10;
	v38 =	vadd.f32 v36, v34  }
0xe1: {  	v39 =	vadd.f32 v36, v16;
	v40 =	vadd.f32 v36, v29  }
0xe2: {  	v41 =	vadd.f32 v36, v19;
	[tilespmem:s21+$0xFFFFFEE0] =	vst v37;
	v37 =	vadd.f32 v36, v12  }
0xe3: {  	v42 =	vadd.f32 v36, v23;
	v43 =	vadd.f32 v36, v26;
	[tilespmem:s21+$0xE0] =	vst v38  }
0xe4: {  	v36 =	vadd.f32 v36, v32;
	[tilespmem:s21+$0xFFFFFF60] =	vst v39  }
0xe5: {  	[tilespmem:s21+$0xFFFFFF20] =	vst v37  }
0xe6: {  	[tilespmem:s21+$0x60] =	vst v40  }
0xe7: {  	[tilespmem:s21+$0xA0] =	vst v36  }
0xe8: {  	[tilespmem:s21+$0xFFFFFFA0] =	vst v41  }
0xe9: {  	[tilespmem:s21+$0x20] =	vst v43  }
0xea: {  	[tilespmem:s21+$0xFFFFFFE0] =	vst v42  }
0xeb: {  	v36 =	vld [tilespmem:s12+$0x3DD0];
	_ =	sdelay $0x4  }
0xec: {  	v37 =	vadd.f32 v36, v11;
	v38 =	vadd.f32 v36, v31  }
0xed: {  	v39 =	vadd.f32 v36, v17;
	v40 =	vadd.f32 v36, v25  }
0xee: {  	v41 =	vadd.f32 v36, v27;
	[tilespmem:s21+$0xFFFFFEF0] =	vst v37;
	v37 =	vadd.f32 v36, v21  }
0xef: {  	v42 =	vadd.f32 v36, v13;
	[tilespmem:s21+$0x70] =	vst v38;
	v38 =	vadd.f32 v36, v33  }
0xf0: {  	v36 =	vadd.f32 v36, v35;
	[tilespmem:s21+$0xFFFFFF70] =	vst v39  }
.Ltmp1:
0xf1: {  	[tilespmem:s21+$0x30] =	vst v41;
	(pc) =	sbr.rel @p0 .LBB2_4-.Ltmp1, $4  }
0xf2: {  	[tilespmem:s21+$0xB0] =	vst v38  }
0xf3: {  	[tilespmem:s21+$0xFFFFFFF0] =	vst v40  }
0xf4: {  	[tilespmem:s21+$0xFFFFFF30] =	vst v42  }
0xf5: {  	[tilespmem:s21+$0xFFFFFFB0] =	vst v37  }
0xf6: {  	[tilespmem:s19+$0xF0] =	vst v36  }
0xf7: {  	v10 =	vld [tilespmem:s12+$0x3DE0];
	_ =	sdelay $0x4  }
0xf8: {  	v11 =	vadd.f32 v10, v14  }
0xf9: {  	v12 =	vadd.f32 v10, v22  }
0xfa: {  	v13 =	vadd.f32 v10, v24;
	[tilespmem:s19+$0xFFFFFF80] =	vst v11  }
0xfb: {  	v51 =	vadd.f32 v10, v15;
	[tilespmem:s19+$0x0] =	vst v12  }
0xfc: {  	v52 =	vadd.f32 v10, v28;
	[tilespmem:s19+$0x40] =	vst v13  }
0xfd: {  	v53 =	vadd.f32 v10, v30;
	[tilespmem:s19+$0xFFFFFFC0] =	vst v51  }
0xfe: {  	v54 =	vadd.f32 v10, v20;
	[tilespmem:s19+$0xC0] =	vst v52  }
0xff: {  	v6 =	vadd.f32 v10, v6;
	[tilespmem:s19+$0x100] =	vst v53  }
0x100: {  	v2 =	vadd.f32 v10, v2;
	[tilespmem:s19+$0x80] =	vst v54  }
0x101: {  	[tilespmem:s19+$0xFFFFFF40] =	vst v6  }
0x102: {  	[tilespmem:s19+$0xFFFFFF00] =	vst v2  }
0x103: {  	v2 =	vld [tilespmem:s12+$0x3DF0];
	_ =	sdelay $0x4  }
0x104: {  	v1 =	vadd.f32 v2, v1  }
0x105: {  	v4 =	vadd.f32 v2, v4  }
0x106: {  	v55 =	vadd.f32 v2, v7;
	[tilespmem:s19+$0xFFFFFF10] =	vst v1  }
0x107: {  	v56 =	vadd.f32 v2, v9;
	[tilespmem:s19+$0xFFFFFF90] =	vst v4  }
0x108: {  	v57 =	vadd.f32 v2, v18;
	[tilespmem:s19+$0xFFFFFFD0] =	vst v55  }
0x109: {  	v0 =	vadd.f32 v2, v0;
	[tilespmem:s19+$0x90] =	vst v56  }
0x10a: {  	v58 =	vadd.f32 v2, v3;
	[tilespmem:s19+$0x110] =	vst v57  }
0x10b: {  	v59 =	vadd.f32 v2, v5;
	[tilespmem:s19+$0xFFFFFF50] =	vst v0  }
0x10c: {  	v60 =	vadd.f32 v2, v8;
	[tilespmem:s19+$0x10] =	vst v58  }
0x10d: {  	[tilespmem:s19+$0x50] =	vst v59  }
0x10e: {  	s21 =	rddreg [dreg:$0x8];
	s18 =	simm.s32 $0xAFD0;
	s16 =	simm.s32 $0x8;
	[tilespmem:s19+$0xD0] =	vst v60  }
0x10f: {  	[spmem:s21] =	stream.linear.scatter [tilespmem:s18], [sflag:$0x8], $0x1D40, $0x38;
	[tilespmem:$0x1DBD0] =	vst v63  }
0x110: {  	_ =	swait.ge [sflag:s16], $0x1D40  }
0x111: {  	[sflag:s16] =	ssyncset.done $0x0  }
0x112: {  	[sflag:s16] =	ssyncadd.s32 $0xFFFFE2C0  }
0x113: {  	[bflag:$0x0] =	sbarrier.arrive $0xFFFF  }
0x114: {  	s20 =	simm.s32 $0x6340;
	s19 =	simm.s32 $0x0;
	s23 =	rddreg [dreg:$0x9]  }
0x115: {  	[tilespmem:s20], [sflag:$0x8] =	stream.linear.gather [hbm4b:s23+s19], $0xC80, $0x38;
	[tilespmem:$0x1DBD0] =	vst v63  }
0x116: {  	_ =	swait.ge [sflag:s16], $0xC80  }
0x117: {  	[sflag:s16] =	ssyncset.done $0x0  }
0x118: {  	s21 =	simm.s32 $0x7C40;
	s26 =	rddreg [dreg:$0xa];
	[sflag:s16] =	ssyncadd.s32 $0xFFFFF380  }
0x119: {  	[tilespmem:s21], [sflag:$0x8] =	stream.linear.gather [hbm4b:s26+s19], $0xC80, $0x38;
	[tilespmem:$0x1DBD0] =	vst v63  }
0x11a: {  	_ =	swait.ge [sflag:s16], $0xC80  }
0x11b: {  	[sflag:s16] =	ssyncset.done $0x0  }
0x11c: {  	s26 =	simm.s32 $0x9540;
	s23 =	rddreg [dreg:$0xb];
	[sflag:s16] =	ssyncadd.s32 $0xFFFFF380  }
0x11d: {  	[tilespmem:s26], [sflag:$0x8] =	stream.linear.gather [hbm4b:s23+s19], $0xC80, $0x38;
	[tilespmem:$0x1DBD0] =	vst v63  }
0x11e: {  	_ =	swait.ge [sflag:s16], $0xC80  }
0x11f: {  	[sflag:s16] =	ssyncset.done $0x0  }
0x120: {  	s26 =	simm.s32 $0x6FC0;
	s23 =	rddreg [dreg:$0xc];
	[sflag:s16] =	ssyncadd.s32 $0xFFFFF380  }
0x121: {  	[tilespmem:s26], [sflag:$0x7] =	stream.linear.gather [hbm4b:s23+s19], $0xC80, $0x38;
	[tilespmem:$0x1DBD0] =	vst v63  }
0x122: {  	s21 =	simm.s32 $0x88C0;
	s16 =	rddreg [dreg:$0xd]  }
0x123: {  	[tilespmem:s21], [sflag:$0x7] =	stream.linear.gather [hbm4b:s16+s19], $0xC80, $0x38;
	[tilespmem:$0x1DBD0] =	vst v63  }
0x124: {  	s23 =	rddreg [dreg:$0xe];
	s26 =	simm.s32 $0xA1C0  }
0x125: {  	[tilespmem:s26], [sflag:$0x7] =	stream.linear.gather [hbm4b:s23+s19], $0xC80, $0x38;
	[tilespmem:$0x1DBD0] =	vst v63  }
0x126: {  	v61 =	vld [tilespmem:$0x7C40]  }
0x127: {  	v62 =	vld [tilespmem:$0x9540]  }
0x128: {  	v63 =	vld [tilespmem:$0x7C50]  }
0x129: {  	v20 =	vld [tilespmem:$0x9550]  }
0x12a: {  	v21 =	vld [tilespmem:$0x7C60]  }
0x12b: {  	v22 =	vld [tilespmem:$0x9560]  }
0x12c: {  	v23 =	vld [tilespmem:$0x7C70]  }
0x12d: {  	v24 =	vld [tilespmem:$0x9570]  }
0x12e: {  	v25 =	vld [tilespmem:$0x7C80]  }
0x12f: {  	v26 =	vld [tilespmem:$0x9580]  }
0x130: {  	v27 =	vld [tilespmem:$0x7C90]  }
0x131: {  	v28 =	vld [tilespmem:$0x9590]  }
0x132: {  	v29 =	vld [tilespmem:$0x7CA0]  }
0x133: {  	v30 =	vld [tilespmem:$0x95A0]  }
0x134: {  	v31 =	vld [tilespmem:$0x7CB0]  }
0x135: {  	v32 =	vld [tilespmem:$0x95B0]  }
0x136: {  	v16 =	vld [tilespmem:$0x7CC0];
	v0 =	vmul.u32 $0x9, v61  }
0x137: {  	v17 =	vld [tilespmem:$0x95C0];
	v2 =	vmul.u32 $0x9, v63  }
0x138: {  	v34 =	vld [tilespmem:$0x7CD0];
	v33 =	vmul.u32 $0x9, v21;
	v0 =	vadd.s32 v62, v0  }
0x139: {  	v37 =	vld [tilespmem:$0x95D0];
	v36 =	vmul.u32 $0x9, v23;
	v35 =	vadd.s32 v20, v2;
	[tilespmem:$0xAE40] =	vst v0  }
0x13a: {  	v40 =	vld [tilespmem:$0x7CE0];
	v39 =	vmul.u32 $0x9, v25;
	v38 =	vadd.s32 v22, v33;
	[tilespmem:$0xAE50] =	vst v35  }
0x13b: {  	v43 =	vld [tilespmem:$0x95E0];
	v42 =	vmul.u32 $0x9, v27;
	v41 =	vadd.s32 v24, v36;
	[tilespmem:$0xAE60] =	vst v38  }
0x13c: {  	v46 =	vld [tilespmem:$0x7CF0];
	v45 =	vmul.u32 $0x9, v29;
	v44 =	vadd.s32 v26, v39;
	[tilespmem:$0xAE70] =	vst v41  }
0x13d: {  	v49 =	vld [tilespmem:$0x7CF8];
	v48 =	vmul.u32 $0x9, v31;
	v47 =	vadd.s32 v28, v42;
	[tilespmem:$0xAE80] =	vst v44  }
0x13e: {  	v52 =	vld [tilespmem:$0x95F0];
	v51 =	vmul.u32 $0x9, v16;
	v50 =	vadd.s32 v30, v45;
	[tilespmem:$0xAE90] =	vst v47  }
0x13f: {  	v55 =	vld [tilespmem:$0x95F8];
	v54 =	vmul.u32 $0x9, v34;
	v53 =	vadd.s32 v32, v48;
	[tilespmem:$0xAEA0] =	vst v50  }
0x140: {  	v57 =	vmul.u32 $0x9, v40;
	v56 =	vadd.s32 v17, v51;
	[tilespmem:$0xAEB0] =	vst v53  }
0x141: {  	v59 =	vmul.u32 $0x9, v46;
	v58 =	vadd.s32 v37, v54;
	[tilespmem:$0xAEC0] =	vst v56  }
0x142: {  	v61 =	vmul.u32 $0x9, v49;
	v60 =	vadd.s32 v43, v57;
	[tilespmem:$0xAED0] =	vst v58  }
0x143: {  	v62 =	vadd.s32 v52, v59;
	[tilespmem:$0xAEE0] =	vst v60  }
0x144: {  	v63 =	vadd.s32 v55, v61;
	[tilespmem:$0xAEF0] =	vst v62  }
0x145: {  	[tilespmem:$0xAEF8] =	vst v63  }
0x146: {  	[tilespmem:s18], [sflag:$0x1] =	stream.indirect.gather [hbm4b:s9+s22], $0x40, s20, s22, $0xb8;
	[tilespmem:$0x1DBD0] =	vst v63  }
0x147: {  	s16 =	simm.s32 $0x63A8;
	s18 =	simm.s32 $0xC9D0  }
0x148: {  	[tilespmem:s18], [sflag:$0x1] =	stream.indirect.gather [hbm4b:s9+s24], $0x40, s16, s24, $0xb8;
	[tilespmem:$0x1DBD0] =	vst v63  }
0x149: {  	s21 =	simm.s32 $0x113D0;
	s20 =	simm.s32 $0xAE40  }
0x14a: {  	[tilespmem:s21], [sflag:$0x3] =	stream.indirect.gather [spmem:s3], $0x40, s20, s22, $0xb8;
	[tilespmem:$0x1DBD0] =	vst v63  }
0x14b: {  	s23 =	simm.s32 $0xAEA8;
	s26 =	simm.s32 $0x12DD0  }
0x14c: {  	[tilespmem:s26], [sflag:$0x3] =	stream.indirect.gather [spmem:s3], $0x40, s23, s24, $0xb8;
	[tilespmem:$0x1DBD0] =	vst v63  }
.LBB2_6:
0x14d: {  	_ =	swait.ge [sflag:s25], $0x1A00  }
0x14e: {  	[sflag:s25] =	ssyncset.done $0x0  }
0x14f: {  	[sflag:s25] =	ssyncadd.s32 $0xFFFFE600  }
0x150: {  	_ =	swait.ge [sflag:s25], $0x1800  }
0x151: {  	[sflag:s25] =	ssyncset.done $0x0  }
0x152: {  	[sflag:s25] =	ssyncadd.s32 $0xFFFFE800  }
0x153: {  	_ =	swait.ge [sflag:s29], $0x1A00  }
0x154: {  	s20 =	sshllo.u32 s19, $0x1;
	[sflag:s29] =	ssyncset.done $0x0  }
0x155: {  	s16 =	sshll.u32 s19, $0x1C;
	s12 =	sand.u32 $0xF, s20;
	[sflag:s29] =	ssyncadd.s32 $0xFFFFE600  }
0x156: {  	s16 =	sshra.s32 s16, $0x1F;
	s12 =	smul.u32 $0xC8, s12;
	_ =	swait.ge [sflag:s29], $0x1800  }
0x157: {  	s16 =	sand.u32 $0xC80, s16;
	[sflag:s29] =	ssyncset.done $0x0  }
0x158: {  	s12 =	sadd.s32 s16, s12;
	[sflag:s29] =	ssyncadd.s32 $0xFFFFE800  }
0x159: {  	v0 =	vld [tilespmem:s12+$0x7C40];
	_ =	sdelay $0x1  }
0x15a: {  	v1 =	vld [tilespmem:s12+$0x9540];
	_ =	sdelay $0x2  }
0x15b: {  	v0 =	vmul.u32 $0x9, v0;
	_ =	sdelay $0x1  }
0x15c: {  	v0 =	vadd.s32 v1, v0  }
0x15d: {  	[tilespmem:$0xAF08] =	vst v0  }
0x15e: {  	v0 =	vld [tilespmem:s12+$0x7C50];
	_ =	sdelay $0x1  }
0x15f: {  	v1 =	vld [tilespmem:s12+$0x9550];
	_ =	sdelay $0x2  }
0x160: {  	v0 =	vmul.u32 $0x9, v0;
	_ =	sdelay $0x1  }
0x161: {  	v0 =	vadd.s32 v1, v0  }
0x162: {  	[tilespmem:$0xAF18] =	vst v0  }
0x163: {  	v0 =	vld [tilespmem:s12+$0x7C60];
	_ =	sdelay $0x1  }
0x164: {  	v1 =	vld [tilespmem:s12+$0x9560];
	_ =	sdelay $0x2  }
0x165: {  	v0 =	vmul.u32 $0x9, v0;
	_ =	sdelay $0x1  }
0x166: {  	v0 =	vadd.s32 v1, v0  }
0x167: {  	[tilespmem:$0xAF28] =	vst v0  }
0x168: {  	v0 =	vld [tilespmem:s12+$0x7C70];
	_ =	sdelay $0x1  }
0x169: {  	v1 =	vld [tilespmem:s12+$0x9570];
	_ =	sdelay $0x2  }
0x16a: {  	v0 =	vmul.u32 $0x9, v0;
	_ =	sdelay $0x1  }
0x16b: {  	v0 =	vadd.s32 v1, v0  }
0x16c: {  	[tilespmem:$0xAF38] =	vst v0  }
0x16d: {  	v0 =	vld [tilespmem:s12+$0x7C80];
	_ =	sdelay $0x1  }
0x16e: {  	v1 =	vld [tilespmem:s12+$0x9580];
	_ =	sdelay $0x2  }
0x16f: {  	v0 =	vmul.u32 $0x9, v0;
	_ =	sdelay $0x1  }
0x170: {  	v0 =	vadd.s32 v1, v0  }
0x171: {  	[tilespmem:$0xAF48] =	vst v0  }
0x172: {  	v0 =	vld [tilespmem:s12+$0x7C90];
	_ =	sdelay $0x1  }
0x173: {  	v1 =	vld [tilespmem:s12+$0x9590];
	_ =	sdelay $0x2  }
0x174: {  	v0 =	vmul.u32 $0x9, v0;
	_ =	sdelay $0x1  }
0x175: {  	v0 =	vadd.s32 v1, v0  }
0x176: {  	[tilespmem:$0xAF58] =	vst v0  }
0x177: {  	v0 =	vld [tilespmem:s12+$0x7CA0];
	_ =	sdelay $0x1  }
0x178: {  	v1 =	vld [tilespmem:s12+$0x95A0];
	_ =	sdelay $0x2  }
0x179: {  	v0 =	vmul.u32 $0x9, v0;
	_ =	sdelay $0x1  }
0x17a: {  	v0 =	vadd.s32 v1, v0  }
0x17b: {  	[tilespmem:$0xAF68] =	vst v0  }
0x17c: {  	v0 =	vld [tilespmem:s12+$0x7CB0];
	_ =	sdelay $0x1  }
0x17d: {  	v1 =	vld [tilespmem:s12+$0x95B0];
	_ =	sdelay $0x2  }
0x17e: {  	v0 =	vmul.u32 $0x9, v0;
	_ =	sdelay $0x1  }
0x17f: {  	v0 =	vadd.s32 v1, v0  }
0x180: {  	[tilespmem:$0xAF78] =	vst v0  }
0x181: {  	v0 =	vld [tilespmem:s12+$0x7CC0];
	_ =	sdelay $0x1  }
0x182: {  	v1 =	vld [tilespmem:s12+$0x95C0];
	_ =	sdelay $0x2  }
0x183: {  	v0 =	vmul.u32 $0x9, v0;
	_ =	sdelay $0x1  }
0x184: {  	v0 =	vadd.s32 v1, v0  }
0x185: {  	[tilespmem:$0xAF88] =	vst v0  }
0x186: {  	v0 =	vld [tilespmem:s12+$0x7CD0];
	_ =	sdelay $0x1  }
0x187: {  	v1 =	vld [tilespmem:s12+$0x95D0];
	_ =	sdelay $0x2  }
0x188: {  	v0 =	vmul.u32 $0x9, v0;
	_ =	sdelay $0x1  }
0x189: {  	v0 =	vadd.s32 v1, v0  }
0x18a: {  	[tilespmem:$0xAF98] =	vst v0  }
0x18b: {  	v0 =	vld [tilespmem:s12+$0x7CE0];
	_ =	sdelay $0x1  }
0x18c: {  	v1 =	vld [tilespmem:s12+$0x95E0];
	_ =	sdelay $0x2  }
0x18d: {  	v0 =	vmul.u32 $0x9, v0;
	_ =	sdelay $0x1  }
0x18e: {  	v0 =	vadd.s32 v1, v0  }
0x18f: {  	[tilespmem:$0xAFA8] =	vst v0  }
0x190: {  	v0 =	vld [tilespmem:s12+$0x7CF0];
	_ =	sdelay $0x1  }
0x191: {  	v1 =	vld [tilespmem:s12+$0x95F0];
	_ =	sdelay $0x2  }
0x192: {  	v0 =	vmul.u32 $0x9, v0;
	_ =	sdelay $0x1  }
0x193: {  	v0 =	vadd.s32 v1, v0  }
0x194: {  	[tilespmem:$0xAFB8] =	vst v0  }
0x195: {  	v0 =	vld [tilespmem:s12+$0x7CF8];
	_ =	sdelay $0x1  }
0x196: {  	v1 =	vld [tilespmem:s12+$0x95F8];
	_ =	sdelay $0x2  }
0x197: {  	v0 =	vmul.u32 $0x9, v0;
	_ =	sdelay $0x1  }
0x198: {  	v0 =	vadd.s32 v1, v0  }
0x199: {  	s16 =	sadd.s32 $0x6340, s12;
	[tilespmem:$0xAFC0] =	vst v0  }
0x19a: {  	[tilespmem:s30], [sflag:$0x2] =	stream.indirect.gather [hbm4b:s9+s22], $0x40, s16, s22, $0xb8;
	[tilespmem:$0x1DBD0] =	vst v63  }
0x19b: {  	s12 =	sadd.s32 $0x63A8, s12  }
0x19c: {  	[tilespmem:s31], [sflag:$0x2] =	stream.indirect.gather [hbm4b:s9+s24], $0x40, s12, s24, $0xb8;
	[tilespmem:$0x1DBD0] =	vst v63  }
0x19d: {  	p0 =	seq.s32 s19, $0x0  }
0x19e: {  	[tilespmem:s2], [sflag:$0x4] =	stream.indirect.gather [spmem:s3], $0x40, s0, s22, $0xb8;
	[tilespmem:$0x1DBD0] =	vst v63  }
0x19f: {  	s12 =	simm.s32 @!p0 $0x5  }
0x1a0: {  	[tilespmem:s28], [sflag:$0x4] =	stream.indirect.gather [spmem:s3], $0x40, s10, s24, $0xb8;
	[tilespmem:$0x1DBD0] =	vst v63  }
0x1a1: {  	_ =	swait.ge @!p0 [sflag:s12], $0x3200  }
0x1a2: {  	s23 =	sshll.u32 s19, $0x7;
	[sflag:s12] =	ssyncset.done @!p0 $0x0  }
0x1a3: {  	s26 =	sand.u32 $0x3FFFFF80, s23;
	[sflag:s12] =	ssyncadd.s32 @!p0 $0xFFFFCE00  }
0x1a4: {  	v2 =	vld [tilespmem:s26+$0x4340]  }
0x1a5: {  	v1 =	vld [tilespmem:s26+$0x4350]  }
0x1a6: {  	v0 =	vld [tilespmem:s26+$0x4360]  }
0x1a7: {  	s12 =	simm.s32 $0x0;
	v3 =	vld [tilespmem:s26+$0x4370]  }
0x1a8: {  	v4 =	vld [tilespmem:s12+$0xB0C0]  }
0x1a9: {  	v5 =	vld [tilespmem:s12+$0x114C0]  }
0x1aa: {  	v6 =	vld [tilespmem:s12+$0xAFD0]  }
0x1ab: {  	v7 =	vld [tilespmem:s12+$0x113D0]  }
0x1ac: {  	v8 =	vld [tilespmem:s12+$0xAFE0]  }
0x1ad: {  	v9 =	vld [tilespmem:s12+$0x113E0]  }
0x1ae: {  	v10 =	vld [tilespmem:s12+$0xAFF0]  }
0x1af: {  	v11 =	vld [tilespmem:s12+$0xB000];
	v4 =	vadd.f32 v5, v4  }
0x1b0: {  	v5 =	vld [tilespmem:s12+$0x113F0];
	v6 =	vadd.f32 v7, v6  }
0x1b1: {  	v12 =	vld [tilespmem:s12+$0xB010];
	v4 =	vadd.f32 v4, v3  }
0x1b2: {  	v7 =	vld [tilespmem:s12+$0x11400];
	v6 =	vadd.f32 v6, v2  }
0x1b3: {  	[tilespmem:s12+$0x178C0] =	vst v4;
	v4 =	vadd.f32 v9, v8;
	v8 =	vld [tilespmem:s12+$0x11410]  }
0x1b4: {  	[tilespmem:s12+$0x177D0] =	vst v6;
	v6 =	vld [tilespmem:s12+$0xB020]  }
0x1b5: {  	v9 =	vld [tilespmem:s12+$0x11420];
	v5 =	vadd.f32 v5, v10;
	v4 =	vadd.f32 v4, v1  }
0x1b6: {  	v10 =	vld [tilespmem:s12+$0x11430]  }
0x1b7: {  	v7 =	vadd.f32 v7, v11;
	[tilespmem:s12+$0x177E0] =	vst v4;
	v4 =	vadd.f32 v5, v0;
	v5 =	vld [tilespmem:s12+$0xB030]  }
0x1b8: {  	v11 =	vld [tilespmem:s12+$0x11440]  }
0x1b9: {  	v8 =	vadd.f32 v8, v12;
	[tilespmem:s12+$0x177F0] =	vst v4;
	v4 =	vadd.f32 v7, v3;
	v7 =	vld [tilespmem:s12+$0xB040]  }
0x1ba: {  	v6 =	vadd.f32 v9, v6;
	v9 =	vld [tilespmem:s12+$0x11450]  }
0x1bb: {  	[tilespmem:s12+$0x17800] =	vst v4;
	v4 =	vadd.f32 v8, v2;
	v8 =	vld [tilespmem:s12+$0xB050]  }
0x1bc: {  	v5 =	vadd.f32 v10, v5;
	v10 =	vld [tilespmem:s12+$0x11460]  }
0x1bd: {  	[tilespmem:s12+$0x17810] =	vst v4;
	v4 =	vadd.f32 v6, v1;
	v6 =	vld [tilespmem:s12+$0xB060]  }
0x1be: {  	v7 =	vadd.f32 v11, v7;
	v11 =	vld [tilespmem:s12+$0x11470]  }
0x1bf: {  	[tilespmem:s12+$0x17820] =	vst v4;
	v4 =	vadd.f32 v5, v0;
	v5 =	vld [tilespmem:s12+$0xB070]  }
0x1c0: {  	v63 =	vld [tilespmem:s12+$0xB080]  }
0x1c1: {  	[tilespmem:s12+$0x17830] =	vst v4;
	v4 =	vadd.f32 v7, v3;
	v7 =	vadd.f32 v9, v8;
	v8 =	vld [tilespmem:s12+$0x11480]  }
0x1c2: {  	v13 =	vld [tilespmem:s12+$0xB090]  }
0x1c3: {  	v6 =	vadd.f32 v10, v6;
	v10 =	vld [tilespmem:s12+$0x11490];
	[tilespmem:s12+$0x17840] =	vst v4;
	v4 =	vadd.f32 v7, v2  }
0x1c4: {  	v7 =	vld [tilespmem:s12+$0x114A0];
	v5 =	vadd.f32 v11, v5  }
0x1c5: {  	[tilespmem:s12+$0x17850] =	vst v4;
	v4 =	vadd.f32 v6, v1;
	v6 =	vld [tilespmem:s12+$0xB0A0]  }
0x1c6: {  	v9 =	vadd.f32 v5, v0;
	v11 =	vadd.f32 v8, v63;
	v8 =	vld [tilespmem:s12+$0x114B0]  }
0x1c7: {  	s26 =	simm.s32 $0x100;
	[tilespmem:s12+$0x17860] =	vst v4;
	v4 =	vld [tilespmem:s12+$0xB0B0]  }
0x1c8: {  	s21 =	sshll.u32 s19, $0x1;
	s16 =	simm.s32 $0x800;
	v10 =	vadd.f32 v10, v13;
	v5 =	vld [tilespmem:s26+$0xB0C0];
	[tilespmem:s12+$0x17870] =	vst v9;
	v9 =	vadd.f32 v11, v3  }
.LBB2_7:
0x1c9: {  	p0 =	sne.s32 s16, $0xC400;
	v11 =	vld [tilespmem:s26+$0x114C0]  }
0x1ca: {  	v12 =	vld [tilespmem:s26+$0xAFD0];
	[tilespmem:s12+$0x17880] =	vst v9;
	v9 =	vadd.f32 v10, v2;
	v6 =	vadd.f32 v7, v6  }
0x1cb: {  	v7 =	vld [tilespmem:s26+$0x113D0]  }
0x1cc: {  	v10 =	vld [tilespmem:s26+$0xAFE0];
	[tilespmem:s12+$0x17890] =	vst v9;
	v6 =	vadd.f32 v6, v1;
	v4 =	vadd.f32 v8, v4  }
0x1cd: {  	v8 =	vld [tilespmem:s26+$0x113E0]  }
0x1ce: {  	v9 =	vld [tilespmem:s26+$0xAFF0];
	v5 =	vadd.f32 v11, v5;
	[tilespmem:s12+$0x178A0] =	vst v6;
	v4 =	vadd.f32 v4, v0  }
0x1cf: {  	v6 =	vld [tilespmem:s26+$0x113F0]  }
0x1d0: {  	v7 =	vadd.f32 v7, v12;
	v11 =	vld [tilespmem:s26+$0xB000];
	v5 =	vadd.f32 v5, v3;
	[tilespmem:s12+$0x178B0] =	vst v4;
	s12 =	smov.u32 s26  }
0x1d1: {  	v4 =	vld [tilespmem:s12+$0x11400]  }
0x1d2: {  	v7 =	vadd.f32 v7, v2;
	v8 =	vadd.f32 v8, v10;
	v10 =	vld [tilespmem:s12+$0xB010];
	[tilespmem:s12+$0x178C0] =	vst v5  }
0x1d3: {  	v5 =	vld [tilespmem:s12+$0x11410]  }
0x1d4: {  	[tilespmem:s12+$0x177D0] =	vst v7;
	v7 =	vadd.f32 v8, v1;
	v6 =	vadd.f32 v6, v9;
	v8 =	vld [tilespmem:s12+$0xB020]  }
0x1d5: {  	v9 =	vld [tilespmem:s12+$0x11420]  }
0x1d6: {  	[tilespmem:s12+$0x177E0] =	vst v7;
	v6 =	vadd.f32 v6, v0;
	v4 =	vadd.f32 v4, v11;
	v7 =	vld [tilespmem:s12+$0xB030]  }
0x1d7: {  	v11 =	vld [tilespmem:s12+$0x11430]  }
0x1d8: {  	[tilespmem:s12+$0x177F0] =	vst v6;
	v4 =	vadd.f32 v4, v3;
	v5 =	vadd.f32 v5, v10;
	v6 =	vld [tilespmem:s12+$0xB040]  }
0x1d9: {  	v10 =	vld [tilespmem:s12+$0x11440]  }
0x1da: {  	[tilespmem:s12+$0x17800] =	vst v4;
	v4 =	vadd.f32 v5, v2;
	v5 =	vadd.f32 v9, v8;
	v8 =	vld [tilespmem:s12+$0xB050]  }
0x1db: {  	v9 =	vld [tilespmem:s12+$0x11450]  }
0x1dc: {  	[tilespmem:s12+$0x17810] =	vst v4;
	v4 =	vadd.f32 v5, v1;
	v5 =	vadd.f32 v11, v7;
	v7 =	vld [tilespmem:s12+$0xB060]  }
0x1dd: {  	v11 =	vld [tilespmem:s12+$0x11460]  }
0x1de: {  	[tilespmem:s12+$0x17820] =	vst v4;
	v4 =	vadd.f32 v5, v0;
	v5 =	vadd.f32 v10, v6;
	v6 =	vld [tilespmem:s12+$0xB070]  }
0x1df: {  	v10 =	vld [tilespmem:s12+$0x11470]  }
0x1e0: {  	[tilespmem:s12+$0x17830] =	vst v4;
	v4 =	vadd.f32 v5, v3;
	v5 =	vadd.f32 v9, v8;
	v8 =	vld [tilespmem:s12+$0xB080]  }
0x1e1: {  	v9 =	vld [tilespmem:s12+$0x11480]  }
0x1e2: {  	[tilespmem:s12+$0x17840] =	vst v4;
	v4 =	vadd.f32 v5, v2;
	v5 =	vadd.f32 v11, v7;
	v11 =	vld [tilespmem:s12+$0xB090]  }
0x1e3: {  	v12 =	vld [tilespmem:s12+$0x11490]  }
.Ltmp2:
0x1e4: {  	[tilespmem:s12+$0x17850] =	vst v4;
	v4 =	vadd.f32 v5, v1;
	v5 =	vadd.f32 v10, v6;
	v6 =	vld [tilespmem:s12+$0xB0A0];
	(pc) =	sbr.rel @p0 .LBB2_7-.Ltmp2, $4  }
0x1e5: {  	v7 =	vld [tilespmem:s12+$0x114A0]  }
0x1e6: {  	[tilespmem:s12+$0x17860] =	vst v4;
	v10 =	vadd.f32 v5, v0;
	v9 =	vadd.f32 v9, v8;
	v4 =	vld [tilespmem:s12+$0xB0B0]  }
0x1e7: {  	s26 =	sshra.s32 s16, $0x2;
	v8 =	vld [tilespmem:s12+$0x114B0]  }
0x1e8: {  	s16 =	sadd.s32 $0x400, s16;
	v5 =	vld [tilespmem:s26+$0xB0C0];
	[tilespmem:s12+$0x17870] =	vst v10;
	v9 =	vadd.f32 v9, v3;
	v10 =	vadd.f32 v12, v11  }
0x1e9: {  	v11 =	vld [tilespmem:s26+$0x114C0]  }
0x1ea: {  	v12 =	vld [tilespmem:s26+$0xAFD0];
	[tilespmem:s12+$0x17880] =	vst v9;
	v9 =	vadd.f32 v10, v2;
	v6 =	vadd.f32 v7, v6  }
0x1eb: {  	v10 =	vld [tilespmem:s26+$0x113D0]  }
0x1ec: {  	v7 =	vld [tilespmem:s26+$0xAFE0];
	[tilespmem:s12+$0x17890] =	vst v9;
	v6 =	vadd.f32 v6, v1;
	v4 =	vadd.f32 v8, v4  }
0x1ed: {  	v9 =	vld [tilespmem:s26+$0x113E0]  }
0x1ee: {  	v8 =	vld [tilespmem:s26+$0xAFF0];
	[tilespmem:s12+$0x178A0] =	vst v6;
	v4 =	vadd.f32 v4, v0  }
0x1ef: {  	v5 =	vadd.f32 v11, v5;
	v6 =	vld [tilespmem:s26+$0x113F0]  }
0x1f0: {  	v11 =	vld [tilespmem:s26+$0xB000];
	[tilespmem:s12+$0x178B0] =	vst v4  }
0x1f1: {  	v4 =	vadd.f32 v10, v12;
	v5 =	vadd.f32 v5, v3;
	v10 =	vld [tilespmem:s26+$0x11400]  }
0x1f2: {  	v59 =	vld [tilespmem:s26+$0xB010]  }
0x1f3: {  	v60 =	vld [tilespmem:s26+$0x114A0];
	v4 =	vadd.f32 v4, v2;
	[tilespmem:s26+$0x178C0] =	vst v5;
	v5 =	vadd.f32 v9, v7  }
0x1f4: {  	v7 =	vld [tilespmem:s26+$0x11410]  }
0x1f5: {  	[tilespmem:s26+$0x177D0] =	vst v4;
	v4 =	vadd.f32 v5, v1;
	v5 =	vld [tilespmem:s26+$0xB020];
	v6 =	vadd.f32 v6, v8  }
0x1f6: {  	v8 =	vld [tilespmem:s26+$0x11420]  }
0x1f7: {  	[tilespmem:s26+$0x177E0] =	vst v4;
	v4 =	vadd.f32 v6, v0;
	v6 =	vld [tilespmem:s26+$0xB030];
	v9 =	vadd.f32 v10, v11  }
0x1f8: {  	v10 =	vld [tilespmem:s26+$0x11430]  }
0x1f9: {  	v11 =	vld [tilespmem:s26+$0x11440];
	v7 =	vadd.f32 v7, v59;
	[tilespmem:s26+$0x177F0] =	vst v4;
	v4 =	vadd.f32 v9, v3  }
0x1fa: {  	v9 =	vld [tilespmem:s26+$0xB040]  }
0x1fb: {  	v5 =	vadd.f32 v8, v5;
	v8 =	vld [tilespmem:s26+$0x11450];
	[tilespmem:s26+$0x17800] =	vst v4;
	v4 =	vadd.f32 v7, v2  }
0x1fc: {  	v7 =	vld [tilespmem:s26+$0xB050]  }
0x1fd: {  	v6 =	vadd.f32 v10, v6;
	v10 =	vld [tilespmem:s26+$0x11460];
	[tilespmem:s26+$0x17810] =	vst v4;
	v4 =	vadd.f32 v5, v1  }
0x1fe: {  	v5 =	vld [tilespmem:s26+$0xB060]  }
0x1ff: {  	v13 =	vld [tilespmem:s26+$0x114B0];
	v9 =	vadd.f32 v11, v9;
	[tilespmem:s26+$0x17820] =	vst v4;
	v4 =	vadd.f32 v6, v0  }
0x200: {  	v11 =	vld [tilespmem:s26+$0x11470]  }
0x201: {  	v6 =	vld [tilespmem:s26+$0xB070];
	v7 =	vadd.f32 v8, v7;
	[tilespmem:s26+$0x17830] =	vst v4;
	v4 =	vadd.f32 v9, v3  }
0x202: {  	v8 =	vld [tilespmem:s26+$0x11480]  }
0x203: {  	v9 =	vld [tilespmem:s26+$0xB080];
	v5 =	vadd.f32 v10, v5;
	[tilespmem:s26+$0x17840] =	vst v4;
	v4 =	vadd.f32 v7, v2  }
0x204: {  	v10 =	vld [tilespmem:s26+$0x11490]  }
0x205: {  	v7 =	vld [tilespmem:s26+$0xB090];
	[tilespmem:s26+$0x17850] =	vst v4;
	v4 =	vadd.f32 v5, v1  }
0x206: {  	v5 =	vld [tilespmem:s26+$0xB0A0]  }
0x207: {  	[tilespmem:s26+$0x17860] =	vst v4;
	v4 =	vld [tilespmem:s26+$0xB0B0]  }
0x208: {  	v6 =	vadd.f32 v11, v6  }
0x209: {  	v8 =	vadd.f32 v8, v9  }
0x20a: {  	v6 =	vadd.f32 v6, v0;
	v7 =	vadd.f32 v10, v7  }
0x20b: {  	v3 =	vadd.f32 v8, v3;
	v5 =	vadd.f32 v60, v5  }
0x20c: {  	[tilespmem:s26+$0x17870] =	vst v6;
	v2 =	vadd.f32 v7, v2;
	v4 =	vadd.f32 v13, v4  }
0x20d: {  	s23 =	sadd.s32 s5, s21;
	[tilespmem:s26+$0x17880] =	vst v3;
	v1 =	vadd.f32 v5, v1  }
0x20e: {  	s12 =	smul.u32 $0x640, s23;
	[tilespmem:s26+$0x17890] =	vst v2;
	v0 =	vadd.f32 v4, v0  }
0x20f: {  	[tilespmem:s26+$0x178A0] =	vst v1  }
0x210: {  	s12 =	sadd.s32 s1, s12;
	[tilespmem:s26+$0x178B0] =	vst v0  }
0x211: {  	[hbm4b:s12+s4] =	stream.linear.scatter [tilespmem:s11], [sflag:$0x5], $0x3200, $0x38;
	[tilespmem:$0x1DBD0] =	vst v63  }
0x212: {  	_ =	swait.ge [sflag:s13], $0x1A00  }
0x213: {  	[sflag:s13] =	ssyncset.done $0x0  }
0x214: {  	[sflag:s13] =	ssyncadd.s32 $0xFFFFE600  }
0x215: {  	_ =	swait.ge [sflag:s13], $0x1800  }
0x216: {  	[sflag:s13] =	ssyncset.done $0x0  }
0x217: {  	[sflag:s13] =	ssyncadd.s32 $0xFFFFE800  }
0x218: {  	_ =	swait.ge [sflag:s14], $0x1A00  }
0x219: {  	s16 =	sadd.s32 $0x2, s21;
	p0 =	seq.s32 s19, $0x3F;
	[sflag:s14] =	ssyncset.done $0x0  }
0x21a: {  	s12 =	sand.u32 @!p0 $0xE, s16;
	[sflag:s14] =	ssyncadd.s32 $0xFFFFE600  }
0x21b: {  	p1 =	sne.s32 @!p0 s12, $0x0;
	_ =	swait.ge [sflag:s14], $0x1800  }
0x21c: {  	p1 =	por p1, p0;
	[sflag:s14] =	ssyncset.done $0x0  }
0x21d: {  	s21 =	simm.s32 @!p1 $0x7;
	[sflag:s14] =	ssyncadd.s32 $0xFFFFE800  }
0x21e: {  	_ =	swait.ge @!p1 [sflag:s21], $0xC80  }
0x21f: {  	[sflag:s21] =	ssyncset.done @!p1 $0x0  }
0x220: {  	[sflag:s21] =	ssyncadd.s32 @!p1 $0xFFFFF380  }
0x221: {  	s16 =	sshrl.u32 @!p0 s16, $0x4;
	_ =	swait.ge @!p1 [sflag:s21], $0xC80  }
0x222: {  	s26 =	sand.u32 @!p0 $0x1, s16;
	[sflag:s21] =	ssyncset.done @!p1 $0x0  }
0x223: {  	s18 =	smul.u32 @!p0 $0xC8, s12;
	p2 =	seq.s32 @!p0 s26, $0x1;
	[sflag:s21] =	ssyncadd.s32 @!p1 $0xFFFFF380  }
0x224: {  	s26 =	simm.s32 @!p0 $0xC80;
	p2 =	por !p2, p0;
	_ =	swait.ge @!p1 [sflag:s21], $0xC80  }
0x225: {  	s26 =	simm.s32 @p2 $0x0;
	[sflag:s21] =	ssyncset.done @!p1 $0x0  }
0x226: {  	[sflag:s21] =	ssyncadd.s32 @!p1 $0xFFFFF380;
	s21 =	sadd.s32 @!p0 s18, s26  }
0x227: {  	v0 =	vld @!p0 [tilespmem:s21+$0x7C40];
	_ =	sdelay $0x1  }
0x228: {  	v1 =	vld @!p0 [tilespmem:s21+$0x9540];
	_ =	sdelay $0x2  }
0x229: {  	v0 =	vmul.u32 @!p0 $0x9, v0;
	_ =	sdelay $0x1  }
0x22a: {  	v0 =	vadd.s32 @!p0 v1, v0  }
0x22b: {  	[tilespmem:$0xAE40] =	vst @!p0 v0  }
0x22c: {  	v0 =	vld @!p0 [tilespmem:s21+$0x7C50];
	_ =	sdelay $0x1  }
0x22d: {  	v1 =	vld @!p0 [tilespmem:s21+$0x9550];
	_ =	sdelay $0x2  }
0x22e: {  	v0 =	vmul.u32 @!p0 $0x9, v0;
	_ =	sdelay $0x1  }
0x22f: {  	v0 =	vadd.s32 @!p0 v1, v0  }
0x230: {  	[tilespmem:$0xAE50] =	vst @!p0 v0  }
0x231: {  	v0 =	vld @!p0 [tilespmem:s21+$0x7C60];
	_ =	sdelay $0x1  }
0x232: {  	v1 =	vld @!p0 [tilespmem:s21+$0x9560];
	_ =	sdelay $0x2  }
0x233: {  	v0 =	vmul.u32 @!p0 $0x9, v0;
	_ =	sdelay $0x1  }
0x234: {  	v0 =	vadd.s32 @!p0 v1, v0  }
0x235: {  	[tilespmem:$0xAE60] =	vst @!p0 v0  }
0x236: {  	v0 =	vld @!p0 [tilespmem:s21+$0x7C70];
	_ =	sdelay $0x1  }
0x237: {  	v1 =	vld @!p0 [tilespmem:s21+$0x9570];
	_ =	sdelay $0x2  }
0x238: {  	v0 =	vmul.u32 @!p0 $0x9, v0;
	_ =	sdelay $0x1  }
0x239: {  	v0 =	vadd.s32 @!p0 v1, v0  }
0x23a: {  	[tilespmem:$0xAE70] =	vst @!p0 v0  }
0x23b: {  	v0 =	vld @!p0 [tilespmem:s21+$0x7C80];
	_ =	sdelay $0x1  }
0x23c: {  	v1 =	vld @!p0 [tilespmem:s21+$0x9580];
	_ =	sdelay $0x2  }
0x23d: {  	v0 =	vmul.u32 @!p0 $0x9, v0;
	_ =	sdelay $0x1  }
0x23e: {  	v0 =	vadd.s32 @!p0 v1, v0  }
0x23f: {  	[tilespmem:$0xAE80] =	vst @!p0 v0  }
0x240: {  	v0 =	vld @!p0 [tilespmem:s21+$0x7C90];
	_ =	sdelay $0x1  }
0x241: {  	v1 =	vld @!p0 [tilespmem:s21+$0x9590];
	_ =	sdelay $0x2  }
0x242: {  	v0 =	vmul.u32 @!p0 $0x9, v0;
	_ =	sdelay $0x1  }
0x243: {  	v0 =	vadd.s32 @!p0 v1, v0  }
0x244: {  	[tilespmem:$0xAE90] =	vst @!p0 v0  }
0x245: {  	v0 =	vld @!p0 [tilespmem:s21+$0x7CA0];
	_ =	sdelay $0x1  }
0x246: {  	v1 =	vld @!p0 [tilespmem:s21+$0x95A0];
	_ =	sdelay $0x2  }
0x247: {  	v0 =	vmul.u32 @!p0 $0x9, v0;
	_ =	sdelay $0x1  }
0x248: {  	v0 =	vadd.s32 @!p0 v1, v0  }
0x249: {  	[tilespmem:$0xAEA0] =	vst @!p0 v0  }
0x24a: {  	v0 =	vld @!p0 [tilespmem:s21+$0x7CB0];
	_ =	sdelay $0x1  }
0x24b: {  	v1 =	vld @!p0 [tilespmem:s21+$0x95B0];
	_ =	sdelay $0x2  }
0x24c: {  	v0 =	vmul.u32 @!p0 $0x9, v0;
	_ =	sdelay $0x1  }
0x24d: {  	v0 =	vadd.s32 @!p0 v1, v0  }
0x24e: {  	[tilespmem:$0xAEB0] =	vst @!p0 v0  }
0x24f: {  	v0 =	vld @!p0 [tilespmem:s21+$0x7CC0];
	_ =	sdelay $0x1  }
0x250: {  	v1 =	vld @!p0 [tilespmem:s21+$0x95C0];
	_ =	sdelay $0x2  }
0x251: {  	v0 =	vmul.u32 @!p0 $0x9, v0;
	_ =	sdelay $0x1  }
0x252: {  	v0 =	vadd.s32 @!p0 v1, v0  }
0x253: {  	[tilespmem:$0xAEC0] =	vst @!p0 v0  }
0x254: {  	v0 =	vld @!p0 [tilespmem:s21+$0x7CD0];
	_ =	sdelay $0x1  }
0x255: {  	v1 =	vld @!p0 [tilespmem:s21+$0x95D0];
	_ =	sdelay $0x2  }
0x256: {  	v0 =	vmul.u32 @!p0 $0x9, v0;
	_ =	sdelay $0x1  }
0x257: {  	v0 =	vadd.s32 @!p0 v1, v0  }
0x258: {  	[tilespmem:$0xAED0] =	vst @!p0 v0  }
0x259: {  	v0 =	vld @!p0 [tilespmem:s21+$0x7CE0];
	_ =	sdelay $0x1  }
0x25a: {  	v1 =	vld @!p0 [tilespmem:s21+$0x95E0];
	_ =	sdelay $0x2  }
0x25b: {  	v0 =	vmul.u32 @!p0 $0x9, v0;
	_ =	sdelay $0x1  }
0x25c: {  	v0 =	vadd.s32 @!p0 v1, v0  }
0x25d: {  	[tilespmem:$0xAEE0] =	vst @!p0 v0  }
0x25e: {  	v0 =	vld @!p0 [tilespmem:s21+$0x7CF0];
	_ =	sdelay $0x1  }
0x25f: {  	v1 =	vld @!p0 [tilespmem:s21+$0x95F0];
	_ =	sdelay $0x2  }
0x260: {  	v0 =	vmul.u32 @!p0 $0x9, v0;
	_ =	sdelay $0x1  }
0x261: {  	v0 =	vadd.s32 @!p0 v1, v0  }
0x262: {  	p2 =	sgt.u32 @!p0 s19, $0x36;
	[tilespmem:$0xAEF0] =	vst @!p0 v0  }
0x263: {  	p3 =	por p2, p0;
	v0 =	vld @!p0 [tilespmem:s21+$0x7CF8]  }
0x264: {  	p4 =	sne.s32 @!p3 s12, $0x8  }
0x265: {  	p1 =	por @!p0 p4, p2;
	v1 =	vld @!p0 [tilespmem:s21+$0x95F8]  }
0x266: {  	p1 =	por p1, p0  }
0x267: {  	s12 =	sadd.s32 @!p1 $0x1, s16  }
0x268: {  	s23 =	simm.s32 @!p0 $0xAFD0;
	s16 =	sand.u32 @!p1 $0x1, s12;
	v0 =	vmul.u32 @!p0 $0x9, v0  }
0x269: {  	s26 =	simm.s32 @!p0 $0x68;
	s12 =	sshll.u32 @!p1 s12, $0x4;
	p5 =	seq.s32 @!p1 s16, $0x1  }
0x26a: {  	s18 =	sadd.s32 @!p0 $0x6340, s21;
	s12 =	sadd.s32 @!p1 s5, s12;
	p3 =	por @!p3 !p5, p4;
	v0 =	vadd.s32 @!p0 v1, v0  }
0x26b: {  	s16 =	simm.s32 @!p1 $0xC80;
	s12 =	smul.u32 @!p1 $0x19, s12;
	p2 =	por @!p0 !p3, p2;
	[tilespmem:$0xAEF8] =	vst @!p0 v0  }
0x26c: {  	[tilespmem:s23], [sflag:$0x1] =	stream.indirect.gather @!p0 [hbm4b:s9+s26], $0x40, s18, s26, $0xb8;
	[tilespmem:$0x1DBD0] =	vst v63  }
0x26d: {  	s18 =	sadd.s32 @!p0 $0x63A8, s21;
	s21 =	simm.s32 @!p0 $0x60;
	s23 =	simm.s32 @!p0 $0xC9D0  }
0x26e: {  	[tilespmem:s23], [sflag:$0x1] =	stream.indirect.gather @!p0 [hbm4b:s9+s21], $0x40, s18, s21, $0xb8;
	[tilespmem:$0x1DBD0] =	vst v63  }
0x26f: {  	p2 =	por !p2, p0;
	s18 =	simm.s32 @!p0 $0xAE40;
	s23 =	simm.s32 @!p0 $0x113D0  }
0x270: {  	[tilespmem:s23], [sflag:$0x3] =	stream.indirect.gather @!p0 [spmem:s3], $0x40, s18, s26, $0xb8;
	[tilespmem:$0x1DBD0] =	vst v63  }
0x271: {  	s16 =	simm.s32 @p2 $0x0;
	s18 =	simm.s32 @!p0 $0xAEA8;
	s23 =	simm.s32 @!p0 $0x12DD0  }
0x272: {  	[tilespmem:s23], [sflag:$0x3] =	stream.indirect.gather @!p0 [spmem:s3], $0x40, s18, s21, $0xb8;
	[tilespmem:$0x1DBD0] =	vst v63  }
0x273: {  	s18 =	sor.u32 @!p1 $0x6340, s16;
	s21 =	sadd.s32 @!p1 s6, s12;
	s23 =	simm.s32 @!p1 $0x0  }
0x274: {  	[tilespmem:s18], [sflag:$0x7] =	stream.linear.gather @!p1 [hbm4b:s21+s23], $0xC80, $0x38;
	[tilespmem:$0x1DBD0] =	vst v63  }
0x275: {  	s18 =	sadd.s32 @!p1 $0x7C40, s16;
	s21 =	sadd.s32 @!p1 s7, s12  }
0x276: {  	[tilespmem:s18], [sflag:$0x7] =	stream.linear.gather @!p1 [hbm4b:s21+s23], $0xC80, $0x38;
	[tilespmem:$0x1DBD0] =	vst v63  }
0x277: {  	s16 =	sadd.s32 @!p1 $0x9540, s16;
	s12 =	sadd.s32 @!p1 s8, s12  }
0x278: {  	[tilespmem:s16], [sflag:$0x7] =	stream.linear.gather @!p1 [hbm4b:s12+s23], $0xC80, $0x38;
	[tilespmem:$0x1DBD0] =	vst v63  }
0x279: {  	p1 =	seq.s32 @!p0 s19, $0x0  }
0x27a: {  	p0 =	por p0, !p1  }
0x27b: {  	_ =	swait.ge @p0 [sflag:s17], $0x3200  }
0x27c: {  	s26 =	sshll.u32 s20, $0x6;
	[sflag:s17] =	ssyncset.done @p0 $0x0  }
0x27d: {  	s12 =	sand.u32 $0x3FFFFFC0, s26;
	[sflag:s17] =	ssyncadd.s32 @p0 $0xFFFFCE00  }
0x27e: {  	v2 =	vld [tilespmem:s12+$0x4340]  }
0x27f: {  	v1 =	vld [tilespmem:s12+$0x4350]  }
0x280: {  	v0 =	vld [tilespmem:s12+$0x4360]  }
0x281: {  	v3 =	vld [tilespmem:s12+$0x4370];
	s12 =	simm.s32 $0x0  }
0x282: {  	v4 =	vld [tilespmem:s12+$0xE2C0]  }
0x283: {  	v5 =	vld [tilespmem:s12+$0x146C0]  }
0x284: {  	v6 =	vld [tilespmem:s12+$0xE1D0]  }
0x285: {  	v7 =	vld [tilespmem:s12+$0x145D0]  }
0x286: {  	v8 =	vld [tilespmem:s12+$0xE1E0]  }
0x287: {  	v9 =	vld [tilespmem:s12+$0x145E0]  }
0x288: {  	v10 =	vld [tilespmem:s12+$0xE1F0]  }
0x289: {  	v11 =	vld [tilespmem:s12+$0xE200];
	v4 =	vadd.f32 v5, v4  }
0x28a: {  	v5 =	vld [tilespmem:s12+$0x145F0];
	v6 =	vadd.f32 v7, v6  }
0x28b: {  	v61 =	vld [tilespmem:s12+$0xE210];
	v4 =	vadd.f32 v4, v3  }
0x28c: {  	v7 =	vld [tilespmem:s12+$0x14600];
	v6 =	vadd.f32 v6, v2  }
0x28d: {  	[tilespmem:s12+$0x1AAC0] =	vst v4;
	v4 =	vadd.f32 v9, v8;
	v8 =	vld [tilespmem:s12+$0x14610]  }
0x28e: {  	[tilespmem:s12+$0x1A9D0] =	vst v6;
	v6 =	vld [tilespmem:s12+$0xE220]  }
0x28f: {  	v9 =	vld [tilespmem:s12+$0x14620];
	v5 =	vadd.f32 v5, v10;
	v4 =	vadd.f32 v4, v1  }
0x290: {  	v10 =	vld [tilespmem:s12+$0x14630]  }
0x291: {  	v7 =	vadd.f32 v7, v11;
	[tilespmem:s12+$0x1A9E0] =	vst v4;
	v4 =	vadd.f32 v5, v0;
	v5 =	vld [tilespmem:s12+$0xE230]  }
0x292: {  	v11 =	vld [tilespmem:s12+$0x14640]  }
0x293: {  	v8 =	vadd.f32 v8, v61;
	[tilespmem:s12+$0x1A9F0] =	vst v4;
	v4 =	vadd.f32 v7, v3;
	v7 =	vld [tilespmem:s12+$0xE240]  }
0x294: {  	v6 =	vadd.f32 v9, v6;
	v9 =	vld [tilespmem:s12+$0x14650]  }
0x295: {  	[tilespmem:s12+$0x1AA00] =	vst v4;
	v4 =	vadd.f32 v8, v2;
	v8 =	vld [tilespmem:s12+$0xE250]  }
0x296: {  	v5 =	vadd.f32 v10, v5;
	v10 =	vld [tilespmem:s12+$0x14660]  }
0x297: {  	[tilespmem:s12+$0x1AA10] =	vst v4;
	v4 =	vadd.f32 v6, v1;
	v6 =	vld [tilespmem:s12+$0xE260]  }
0x298: {  	v7 =	vadd.f32 v11, v7;
	v11 =	vld [tilespmem:s12+$0x14670]  }
0x299: {  	[tilespmem:s12+$0x1AA20] =	vst v4;
	v4 =	vadd.f32 v5, v0;
	v5 =	vld [tilespmem:s12+$0xE270]  }
0x29a: {  	v62 =	vld [tilespmem:s12+$0xE280]  }
0x29b: {  	[tilespmem:s12+$0x1AA30] =	vst v4;
	v4 =	vadd.f32 v7, v3;
	v7 =	vadd.f32 v9, v8;
	v8 =	vld [tilespmem:s12+$0x14680]  }
0x29c: {  	v63 =	vld [tilespmem:s12+$0xE290]  }
0x29d: {  	v6 =	vadd.f32 v10, v6;
	v10 =	vld [tilespmem:s12+$0x14690];
	[tilespmem:s12+$0x1AA40] =	vst v4;
	v4 =	vadd.f32 v7, v2  }
0x29e: {  	v7 =	vld [tilespmem:s12+$0x146A0];
	v5 =	vadd.f32 v11, v5  }
0x29f: {  	[tilespmem:s12+$0x1AA50] =	vst v4;
	v4 =	vadd.f32 v6, v1;
	v6 =	vld [tilespmem:s12+$0xE2A0]  }
0x2a0: {  	v9 =	vadd.f32 v5, v0;
	v11 =	vadd.f32 v8, v62;
	v8 =	vld [tilespmem:s12+$0x146B0]  }
0x2a1: {  	s21 =	simm.s32 $0x100;
	[tilespmem:s12+$0x1AA60] =	vst v4;
	v4 =	vld [tilespmem:s12+$0xE2B0]  }
0x2a2: {  	s16 =	simm.s32 $0x800;
	v10 =	vadd.f32 v10, v63;
	v5 =	vld [tilespmem:s21+$0xE2C0];
	[tilespmem:s12+$0x1AA70] =	vst v9;
	v9 =	vadd.f32 v11, v3  }
.LBB2_9:
0x2a3: {  	p0 =	sne.s32 s16, $0xC400;
	v11 =	vld [tilespmem:s21+$0x146C0]  }
0x2a4: {  	v12 =	vld [tilespmem:s21+$0xE1D0];
	[tilespmem:s12+$0x1AA80] =	vst v9;
	v9 =	vadd.f32 v10, v2;
	v6 =	vadd.f32 v7, v6  }
0x2a5: {  	v7 =	vld [tilespmem:s21+$0x145D0]  }
0x2a6: {  	v10 =	vld [tilespmem:s21+$0xE1E0];
	[tilespmem:s12+$0x1AA90] =	vst v9;
	v6 =	vadd.f32 v6, v1;
	v4 =	vadd.f32 v8, v4  }
0x2a7: {  	v8 =	vld [tilespmem:s21+$0x145E0]  }
0x2a8: {  	v9 =	vld [tilespmem:s21+$0xE1F0];
	v5 =	vadd.f32 v11, v5;
	[tilespmem:s12+$0x1AAA0] =	vst v6;
	v4 =	vadd.f32 v4, v0  }
0x2a9: {  	v6 =	vld [tilespmem:s21+$0x145F0]  }
0x2aa: {  	v7 =	vadd.f32 v7, v12;
	v11 =	vld [tilespmem:s21+$0xE200];
	v5 =	vadd.f32 v5, v3;
	[tilespmem:s12+$0x1AAB0] =	vst v4;
	s12 =	smov.u32 s21  }
0x2ab: {  	v4 =	vld [tilespmem:s12+$0x14600]  }
0x2ac: {  	v7 =	vadd.f32 v7, v2;
	v8 =	vadd.f32 v8, v10;
	v10 =	vld [tilespmem:s12+$0xE210];
	[tilespmem:s12+$0x1AAC0] =	vst v5  }
0x2ad: {  	v5 =	vld [tilespmem:s12+$0x14610]  }
0x2ae: {  	[tilespmem:s12+$0x1A9D0] =	vst v7;
	v7 =	vadd.f32 v8, v1;
	v6 =	vadd.f32 v6, v9;
	v8 =	vld [tilespmem:s12+$0xE220]  }
0x2af: {  	v9 =	vld [tilespmem:s12+$0x14620]  }
0x2b0: {  	[tilespmem:s12+$0x1A9E0] =	vst v7;
	v6 =	vadd.f32 v6, v0;
	v4 =	vadd.f32 v4, v11;
	v7 =	vld [tilespmem:s12+$0xE230]  }
0x2b1: {  	v11 =	vld [tilespmem:s12+$0x14630]  }
0x2b2: {  	[tilespmem:s12+$0x1A9F0] =	vst v6;
	v4 =	vadd.f32 v4, v3;
	v5 =	vadd.f32 v5, v10;
	v6 =	vld [tilespmem:s12+$0xE240]  }
0x2b3: {  	v10 =	vld [tilespmem:s12+$0x14640]  }
0x2b4: {  	[tilespmem:s12+$0x1AA00] =	vst v4;
	v4 =	vadd.f32 v5, v2;
	v5 =	vadd.f32 v9, v8;
	v8 =	vld [tilespmem:s12+$0xE250]  }
0x2b5: {  	v9 =	vld [tilespmem:s12+$0x14650]  }
0x2b6: {  	[tilespmem:s12+$0x1AA10] =	vst v4;
	v4 =	vadd.f32 v5, v1;
	v5 =	vadd.f32 v11, v7;
	v7 =	vld [tilespmem:s12+$0xE260]  }
0x2b7: {  	v11 =	vld [tilespmem:s12+$0x14660]  }
0x2b8: {  	[tilespmem:s12+$0x1AA20] =	vst v4;
	v4 =	vadd.f32 v5, v0;
	v5 =	vadd.f32 v10, v6;
	v6 =	vld [tilespmem:s12+$0xE270]  }
0x2b9: {  	v10 =	vld [tilespmem:s12+$0x14670]  }
0x2ba: {  	[tilespmem:s12+$0x1AA30] =	vst v4;
	v4 =	vadd.f32 v5, v3;
	v5 =	vadd.f32 v9, v8;
	v8 =	vld [tilespmem:s12+$0xE280]  }
0x2bb: {  	v9 =	vld [tilespmem:s12+$0x14680]  }
0x2bc: {  	[tilespmem:s12+$0x1AA40] =	vst v4;
	v4 =	vadd.f32 v5, v2;
	v5 =	vadd.f32 v11, v7;
	v11 =	vld [tilespmem:s12+$0xE290]  }
0x2bd: {  	v12 =	vld [tilespmem:s12+$0x14690]  }
.Ltmp3:
0x2be: {  	[tilespmem:s12+$0x1AA50] =	vst v4;
	v4 =	vadd.f32 v5, v1;
	v5 =	vadd.f32 v10, v6;
	v6 =	vld [tilespmem:s12+$0xE2A0];
	(pc) =	sbr.rel @p0 .LBB2_9-.Ltmp3, $4  }
0x2bf: {  	v7 =	vld [tilespmem:s12+$0x146A0]  }
0x2c0: {  	[tilespmem:s12+$0x1AA60] =	vst v4;
	v10 =	vadd.f32 v5, v0;
	v9 =	vadd.f32 v9, v8;
	v4 =	vld [tilespmem:s12+$0xE2B0]  }
0x2c1: {  	s21 =	sshra.s32 s16, $0x2;
	v8 =	vld [tilespmem:s12+$0x146B0]  }
0x2c2: {  	s16 =	sadd.s32 $0x400, s16;
	v5 =	vld [tilespmem:s21+$0xE2C0];
	[tilespmem:s12+$0x1AA70] =	vst v10;
	v9 =	vadd.f32 v9, v3;
	v10 =	vadd.f32 v12, v11  }
0x2c3: {  	v11 =	vld [tilespmem:s21+$0x146C0]  }
0x2c4: {  	v12 =	vld [tilespmem:s21+$0xE1D0];
	[tilespmem:s12+$0x1AA80] =	vst v9;
	v21 =	vadd.f32 v10, v2;
	v6 =	vadd.f32 v7, v6  }
0x2c5: {  	v22 =	vld [tilespmem:s21+$0x145D0]  }
0x2c6: {  	v23 =	vld [tilespmem:s21+$0xE1E0];
	[tilespmem:s12+$0x1AA90] =	vst v21;
	v6 =	vadd.f32 v6, v1;
	v4 =	vadd.f32 v8, v4  }
0x2c7: {  	v9 =	vld [tilespmem:s21+$0x145E0]  }
0x2c8: {  	v24 =	vld [tilespmem:s21+$0xE1F0];
	[tilespmem:s12+$0x1AAA0] =	vst v6;
	v4 =	vadd.f32 v4, v0  }
0x2c9: {  	v6 =	vld [tilespmem:s21+$0x145F0]  }
0x2ca: {  	v25 =	vld [tilespmem:s21+$0xE200];
	[tilespmem:s12+$0x1AAB0] =	vst v4  }
0x2cb: {  	v27 =	vld [tilespmem:s21+$0x14600]  }
0x2cc: {  	v28 =	vld [tilespmem:s21+$0xE210]  }
0x2cd: {  	v30 =	vld [tilespmem:s21+$0x14610]  }
0x2ce: {  	v32 =	vld [tilespmem:s21+$0xE220]  }
0x2cf: {  	v33 =	vld [tilespmem:s21+$0x14620]  }
0x2d0: {  	v35 =	vld [tilespmem:s21+$0xE230]  }
0x2d1: {  	v37 =	vld [tilespmem:s21+$0x14630]  }
0x2d2: {  	v39 =	vld [tilespmem:s21+$0xE240]  }
0x2d3: {  	v40 =	vld [tilespmem:s21+$0x14640]  }
0x2d4: {  	v42 =	vld [tilespmem:s21+$0xE250]  }
0x2d5: {  	v43 =	vld [tilespmem:s21+$0x14650]  }
0x2d6: {  	v45 =	vld [tilespmem:s21+$0xE260]  }
0x2d7: {  	v5 =	vadd.f32 v11, v5;
	v46 =	vld [tilespmem:s21+$0x14660]  }
0x2d8: {  	v26 =	vadd.f32 v22, v12;
	v48 =	vld [tilespmem:s21+$0xE270]  }
0x2d9: {  	v5 =	vadd.f32 v5, v3;
	v51 =	vld [tilespmem:s21+$0xE280];
	v29 =	vadd.f32 v9, v23  }
0x2da: {  	v52 =	vld [tilespmem:s21+$0x14680];
	v4 =	vadd.f32 v26, v2;
	v6 =	vadd.f32 v6, v24  }
0x2db: {  	v59 =	vld [tilespmem:s21+$0xE2B0];
	[tilespmem:s21+$0x1AAC0] =	vst v5;
	v31 =	vadd.f32 v29, v1;
	v36 =	vadd.f32 v27, v25  }
0x2dc: {  	v13 =	vld [tilespmem:s21+$0x146B0];
	[tilespmem:s21+$0x1A9D0] =	vst v4;
	v34 =	vadd.f32 v6, v0;
	v7 =	vadd.f32 v30, v28  }
0x2dd: {  	v49 =	vld [tilespmem:s21+$0x14670];
	[tilespmem:s21+$0x1A9E0] =	vst v31;
	v5 =	vadd.f32 v33, v32;
	v38 =	vadd.f32 v36, v3  }
0x2de: {  	v54 =	vld [tilespmem:s21+$0xE290];
	v6 =	vadd.f32 v37, v35;
	[tilespmem:s21+$0x1A9F0] =	vst v34;
	v41 =	vadd.f32 v7, v2  }
0x2df: {  	v55 =	vld [tilespmem:s21+$0x14690];
	v9 =	vadd.f32 v40, v39;
	v44 =	vadd.f32 v5, v1;
	[tilespmem:s21+$0x1AA00] =	vst v38  }
0x2e0: {  	v57 =	vld [tilespmem:s21+$0xE2A0];
	v8 =	vadd.f32 v52, v51;
	v47 =	vadd.f32 v6, v0;
	[tilespmem:s21+$0x1AA10] =	vst v41  }
0x2e1: {  	v58 =	vld [tilespmem:s21+$0x146A0];
	v4 =	vadd.f32 v13, v59;
	v50 =	vadd.f32 v9, v3;
	[tilespmem:s21+$0x1AA20] =	vst v44  }
0x2e2: {  	v7 =	vadd.f32 v43, v42;
	v60 =	vadd.f32 v8, v3;
	[tilespmem:s21+$0x1AA30] =	vst v47  }
0x2e3: {  	v5 =	vadd.f32 v46, v45;
	v63 =	vadd.f32 v4, v0;
	[tilespmem:s21+$0x1AA40] =	vst v50  }
0x2e4: {  	v6 =	vadd.f32 v49, v48;
	v53 =	vadd.f32 v7, v2;
	[tilespmem:s21+$0x1AA80] =	vst v60  }
0x2e5: {  	s19 =	sadd.s32 $0x1, s19;
	v56 =	vadd.f32 v5, v1;
	v7 =	vadd.f32 v55, v54;
	[tilespmem:s21+$0x1AAB0] =	vst v63  }
0x2e6: {  	p0 =	sne.s32 s19, $0x40;
	v6 =	vadd.f32 v6, v0;
	v5 =	vadd.f32 v58, v57;
	[tilespmem:s21+$0x1AA50] =	vst v53  }
.Ltmp4:
0x2e7: {  	s26 =	sadd.s32 s5, s20;
	[tilespmem:s21+$0x1AA60] =	vst v56;
	v61 =	vadd.f32 v7, v2;
	(pc) =	sbr.rel @p0 .LBB2_6-.Ltmp4, $4  }
0x2e8: {  	s12 =	smul.u32 $0x640, s26;
	[tilespmem:s21+$0x1AA70] =	vst v6;
	v62 =	vadd.f32 v5, v1  }
0x2e9: {  	[tilespmem:s21+$0x1AA90] =	vst v61  }
0x2ea: {  	s12 =	sadd.s32 s1, s12;
	[tilespmem:s21+$0x1AAA0] =	vst v62  }
0x2eb: {  	[hbm4b:s12+s4] =	stream.linear.scatter [tilespmem:s15], [sflag:$0x6], $0x3200, $0x38;
	[tilespmem:$0x1DBD0] =	vst v63  }
0x2ec: {  	s12 =	simm.s32 $0x5  }
0x2ed: {  	_ =	swait.ge [sflag:s12], $0x3200  }
0x2ee: {  	[sflag:s12] =	ssyncset.done $0x0  }
0x2ef: {  	[sflag:s12] =	ssyncadd.s32 $0xFFFFCE00  }
0x2f0: {  	_ =	swait.ge [sflag:s17], $0x3200  }
0x2f1: {  	s16 =	rddreg [dreg:$0x10]  }
0x2f2: {  	s26 =	rddreg [dreg:$0xf];
	s16 =	sadd.s32 $0x1, s16  }
0x2f3: {  	p0 =	sne.s32 s16, s26  }
.Ltmp5:
0x2f4: {  	_ = 	snop;
	(pc) =	sbr.rel @p0 .LBB2_1-.Ltmp5, $3  }
0x2f5: {  	_ =	sdelay $0x1  }
0x2f6: {  	[sflag:s17] =	ssyncset.done $0x0  }
0x2f7: {  	[sflag:s17] =	ssyncadd.s32 $0xFFFFCE00  }
0x2f8: {  	_ =	sfence.sel $0x180000  }
0x2f9: {  	[bflag:$0x0] =	sbarrier.arrive $0xFFFF  }
0x2fa: {  	_ =	strace $0x9000004A  }
0x2fb: {  	s0 =	stileid.u32;
	[bflag:$0x2] =	sbarrier.arrive $0xFFFF  }
0x2fc: {  	p0 =	sne.s32 s0, $0x0;
	s0 =	rddreg [dreg:$0x3]  }
0x2fd: {  	s0 =	sadd.s32 @!p0 $0x100000, s0  }
0x2fe: {  	[sflag:s0] =	ssyncadd.tile.s32 @!p0 $0x1;
	_ =	shalt  }
.Lfunc_end2:
_tile_overlayer_lowered:
.L_overlay_start_2:
0x2ff: {  	(tag) =	ssettag $0x2  }
0x300: {  	s0 =	rddreg [dreg:$0x0];
	s2 =	stileid.u32  }
0x301: {  	s1 =	rddreg [dreg:$0x1];
	p0 =	sne.s32 s2, $0x0  }
0x302: {  	s3 =	rddreg [dreg:$0x2];
	[bflag:$0x3] =	sbarrier.arrive $0xFFFF;
	s2 =	simm.s32 @!p0 $0x1C08  }
0x303: {  	[timem:s3], [sflag:s2] =	dma.local @!p0 [hbm:s0], s1  }
0x304: {  	s0 =	simm.s32 @!p0 $0x8  }
0x305: {  	_ =	swait.ge @!p0 [sflag:s0], s1  }
0x306: {  	s1 =	ssub.s32 @!p0 $0x0, s1;
	[sflag:s0] =	ssyncset.done @!p0 $0x0  }
0x307: {  	[sflag:s0] =	ssyncadd.s32 @!p0 s1  }
0x308: {  	[bflag:$0x3] =	sbarrier.arrive $0xFFFF  }
0x309: {  	_ =	shalt  }

// kernel: gather_offload_async_start
scs
__scs_entry_jumppad:
0x0: {  	(pc) =	sbr.rel $0x88, $3  }
0x1: {  	(tag) =	ssettag $0x0;
	lr =	simm.s32 $0x1  }
0x2: {  	[smem:$0x3F99] =	sst lr;
	_ =	strace $0xD0000000  }
0x3: {  	_ = 	snop  }
0x4: {  	_ = 	snop  }
0x5: {  	_ = 	snop  }
0x6: {  	_ = 	snop  }
0x7: {  	_ = 	snop  }
__scs_overlays_trampoline_lowered:
0x8: {  	[smem:$0x3FA8] =	sst s0  }
0x9: {  	[smem:$0x3FA9] =	sst s1  }
0xa: {  	[smem:$0x3FAA] =	sst s2  }
0xb: {  	[smem:$0x3FAB] =	sst s3  }
0xc: {  	[smem:$0x3FAC] =	sst s4  }
0xd: {  	[smem:$0x3FAD] =	sst s5  }
0xe: {  	[smem:$0x3FAE] =	sst s6  }
0xf: {  	[smem:$0x3FAF] =	sst s7  }
0x10: {  	[smem:$0x3FB0] =	sst s8  }
0x11: {  	[smem:$0x3FB1] =	sst s9;
	s0 =	simm.s32 @!p0 $0x0  }
0x12: {  	s1 =	sld [smem:$0x3F97];
	s0 =	simm.s32 @p0 $0x1  }
0x13: {  	[smem:$0x3FB2] =	sst s0;
	s0 =	simm.s32 @!p1 $0x0  }
0x14: {  	s2 =	sld [smem:$0x3F96];
	s0 =	simm.s32 @p1 $0x1  }
0x15: {  	[smem:$0x3FB3] =	sst s0;
	s0 =	simm.s32 @!p2 $0x0  }
0x16: {  	s3 =	sld [smem:$0x3FDB];
	s0 =	simm.s32 @p2 $0x1  }
0x17: {  	s4 =	simm.s32 $0x1BF5;
	[smem:$0x3FB5] =	sst s0  }
0x18: {  	s0 =	sld [smem:$0x3F98];
	_ =	swait.ge [sflag:s4], $0x0  }
0x19: {  	s7 =	sld [smem:$0x3F99]  }
0x1a: {  	s8 =	sadd.s32 $0xFFFFE003, lr  }
0x1b: {  	s9 =	sadd.s32 $0xFFFFFEF7, lr;
	s5 =	simm.s32 $0xFFFFFFFF;
	p2 =	slt.u32 s8, $0xFFFFF086  }
0x1c: {  	p1 =	slt.u32 s9, $0xF7A;
	s5 =	simm.s32 @!p2 $0x0  }
0x1d: {  	s5 =	simm.s32 @p1 $0x1;
	p0 =	seq.s32 s7, s2  }
0x1e: {  	s7 =	smul.u32 @!p0 $0xF7A, s2;
	p2 =	seq.s32 @!p0 s5, $0x0  }
0x1f: {  	s9 =	smul.u32 $0xF7A, s1;
	s8 =	simm.s32 @!p0 $0x1BF5;
	p2 =	por !p2, p0  }
0x20: {  	[sflag:s8] =	ssyncset.s32 @!p0 $0xFFFFF086;
	s6 =	sadd.s32 @!p0 s3, s7;
	s7 =	simm.s32 @!p0 $0x108  }
0x21: {  	s3 =	sadd.s32 s3, s9;
	s6 =	sadd.s32 @!p0 $0x88, s6;
	s7 =	simm.s32 @p2 $0x1082  }
0x22: {  	[simem:s7], [sflag:s8] =	dma.local @!p0 [hbm:s6], $0xF7A  }
0x23: {  	s9 =	sor.u32 $0xD0000000, s2;
	s6 =	simm.s32 $0x108;
	_ =	swait.ge @!p0 [sflag:s8], $0x0  }
0x24: {  	s3 =	sadd.s32 $0x88, s3;
	s6 =	simm.s32 @!p1 $0x1082;
	[sflag:s4] =	ssyncset.s32 $0xFFFFF086  }
0x25: {  	[simem:s6], [sflag:s4] =	dma.local [hbm:s3], $0xF7A  }
0x26: {  	[smem:$0x3F99] =	sst s1;
	(tag) =	ssettag s2;
	_ =	strace s9  }
0x27: {  	s1 =	sld [smem:$0x3FA9]  }
0x28: {  	s2 =	sld [smem:$0x3FAA]  }
0x29: {  	s4 =	sld [smem:$0x3FAC]  }
0x2a: {  	p0 =	seq.s32 s5, $0x0;
	s5 =	sld [smem:$0x3FAD]  }
0x2b: {  	s6 =	sld [smem:$0x3FAE]  }
0x2c: {  	s7 =	sld [smem:$0x3FAF]  }
0x2d: {  	s3 =	simm.s32 $0x108;
	s8 =	sld [smem:$0x3FB0]  }
0x2e: {  	s3 =	simm.s32 @!p0 $0x1082;
	s9 =	sld [smem:$0x3FB1]  }
0x2f: {  	lr =	sadd.s32 s0, s3;
	s0 =	sld [smem:$0x3FA8]  }
0x30: {  	s3 =	sld [smem:$0x3FAB]  }
0x31: {  	[smem:$0x3FB4] =	sst s10  }
0x32: {  	s10 =	sld [smem:$0x3FB2];
	_ =	sdelay $0x3  }
0x33: {  	p0 =	seq.s32 s10, $0x1;
	s10 =	sld [smem:$0x3FB4];
	_ =	sdelay $0x3  }
0x34: {  	[smem:$0x3FB4] =	sst s10  }
0x35: {  	s10 =	sld [smem:$0x3FB3];
	_ =	sdelay $0x3  }
0x36: {  	p1 =	seq.s32 s10, $0x1;
	s10 =	sld [smem:$0x3FB4];
	_ =	sdelay $0x3  }
0x37: {  	[smem:$0x3FB4] =	sst s10  }
0x38: {  	s10 =	sld [smem:$0x3FB5]  }
0x39: {  	_ = 	snop;
	(pc) =	sbr.ind lr, $3  }
0x3a: {  	_ = 	snop  }
0x3b: {  	_ = 	snop  }
0x3c: {  	p2 =	seq.s32 s10, $0x1;
	s10 =	sld [smem:$0x3FB4]  }
0x3d: {  	_ =	shalt  }
0x3e: {  	_ =	shalt  }
0x3f: {  	_ =	shalt  }
0x40: {  	_ =	shalt  }
0x41: {  	_ =	shalt  }
0x42: {  	_ =	shalt  }
0x43: {  	_ =	shalt  }
0x44: {  	_ =	shalt  }
0x45: {  	_ =	shalt  }
0x46: {  	_ =	shalt  }
0x47: {  	_ =	shalt  }
0x48: {  	_ =	shalt  }
0x49: {  	_ =	shalt  }
0x4a: {  	_ =	shalt  }
0x4b: {  	_ =	shalt  }
0x4c: {  	_ =	shalt  }
0x4d: {  	_ =	shalt  }
0x4e: {  	_ =	shalt  }
0x4f: {  	_ =	shalt  }
0x50: {  	_ =	shalt  }
0x51: {  	_ =	shalt  }
0x52: {  	_ =	shalt  }
0x53: {  	_ =	shalt  }
0x54: {  	_ =	shalt  }
0x55: {  	_ =	shalt  }
0x56: {  	_ =	shalt  }
0x57: {  	_ =	shalt  }
0x58: {  	_ =	shalt  }
0x59: {  	_ =	shalt  }
0x5a: {  	_ =	shalt  }
0x5b: {  	_ =	shalt  }
0x5c: {  	_ =	shalt  }
0x5d: {  	_ =	shalt  }
0x5e: {  	_ =	shalt  }
0x5f: {  	_ =	shalt  }
0x60: {  	_ =	shalt  }
0x61: {  	_ =	shalt  }
0x62: {  	_ =	shalt  }
0x63: {  	_ =	shalt  }
0x64: {  	_ =	shalt  }
0x65: {  	_ =	shalt  }
0x66: {  	_ =	shalt  }
0x67: {  	_ =	shalt  }
0x68: {  	_ =	shalt  }
0x69: {  	_ =	shalt  }
0x6a: {  	_ =	shalt  }
0x6b: {  	_ =	shalt  }
0x6c: {  	_ =	shalt  }
0x6d: {  	_ =	shalt  }
0x6e: {  	_ =	shalt  }
0x6f: {  	_ =	shalt  }
0x70: {  	_ =	shalt  }
0x71: {  	_ =	shalt  }
0x72: {  	_ =	shalt  }
0x73: {  	_ =	shalt  }
0x74: {  	_ =	shalt  }
0x75: {  	_ =	shalt  }
0x76: {  	_ =	shalt  }
0x77: {  	_ =	shalt  }
0x78: {  	_ =	shalt  }
0x79: {  	_ =	shalt  }
0x7a: {  	_ =	shalt  }
0x7b: {  	_ =	shalt  }
0x7c: {  	_ =	shalt  }
0x7d: {  	_ =	shalt  }
0x7e: {  	_ =	shalt  }
0x7f: {  	_ =	shalt  }
0x80: {  	_ =	shalt  }
0x81: {  	_ =	shalt  }
0x82: {  	_ =	shalt  }
0x83: {  	_ =	shalt  }
0x84: {  	_ =	shalt  }
0x85: {  	_ =	shalt  }
0x86: {  	_ =	shalt  }
0x87: {  	_ =	shalt  }
.Lfunc_end0:
.L_simem_size_0:
called_computation.1_lowered:
.L_overlay_start_0:
0x88: {  	s2 =	sld [smem:$0x3FD9]  }
0x89: {  	s3 =	sld [smem:$0x3FFE];
	_ =	sdelay $0x1  }
0x8a: {  	s1 =	srdreg.scid  }
0x8b: {  	s0 =	sand.u32 $0x1, s1  }
0x8c: {  	s17 =	sshll.u32 s0, $0xA;
	s2 =	sadd.s32 s3, s2  }
0x8d: {  	s2 =	sadd.s32 s2, s17  }
0x8e: {  	[smem:$0x3FC0] =	sst s2  }
0x8f: {  	_ = 	snop  }
0x90: {  	s2 =	sld [smem:$0x3FD0];
	(tm) =	ssettm $0x1  }
0x91: {  	s18 =	sld [smem:$0x3FFB];
	_ =	sdelay $0x3  }
0x92: {  	_ =	strace s18  }
0x93: {  	s3 =	sld [smem:$0x3FFC];
	_ =	sdelay $0x3  }
0x94: {  	_ =	strace s3  }
0x95: {  	s3 =	sld [smem:$0x3FFD];
	_ =	sdelay $0x3  }
0x96: {  	_ =	strace s3  }
0x97: {  	_ =	strace $0x8FFFFFFF  }
0x98: {  	s19 =	sld [smem:$0x3FDB];
	_ =	sdelay $0x1  }
0x99: {  	s4 =	simm.s32 $_scs_section_size  }
0x9a: {  	s5 =	simm.s32 $_size__tile_overlayer_lowered;
	s6 =	simm.s32 $_tile_overlayer_lowered  }
0x9b: {  	s22 =	simm.s32 $0x1BFF;
	s21 =	sshll.u32 s6, $0x1;
	s3 =	sadd.s32 s4, s19  }
0x9c: {  	s7 =	simm.s32 $0x0;
	s20 =	sshll.u32 s5, $0x1;
	s5 =	sadd.s32 s21, s3  }
0x9d: {  	[timem:s7], [sflag:s22] =	dma.local [hbm:s5], s20  }
0x9e: {  	_ =	swait.ge [sflag:s22], s20  }
0x9f: {  	s4 =	ssub.s32 $0x0, s20;
	[sflag:s22] =	ssyncset.done $0x0  }
0xa0: {  	[sflag:s22] =	ssyncadd.s32 s4;
	_ =	sdelay $0x1  }
0xa1: {  	s23 =	simm.s32 $0x1B8B  }
0xa2: {  	_ =	swait.ge [sflag:s23], $0x1  }
0xa3: {  	[sflag:s23] =	ssyncset.done $0x0  }
0xa4: {  	s25 =	simm.s32 $0x1B8E;
	s24 =	sld [smem:$0x3FFE];
	[sflag:s23] =	ssyncadd.s32 $0xFFFFFFFF  }
0xa5: {  	s26 =	simm.s32 $execute0_lowered;
	[smem:$0x3FD2] =	sst s25  }
0xa6: {  	s5 =	sshll.u32 s26, $0x1;
	_ =	strace $0x80000046;
	[dreg:$0x1] =	wrdreg $0xFFFFFFFF  }
0xa7: {  	s28 =	simm.s32 $_size_execute0_lowered;
	s3 =	sadd.s32 s3, s5;
	[dreg:$0x0] =	wrdreg $0x0  }
0xa8: {  	s5 =	sshll.u32 s28, $0x1;
	[dreg:$0x2] =	wrdreg s3  }
0xa9: {  	[dreg:$0x3] =	wrdreg s5  }
0xaa: {  	[dreg:$0x4] =	wrdreg $0xC0  }
0xab: {  	_ =	task [dreg:s7], $0x5FFFF  }
0xac: {  	[dreg:$0x1] =	wrdreg $0xFFFFFFFF  }
0xad: {  	[dreg:$0x0] =	wrdreg $0x60  }
0xae: {  	[dreg:$0x2] =	wrdreg s2  }
0xaf: {  	[dreg:$0x3] =	wrdreg s24  }
0xb0: {  	[dreg:$0x4] =	wrdreg $0x9  }
0xb1: {  	_ =	task.clear_ibuf [dreg:s7], $0x5FFFF;
	_ =	strace $0x90000046  }
0xb2: {  	s29 =	simm.s32 $0x9;
	_ =	strace $0x80000048  }
0xb3: {  	_ =	swait.ge [sflag:s29], $0x1  }
0xb4: {  	[sflag:s29] =	ssyncadd.s32 $0xFFFFFFFF  }
0xb5: {  	_ =	strace $0x90000048  }
0xb6: {  	_ =	sfence  }
0xb7: {  	s30 =	sld [smem:$0x0];
	_ =	sdelay $0x2  }
0xb8: {  	s31 =	sshll.u32 s1, $0xD;
	s1 =	sshrl.u32 s1, $0x2  }
0xb9: {  	s3 =	sand.u32 $0x4000, s31;
	s1 =	sadd.s32 s1, s30  }
0xba: {  	s0 =	sor.u32 s3, s0;
	s1 =	sshll.u32 s1, $0x11  }
0xbb: {  	s0 =	sor.u32 s1, s0  }
0xbc: {  	s0 =	sadd.s32 $0x8F2B, s0  }
0xbd: {  	[sflag:s0] =	ssyncadd.remote.s32 $0x1  }
0xbe: {  	_ =	sfence.sel $0xFFFF  }
0xbf: {  	[dreg:$0x0] =	wrdreg $0xFFFFFFFF;
	(pc) =	sbr.abs _section_cstart, $3  }
0xc0: {  	[dreg:$0x1] =	wrdreg $0xFFFFFFFF  }
0xc1: {  	_ =	task.clear_ibuf [dreg:s7], $0x2FFFF;
	_ =	strace $0x9FFFFFFF  }
0xc2: {  	(tm) =	ssettm $0x7FFFFFFF  }
0xc3: {  	_ =	shalt  }
tec
execute0_lowered:
.L_overlay_start_1:
0x0: {  	(tag) =	ssettag $0x1  }
0x1: {  	s2 =	rddreg [dreg:$0x0]  }
0x2: {  	s7 =	rddreg [dreg:$0x1]  }
0x3: {  	s0 =	rddreg [dreg:$0x2]  }
0x4: {  	s1 =	srdreg.scid;
	_ =	strace $0x80000047;
	s4 =	simm.s32 $0x1  }
0x5: {  	s9 =	simm.s32 $0x3;
	s12 =	simm.s32 $0x0;
	s5 =	sshll.u32 s1, $0x4  }
.Ltmp0:
0x6: {  	s1 =	stileid.u32;
	s5 =	sand.u32 $0x10, s5;
	(pc) =	sbr.rel .LBB2_1-.Ltmp0, $4  }
0x7: {  	s10 =	simm.s32 $0x0;
	s3 =	sadd.s32 $0x1400, s7;
	s6 =	sor.u32 s1, s5  }
0x8: {  	[sflag:s4] =	ssyncpa.u1 $0x0;
	s5 =	simm.s32 $0x2;
	s6 =	sshll.u32 s6, $0x7  }
0x9: {  	s7 =	sadd.s32 $0x110A00, s7;
	[sflag:s5] =	ssyncpa.u1 $0x0;
	s8 =	sadd.s32 $0x80, s6  }
0xa: {  	vm0 =	vmmov $0xff;
	vm1 =	vcmask $0x3F20;
	[sflag:s9] =	ssyncpa.u1 $0x0;
	s9 =	simm.s32 $0x80;
	s11 =	smov.u32 s6  }
.LBB2_9:
0xb: {  	p0 =	seq.s32 s10, $0x2  }
.Ltmp1:
0xc: {  	_ = 	snop;
	(pc) =	sbr.rel @p0 .LBB2_11-.Ltmp1, $1  }
0xd: {  	_ =	sdelay $0x3  }
.LBB2_10:
0xe: {  	s12 =	sadd.s32 $0x80, s11  }
0xf: {  	s13 =	smov.u32 s6;
	p0 =	slt.s32 s12, s8  }
0x10: {  	s13 =	smov.u32 @p0 s12  }
0x11: {  	s10 =	sadd.s32 $0x1, s10;
	s12 =	smov.u32 s11;
	s11 =	smov.u32 s13  }
.LBB2_1:
0x12: {  	p0 =	sne.s32 s10, $0x0  }
.Ltmp2:
0x13: {  	_ = 	snop;
	(pc) =	sbr.rel @!p0 .LBB2_2-.Ltmp2, $1  }
0x14: {  	_ =	sdelay $0x3  }
0x15: {  	s13 =	sand.u32 $0x1, s10  }
0x16: {  	p0 =	seq.s32 s13, $0x0  }
.Ltmp3:
0x17: {  	_ = 	snop;
	(pc) =	sbr.rel @p0 .LBB2_9-.Ltmp3, $1  }
0x18: {  	_ =	sdelay $0x3  }
0x19: {  	_ =	swait.ge [sflag:s5], $0x80  }
0x1a: {  	[sflag:s5] =	ssyncset.done $0x0  }
0x1b: {  	s13 =	simm.s32 $0x0;
	[sflag:s5] =	ssyncadd.s32 $0xFFFFFF80  }
0x1c: {  	v0 =	vld.msk [tilespmem:s13+$0x80 ss:$0x1], $0xffff;
	_ =	sdelay $0x4  }
0x1d: {  	vm2 =	vgt.s32 v0, $0x0  }
0x1e: {  	v0 =	vnsel vm2, $0x0, v0  }
0x1f: {  	v0 =	vmin.u32 v0, $0x186A0  }
0x20: {  	v0 =	vshll.u32 v0, $0x4;
	_ =	sdelay $0x3  }
0x21: {  	s13 =	simm.s32 $0x4100  }
0x22: {  	[tilespmem:s13], [sflag:$0x1] =	stream.indirect_vreg.gather [hbm:s2], $0x80, v0, vm0, $0x38;
	[tilespmem:$0x8100] =	vst v63  }
0x23: {  	s14 =	simm.s32 $0x4500;
	s31 =	simm.s32 $0x10  }
0x24: {  	[tilespmem:s14], [sflag:$0x1] =	stream.indirect_vreg.gather [hbm:s2], $0x80, v0, vm1, $0x38;
	[tilespmem:$0x8100] =	vst v63  }
0x25: {  	s14 =	simm.s32 $0x80;
	v0 =	vld.msk [tilespmem:s31+$0x80 ss:$0x1], $0xffff  }
.LBB2_5:
0x26: {  	p0 =	sne.s32 s14, $0x1C0;
	_ =	sdelay $0x4  }
0x27: {  	vm2 =	vgt.s32 v0, $0x0  }
0x28: {  	v0 =	vnsel vm2, $0x0, v0  }
0x29: {  	v0 =	vmin.u32 v0, $0x186A0  }
0x2a: {  	v0 =	vshll.u32 v0, $0x4;
	_ =	sdelay $0x3  }
.Ltmp4:
0x2b: {  	s13 =	sadd.s32 $0x800, s13;
	(pc) =	sbr.rel @p0 .LBB2_5-.Ltmp4, $4  }
0x2c: {  	[tilespmem:s13], [sflag:$0x1] =	stream.indirect_vreg.gather [hbm:s2], $0x80, v0, vm0, $0x38;
	[tilespmem:$0x8100] =	vst v63  }
0x2d: {  	s15 =	sshra.s32 s14, $0x2;
	s16 =	sadd.s32 $0x400, s13  }
0x2e: {  	[tilespmem:s16], [sflag:$0x1] =	stream.indirect_vreg.gather [hbm:s2], $0x80, v0, vm1, $0x38;
	[tilespmem:$0x8100] =	vst v63  }
0x2f: {  	s14 =	sadd.s32 $0x40, s14;
	v0 =	vld.msk [tilespmem:s15+$0x80 ss:$0x1], $0xffff  }
0x30: {  	_ =	sdelay $0x3  }
0x31: {  	vm2 =	vgt.s32 v0, $0x0  }
0x32: {  	v0 =	vnsel vm2, $0x0, v0  }
0x33: {  	v0 =	vmin.u32 v0, $0x186A0  }
0x34: {  	v0 =	vshll.u32 v0, $0x4;
	_ =	sdelay $0x3  }
0x35: {  	s13 =	sadd.s32 $0x800, s13  }
0x36: {  	[tilespmem:s13], [sflag:$0x1] =	stream.indirect_vreg.gather [hbm:s2], $0x80, v0, vm0, $0x38;
	[tilespmem:$0x8100] =	vst v63  }
0x37: {  	s13 =	sadd.s32 $0x400, s13  }
0x38: {  	[tilespmem:s13], [sflag:$0x1] =	stream.indirect_vreg.gather [hbm:s2], $0x80, v0, vm1, $0x38;
	[tilespmem:$0x8100] =	vst v63  }
0x39: {  	s12 =	sshll.u32 s12, $0x4;
	s14 =	simm.s32 $0x80;
	_ =	swait.ge [sflag:s4], $0x4000  }
0x3a: {  	s15 =	simm.s32 $0x4500;
	s12 =	sadd.s32 s12, s7;
	[sflag:s4] =	ssyncset.done $0x0  }
0x3b: {  	s16 =	sadd.s32 $0x0, s12;
	s13 =	simm.s32 $0x4100;
	[sflag:s4] =	ssyncadd.s32 $0xFFFFC000  }
.LBB2_7:
0x3c: {  	[hbm:s16] =	stream.linear.scatter [tilespmem:s13], [sflag:$0x3], $0x400, $0x38;
	[tilespmem:$0x8100] =	vst v63  }
0x3d: {  	s16 =	smov.u32 s14;
	s13 =	smov.u32 s15;
	p0 =	sne.s32 s14, $0x780  }
.Ltmp5:
0x3e: {  	s14 =	sadd.s32 $0x80, s14;
	(pc) =	sbr.rel @p0 .LBB2_7-.Ltmp5, $2  }
0x3f: {  	_ =	sdelay $0x2  }
0x40: {  	s15 =	sadd.s32 $0x400, s15;
	s16 =	sadd.s32 s16, s12  }
.Ltmp6:
0x41: {  	(pc) =	sbr.rel .LBB2_9-.Ltmp6, $2  }
0x42: {  	_ =	sdelay $0x2  }
0x43: {  	[hbm:s16] =	stream.linear.scatter [tilespmem:s13], [sflag:$0x3], $0x400, $0x38;
	[tilespmem:$0x8100] =	vst v63  }
.LBB2_2:
.Ltmp7:
0x44: {  	(pc) =	sbr.rel .LBB2_10-.Ltmp7, $4  }
0x45: {  	_ = 	snop  }
0x46: {  	s12 =	sshrl.u32 s11, $0x3  }
0x47: {  	s13 =	sand.u32 $0x7, s11;
	s12 =	sadd.s32 s3, s12  }
0x48: {  	[tilespmem:s9], [sflag:$0x2] =	stream.linear.gather [hbm4b:s12+s13], $0x80, $0x38;
	[tilespmem:$0x8100] =	vst v63  }
.LBB2_11:
0x49: {  	s2 =	simm.s32 $0x3  }
0x4a: {  	_ =	swait.ge [sflag:s2], $0x4000  }
0x4b: {  	[sflag:s2] =	ssyncset.done $0x0  }
0x4c: {  	[sflag:s2] =	ssyncadd.s32 $0xFFFFC000  }
0x4d: {  	_ =	sfence.sel $0x180000  }
0x4e: {  	s3 =	simm.s32 $0x2;
	[bflag:$0x0] =	sbarrier.arrive $0xFFFF  }
0x4f: {  	[sflag:s3] =	ssyncpa.u1 $0x1  }
0x50: {  	s31 =	simm.s32 $0x1;
	[sflag:s2] =	ssyncpa.u1 $0x1  }
0x51: {  	[sflag:s31] =	ssyncpa.u1 $0x1  }
0x52: {  	p0 =	sne.s32 s1, $0x0;
	_ =	strace $0x90000047  }
0x53: {  	s0 =	sadd.s32 @!p0 $0x100000, s0;
	[bflag:$0x2] =	sbarrier.arrive $0xFFFF  }
0x54: {  	[sflag:s0] =	ssyncadd.tile.s32 @!p0 $0x1;
	_ =	shalt  }
.Lfunc_end2:
_tile_overlayer_lowered:
.L_overlay_start_2:
0x55: {  	(tag) =	ssettag $0x2  }
0x56: {  	s0 =	rddreg [dreg:$0x0];
	s2 =	stileid.u32  }
0x57: {  	s1 =	rddreg [dreg:$0x1];
	p0 =	sne.s32 s2, $0x0  }
0x58: {  	s3 =	rddreg [dreg:$0x2];
	[bflag:$0x3] =	sbarrier.arrive $0xFFFF;
	s2 =	simm.s32 @!p0 $0x1C01  }
0x59: {  	[timem:s3], [sflag:s2] =	dma.local @!p0 [hbm:s0], s1  }
0x5a: {  	s0 =	simm.s32 @!p0 $0x1  }
0x5b: {  	_ =	swait.ge @!p0 [sflag:s0], s1  }
0x5c: {  	s1 =	ssub.s32 @!p0 $0x0, s1;
	[sflag:s0] =	ssyncset.done @!p0 $0x0  }
0x5d: {  	[sflag:s0] =	ssyncadd.s32 @!p0 s1  }
0x5e: {  	[bflag:$0x3] =	sbarrier.arrive $0xFFFF  }
0x5f: {  	_ =	shalt  }

// kernel: sparse-core-data-format-call.cloned.1.call-start
scs
called_computation_lowered:
.L_overlay_start_0:
0x0: {  	s2 =	sld [smem:$0x3FD9]  }
0x1: {  	s3 =	sld [smem:$0x3FFE];
	_ =	sdelay $0x1  }
0x2: {  	s1 =	srdreg.scid  }
0x3: {  	s0 =	sand.u32 $0x1, s1  }
0x4: {  	s18 =	sshll.u32 s0, $0xA;
	s2 =	sadd.s32 s3, s2  }
0x5: {  	s2 =	sadd.s32 s2, s18  }
0x6: {  	[smem:$0x3FC0] =	sst s2  }
0x7: {  	_ = 	snop  }
0x8: {  	s2 =	sld [smem:$0x3FD0];
	(tm) =	ssettm $0x1  }
0x9: {  	s19 =	sld [smem:$0x3FFB];
	_ =	sdelay $0x3  }
0xa: {  	_ =	strace s19  }
0xb: {  	s3 =	sld [smem:$0x3FFC];
	_ =	sdelay $0x3  }
0xc: {  	_ =	strace s3  }
0xd: {  	s3 =	sld [smem:$0x3FFD];
	_ =	sdelay $0x3  }
0xe: {  	_ =	strace s3  }
0xf: {  	_ =	strace $0x8FFFFFFF  }
0x10: {  	s20 =	sld [smem:$0x3FDB];
	_ =	sdelay $0x1  }
0x11: {  	s4 =	simm.s32 $_scs_section_size  }
0x12: {  	s5 =	simm.s32 $_size__tile_overlayer_lowered;
	s6 =	simm.s32 $_tile_overlayer_lowered  }
0x13: {  	s23 =	simm.s32 $0x1BFF;
	s22 =	sshll.u32 s6, $0x1;
	s3 =	sadd.s32 s4, s20  }
0x14: {  	s7 =	simm.s32 $0x0;
	s21 =	sshll.u32 s5, $0x1;
	s5 =	sadd.s32 s22, s3  }
0x15: {  	[timem:s7], [sflag:s23] =	dma.local [hbm:s5], s21  }
0x16: {  	_ =	swait.ge [sflag:s23], s21  }
0x17: {  	s4 =	ssub.s32 $0x0, s21;
	[sflag:s23] =	ssyncset.done $0x0  }
0x18: {  	[sflag:s23] =	ssyncadd.s32 s4;
	_ =	sdelay $0x1  }
0x19: {  	s24 =	simm.s32 $0x1B8B  }
0x1a: {  	_ =	swait.ge [sflag:s24], $0x1  }
0x1b: {  	[sflag:s24] =	ssyncset.done $0x0  }
0x1c: {  	s26 =	simm.s32 $0x1B8E;
	s25 =	sld [smem:$0x3FFE];
	[sflag:s24] =	ssyncadd.s32 $0xFFFFFFFF  }
0x1d: {  	s27 =	simm.s32 $execute0_lowered;
	[smem:$0x3FD2] =	sst s26  }
0x1e: {  	s5 =	sshll.u32 s27, $0x1;
	_ =	strace $0x8000004C;
	[dreg:$0x1] =	wrdreg $0xFFFFFFFF  }
0x1f: {  	s28 =	simm.s32 $_size_execute0_lowered;
	s3 =	sadd.s32 s3, s5;
	[dreg:$0x0] =	wrdreg $0x0  }
0x20: {  	s5 =	sshll.u32 s28, $0x1;
	[dreg:$0x2] =	wrdreg s3  }
0x21: {  	[dreg:$0x3] =	wrdreg s5  }
0x22: {  	[dreg:$0x4] =	wrdreg $0xC0  }
0x23: {  	_ =	task [dreg:s7], $0x5FFFF  }
0x24: {  	[dreg:$0x1] =	wrdreg $0xFFFFFFFF  }
0x25: {  	[dreg:$0x0] =	wrdreg $0x60  }
0x26: {  	[dreg:$0x2] =	wrdreg s25  }
0x27: {  	[dreg:$0x3] =	wrdreg s2  }
0x28: {  	[dreg:$0x4] =	wrdreg $0x9  }
0x29: {  	_ =	task.clear_ibuf [dreg:s7], $0x5FFFF;
	_ =	strace $0x9000004C  }
0x2a: {  	s29 =	simm.s32 $0x9;
	_ =	strace $0x8000004E  }
0x2b: {  	_ =	swait.ge [sflag:s29], $0x1  }
0x2c: {  	[sflag:s29] =	ssyncadd.s32 $0xFFFFFFFF  }
0x2d: {  	_ =	strace $0x9000004E  }
0x2e: {  	_ =	sfence  }
0x2f: {  	s30 =	sld [smem:$0x0];
	_ =	sdelay $0x2  }
0x30: {  	s31 =	sshll.u32 s1, $0xD;
	s1 =	sshrl.u32 s1, $0x2  }
0x31: {  	s3 =	sand.u32 $0x4000, s31;
	s1 =	sadd.s32 s1, s30  }
0x32: {  	s0 =	sor.u32 s3, s0;
	s1 =	sshll.u32 s1, $0x11  }
0x33: {  	s0 =	sor.u32 s1, s0  }
0x34: {  	s0 =	sadd.s32 $0x8F2B, s0  }
0x35: {  	[sflag:s0] =	ssyncadd.remote.s32 $0x1  }
0x36: {  	_ =	sfence.sel $0xFFFF  }
0x37: {  	[dreg:$0x0] =	wrdreg $0xFFFFFFFF;
	(pc) =	sbr.abs _section_cstart, $3  }
0x38: {  	[dreg:$0x1] =	wrdreg $0xFFFFFFFF  }
0x39: {  	_ =	task.clear_ibuf [dreg:s7], $0x2FFFF;
	_ =	strace $0x9FFFFFFF  }
0x3a: {  	(tm) =	ssettm $0x7FFFFFFF  }
0x3b: {  	_ =	shalt  }
tec
execute0_lowered:
.L_overlay_start_1:
0x0: {  	(tag) =	ssettag $0x1  }
0x1: {  	s0 =	srdreg.scid  }
0x2: {  	s1 =	sshll.u32 s0, $0x4  }
0x3: {  	s0 =	stileid.u32;
	s1 =	sand.u32 $0x10, s1  }
0x4: {  	s1 =	sor.u32 s0, s1  }
0x5: {  	s6 =	rddreg [dreg:$0x0];
	s4 =	simm.s32 $0x1;
	s2 =	sshll.u32 s1, $0x7  }
0x6: {  	s7 =	simm.s32 $0x2;
	s12 =	simm.s32 $0x0;
	s1 =	ssub.s32 $0x1000, s2  }
0x7: {  	s8 =	simm.s32 $0x8000;
	s13 =	simm.s32 $0x0;
	s3 =	sand.u32 $0xF80, s1  }
0x8: {  	s9 =	simm.s32 $0x0;
	s5 =	sshrl.u32 s1, $0xC;
	p0 =	sne.s32 s3, $0x0  }
.Ltmp0:
0x9: {  	s1 =	rddreg [dreg:$0x2];
	s4 =	simm.s32 @!p0 $0x0;
	(pc) =	sbr.rel .LBB1_1-.Ltmp0, $4  }
0xa: {  	s11 =	simm.s32 $0x0;
	s3 =	rddreg [dreg:$0x1];
	s5 =	sadd.s32 s4, s5  }
0xb: {  	_ =	strace $0x8000004D;
	s4 =	simm.s32 $0x1;
	s5 =	smul.u32 $0xC8, s5  }
0xc: {  	s6 =	sadd.s32 $0x1200, s6;
	s10 =	smov.u32 s2;
	[sflag:s4] =	ssyncpa.u1 $0x0  }
0xd: {  	p0 =	por $0x0, $0x0;
	[sflag:s7] =	ssyncpa.u1 $0x0;
	s7 =	sor.u32 $0x1, s5  }
.LBB1_4:
0xe: {  	s16 =	sshll.u32 s13, $0x3;
	s17 =	sand.u32 $0x78, s13  }
0xf: {  	s30 =	sand.u32 $0x7E00, s13;
	s12 =	sshll.u32 s12, $0xF;
	s16 =	sand.u32 $0xC00, s16  }
0x10: {  	[tilespmem:s15+$0x810 ss:$0x81] =	vst.msk $0xffff, v2;
	s31 =	sand.u32 $0x7, s13;
	s16 =	sor.u32 s17, s16;
	s17 =	sadd.s32 s3, s30  }
0x11: {  	[tilespmem:s15+$0x1020 ss:$0x81] =	vst.msk $0xffff, v0;
	s13 =	sshll.u32 s31, $0x12;
	s12 =	sadd.s32 s12, s17;
	s16 =	sshrl.u32 s16, $0x3  }
0x12: {  	[tilespmem:s15+$0x0 ss:$0x81] =	vst.msk $0xffff, v1;
	s13 =	sor.u32 $0x400, s13;
	s12 =	sadd.s32 s16, s12  }
0x13: {  	[hbm4b:s12+s13] =	stream.strided.scatter [tilespmem:s14], [sflag:$0x2], $0x2000, s8, s13, $0x20;
	[tilespmem:$0x8080] =	vst v63  }
.LBB1_5:
0x14: {  	s14 =	sadd.s32 $0x1, s9  }
0x15: {  	s12 =	sadd.s32 $0x1000, s10;
	s16 =	smov.u32 s10;
	p2 =	sgt.s32 s14, $0xC7  }
0x16: {  	s16 =	smov.u32 @p2 s12  }
0x17: {  	s14 =	simm.s32 @p2 $0x0;
	p2 =	sgt.s32 s16, $0xFFF  }
0x18: {  	s16 =	smov.u32 @p2 s2;
	p2 =	sne.s32 s11, s7  }
.Ltmp1:
0x19: {  	p1 =	slt.u32 s11, $0x2;
	(pc) =	sbr.rel @!p2 .LBB1_6-.Ltmp1, $4  }
0x1a: {  	s15 =	simm.s32 @!p1 $0x2  }
0x1b: {  	s13 =	smov.u32 s10;
	p0 =	por !p0, !p0;
	_ =	swait.ge @!p1 [sflag:s15], $0x2000  }
0x1c: {  	s12 =	smov.u32 s9;
	[sflag:s15] =	ssyncset.done @!p1 $0x0;
	s9 =	smov.u32 s14  }
0x1d: {  	s11 =	sadd.s32 $0x1, s11;
	[sflag:s15] =	ssyncadd.s32 @!p1 $0xFFFFE000;
	s10 =	smov.u32 s16  }
.LBB1_1:
0x1e: {  	p1 =	sge.u32 s11, s5  }
0x1f: {  	s14 =	sand.u32 @!p1 $0x1FFFFFF, s9  }
0x20: {  	s15 =	smulhi.u32 @!p1 $0x147AE15, s14;
	_ =	sdelay $0x1  }
0x21: {  	s15 =	smul.u32 @!p1 $0xC8, s15  }
0x22: {  	s16 =	sxor.u32 @!p1 $0xFFFFFFFF, s11;
	s17 =	smul.u32 @!p1 $0xC80, s10  }
0x23: {  	s31 =	sadd.s32 $0xFFFFFFFF, s11;
	s16 =	sshll.u32 @!p1 s16, $0xD;
	s14 =	ssub.s32 @!p1 s14, s15  }
0x24: {  	s15 =	sand.u32 @!p1 $0x2000, s16;
	s16 =	sadd.s32 @!p1 s6, s17;
	s14 =	sshll.u32 @!p1 s14, $0x4  }
0x25: {  	s17 =	simm.s32 @!p1 $0x6400;
	s14 =	sadd.s32 @!p1 s14, s16;
	s16 =	simm.s32 @!p1 $0x40  }
0x26: {  	[tilespmem:s15], [sflag:$0x1] =	stream.strided.gather @!p1 [hbm4b:s14+s16], $0x2000, s17, s16, $0x38;
	[tilespmem:$0x8080] =	vst v63  }
0x27: {  	p1 =	sge.u32 s31, s5  }
.Ltmp2:
0x28: {  	_ = 	snop;
	(pc) =	sbr.rel @p1 .LBB1_5-.Ltmp2, $1  }
0x29: {  	_ =	sdelay $0x3  }
0x2a: {  	s14 =	simm.s32 $0x1  }
0x2b: {  	_ =	swait.ge [sflag:s4], $0x2000;
	s14 =	simm.s32 @!p0 $0x0  }
0x2c: {  	[sflag:s4] =	ssyncset.done $0x0;
	s15 =	sshll.u32 s14, $0xD  }
0x2d: {  	[sflag:s4] =	ssyncadd.s32 $0xFFFFE000;
	s18 =	sor.u32 $0x20, s15  }
0x2e: {  	s14 =	smul.u32 $0x8100, s14;
	v3 =	vld [tilespmem:s18+$0x10]  }
0x2f: {  	s30 =	sand.u32 $0x1, s11;
	v2 =	vld [tilespmem:s18+$0xFFFFFFF0]  }
0x30: {  	s15 =	smul.u32 $0x8100, s30;
	s14 =	sshrl.u32 s14, $0x2;
	v0 =	vld [tilespmem:s18+$0x0]  }
0x31: {  	v1 =	vld [tilespmem:s18+$0xFFFFFFE0];
	s16 =	sor.u32 $0x4000, s14  }
0x32: {  	s31 =	sshrl.u32 s15, $0x2;
	s15 =	sadd.s32 $0x0, s16  }
0x33: {  	s17 =	simm.s32 $0x4;
	s18 =	sadd.s32 $0x40, s18;
	s14 =	sor.u32 $0x4000, s31;
	[tilespmem:s15+$0x1830 ss:$0x81] =	vst.msk $0xffff, v3  }
.LBB1_3:
0x34: {  	v3 =	vld [tilespmem:s18+$0x10];
	p1 =	sne.s32 s17, $0x1FC;
	[tilespmem:s15+$0x810 ss:$0x81] =	vst.msk $0xffff, v2;
	s19 =	smov.u32 s17;
	s17 =	sadd.s32 $0x4, s17  }
.Ltmp3:
0x35: {  	v2 =	vld [tilespmem:s18+$0xFFFFFFF0];
	[tilespmem:s15+$0x1020 ss:$0x81] =	vst.msk $0xffff, v0;
	(pc) =	sbr.rel @p1 .LBB1_3-.Ltmp3, $4  }
0x36: {  	v0 =	vld [tilespmem:s18+$0x0];
	[tilespmem:s15+$0x0 ss:$0x81] =	vst.msk $0xffff, v1  }
0x37: {  	s15 =	sshra.s32 s19, $0x2;
	v1 =	vld [tilespmem:s18+$0xFFFFFFE0]  }
0x38: {  	s15 =	sadd.s32 s15, s16  }
0x39: {  	s18 =	sadd.s32 $0x40, s18;
	[tilespmem:s15+$0x1830 ss:$0x81] =	vst.msk $0xffff, v3  }
.Ltmp4:
0x3a: {  	_ = 	snop;
	(pc) =	sbr.rel .LBB1_4-.Ltmp4, $1  }
0x3b: {  	_ =	sdelay $0x3  }
.LBB1_6:
0x3c: {  	_ =	sfence.sel $0x180000  }
0x3d: {  	s2 =	simm.s32 $0x1;
	[bflag:$0x0] =	sbarrier.arrive $0xFFFF  }
0x3e: {  	s31 =	simm.s32 $0x2;
	[sflag:s2] =	ssyncpa.u1 $0x1  }
0x3f: {  	[sflag:s31] =	ssyncpa.u1 $0x1  }
0x40: {  	p0 =	sne.s32 s0, $0x0;
	_ =	strace $0x9000004D  }
0x41: {  	s0 =	sadd.s32 @!p0 $0x100000, s1;
	[bflag:$0x2] =	sbarrier.arrive $0xFFFF  }
0x42: {  	[sflag:s0] =	ssyncadd.tile.s32 @!p0 $0x1;
	_ =	shalt  }
.Lfunc_end1:
_tile_overlayer_lowered:
.L_overlay_start_2:
0x43: {  	(tag) =	ssettag $0x2  }
0x44: {  	s0 =	rddreg [dreg:$0x0];
	s2 =	stileid.u32  }
0x45: {  	s1 =	rddreg [dreg:$0x1];
	p0 =	sne.s32 s2, $0x0  }
0x46: {  	s3 =	rddreg [dreg:$0x2];
	[bflag:$0x3] =	sbarrier.arrive $0xFFFF;
	s2 =	simm.s32 @!p0 $0x1C01  }
0x47: {  	[timem:s3], [sflag:s2] =	dma.local @!p0 [hbm:s0], s1  }
0x48: {  	s0 =	simm.s32 @!p0 $0x1  }
0x49: {  	_ =	swait.ge @!p0 [sflag:s0], s1  }
0x4a: {  	s1 =	ssub.s32 @!p0 $0x0, s1;
	[sflag:s0] =	ssyncset.done @!p0 $0x0  }
0x4b: {  	[sflag:s0] =	ssyncadd.s32 @!p0 s1  }
0x4c: {  	[bflag:$0x3] =	sbarrier.arrive $0xFFFF  }
0x4d: {  	_ =	shalt  }

</sc_bundles>
